<compile_context>
chip_gen: v7x
topology: tpu7x:2x2x1
jax: 0.10.2.dev20260603
libtpu: 0.0.44.dev20260713+nightly
codegen_flags: <defaults>
</compile_context>

<pallas_src>
import functools

import jax
import jax.numpy as jnp
from jax import lax
from jax.experimental import pallas as pl
from jax.experimental.pallas import tpu as pltpu
from jax.experimental.pallas import tpu_sc as plsc

V = 1000000
D = 64
B = 16384
F = 26
N = B * F

_info = plsc.get_sparse_core_info()
NC, NS, L = _info.num_cores, _info.num_subcores, _info.num_lanes
NW = NC * NS
BPW = B // NW
CHB = 4
CH = CHB * F
NCH = BPW // CHB


def _softplus(x):
    t = jnp.exp(-jnp.abs(x))
    z = t / (t + 2.0)
    z2 = z * z
    return jnp.maximum(x, 0.0) + z * (
        2.0
        + z2 * (2.0 / 3.0 + z2 * (2.0 / 5.0 + z2 * (2.0 / 7.0 + z2 * (2.0 / 9.0))))
    )


def _body(idx_hbm, center, offset, lo, hi, idx_s, idx_v, c2, o2, lo3, hi3,
          gsem0, gsem1, osem0, osem1):
    wid = lax.axis_index("s") * NC + lax.axis_index("c")
    wb = wid * BPW
    pltpu.sync_copy(idx_hbm.at[pl.ds(wb, BPW)], idx_s)

    def repack(q, carry):
        for p in range(CHB):
            r = q * CHB + p
            idx_v[q, pl.ds(F * p, L)] = idx_s[r, pl.ds(0, L)]
            idx_v[q, pl.ds(F * p + F - L, L)] = idx_s[r, pl.ds(F - L, L)]
        return carry

    lax.fori_loop(0, NCH, repack, 0)

    gsems = (gsem0, gsem1)
    osems = (osem0, osem1)

    def fire_gather(j, b):
        pltpu.async_copy(center.at[idx_v.at[j]], c2.at[b], gsems[b])
        pltpu.async_copy(offset.at[idx_v.at[j]], o2.at[b], gsems[b])

    def wait_gather(b):
        pltpu.make_async_copy(center.at[idx_v.at[0]], c2.at[b], gsems[b]).wait()
        pltpu.make_async_copy(offset.at[idx_v.at[0]], o2.at[b], gsems[b]).wait()

    def fire_out(j, b):
        dst = pl.ds(wb + j * CHB, CHB)
        pltpu.async_copy(lo3.at[b], lo.at[dst], osems[b])
        pltpu.async_copy(hi3.at[b], hi.at[dst], osems[b])

    def wait_out(b):
        dst = pl.ds(wb, CHB)
        pltpu.make_async_copy(lo3.at[b], lo.at[dst], osems[b]).wait()
        pltpu.make_async_copy(hi3.at[b], hi.at[dst], osems[b]).wait()

    def compute(b):
        for bb in range(CHB):
            def row(f, carry):
                r = bb * F + f
                for s in range(D // L):
                    sl = pl.ds(s * L, L)
                    c = c2[b, r, sl]
                    sp = _softplus(o2[b, r, sl])
                    lo3[b, bb, f, sl] = c - sp
                    hi3[b, bb, f, sl] = c + sp
                return carry

            lax.fori_loop(0, F, row, 0)

    fire_gather(0, 0)

    def step(j2, carry):
        for ph in range(2):
            j = j2 * 2 + ph

            @pl.when(j + 1 < NCH)
            def _():
                fire_gather(j + 1, 1 - ph)

            wait_gather(ph)

            @pl.when(j >= 2)
            def _():
                wait_out(ph)

            compute(ph)
            fire_out(j, ph)
        return carry

    lax.fori_loop(0, NCH // 2, step, 0)
    wait_out(0)
    wait_out(1)


def _run(idx, center, offset):
    mesh = plsc.VectorSubcoreMesh(core_axis_name="c", subcore_axis_name="s")
    f = functools.partial(
        pl.kernel,
        mesh=mesh,
        out_type=[
            jax.ShapeDtypeStruct((B, F, D), jnp.float32),
            jax.ShapeDtypeStruct((B, F, D), jnp.float32),
        ],
        scratch_types=[
            pltpu.VMEM((BPW, F), jnp.int32),
            pltpu.VMEM((NCH, CH), jnp.int32),
            pltpu.VMEM((2, CH, D), jnp.float32),
            pltpu.VMEM((2, CH, D), jnp.float32),
            pltpu.VMEM((2, CHB, F, D), jnp.float32),
            pltpu.VMEM((2, CHB, F, D), jnp.float32),
            pltpu.SemaphoreType.DMA,
            pltpu.SemaphoreType.DMA,
            pltpu.SemaphoreType.DMA,
            pltpu.SemaphoreType.DMA,
        ],
        compiler_params=pltpu.CompilerParams(use_tc_tiling_on_sc=False),
    )(_body)
    return f(idx, center, offset)


def kernel(idx, center, offset):
    lo, hi = _run(idx.astype(jnp.int32), center, offset)
    return (lo, hi)

# --- scband reference (transcript-rebuilt; emitter-appended) ---
"""Pipeline reference for scband-box-embedding-27281632264899 (READ-ONLY COPY).

The authoritative reference and input builder live on the scoring server;
editing this copy changes nothing except your own understanding.
"""

import jax, jax.numpy as jnp
import numpy as np

V = 1000000
D = 64
B = 16384
F = 26

def setup_inputs(seed: int = 0) -> dict:
    key = jax.random.key(seed)
    k1, k2 = jax.random.split(key, 2)
    idx = jax.random.randint(k1, (B, F), 0, V, dtype=jnp.int64) if jax.config.jax_enable_x64 else jax.random.randint(k1, (B, F), 0, V, dtype=jnp.int32)
    # xavier_uniform init for center: limit = sqrt(6 / (fan_in + fan_out))
    limit = float(np.sqrt(6.0 / (V + D)))
    center = jax.random.uniform(k2, (V, D), minval=-limit, maxval=limit, dtype=jnp.float32)
    # offset initialized to constant -2.0
    offset = jnp.full((V, D), -2.0, dtype=jnp.float32)
    return {"idx": idx, "center": center, "offset": offset}

def reference(idx, center, offset):
    c = jnp.take(center, idx, axis=0)
    o = jax.nn.softplus(jnp.take(offset, idx, axis=0))
    return (c - o, c + o)

if __name__ == "__main__":
    import jax
    _d = setup_inputs()
    print(jax.jit(kernel)(*tuple(_d.values())))

</pallas_src>

<mosaic_0001>
#map = affine_map<(d0, d1) -> (0, 0)>
#map1 = affine_map<(d0, d1) -> (0, 0, 0)>
module attributes {stable_mosaic.version = 14 : i64} {
  func.func @_body(%arg0: i32, %arg1: i32, %arg2: memref<16384x26xi32, #tpu.memory_space<hbm>>, %arg3: memref<1000000x64xf32, #tpu.memory_space<hbm>>, %arg4: memref<1000000x64xf32, #tpu.memory_space<hbm>>, %arg5: memref<16384x26x64xf32, #tpu.memory_space<hbm>>, %arg6: memref<16384x26x64xf32, #tpu.memory_space<hbm>>, %arg7: memref<512x26xi32, #tpu.memory_space<vmem>>, %arg8: memref<128x104xi32, #tpu.memory_space<vmem>>, %arg9: memref<2x104x64xf32, #tpu.memory_space<vmem>>, %arg10: memref<2x104x64xf32, #tpu.memory_space<vmem>>, %arg11: memref<2x4x26x64xf32, #tpu.memory_space<vmem>>, %arg12: memref<2x4x26x64xf32, #tpu.memory_space<vmem>>, %arg13: memref<!tpu.dma_semaphore, #tpu.memory_space<semaphore_mem>>, %arg14: memref<!tpu.dma_semaphore, #tpu.memory_space<semaphore_mem>>, %arg15: memref<!tpu.dma_semaphore, #tpu.memory_space<semaphore_mem>>, %arg16: memref<!tpu.dma_semaphore, #tpu.memory_space<semaphore_mem>>) attributes {dimension_semantics = [#tpu.dimension_semantics<core_parallel>, #tpu.dimension_semantics<subcore_parallel>], iteration_bounds = array<i64: 2, 16>, scalar_prefetch = 0 : i64, scratch_operands = 10 : i64, tpu.core_type = #tpu.core_type<sc_vector_subcore>, window_params = [{transform_indices = #map}, {transform_indices = #map}, {transform_indices = #map}, {transform_indices = #map1}, {transform_indices = #map1}]} {
    %mul3A = arith.constant 2 : i32
    %mul3A_0 = arith.muli %arg1, %mul3A : i32
    %add3A = arith.addi %mul3A_0, %arg0 : i32
    %mul3A_1 = arith.constant 512 : i32
    %mul3A_2 = arith.muli %add3A, %mul3A_1 : i32
    "tpu.region"() ({
      %run_scoped3A = tpu.sem_alloc : memref<!tpu.dma_semaphore, #tpu.memory_space<semaphore_mem>>
      %dma_start3A_104 = arith.constant 0 : i32
      %dma_start3A_105 = tpu.memref_slice %arg2[%mul3A_2, %dma_start3A_104] : memref<16384x26xi32, #tpu.memory_space<hbm>> -> memref<512x26xi32, #tpu.memory_space<hbm>>
      %dma_start3A_106 = arith.constant 0 : i32
      %dma_start3A_107 = tpu.memref_slice %arg2[%mul3A_2, %dma_start3A_106] : memref<16384x26xi32, #tpu.memory_space<hbm>> -> memref<512x26xi32, #tpu.memory_space<hbm>>
      tpu.enqueue_dma source(%dma_start3A_107 : memref<512x26xi32, #tpu.memory_space<hbm>>) target(%arg7 : memref<512x26xi32, #tpu.memory_space<vmem>>) target_semaphore(%run_scoped3A : memref<!tpu.dma_semaphore, #tpu.memory_space<semaphore_mem>>)
      %dma_wait3A_108 = arith.constant 0 : i32
      %dma_wait3A_109 = tpu.memref_slice %arg2[%mul3A_2, %dma_wait3A_108] : memref<16384x26xi32, #tpu.memory_space<hbm>> -> memref<512x26xi32, #tpu.memory_space<hbm>>
      %dma_wait3A_110 = arith.constant 0 : i32
      %dma_wait3A_111 = tpu.memref_slice %arg2[%mul3A_2, %dma_wait3A_110] : memref<16384x26xi32, #tpu.memory_space<hbm>> -> memref<512x26xi32, #tpu.memory_space<hbm>>
      tpu.wait_dma2 semaphore(%run_scoped3A : memref<!tpu.dma_semaphore, #tpu.memory_space<semaphore_mem>>) src(%dma_wait3A_111 : memref<512x26xi32, #tpu.memory_space<hbm>>) dst(%arg7 : memref<512x26xi32, #tpu.memory_space<vmem>>)
      tpu.yield
    }) : () -> ()
    %scan3A = arith.constant 0 : i32
    %scan3A_3 = arith.constant 0 : i32
    %scan3A_4 = arith.constant 128 : i32
    %scan3A_5 = arith.addi %scan3A_3, %scan3A_4 : i32
    %scan3A_6 = arith.constant 1 : i32
    scf.for %scan3A_104 = %scan3A_3 to %scan3A_5 step %scan3A_6  : i32 {
      %mul3A_105 = arith.constant 4 : i32
      %mul3A_106 = arith.muli %scan3A_104, %mul3A_105 : i32
      %add3A_107 = arith.constant 0 : i32
      %add3A_108 = arith.addi %mul3A_106, %add3A_107 : i32
      %get3A = arith.index_cast %add3A_108 : i32 to index
      %get3A_109 = arith.constant 0 : index
      %get3A_110 = tpu.vector_load %arg7[%get3A, %get3A_109] {strides = array<i32>} : memref<512x26xi32, #tpu.memory_space<vmem>>, vector<1x16xi32>,
      %get3A_111 = vector.shape_cast %get3A_110 : vector<1x16xi32> to vector<16xi32>
      %swap3A = arith.index_cast %scan3A_104 : i32 to index
      %swap3A_112 = arith.constant 0 : index
      %swap3A_113 = tpu.vector_load %arg8[%swap3A, %swap3A_112] {strides = array<i32>} : memref<128x104xi32, #tpu.memory_space<vmem>>, vector<1x16xi32>,
      %swap3A_114 = vector.shape_cast %swap3A_113 : vector<1x16xi32> to vector<16xi32>
      %swap3A_115 = vector.shape_cast %get3A_111 : vector<16xi32> to vector<1x16xi32>
      tpu.vector_store %arg8[%swap3A, %swap3A_112], %swap3A_115 {strides = array<i32>} : memref<128x104xi32, #tpu.memory_space<vmem>>, vector<1x16xi32>,
      %get3A_116 = arith.index_cast %add3A_108 : i32 to index
      %get3A_117 = arith.constant 10 : index
      %get3A_118 = tpu.vector_load %arg7[%get3A_116, %get3A_117] {strides = array<i32>} : memref<512x26xi32, #tpu.memory_space<vmem>>, vector<1x16xi32>,
      %get3A_119 = vector.shape_cast %get3A_118 : vector<1x16xi32> to vector<16xi32>
      %swap3A_120 = arith.index_cast %scan3A_104 : i32 to index
      %swap3A_121 = arith.constant 10 : index
      %swap3A_122 = tpu.vector_load %arg8[%swap3A_120, %swap3A_121] {strides = array<i32>} : memref<128x104xi32, #tpu.memory_space<vmem>>, vector<1x16xi32>,
      %swap3A_123 = vector.shape_cast %swap3A_122 : vector<1x16xi32> to vector<16xi32>
      %swap3A_124 = vector.shape_cast %get3A_119 : vector<16xi32> to vector<1x16xi32>
      tpu.vector_store %arg8[%swap3A_120, %swap3A_121], %swap3A_124 {strides = array<i32>} : memref<128x104xi32, #tpu.memory_space<vmem>>, vector<1x16xi32>,
      %mul3A_125 = arith.constant 4 : i32
      %mul3A_126 = arith.muli %scan3A_104, %mul3A_125 : i32
      %add3A_127 = arith.constant 1 : i32
      %add3A_128 = arith.addi %mul3A_126, %add3A_127 : i32
      %get3A_129 = arith.index_cast %add3A_128 : i32 to index
      %get3A_130 = arith.constant 0 : index
      %get3A_131 = tpu.vector_load %arg7[%get3A_129, %get3A_130] {strides = array<i32>} : memref<512x26xi32, #tpu.memory_space<vmem>>, vector<1x16xi32>,
      %get3A_132 = vector.shape_cast %get3A_131 : vector<1x16xi32> to vector<16xi32>
      %swap3A_133 = arith.index_cast %scan3A_104 : i32 to index
      %swap3A_134 = arith.constant 26 : index
      %swap3A_135 = tpu.vector_load %arg8[%swap3A_133, %swap3A_134] {strides = array<i32>} : memref<128x104xi32, #tpu.memory_space<vmem>>, vector<1x16xi32>,
      %swap3A_136 = vector.shape_cast %swap3A_135 : vector<1x16xi32> to vector<16xi32>
      %swap3A_137 = vector.shape_cast %get3A_132 : vector<16xi32> to vector<1x16xi32>
      tpu.vector_store %arg8[%swap3A_133, %swap3A_134], %swap3A_137 {strides = array<i32>} : memref<128x104xi32, #tpu.memory_space<vmem>>, vector<1x16xi32>,
      %get3A_138 = arith.index_cast %add3A_128 : i32 to index
      %get3A_139 = arith.constant 10 : index
      %get3A_140 = tpu.vector_load %arg7[%get3A_138, %get3A_139] {strides = array<i32>} : memref<512x26xi32, #tpu.memory_space<vmem>>, vector<1x16xi32>,
      %get3A_141 = vector.shape_cast %get3A_140 : vector<1x16xi32> to vector<16xi32>
      %swap3A_142 = arith.index_cast %scan3A_104 : i32 to index
      %swap3A_143 = arith.constant 36 : index
      %swap3A_144 = tpu.vector_load %arg8[%swap3A_142, %swap3A_143] {strides = array<i32>} : memref<128x104xi32, #tpu.memory_space<vmem>>, vector<1x16xi32>,
      %swap3A_145 = vector.shape_cast %swap3A_144 : vector<1x16xi32> to vector<16xi32>
      %swap3A_146 = vector.shape_cast %get3A_141 : vector<16xi32> to vector<1x16xi32>
      tpu.vector_store %arg8[%swap3A_142, %swap3A_143], %swap3A_146 {strides = array<i32>} : memref<128x104xi32, #tpu.memory_space<vmem>>, vector<1x16xi32>,
      %mul3A_147 = arith.constant 4 : i32
      %mul3A_148 = arith.muli %scan3A_104, %mul3A_147 : i32
      %add3A_149 = arith.constant 2 : i32
      %add3A_150 = arith.addi %mul3A_148, %add3A_149 : i32
      %get3A_151 = arith.index_cast %add3A_150 : i32 to index
      %get3A_152 = arith.constant 0 : index
      %get3A_153 = tpu.vector_load %arg7[%get3A_151, %get3A_152] {strides = array<i32>} : memref<512x26xi32, #tpu.memory_space<vmem>>, vector<1x16xi32>,
      %get3A_154 = vector.shape_cast %get3A_153 : vector<1x16xi32> to vector<16xi32>
      %swap3A_155 = arith.index_cast %scan3A_104 : i32 to index
      %swap3A_156 = arith.constant 52 : index
      %swap3A_157 = tpu.vector_load %arg8[%swap3A_155, %swap3A_156] {strides = array<i32>} : memref<128x104xi32, #tpu.memory_space<vmem>>, vector<1x16xi32>,
      %swap3A_158 = vector.shape_cast %swap3A_157 : vector<1x16xi32> to vector<16xi32>
      %swap3A_159 = vector.shape_cast %get3A_154 : vector<16xi32> to vector<1x16xi32>
      tpu.vector_store %arg8[%swap3A_155, %swap3A_156], %swap3A_159 {strides = array<i32>} : memref<128x104xi32, #tpu.memory_space<vmem>>, vector<1x16xi32>,
      %get3A_160 = arith.index_cast %add3A_150 : i32 to index
      %get3A_161 = arith.constant 10 : index
      %get3A_162 = tpu.vector_load %arg7[%get3A_160, %get3A_161] {strides = array<i32>} : memref<512x26xi32, #tpu.memory_space<vmem>>, vector<1x16xi32>,
      %get3A_163 = vector.shape_cast %get3A_162 : vector<1x16xi32> to vector<16xi32>
      %swap3A_164 = arith.index_cast %scan3A_104 : i32 to index
      %swap3A_165 = arith.constant 62 : index
      %swap3A_166 = tpu.vector_load %arg8[%swap3A_164, %swap3A_165] {strides = array<i32>} : memref<128x104xi32, #tpu.memory_space<vmem>>, vector<1x16xi32>,
      %swap3A_167 = vector.shape_cast %swap3A_166 : vector<1x16xi32> to vector<16xi32>
      %swap3A_168 = vector.shape_cast %get3A_163 : vector<16xi32> to vector<1x16xi32>
      tpu.vector_store %arg8[%swap3A_164, %swap3A_165], %swap3A_168 {strides = array<i32>} : memref<128x104xi32, #tpu.memory_space<vmem>>, vector<1x16xi32>,
      %mul3A_169 = arith.constant 4 : i32
      %mul3A_170 = arith.muli %scan3A_104, %mul3A_169 : i32
      %add3A_171 = arith.constant 3 : i32
      %add3A_172 = arith.addi %mul3A_170, %add3A_171 : i32
      %get3A_173 = arith.index_cast %add3A_172 : i32 to index
      %get3A_174 = arith.constant 0 : index
      %get3A_175 = tpu.vector_load %arg7[%get3A_173, %get3A_174] {strides = array<i32>} : memref<512x26xi32, #tpu.memory_space<vmem>>, vector<1x16xi32>,
      %get3A_176 = vector.shape_cast %get3A_175 : vector<1x16xi32> to vector<16xi32>
      %swap3A_177 = arith.index_cast %scan3A_104 : i32 to index
      %swap3A_178 = arith.constant 78 : index
      %swap3A_179 = tpu.vector_load %arg8[%swap3A_177, %swap3A_178] {strides = array<i32>} : memref<128x104xi32, #tpu.memory_space<vmem>>, vector<1x16xi32>,
      %swap3A_180 = vector.shape_cast %swap3A_179 : vector<1x16xi32> to vector<16xi32>
      %swap3A_181 = vector.shape_cast %get3A_176 : vector<16xi32> to vector<1x16xi32>
      tpu.vector_store %arg8[%swap3A_177, %swap3A_178], %swap3A_181 {strides = array<i32>} : memref<128x104xi32, #tpu.memory_space<vmem>>, vector<1x16xi32>,
      %get3A_182 = arith.index_cast %add3A_172 : i32 to index
      %get3A_183 = arith.constant 10 : index
      %get3A_184 = tpu.vector_load %arg7[%get3A_182, %get3A_183] {strides = array<i32>} : memref<512x26xi32, #tpu.memory_space<vmem>>, vector<1x16xi32>,
      %get3A_185 = vector.shape_cast %get3A_184 : vector<1x16xi32> to vector<16xi32>
      %swap3A_186 = arith.index_cast %scan3A_104 : i32 to index
      %swap3A_187 = arith.constant 88 : index
      %swap3A_188 = tpu.vector_load %arg8[%swap3A_186, %swap3A_187] {strides = array<i32>} : memref<128x104xi32, #tpu.memory_space<vmem>>, vector<1x16xi32>,
      %swap3A_189 = vector.shape_cast %swap3A_188 : vector<1x16xi32> to vector<16xi32>
      %swap3A_190 = vector.shape_cast %get3A_185 : vector<16xi32> to vector<1x16xi32>
      tpu.vector_store %arg8[%swap3A_186, %swap3A_187], %swap3A_190 {strides = array<i32>} : memref<128x104xi32, #tpu.memory_space<vmem>>, vector<1x16xi32>,
    }
    %scan3A_7 = arith.constant 128 : i32
    %dma_start3A = arith.constant 0 : i32
    %dma_start3A_8 = arith.constant 0 : i32
    %dma_start3A_9 = arith.constant 0 : i32
    %dma_start3A_10 = arith.constant 0 : i32
    %dma_start3A_11 = tpu.memref_slice %arg9[%dma_start3A_8, %dma_start3A_9, %dma_start3A_10] : memref<2x104x64xf32, #tpu.memory_space<vmem>> -> memref<1x104x64xf32, #tpu.memory_space<vmem>>
    %dma_start3A_12 = tpu.memref_squeeze %dma_start3A_11 : memref<1x104x64xf32, #tpu.memory_space<vmem>> -> memref<104x64xf32, #tpu.memory_space<vmem>>
    %dma_start3A_13 = arith.constant 0 : i32
    %dma_start3A_14 = tpu.memref_slice %arg8[%dma_start3A, %dma_start3A_13] : memref<128x104xi32, #tpu.memory_space<vmem>> -> memref<1x104xi32, #tpu.memory_space<vmem>>
    %dma_start3A_15 = tpu.memref_squeeze %dma_start3A_14 : memref<1x104xi32, #tpu.memory_space<vmem>> -> memref<104xi32, #tpu.memory_space<vmem>>
    %dma_start3A_16 = arith.constant 0 : i32
    %dma_start3A_17 = arith.constant 0 : i32
    %dma_start3A_18 = tpu.memref_slice %arg3[%dma_start3A_16, %dma_start3A_17] : memref<1000000x64xf32, #tpu.memory_space<hbm>> -> memref<1000000x64xf32, #tpu.memory_space<hbm>>
    tpu.enqueue_indirect_dma source(%dma_start3A_18 : memref<1000000x64xf32, #tpu.memory_space<hbm>>) target(%dma_start3A_12 : memref<104x64xf32, #tpu.memory_space<vmem>>) offsets(%dma_start3A_15 : memref<104xi32, #tpu.memory_space<vmem>>) semaphore(%arg13 : memref<!tpu.dma_semaphore, #tpu.memory_space<semaphore_mem>>)
    %dma_start3A_19 = arith.constant 0 : i32
    %dma_start3A_20 = arith.constant 0 : i32
    %dma_start3A_21 = arith.constant 0 : i32
    %dma_start3A_22 = arith.constant 0 : i32
    %dma_start3A_23 = tpu.memref_slice %arg10[%dma_start3A_20, %dma_start3A_21, %dma_start3A_22] : memref<2x104x64xf32, #tpu.memory_space<vmem>> -> memref<1x104x64xf32, #tpu.memory_space<vmem>>
    %dma_start3A_24 = tpu.memref_squeeze %dma_start3A_23 : memref<1x104x64xf32, #tpu.memory_space<vmem>> -> memref<104x64xf32, #tpu.memory_space<vmem>>
    %dma_start3A_25 = arith.constant 0 : i32
    %dma_start3A_26 = tpu.memref_slice %arg8[%dma_start3A_19, %dma_start3A_25] : memref<128x104xi32, #tpu.memory_space<vmem>> -> memref<1x104xi32, #tpu.memory_space<vmem>>
    %dma_start3A_27 = tpu.memref_squeeze %dma_start3A_26 : memref<1x104xi32, #tpu.memory_space<vmem>> -> memref<104xi32, #tpu.memory_space<vmem>>
    %dma_start3A_28 = arith.constant 0 : i32
    %dma_start3A_29 = arith.constant 0 : i32
    %dma_start3A_30 = tpu.memref_slice %arg4[%dma_start3A_28, %dma_start3A_29] : memref<1000000x64xf32, #tpu.memory_space<hbm>> -> memref<1000000x64xf32, #tpu.memory_space<hbm>>
    tpu.enqueue_indirect_dma source(%dma_start3A_30 : memref<1000000x64xf32, #tpu.memory_space<hbm>>) target(%dma_start3A_24 : memref<104x64xf32, #tpu.memory_space<vmem>>) offsets(%dma_start3A_27 : memref<104xi32, #tpu.memory_space<vmem>>) semaphore(%arg13 : memref<!tpu.dma_semaphore, #tpu.memory_space<semaphore_mem>>)
    %scan3A_31 = arith.constant 0 : i32
    %scan3A_32 = arith.constant 0 : i32
    %scan3A_33 = arith.constant 64 : i32
    %scan3A_34 = arith.addi %scan3A_32, %scan3A_33 : i32
    %scan3A_35 = arith.constant 1 : i32
    scf.for %scan3A_104 = %scan3A_32 to %scan3A_34 step %scan3A_35  : i32 {
      %mul3A_105 = arith.constant 2 : i32
      %mul3A_106 = arith.muli %scan3A_104, %mul3A_105 : i32
      %add3A_107 = arith.constant 0 : i32
      %add3A_108 = arith.addi %mul3A_106, %add3A_107 : i32
      %add3A_109 = arith.constant 1 : i32
      %add3A_110 = arith.addi %add3A_108, %add3A_109 : i32
      %lt3A = arith.constant 128 : i32
      %lt3A_111 = arith.cmpi slt, %add3A_110, %lt3A : i32
      %convert_element_type3A = arith.extui %lt3A_111 : i1 to i32
      %cond3A = arith.constant 0 : i32
      %cond3A_112 = arith.cmpi ne, %convert_element_type3A, %cond3A : i32
      scf.if %cond3A_112 {
        %add3A_303 = arith.constant 1 : i32
        %add3A_304 = arith.addi %add3A_108, %add3A_303 : i32
        %dma_start3A_305 = arith.constant 1 : i32
        %dma_start3A_306 = arith.constant 0 : i32
        %dma_start3A_307 = arith.constant 0 : i32
        %dma_start3A_308 = tpu.memref_slice %arg9[%dma_start3A_305, %dma_start3A_306, %dma_start3A_307] : memref<2x104x64xf32, #tpu.memory_space<vmem>> -> memref<1x104x64xf32, #tpu.memory_space<vmem>>
        %dma_start3A_309 = tpu.memref_squeeze %dma_start3A_308 : memref<1x104x64xf32, #tpu.memory_space<vmem>> -> memref<104x64xf32, #tpu.memory_space<vmem>>
        %dma_start3A_310 = arith.constant 0 : i32
        %dma_start3A_311 = tpu.memref_slice %arg8[%add3A_304, %dma_start3A_310] : memref<128x104xi32, #tpu.memory_space<vmem>> -> memref<1x104xi32, #tpu.memory_space<vmem>>
        %dma_start3A_312 = tpu.memref_squeeze %dma_start3A_311 : memref<1x104xi32, #tpu.memory_space<vmem>> -> memref<104xi32, #tpu.memory_space<vmem>>
        %dma_start3A_313 = arith.constant 0 : i32
        %dma_start3A_314 = arith.constant 0 : i32
        %dma_start3A_315 = tpu.memref_slice %arg3[%dma_start3A_313, %dma_start3A_314] : memref<1000000x64xf32, #tpu.memory_space<hbm>> -> memref<1000000x64xf32, #tpu.memory_space<hbm>>
        tpu.enqueue_indirect_dma source(%dma_start3A_315 : memref<1000000x64xf32, #tpu.memory_space<hbm>>) target(%dma_start3A_309 : memref<104x64xf32, #tpu.memory_space<vmem>>) offsets(%dma_start3A_312 : memref<104xi32, #tpu.memory_space<vmem>>) semaphore(%arg14 : memref<!tpu.dma_semaphore, #tpu.memory_space<semaphore_mem>>)
        %dma_start3A_316 = arith.constant 1 : i32
        %dma_start3A_317 = arith.constant 0 : i32
        %dma_start3A_318 = arith.constant 0 : i32
        %dma_start3A_319 = tpu.memref_slice %arg10[%dma_start3A_316, %dma_start3A_317, %dma_start3A_318] : memref<2x104x64xf32, #tpu.memory_space<vmem>> -> memref<1x104x64xf32, #tpu.memory_space<vmem>>
        %dma_start3A_320 = tpu.memref_squeeze %dma_start3A_319 : memref<1x104x64xf32, #tpu.memory_space<vmem>> -> memref<104x64xf32, #tpu.memory_space<vmem>>
        %dma_start3A_321 = arith.constant 0 : i32
        %dma_start3A_322 = tpu.memref_slice %arg8[%add3A_304, %dma_start3A_321] : memref<128x104xi32, #tpu.memory_space<vmem>> -> memref<1x104xi32, #tpu.memory_space<vmem>>
        %dma_start3A_323 = tpu.memref_squeeze %dma_start3A_322 : memref<1x104xi32, #tpu.memory_space<vmem>> -> memref<104xi32, #tpu.memory_space<vmem>>
        %dma_start3A_324 = arith.constant 0 : i32
        %dma_start3A_325 = arith.constant 0 : i32
        %dma_start3A_326 = tpu.memref_slice %arg4[%dma_start3A_324, %dma_start3A_325] : memref<1000000x64xf32, #tpu.memory_space<hbm>> -> memref<1000000x64xf32, #tpu.memory_space<hbm>>
        tpu.enqueue_indirect_dma source(%dma_start3A_326 : memref<1000000x64xf32, #tpu.memory_space<hbm>>) target(%dma_start3A_320 : memref<104x64xf32, #tpu.memory_space<vmem>>) offsets(%dma_start3A_323 : memref<104xi32, #tpu.memory_space<vmem>>) semaphore(%arg14 : memref<!tpu.dma_semaphore, #tpu.memory_space<semaphore_mem>>)
      } else {
      }
      %dma_wait3A_113 = arith.constant 0 : i32
      %dma_wait3A_114 = arith.constant 0 : i32
      %dma_wait3A_115 = arith.constant 0 : i32
      %dma_wait3A_116 = arith.constant 0 : i32
      %dma_wait3A_117 = tpu.memref_slice %arg9[%dma_wait3A_114, %dma_wait3A_115, %dma_wait3A_116] : memref<2x104x64xf32, #tpu.memory_space<vmem>> -> memref<1x104x64xf32, #tpu.memory_space<vmem>>
      %dma_wait3A_118 = tpu.memref_squeeze %dma_wait3A_117 : memref<1x104x64xf32, #tpu.memory_space<vmem>> -> memref<104x64xf32, #tpu.memory_space<vmem>>
      %dma_wait3A_119 = arith.constant 0 : i32
      %dma_wait3A_120 = tpu.memref_slice %arg8[%dma_wait3A_113, %dma_wait3A_119] : memref<128x104xi32, #tpu.memory_space<vmem>> -> memref<1x104xi32, #tpu.memory_space<vmem>>
      %dma_wait3A_121 = tpu.memref_squeeze %dma_wait3A_120 : memref<1x104xi32, #tpu.memory_space<vmem>> -> memref<104xi32, #tpu.memory_space<vmem>>
      %dma_wait3A_122 = arith.constant 0 : i32
      %dma_wait3A_123 = arith.constant 0 : i32
      %dma_wait3A_124 = tpu.memref_slice %arg3[%dma_wait3A_122, %dma_wait3A_123] : memref<1000000x64xf32, #tpu.memory_space<hbm>> -> memref<1000000x64xf32, #tpu.memory_space<hbm>>
      tpu.wait_indirect_dma semaphore(%arg13 : memref<!tpu.dma_semaphore, #tpu.memory_space<semaphore_mem>>) src(%dma_wait3A_124 : memref<1000000x64xf32, #tpu.memory_space<hbm>>) dst(%dma_wait3A_118 : memref<104x64xf32, #tpu.memory_space<vmem>>)
      %dma_wait3A_125 = arith.constant 0 : i32
      %dma_wait3A_126 = arith.constant 0 : i32
      %dma_wait3A_127 = arith.constant 0 : i32
      %dma_wait3A_128 = arith.constant 0 : i32
      %dma_wait3A_129 = tpu.memref_slice %arg10[%dma_wait3A_126, %dma_wait3A_127, %dma_wait3A_128] : memref<2x104x64xf32, #tpu.memory_space<vmem>> -> memref<1x104x64xf32, #tpu.memory_space<vmem>>
      %dma_wait3A_130 = tpu.memref_squeeze %dma_wait3A_129 : memref<1x104x64xf32, #tpu.memory_space<vmem>> -> memref<104x64xf32, #tpu.memory_space<vmem>>
      %dma_wait3A_131 = arith.constant 0 : i32
      %dma_wait3A_132 = tpu.memref_slice %arg8[%dma_wait3A_125, %dma_wait3A_131] : memref<128x104xi32, #tpu.memory_space<vmem>> -> memref<1x104xi32, #tpu.memory_space<vmem>>
      %dma_wait3A_133 = tpu.memref_squeeze %dma_wait3A_132 : memref<1x104xi32, #tpu.memory_space<vmem>> -> memref<104xi32, #tpu.memory_space<vmem>>
      %dma_wait3A_134 = arith.constant 0 : i32
      %dma_wait3A_135 = arith.constant 0 : i32
      %dma_wait3A_136 = tpu.memref_slice %arg4[%dma_wait3A_134, %dma_wait3A_135] : memref<1000000x64xf32, #tpu.memory_space<hbm>> -> memref<1000000x64xf32, #tpu.memory_space<hbm>>
      tpu.wait_indirect_dma semaphore(%arg13 : memref<!tpu.dma_semaphore, #tpu.memory_space<semaphore_mem>>) src(%dma_wait3A_136 : memref<1000000x64xf32, #tpu.memory_space<hbm>>) dst(%dma_wait3A_130 : memref<104x64xf32, #tpu.memory_space<vmem>>)
      %ge3A = arith.constant 2 : i32
      %ge3A_137 = arith.cmpi sge, %add3A_108, %ge3A : i32
      %convert_element_type3A_138 = arith.extui %ge3A_137 : i1 to i32
      %cond3A_139 = arith.constant 0 : i32
      %cond3A_140 = arith.cmpi ne, %convert_element_type3A_138, %cond3A_139 : i32
      scf.if %cond3A_140 {
        %dma_wait3A_303 = arith.constant 0 : i32
        %dma_wait3A_304 = arith.constant 0 : i32
        %dma_wait3A_305 = arith.constant 0 : i32
        %dma_wait3A_306 = arith.constant 0 : i32
        %dma_wait3A_307 = tpu.memref_slice %arg11[%dma_wait3A_303, %dma_wait3A_304, %dma_wait3A_305, %dma_wait3A_306] : memref<2x4x26x64xf32, #tpu.memory_space<vmem>> -> memref<1x4x26x64xf32, #tpu.memory_space<vmem>>
        %dma_wait3A_308 = tpu.memref_squeeze %dma_wait3A_307 : memref<1x4x26x64xf32, #tpu.memory_space<vmem>> -> memref<4x26x64xf32, #tpu.memory_space<vmem>>
        %dma_wait3A_309 = arith.constant 0 : i32
        %dma_wait3A_310 = arith.constant 0 : i32
        %dma_wait3A_311 = tpu.memref_slice %arg5[%mul3A_2, %dma_wait3A_309, %dma_wait3A_310] : memref<16384x26x64xf32, #tpu.memory_space<hbm>> -> memref<4x26x64xf32, #tpu.memory_space<hbm>>
        %dma_wait3A_312 = arith.constant 0 : i32
        %dma_wait3A_313 = arith.constant 0 : i32
        %dma_wait3A_314 = tpu.memref_slice %arg5[%mul3A_2, %dma_wait3A_312, %dma_wait3A_313] : memref<16384x26x64xf32, #tpu.memory_space<hbm>> -> memref<4x26x64xf32, #tpu.memory_space<hbm>>
        %dma_wait3A_315 = arith.constant 0 : i32
        %dma_wait3A_316 = arith.constant 0 : i32
        %dma_wait3A_317 = arith.constant 0 : i32
        %dma_wait3A_318 = tpu.memref_slice %arg11[%dma_wait3A_303, %dma_wait3A_315, %dma_wait3A_316, %dma_wait3A_317] : memref<2x4x26x64xf32, #tpu.memory_space<vmem>> -> memref<1x4x26x64xf32, #tpu.memory_space<vmem>>
        %dma_wait3A_319 = tpu.memref_squeeze %dma_wait3A_318 : memref<1x4x26x64xf32, #tpu.memory_space<vmem>> -> memref<4x26x64xf32, #tpu.memory_space<vmem>>
        tpu.wait_dma2 semaphore(%arg15 : memref<!tpu.dma_semaphore, #tpu.memory_space<semaphore_mem>>) src(%dma_wait3A_319 : memref<4x26x64xf32, #tpu.memory_space<vmem>>) dst(%dma_wait3A_314 : memref<4x26x64xf32, #tpu.memory_space<hbm>>)
        %dma_wait3A_320 = arith.constant 0 : i32
        %dma_wait3A_321 = arith.constant 0 : i32
        %dma_wait3A_322 = arith.constant 0 : i32
        %dma_wait3A_323 = arith.constant 0 : i32
        %dma_wait3A_324 = tpu.memref_slice %arg12[%dma_wait3A_320, %dma_wait3A_321, %dma_wait3A_322, %dma_wait3A_323] : memref<2x4x26x64xf32, #tpu.memory_space<vmem>> -> memref<1x4x26x64xf32, #tpu.memory_space<vmem>>
        %dma_wait3A_325 = tpu.memref_squeeze %dma_wait3A_324 : memref<1x4x26x64xf32, #tpu.memory_space<vmem>> -> memref<4x26x64xf32, #tpu.memory_space<vmem>>
        %dma_wait3A_326 = arith.constant 0 : i32
        %dma_wait3A_327 = arith.constant 0 : i32
        %dma_wait3A_328 = tpu.memref_slice %arg6[%mul3A_2, %dma_wait3A_326, %dma_wait3A_327] : memref<16384x26x64xf32, #tpu.memory_space<hbm>> -> memref<4x26x64xf32, #tpu.memory_space<hbm>>
        %dma_wait3A_329 = arith.constant 0 : i32
        %dma_wait3A_330 = arith.constant 0 : i32
        %dma_wait3A_331 = tpu.memref_slice %arg6[%mul3A_2, %dma_wait3A_329, %dma_wait3A_330] : memref<16384x26x64xf32, #tpu.memory_space<hbm>> -> memref<4x26x64xf32, #tpu.memory_space<hbm>>
        %dma_wait3A_332 = arith.constant 0 : i32
        %dma_wait3A_333 = arith.constant 0 : i32
        %dma_wait3A_334 = arith.constant 0 : i32
        %dma_wait3A_335 = tpu.memref_slice %arg12[%dma_wait3A_320, %dma_wait3A_332, %dma_wait3A_333, %dma_wait3A_334] : memref<2x4x26x64xf32, #tpu.memory_space<vmem>> -> memref<1x4x26x64xf32, #tpu.memory_space<vmem>>
        %dma_wait3A_336 = tpu.memref_squeeze %dma_wait3A_335 : memref<1x4x26x64xf32, #tpu.memory_space<vmem>> -> memref<4x26x64xf32, #tpu.memory_space<vmem>>
        tpu.wait_dma2 semaphore(%arg15 : memref<!tpu.dma_semaphore, #tpu.memory_space<semaphore_mem>>) src(%dma_wait3A_336 : memref<4x26x64xf32, #tpu.memory_space<vmem>>) dst(%dma_wait3A_331 : memref<4x26x64xf32, #tpu.memory_space<hbm>>)
      } else {
      }
      %scan3A_141 = arith.constant 0 : i32
      %scan3A_142 = arith.constant 0 : i32
      %scan3A_143 = arith.constant 26 : i32
      %scan3A_144 = arith.addi %scan3A_142, %scan3A_143 : i32
      %scan3A_145 = arith.constant 1 : i32
      scf.for %scan3A_303 = %scan3A_142 to %scan3A_144 step %scan3A_145  : i32 {
        %add3A_304 = arith.constant 0 : i32
        %add3A_305 = arith.addi %add3A_304, %scan3A_303 : i32
        %get3A = arith.constant 0 : i32
        %get3A_306 = arith.index_cast %get3A : i32 to index
        %get3A_307 = arith.index_cast %add3A_305 : i32 to index
        %get3A_308 = arith.constant 0 : index
        %get3A_309 = tpu.vector_load %arg9[%get3A_306, %get3A_307, %get3A_308] {strides = array<i32>} : memref<2x104x64xf32, #tpu.memory_space<vmem>>, vector<1x1x16xf32>,
        %get3A_310 = vector.shape_cast %get3A_309 : vector<1x1x16xf32> to vector<16xf32>
        %get3A_311 = arith.constant 0 : i32
        %get3A_312 = arith.index_cast %get3A_311 : i32 to index
        %get3A_313 = arith.index_cast %add3A_305 : i32 to index
        %get3A_314 = arith.constant 0 : index
        %get3A_315 = tpu.vector_load %arg10[%get3A_312, %get3A_313, %get3A_314] {strides = array<i32>} : memref<2x104x64xf32, #tpu.memory_space<vmem>>, vector<1x1x16xf32>,
        %get3A_316 = vector.shape_cast %get3A_315 : vector<1x1x16xf32> to vector<16xf32>
        %abs3A = math.absf %get3A_316 : vector<16xf32>
        %neg3A = arith.constant 0.000000e+00 : f32
        %neg3A_317 = vector.broadcast %neg3A : f32 to vector<16xf32>
        %neg3A_318 = arith.subf %neg3A_317, %abs3A : vector<16xf32>
        %exp3A = math.exp %neg3A_318 : vector<16xf32>
        %add3A_319 = arith.constant 2.000000e+00 : f32
        %add3A_320 = vector.broadcast %add3A_319 : f32 to vector<16xf32>
        %add3A_321 = arith.addf %exp3A, %add3A_320 : vector<16xf32>
        %div3A = arith.divf %exp3A, %add3A_321 : vector<16xf32>
        %mul3A_322 = arith.mulf %div3A, %div3A : vector<16xf32>
        %max3A = arith.constant 0.000000e+00 : f32
        %max3A_323 = vector.broadcast %max3A : f32 to vector<16xf32>
        %max3A_324 = arith.maximumf %get3A_316, %max3A_323 : vector<16xf32>
        %mul3A_325 = arith.constant 0.222222224 : f32
        %mul3A_326 = vector.broadcast %mul3A_325 : f32 to vector<16xf32>
        %mul3A_327 = arith.mulf %mul3A_322, %mul3A_326 : vector<16xf32>
        %add3A_328 = arith.constant 0.285714298 : f32
        %add3A_329 = vector.broadcast %add3A_328 : f32 to vector<16xf32>
        %add3A_330 = arith.addf %add3A_329, %mul3A_327 : vector<16xf32>
        %mul3A_331 = arith.mulf %mul3A_322, %add3A_330 : vector<16xf32>
        %add3A_332 = arith.constant 4.000000e-01 : f32
        %add3A_333 = vector.broadcast %add3A_332 : f32 to vector<16xf32>
        %add3A_334 = arith.addf %add3A_333, %mul3A_331 : vector<16xf32>
        %mul3A_335 = arith.mulf %mul3A_322, %add3A_334 : vector<16xf32>
        %add3A_336 = arith.constant 0.666666686 : f32
        %add3A_337 = vector.broadcast %add3A_336 : f32 to vector<16xf32>
        %add3A_338 = arith.addf %add3A_337, %mul3A_335 : vector<16xf32>
        %mul3A_339 = arith.mulf %mul3A_322, %add3A_338 : vector<16xf32>
        %add3A_340 = arith.constant 2.000000e+00 : f32
        %add3A_341 = vector.broadcast %add3A_340 : f32 to vector<16xf32>
        %add3A_342 = arith.addf %add3A_341, %mul3A_339 : vector<16xf32>
        %mul3A_343 = arith.mulf %div3A, %add3A_342 : vector<16xf32>
        %add3A_344 = arith.addf %max3A_324, %mul3A_343 : vector<16xf32>
        %sub3A = arith.subf %get3A_310, %add3A_344 : vector<16xf32>
        %swap3A = arith.constant 0 : i32
        %swap3A_345 = arith.constant 0 : i32
        %swap3A_346 = arith.index_cast %swap3A : i32 to index
        %swap3A_347 = arith.index_cast %swap3A_345 : i32 to index
        %swap3A_348 = arith.index_cast %scan3A_303 : i32 to index
        %swap3A_349 = arith.constant 0 : index
        %swap3A_350 = tpu.vector_load %arg11[%swap3A_346, %swap3A_347, %swap3A_348, %swap3A_349] {strides = array<i32>} : memref<2x4x26x64xf32, #tpu.memory_space<vmem>>, vector<1x1x1x16xf32>,
        %swap3A_351 = vector.shape_cast %swap3A_350 : vector<1x1x1x16xf32> to vector<16xf32>
        %swap3A_352 = vector.shape_cast %sub3A : vector<16xf32> to vector<1x1x1x16xf32>
        tpu.vector_store %arg11[%swap3A_346, %swap3A_347, %swap3A_348, %swap3A_349], %swap3A_352 {strides = array<i32>} : memref<2x4x26x64xf32, #tpu.memory_space<vmem>>, vector<1x1x1x16xf32>,
        %add3A_353 = arith.addf %get3A_310, %add3A_344 : vector<16xf32>
        %swap3A_354 = arith.constant 0 : i32
        %swap3A_355 = arith.constant 0 : i32
        %swap3A_356 = arith.index_cast %swap3A_354 : i32 to index
        %swap3A_357 = arith.index_cast %swap3A_355 : i32 to index
        %swap3A_358 = arith.index_cast %scan3A_303 : i32 to index
        %swap3A_359 = arith.constant 0 : index
        %swap3A_360 = tpu.vector_load %arg12[%swap3A_356, %swap3A_357, %swap3A_358, %swap3A_359] {strides = array<i32>} : memref<2x4x26x64xf32, #tpu.memory_space<vmem>>, vector<1x1x1x16xf32>,
        %swap3A_361 = vector.shape_cast %swap3A_360 : vector<1x1x1x16xf32> to vector<16xf32>
        %swap3A_362 = vector.shape_cast %add3A_353 : vector<16xf32> to vector<1x1x1x16xf32>
        tpu.vector_store %arg12[%swap3A_356, %swap3A_357, %swap3A_358, %swap3A_359], %swap3A_362 {strides = array<i32>} : memref<2x4x26x64xf32, #tpu.memory_space<vmem>>, vector<1x1x1x16xf32>,
        %get3A_363 = arith.constant 0 : i32
        %get3A_364 = arith.index_cast %get3A_363 : i32 to index
        %get3A_365 = arith.index_cast %add3A_305 : i32 to index
        %get3A_366 = arith.constant 16 : index
        %get3A_367 = tpu.vector_load %arg9[%get3A_364, %get3A_365, %get3A_366] {strides = array<i32>} : memref<2x104x64xf32, #tpu.memory_space<vmem>>, vector<1x1x16xf32>,
        %get3A_368 = vector.shape_cast %get3A_367 : vector<1x1x16xf32> to vector<16xf32>
        %get3A_369 = arith.constant 0 : i32
        %get3A_370 = arith.index_cast %get3A_369 : i32 to index
        %get3A_371 = arith.index_cast %add3A_305 : i32 to index
        %get3A_372 = arith.constant 16 : index
        %get3A_373 = tpu.vector_load %arg10[%get3A_370, %get3A_371, %get3A_372] {strides = array<i32>} : memref<2x104x64xf32, #tpu.memory_space<vmem>>, vector<1x1x16xf32>,
        %get3A_374 = vector.shape_cast %get3A_373 : vector<1x1x16xf32> to vector<16xf32>
        %abs3A_375 = math.absf %get3A_374 : vector<16xf32>
        %neg3A_376 = arith.constant 0.000000e+00 : f32
        %neg3A_377 = vector.broadcast %neg3A_376 : f32 to vector<16xf32>
        %neg3A_378 = arith.subf %neg3A_377, %abs3A_375 : vector<16xf32>
        %exp3A_379 = math.exp %neg3A_378 : vector<16xf32>
        %add3A_380 = arith.constant 2.000000e+00 : f32
        %add3A_381 = vector.broadcast %add3A_380 : f32 to vector<16xf32>
        %add3A_382 = arith.addf %exp3A_379, %add3A_381 : vector<16xf32>
        %div3A_383 = arith.divf %exp3A_379, %add3A_382 : vector<16xf32>
        %mul3A_384 = arith.mulf %div3A_383, %div3A_383 : vector<16xf32>
        %max3A_385 = arith.constant 0.000000e+00 : f32
        %max3A_386 = vector.broadcast %max3A_385 : f32 to vector<16xf32>
        %max3A_387 = arith.maximumf %get3A_374, %max3A_386 : vector<16xf32>
        %mul3A_388 = arith.constant 0.222222224 : f32
        %mul3A_389 = vector.broadcast %mul3A_388 : f32 to vector<16xf32>
        %mul3A_390 = arith.mulf %mul3A_384, %mul3A_389 : vector<16xf32>
        %add3A_391 = arith.constant 0.285714298 : f32
        %add3A_392 = vector.broadcast %add3A_391 : f32 to vector<16xf32>
        %add3A_393 = arith.addf %add3A_392, %mul3A_390 : vector<16xf32>
        %mul3A_394 = arith.mulf %mul3A_384, %add3A_393 : vector<16xf32>
        %add3A_395 = arith.constant 4.000000e-01 : f32
        %add3A_396 = vector.broadcast %add3A_395 : f32 to vector<16xf32>
        %add3A_397 = arith.addf %add3A_396, %mul3A_394 : vector<16xf32>
        %mul3A_398 = arith.mulf %mul3A_384, %add3A_397 : vector<16xf32>
        %add3A_399 = arith.constant 0.666666686 : f32
        %add3A_400 = vector.broadcast %add3A_399 : f32 to vector<16xf32>
        %add3A_401 = arith.addf %add3A_400, %mul3A_398 : vector<16xf32>
        %mul3A_402 = arith.mulf %mul3A_384, %add3A_401 : vector<16xf32>
        %add3A_403 = arith.constant 2.000000e+00 : f32
        %add3A_404 = vector.broadcast %add3A_403 : f32 to vector<16xf32>
        %add3A_405 = arith.addf %add3A_404, %mul3A_402 : vector<16xf32>
        %mul3A_406 = arith.mulf %div3A_383, %add3A_405 : vector<16xf32>
        %add3A_407 = arith.addf %max3A_387, %mul3A_406 : vector<16xf32>
        %sub3A_408 = arith.subf %get3A_368, %add3A_407 : vector<16xf32>
        %swap3A_409 = arith.constant 0 : i32
        %swap3A_410 = arith.constant 0 : i32
        %swap3A_411 = arith.index_cast %swap3A_409 : i32 to index
        %swap3A_412 = arith.index_cast %swap3A_410 : i32 to index
        %swap3A_413 = arith.index_cast %scan3A_303 : i32 to index
        %swap3A_414 = arith.constant 16 : index
        %swap3A_415 = tpu.vector_load %arg11[%swap3A_411, %swap3A_412, %swap3A_413, %swap3A_414] {strides = array<i32>} : memref<2x4x26x64xf32, #tpu.memory_space<vmem>>, vector<1x1x1x16xf32>,
        %swap3A_416 = vector.shape_cast %swap3A_415 : vector<1x1x1x16xf32> to vector<16xf32>
        %swap3A_417 = vector.shape_cast %sub3A_408 : vector<16xf32> to vector<1x1x1x16xf32>
        tpu.vector_store %arg11[%swap3A_411, %swap3A_412, %swap3A_413, %swap3A_414], %swap3A_417 {strides = array<i32>} : memref<2x4x26x64xf32, #tpu.memory_space<vmem>>, vector<1x1x1x16xf32>,
        %add3A_418 = arith.addf %get3A_368, %add3A_407 : vector<16xf32>
        %swap3A_419 = arith.constant 0 : i32
        %swap3A_420 = arith.constant 0 : i32
        %swap3A_421 = arith.index_cast %swap3A_419 : i32 to index
        %swap3A_422 = arith.index_cast %swap3A_420 : i32 to index
        %swap3A_423 = arith.index_cast %scan3A_303 : i32 to index
        %swap3A_424 = arith.constant 16 : index
        %swap3A_425 = tpu.vector_load %arg12[%swap3A_421, %swap3A_422, %swap3A_423, %swap3A_424] {strides = array<i32>} : memref<2x4x26x64xf32, #tpu.memory_space<vmem>>, vector<1x1x1x16xf32>,
        %swap3A_426 = vector.shape_cast %swap3A_425 : vector<1x1x1x16xf32> to vector<16xf32>
        %swap3A_427 = vector.shape_cast %add3A_418 : vector<16xf32> to vector<1x1x1x16xf32>
        tpu.vector_store %arg12[%swap3A_421, %swap3A_422, %swap3A_423, %swap3A_424], %swap3A_427 {strides = array<i32>} : memref<2x4x26x64xf32, #tpu.memory_space<vmem>>, vector<1x1x1x16xf32>,
        %get3A_428 = arith.constant 0 : i32
        %get3A_429 = arith.index_cast %get3A_428 : i32 to index
        %get3A_430 = arith.index_cast %add3A_305 : i32 to index
        %get3A_431 = arith.constant 32 : index
        %get3A_432 = tpu.vector_load %arg9[%get3A_429, %get3A_430, %get3A_431] {strides = array<i32>} : memref<2x104x64xf32, #tpu.memory_space<vmem>>, vector<1x1x16xf32>,
        %get3A_433 = vector.shape_cast %get3A_432 : vector<1x1x16xf32> to vector<16xf32>
        %get3A_434 = arith.constant 0 : i32
        %get3A_435 = arith.index_cast %get3A_434 : i32 to index
        %get3A_436 = arith.index_cast %add3A_305 : i32 to index
        %get3A_437 = arith.constant 32 : index
        %get3A_438 = tpu.vector_load %arg10[%get3A_435, %get3A_436, %get3A_437] {strides = array<i32>} : memref<2x104x64xf32, #tpu.memory_space<vmem>>, vector<1x1x16xf32>,
        %get3A_439 = vector.shape_cast %get3A_438 : vector<1x1x16xf32> to vector<16xf32>
        %abs3A_440 = math.absf %get3A_439 : vector<16xf32>
        %neg3A_441 = arith.constant 0.000000e+00 : f32
        %neg3A_442 = vector.broadcast %neg3A_441 : f32 to vector<16xf32>
        %neg3A_443 = arith.subf %neg3A_442, %abs3A_440 : vector<16xf32>
        %exp3A_444 = math.exp %neg3A_443 : vector<16xf32>
        %add3A_445 = arith.constant 2.000000e+00 : f32
        %add3A_446 = vector.broadcast %add3A_445 : f32 to vector<16xf32>
        %add3A_447 = arith.addf %exp3A_444, %add3A_446 : vector<16xf32>
        %div3A_448 = arith.divf %exp3A_444, %add3A_447 : vector<16xf32>
        %mul3A_449 = arith.mulf %div3A_448, %div3A_448 : vector<16xf32>
        %max3A_450 = arith.constant 0.000000e+00 : f32
        %max3A_451 = vector.broadcast %max3A_450 : f32 to vector<16xf32>
        %max3A_452 = arith.maximumf %get3A_439, %max3A_451 : vector<16xf32>
        %mul3A_453 = arith.constant 0.222222224 : f32
        %mul3A_454 = vector.broadcast %mul3A_453 : f32 to vector<16xf32>
        %mul3A_455 = arith.mulf %mul3A_449, %mul3A_454 : vector<16xf32>
        %add3A_456 = arith.constant 0.285714298 : f32
        %add3A_457 = vector.broadcast %add3A_456 : f32 to vector<16xf32>
        %add3A_458 = arith.addf %add3A_457, %mul3A_455 : vector<16xf32>
        %mul3A_459 = arith.mulf %mul3A_449, %add3A_458 : vector<16xf32>
        %add3A_460 = arith.constant 4.000000e-01 : f32
        %add3A_461 = vector.broadcast %add3A_460 : f32 to vector<16xf32>
        %add3A_462 = arith.addf %add3A_461, %mul3A_459 : vector<16xf32>
        %mul3A_463 = arith.mulf %mul3A_449, %add3A_462 : vector<16xf32>
        %add3A_464 = arith.constant 0.666666686 : f32
        %add3A_465 = vector.broadcast %add3A_464 : f32 to vector<16xf32>
        %add3A_466 = arith.addf %add3A_465, %mul3A_463 : vector<16xf32>
        %mul3A_467 = arith.mulf %mul3A_449, %add3A_466 : vector<16xf32>
        %add3A_468 = arith.constant 2.000000e+00 : f32
        %add3A_469 = vector.broadcast %add3A_468 : f32 to vector<16xf32>
        %add3A_470 = arith.addf %add3A_469, %mul3A_467 : vector<16xf32>
        %mul3A_471 = arith.mulf %div3A_448, %add3A_470 : vector<16xf32>
        %add3A_472 = arith.addf %max3A_452, %mul3A_471 : vector<16xf32>
        %sub3A_473 = arith.subf %get3A_433, %add3A_472 : vector<16xf32>
        %swap3A_474 = arith.constant 0 : i32
        %swap3A_475 = arith.constant 0 : i32
        %swap3A_476 = arith.index_cast %swap3A_474 : i32 to index
        %swap3A_477 = arith.index_cast %swap3A_475 : i32 to index
        %swap3A_478 = arith.index_cast %scan3A_303 : i32 to index
        %swap3A_479 = arith.constant 32 : index
        %swap3A_480 = tpu.vector_load %arg11[%swap3A_476, %swap3A_477, %swap3A_478, %swap3A_479] {strides = array<i32>} : memref<2x4x26x64xf32, #tpu.memory_space<vmem>>, vector<1x1x1x16xf32>,
        %swap3A_481 = vector.shape_cast %swap3A_480 : vector<1x1x1x16xf32> to vector<16xf32>
        %swap3A_482 = vector.shape_cast %sub3A_473 : vector<16xf32> to vector<1x1x1x16xf32>
        tpu.vector_store %arg11[%swap3A_476, %swap3A_477, %swap3A_478, %swap3A_479], %swap3A_482 {strides = array<i32>} : memref<2x4x26x64xf32, #tpu.memory_space<vmem>>, vector<1x1x1x16xf32>,
        %add3A_483 = arith.addf %get3A_433, %add3A_472 : vector<16xf32>
        %swap3A_484 = arith.constant 0 : i32
        %swap3A_485 = arith.constant 0 : i32
        %swap3A_486 = arith.index_cast %swap3A_484 : i32 to index
        %swap3A_487 = arith.index_cast %swap3A_485 : i32 to index
        %swap3A_488 = arith.index_cast %scan3A_303 : i32 to index
        %swap3A_489 = arith.constant 32 : index
        %swap3A_490 = tpu.vector_load %arg12[%swap3A_486, %swap3A_487, %swap3A_488, %swap3A_489] {strides = array<i32>} : memref<2x4x26x64xf32, #tpu.memory_space<vmem>>, vector<1x1x1x16xf32>,
        %swap3A_491 = vector.shape_cast %swap3A_490 : vector<1x1x1x16xf32> to vector<16xf32>
        %swap3A_492 = vector.shape_cast %add3A_483 : vector<16xf32> to vector<1x1x1x16xf32>
        tpu.vector_store %arg12[%swap3A_486, %swap3A_487, %swap3A_488, %swap3A_489], %swap3A_492 {strides = array<i32>} : memref<2x4x26x64xf32, #tpu.memory_space<vmem>>, vector<1x1x1x16xf32>,
        %get3A_493 = arith.constant 0 : i32
        %get3A_494 = arith.index_cast %get3A_493 : i32 to index
        %get3A_495 = arith.index_cast %add3A_305 : i32 to index
        %get3A_496 = arith.constant 48 : index
        %get3A_497 = tpu.vector_load %arg9[%get3A_494, %get3A_495, %get3A_496] {strides = array<i32>} : memref<2x104x64xf32, #tpu.memory_space<vmem>>, vector<1x1x16xf32>,
        %get3A_498 = vector.shape_cast %get3A_497 : vector<1x1x16xf32> to vector<16xf32>
        %get3A_499 = arith.constant 0 : i32
        %get3A_500 = arith.index_cast %get3A_499 : i32 to index
        %get3A_501 = arith.index_cast %add3A_305 : i32 to index
        %get3A_502 = arith.constant 48 : index
        %get3A_503 = tpu.vector_load %arg10[%get3A_500, %get3A_501, %get3A_502] {strides = array<i32>} : memref<2x104x64xf32, #tpu.memory_space<vmem>>, vector<1x1x16xf32>,
        %get3A_504 = vector.shape_cast %get3A_503 : vector<1x1x16xf32> to vector<16xf32>
        %abs3A_505 = math.absf %get3A_504 : vector<16xf32>
        %neg3A_506 = arith.constant 0.000000e+00 : f32
        %neg3A_507 = vector.broadcast %neg3A_506 : f32 to vector<16xf32>
        %neg3A_508 = arith.subf %neg3A_507, %abs3A_505 : vector<16xf32>
        %exp3A_509 = math.exp %neg3A_508 : vector<16xf32>
        %add3A_510 = arith.constant 2.000000e+00 : f32
        %add3A_511 = vector.broadcast %add3A_510 : f32 to vector<16xf32>
        %add3A_512 = arith.addf %exp3A_509, %add3A_511 : vector<16xf32>
        %div3A_513 = arith.divf %exp3A_509, %add3A_512 : vector<16xf32>
        %mul3A_514 = arith.mulf %div3A_513, %div3A_513 : vector<16xf32>
        %max3A_515 = arith.constant 0.000000e+00 : f32
        %max3A_516 = vector.broadcast %max3A_515 : f32 to vector<16xf32>
        %max3A_517 = arith.maximumf %get3A_504, %max3A_516 : vector<16xf32>
        %mul3A_518 = arith.constant 0.222222224 : f32
        %mul3A_519 = vector.broadcast %mul3A_518 : f32 to vector<16xf32>
        %mul3A_520 = arith.mulf %mul3A_514, %mul3A_519 : vector<16xf32>
        %add3A_521 = arith.constant 0.285714298 : f32
        %add3A_522 = vector.broadcast %add3A_521 : f32 to vector<16xf32>
        %add3A_523 = arith.addf %add3A_522, %mul3A_520 : vector<16xf32>
        %mul3A_524 = arith.mulf %mul3A_514, %add3A_523 : vector<16xf32>
        %add3A_525 = arith.constant 4.000000e-01 : f32
        %add3A_526 = vector.broadcast %add3A_525 : f32 to vector<16xf32>
        %add3A_527 = arith.addf %add3A_526, %mul3A_524 : vector<16xf32>
        %mul3A_528 = arith.mulf %mul3A_514, %add3A_527 : vector<16xf32>
        %add3A_529 = arith.constant 0.666666686 : f32
        %add3A_530 = vector.broadcast %add3A_529 : f32 to vector<16xf32>
        %add3A_531 = arith.addf %add3A_530, %mul3A_528 : vector<16xf32>
        %mul3A_532 = arith.mulf %mul3A_514, %add3A_531 : vector<16xf32>
        %add3A_533 = arith.constant 2.000000e+00 : f32
        %add3A_534 = vector.broadcast %add3A_533 : f32 to vector<16xf32>
        %add3A_535 = arith.addf %add3A_534, %mul3A_532 : vector<16xf32>
        %mul3A_536 = arith.mulf %div3A_513, %add3A_535 : vector<16xf32>
        %add3A_537 = arith.addf %max3A_517, %mul3A_536 : vector<16xf32>
        %sub3A_538 = arith.subf %get3A_498, %add3A_537 : vector<16xf32>
        %swap3A_539 = arith.constant 0 : i32
        %swap3A_540 = arith.constant 0 : i32
        %swap3A_541 = arith.index_cast %swap3A_539 : i32 to index
        %swap3A_542 = arith.index_cast %swap3A_540 : i32 to index
        %swap3A_543 = arith.index_cast %scan3A_303 : i32 to index
        %swap3A_544 = arith.constant 48 : index
        %swap3A_545 = tpu.vector_load %arg11[%swap3A_541, %swap3A_542, %swap3A_543, %swap3A_544] {strides = array<i32>} : memref<2x4x26x64xf32, #tpu.memory_space<vmem>>, vector<1x1x1x16xf32>,
        %swap3A_546 = vector.shape_cast %swap3A_545 : vector<1x1x1x16xf32> to vector<16xf32>
        %swap3A_547 = vector.shape_cast %sub3A_538 : vector<16xf32> to vector<1x1x1x16xf32>
        tpu.vector_store %arg11[%swap3A_541, %swap3A_542, %swap3A_543, %swap3A_544], %swap3A_547 {strides = array<i32>} : memref<2x4x26x64xf32, #tpu.memory_space<vmem>>, vector<1x1x1x16xf32>,
        %add3A_548 = arith.addf %get3A_498, %add3A_537 : vector<16xf32>
        %swap3A_549 = arith.constant 0 : i32
        %swap3A_550 = arith.constant 0 : i32
        %swap3A_551 = arith.index_cast %swap3A_549 : i32 to index
        %swap3A_552 = arith.index_cast %swap3A_550 : i32 to index
        %swap3A_553 = arith.index_cast %scan3A_303 : i32 to index
        %swap3A_554 = arith.constant 48 : index
        %swap3A_555 = tpu.vector_load %arg12[%swap3A_551, %swap3A_552, %swap3A_553, %swap3A_554] {strides = array<i32>} : memref<2x4x26x64xf32, #tpu.memory_space<vmem>>, vector<1x1x1x16xf32>,
        %swap3A_556 = vector.shape_cast %swap3A_555 : vector<1x1x1x16xf32> to vector<16xf32>
        %swap3A_557 = vector.shape_cast %add3A_548 : vector<16xf32> to vector<1x1x1x16xf32>
        tpu.vector_store %arg12[%swap3A_551, %swap3A_552, %swap3A_553, %swap3A_554], %swap3A_557 {strides = array<i32>} : memref<2x4x26x64xf32, #tpu.memory_space<vmem>>, vector<1x1x1x16xf32>,
      }
      %scan3A_146 = arith.constant 26 : i32
      %scan3A_147 = arith.constant 0 : i32
      %scan3A_148 = arith.constant 0 : i32
      %scan3A_149 = arith.constant 26 : i32
      %scan3A_150 = arith.addi %scan3A_148, %scan3A_149 : i32
      %scan3A_151 = arith.constant 1 : i32
      scf.for %scan3A_303 = %scan3A_148 to %scan3A_150 step %scan3A_151  : i32 {
        %add3A_304 = arith.constant 26 : i32
        %add3A_305 = arith.addi %add3A_304, %scan3A_303 : i32
        %get3A = arith.constant 0 : i32
        %get3A_306 = arith.index_cast %get3A : i32 to index
        %get3A_307 = arith.index_cast %add3A_305 : i32 to index
        %get3A_308 = arith.constant 0 : index
        %get3A_309 = tpu.vector_load %arg9[%get3A_306, %get3A_307, %get3A_308] {strides = array<i32>} : memref<2x104x64xf32, #tpu.memory_space<vmem>>, vector<1x1x16xf32>,
        %get3A_310 = vector.shape_cast %get3A_309 : vector<1x1x16xf32> to vector<16xf32>
        %get3A_311 = arith.constant 0 : i32
        %get3A_312 = arith.index_cast %get3A_311 : i32 to index
        %get3A_313 = arith.index_cast %add3A_305 : i32 to index
        %get3A_314 = arith.constant 0 : index
        %get3A_315 = tpu.vector_load %arg10[%get3A_312, %get3A_313, %get3A_314] {strides = array<i32>} : memref<2x104x64xf32, #tpu.memory_space<vmem>>, vector<1x1x16xf32>,
        %get3A_316 = vector.shape_cast %get3A_315 : vector<1x1x16xf32> to vector<16xf32>
        %abs3A = math.absf %get3A_316 : vector<16xf32>
        %neg3A = arith.constant 0.000000e+00 : f32
        %neg3A_317 = vector.broadcast %neg3A : f32 to vector<16xf32>
        %neg3A_318 = arith.subf %neg3A_317, %abs3A : vector<16xf32>
        %exp3A = math.exp %neg3A_318 : vector<16xf32>
        %add3A_319 = arith.constant 2.000000e+00 : f32
        %add3A_320 = vector.broadcast %add3A_319 : f32 to vector<16xf32>
        %add3A_321 = arith.addf %exp3A, %add3A_320 : vector<16xf32>
        %div3A = arith.divf %exp3A, %add3A_321 : vector<16xf32>
        %mul3A_322 = arith.mulf %div3A, %div3A : vector<16xf32>
        %max3A = arith.constant 0.000000e+00 : f32
        %max3A_323 = vector.broadcast %max3A : f32 to vector<16xf32>
        %max3A_324 = arith.maximumf %get3A_316, %max3A_323 : vector<16xf32>
        %mul3A_325 = arith.constant 0.222222224 : f32
        %mul3A_326 = vector.broadcast %mul3A_325 : f32 to vector<16xf32>
        %mul3A_327 = arith.mulf %mul3A_322, %mul3A_326 : vector<16xf32>
        %add3A_328 = arith.constant 0.285714298 : f32
        %add3A_329 = vector.broadcast %add3A_328 : f32 to vector<16xf32>
        %add3A_330 = arith.addf %add3A_329, %mul3A_327 : vector<16xf32>
        %mul3A_331 = arith.mulf %mul3A_322, %add3A_330 : vector<16xf32>
        %add3A_332 = arith.constant 4.000000e-01 : f32
        %add3A_333 = vector.broadcast %add3A_332 : f32 to vector<16xf32>
        %add3A_334 = arith.addf %add3A_333, %mul3A_331 : vector<16xf32>
        %mul3A_335 = arith.mulf %mul3A_322, %add3A_334 : vector<16xf32>
        %add3A_336 = arith.constant 0.666666686 : f32
        %add3A_337 = vector.broadcast %add3A_336 : f32 to vector<16xf32>
        %add3A_338 = arith.addf %add3A_337, %mul3A_335 : vector<16xf32>
        %mul3A_339 = arith.mulf %mul3A_322, %add3A_338 : vector<16xf32>
        %add3A_340 = arith.constant 2.000000e+00 : f32
        %add3A_341 = vector.broadcast %add3A_340 : f32 to vector<16xf32>
        %add3A_342 = arith.addf %add3A_341, %mul3A_339 : vector<16xf32>
        %mul3A_343 = arith.mulf %div3A, %add3A_342 : vector<16xf32>
        %add3A_344 = arith.addf %max3A_324, %mul3A_343 : vector<16xf32>
        %sub3A = arith.subf %get3A_310, %add3A_344 : vector<16xf32>
        %swap3A = arith.constant 0 : i32
        %swap3A_345 = arith.constant 1 : i32
        %swap3A_346 = arith.index_cast %swap3A : i32 to index
        %swap3A_347 = arith.index_cast %swap3A_345 : i32 to index
        %swap3A_348 = arith.index_cast %scan3A_303 : i32 to index
        %swap3A_349 = arith.constant 0 : index
        %swap3A_350 = tpu.vector_load %arg11[%swap3A_346, %swap3A_347, %swap3A_348, %swap3A_349] {strides = array<i32>} : memref<2x4x26x64xf32, #tpu.memory_space<vmem>>, vector<1x1x1x16xf32>,
        %swap3A_351 = vector.shape_cast %swap3A_350 : vector<1x1x1x16xf32> to vector<16xf32>
        %swap3A_352 = vector.shape_cast %sub3A : vector<16xf32> to vector<1x1x1x16xf32>
        tpu.vector_store %arg11[%swap3A_346, %swap3A_347, %swap3A_348, %swap3A_349], %swap3A_352 {strides = array<i32>} : memref<2x4x26x64xf32, #tpu.memory_space<vmem>>, vector<1x1x1x16xf32>,
        %add3A_353 = arith.addf %get3A_310, %add3A_344 : vector<16xf32>
        %swap3A_354 = arith.constant 0 : i32
        %swap3A_355 = arith.constant 1 : i32
        %swap3A_356 = arith.index_cast %swap3A_354 : i32 to index
        %swap3A_357 = arith.index_cast %swap3A_355 : i32 to index
        %swap3A_358 = arith.index_cast %scan3A_303 : i32 to index
        %swap3A_359 = arith.constant 0 : index
        %swap3A_360 = tpu.vector_load %arg12[%swap3A_356, %swap3A_357, %swap3A_358, %swap3A_359] {strides = array<i32>} : memref<2x4x26x64xf32, #tpu.memory_space<vmem>>, vector<1x1x1x16xf32>,
        %swap3A_361 = vector.shape_cast %swap3A_360 : vector<1x1x1x16xf32> to vector<16xf32>
        %swap3A_362 = vector.shape_cast %add3A_353 : vector<16xf32> to vector<1x1x1x16xf32>
        tpu.vector_store %arg12[%swap3A_356, %swap3A_357, %swap3A_358, %swap3A_359], %swap3A_362 {strides = array<i32>} : memref<2x4x26x64xf32, #tpu.memory_space<vmem>>, vector<1x1x1x16xf32>,
        %get3A_363 = arith.constant 0 : i32
        %get3A_364 = arith.index_cast %get3A_363 : i32 to index
        %get3A_365 = arith.index_cast %add3A_305 : i32 to index
        %get3A_366 = arith.constant 16 : index
        %get3A_367 = tpu.vector_load %arg9[%get3A_364, %get3A_365, %get3A_366] {strides = array<i32>} : memref<2x104x64xf32, #tpu.memory_space<vmem>>, vector<1x1x16xf32>,
        %get3A_368 = vector.shape_cast %get3A_367 : vector<1x1x16xf32> to vector<16xf32>
        %get3A_369 = arith.constant 0 : i32
        %get3A_370 = arith.index_cast %get3A_369 : i32 to index
        %get3A_371 = arith.index_cast %add3A_305 : i32 to index
        %get3A_372 = arith.constant 16 : index
        %get3A_373 = tpu.vector_load %arg10[%get3A_370, %get3A_371, %get3A_372] {strides = array<i32>} : memref<2x104x64xf32, #tpu.memory_space<vmem>>, vector<1x1x16xf32>,
        %get3A_374 = vector.shape_cast %get3A_373 : vector<1x1x16xf32> to vector<16xf32>
        %abs3A_375 = math.absf %get3A_374 : vector<16xf32>
        %neg3A_376 = arith.constant 0.000000e+00 : f32
        %neg3A_377 = vector.broadcast %neg3A_376 : f32 to vector<16xf32>
        %neg3A_378 = arith.subf %neg3A_377, %abs3A_375 : vector<16xf32>
        %exp3A_379 = math.exp %neg3A_378 : vector<16xf32>
        %add3A_380 = arith.constant 2.000000e+00 : f32
        %add3A_381 = vector.broadcast %add3A_380 : f32 to vector<16xf32>
        %add3A_382 = arith.addf %exp3A_379, %add3A_381 : vector<16xf32>
        %div3A_383 = arith.divf %exp3A_379, %add3A_382 : vector<16xf32>
        %mul3A_384 = arith.mulf %div3A_383, %div3A_383 : vector<16xf32>
        %max3A_385 = arith.constant 0.000000e+00 : f32
        %max3A_386 = vector.broadcast %max3A_385 : f32 to vector<16xf32>
        %max3A_387 = arith.maximumf %get3A_374, %max3A_386 : vector<16xf32>
        %mul3A_388 = arith.constant 0.222222224 : f32
        %mul3A_389 = vector.broadcast %mul3A_388 : f32 to vector<16xf32>
        %mul3A_390 = arith.mulf %mul3A_384, %mul3A_389 : vector<16xf32>
        %add3A_391 = arith.constant 0.285714298 : f32
        %add3A_392 = vector.broadcast %add3A_391 : f32 to vector<16xf32>
        %add3A_393 = arith.addf %add3A_392, %mul3A_390 : vector<16xf32>
        %mul3A_394 = arith.mulf %mul3A_384, %add3A_393 : vector<16xf32>
        %add3A_395 = arith.constant 4.000000e-01 : f32
        %add3A_396 = vector.broadcast %add3A_395 : f32 to vector<16xf32>
        %add3A_397 = arith.addf %add3A_396, %mul3A_394 : vector<16xf32>
        %mul3A_398 = arith.mulf %mul3A_384, %add3A_397 : vector<16xf32>
        %add3A_399 = arith.constant 0.666666686 : f32
        %add3A_400 = vector.broadcast %add3A_399 : f32 to vector<16xf32>
        %add3A_401 = arith.addf %add3A_400, %mul3A_398 : vector<16xf32>
        %mul3A_402 = arith.mulf %mul3A_384, %add3A_401 : vector<16xf32>
        %add3A_403 = arith.constant 2.000000e+00 : f32
        %add3A_404 = vector.broadcast %add3A_403 : f32 to vector<16xf32>
        %add3A_405 = arith.addf %add3A_404, %mul3A_402 : vector<16xf32>
        %mul3A_406 = arith.mulf %div3A_383, %add3A_405 : vector<16xf32>
        %add3A_407 = arith.addf %max3A_387, %mul3A_406 : vector<16xf32>
        %sub3A_408 = arith.subf %get3A_368, %add3A_407 : vector<16xf32>
        %swap3A_409 = arith.constant 0 : i32
        %swap3A_410 = arith.constant 1 : i32
        %swap3A_411 = arith.index_cast %swap3A_409 : i32 to index
        %swap3A_412 = arith.index_cast %swap3A_410 : i32 to index
        %swap3A_413 = arith.index_cast %scan3A_303 : i32 to index
        %swap3A_414 = arith.constant 16 : index
        %swap3A_415 = tpu.vector_load %arg11[%swap3A_411, %swap3A_412, %swap3A_413, %swap3A_414] {strides = array<i32>} : memref<2x4x26x64xf32, #tpu.memory_space<vmem>>, vector<1x1x1x16xf32>,
        %swap3A_416 = vector.shape_cast %swap3A_415 : vector<1x1x1x16xf32> to vector<16xf32>
        %swap3A_417 = vector.shape_cast %sub3A_408 : vector<16xf32> to vector<1x1x1x16xf32>
        tpu.vector_store %arg11[%swap3A_411, %swap3A_412, %swap3A_413, %swap3A_414], %swap3A_417 {strides = array<i32>} : memref<2x4x26x64xf32, #tpu.memory_space<vmem>>, vector<1x1x1x16xf32>,
        %add3A_418 = arith.addf %get3A_368, %add3A_407 : vector<16xf32>
        %swap3A_419 = arith.constant 0 : i32
        %swap3A_420 = arith.constant 1 : i32
        %swap3A_421 = arith.index_cast %swap3A_419 : i32 to index
        %swap3A_422 = arith.index_cast %swap3A_420 : i32 to index
        %swap3A_423 = arith.index_cast %scan3A_303 : i32 to index
        %swap3A_424 = arith.constant 16 : index
        %swap3A_425 = tpu.vector_load %arg12[%swap3A_421, %swap3A_422, %swap3A_423, %swap3A_424] {strides = array<i32>} : memref<2x4x26x64xf32, #tpu.memory_space<vmem>>, vector<1x1x1x16xf32>,
        %swap3A_426 = vector.shape_cast %swap3A_425 : vector<1x1x1x16xf32> to vector<16xf32>
        %swap3A_427 = vector.shape_cast %add3A_418 : vector<16xf32> to vector<1x1x1x16xf32>
        tpu.vector_store %arg12[%swap3A_421, %swap3A_422, %swap3A_423, %swap3A_424], %swap3A_427 {strides = array<i32>} : memref<2x4x26x64xf32, #tpu.memory_space<vmem>>, vector<1x1x1x16xf32>,
        %get3A_428 = arith.constant 0 : i32
        %get3A_429 = arith.index_cast %get3A_428 : i32 to index
        %get3A_430 = arith.index_cast %add3A_305 : i32 to index
        %get3A_431 = arith.constant 32 : index
        %get3A_432 = tpu.vector_load %arg9[%get3A_429, %get3A_430, %get3A_431] {strides = array<i32>} : memref<2x104x64xf32, #tpu.memory_space<vmem>>, vector<1x1x16xf32>,
        %get3A_433 = vector.shape_cast %get3A_432 : vector<1x1x16xf32> to vector<16xf32>
        %get3A_434 = arith.constant 0 : i32
        %get3A_435 = arith.index_cast %get3A_434 : i32 to index
        %get3A_436 = arith.index_cast %add3A_305 : i32 to index
        %get3A_437 = arith.constant 32 : index
        %get3A_438 = tpu.vector_load %arg10[%get3A_435, %get3A_436, %get3A_437] {strides = array<i32>} : memref<2x104x64xf32, #tpu.memory_space<vmem>>, vector<1x1x16xf32>,
        %get3A_439 = vector.shape_cast %get3A_438 : vector<1x1x16xf32> to vector<16xf32>
        %abs3A_440 = math.absf %get3A_439 : vector<16xf32>
        %neg3A_441 = arith.constant 0.000000e+00 : f32
        %neg3A_442 = vector.broadcast %neg3A_441 : f32 to vector<16xf32>
        %neg3A_443 = arith.subf %neg3A_442, %abs3A_440 : vector<16xf32>
        %exp3A_444 = math.exp %neg3A_443 : vector<16xf32>
        %add3A_445 = arith.constant 2.000000e+00 : f32
        %add3A_446 = vector.broadcast %add3A_445 : f32 to vector<16xf32>
        %add3A_447 = arith.addf %exp3A_444, %add3A_446 : vector<16xf32>
        %div3A_448 = arith.divf %exp3A_444, %add3A_447 : vector<16xf32>
        %mul3A_449 = arith.mulf %div3A_448, %div3A_448 : vector<16xf32>
        %max3A_450 = arith.constant 0.000000e+00 : f32
        %max3A_451 = vector.broadcast %max3A_450 : f32 to vector<16xf32>
        %max3A_452 = arith.maximumf %get3A_439, %max3A_451 : vector<16xf32>
        %mul3A_453 = arith.constant 0.222222224 : f32
        %mul3A_454 = vector.broadcast %mul3A_453 : f32 to vector<16xf32>
        %mul3A_455 = arith.mulf %mul3A_449, %mul3A_454 : vector<16xf32>
        %add3A_456 = arith.constant 0.285714298 : f32
        %add3A_457 = vector.broadcast %add3A_456 : f32 to vector<16xf32>
        %add3A_458 = arith.addf %add3A_457, %mul3A_455 : vector<16xf32>
        %mul3A_459 = arith.mulf %mul3A_449, %add3A_458 : vector<16xf32>
        %add3A_460 = arith.constant 4.000000e-01 : f32
        %add3A_461 = vector.broadcast %add3A_460 : f32 to vector<16xf32>
        %add3A_462 = arith.addf %add3A_461, %mul3A_459 : vector<16xf32>
        %mul3A_463 = arith.mulf %mul3A_449, %add3A_462 : vector<16xf32>
        %add3A_464 = arith.constant 0.666666686 : f32
        %add3A_465 = vector.broadcast %add3A_464 : f32 to vector<16xf32>
        %add3A_466 = arith.addf %add3A_465, %mul3A_463 : vector<16xf32>
        %mul3A_467 = arith.mulf %mul3A_449, %add3A_466 : vector<16xf32>
        %add3A_468 = arith.constant 2.000000e+00 : f32
        %add3A_469 = vector.broadcast %add3A_468 : f32 to vector<16xf32>
        %add3A_470 = arith.addf %add3A_469, %mul3A_467 : vector<16xf32>
        %mul3A_471 = arith.mulf %div3A_448, %add3A_470 : vector<16xf32>
        %add3A_472 = arith.addf %max3A_452, %mul3A_471 : vector<16xf32>
        %sub3A_473 = arith.subf %get3A_433, %add3A_472 : vector<16xf32>
        %swap3A_474 = arith.constant 0 : i32
        %swap3A_475 = arith.constant 1 : i32
        %swap3A_476 = arith.index_cast %swap3A_474 : i32 to index
        %swap3A_477 = arith.index_cast %swap3A_475 : i32 to index
        %swap3A_478 = arith.index_cast %scan3A_303 : i32 to index
        %swap3A_479 = arith.constant 32 : index
        %swap3A_480 = tpu.vector_load %arg11[%swap3A_476, %swap3A_477, %swap3A_478, %swap3A_479] {strides = array<i32>} : memref<2x4x26x64xf32, #tpu.memory_space<vmem>>, vector<1x1x1x16xf32>,
        %swap3A_481 = vector.shape_cast %swap3A_480 : vector<1x1x1x16xf32> to vector<16xf32>
        %swap3A_482 = vector.shape_cast %sub3A_473 : vector<16xf32> to vector<1x1x1x16xf32>
        tpu.vector_store %arg11[%swap3A_476, %swap3A_477, %swap3A_478, %swap3A_479], %swap3A_482 {strides = array<i32>} : memref<2x4x26x64xf32, #tpu.memory_space<vmem>>, vector<1x1x1x16xf32>,
        %add3A_483 = arith.addf %get3A_433, %add3A_472 : vector<16xf32>
        %swap3A_484 = arith.constant 0 : i32
        %swap3A_485 = arith.constant 1 : i32
        %swap3A_486 = arith.index_cast %swap3A_484 : i32 to index
        %swap3A_487 = arith.index_cast %swap3A_485 : i32 to index
        %swap3A_488 = arith.index_cast %scan3A_303 : i32 to index
        %swap3A_489 = arith.constant 32 : index
        %swap3A_490 = tpu.vector_load %arg12[%swap3A_486, %swap3A_487, %swap3A_488, %swap3A_489] {strides = array<i32>} : memref<2x4x26x64xf32, #tpu.memory_space<vmem>>, vector<1x1x1x16xf32>,
        %swap3A_491 = vector.shape_cast %swap3A_490 : vector<1x1x1x16xf32> to vector<16xf32>
        %swap3A_492 = vector.shape_cast %add3A_483 : vector<16xf32> to vector<1x1x1x16xf32>
        tpu.vector_store %arg12[%swap3A_486, %swap3A_487, %swap3A_488, %swap3A_489], %swap3A_492 {strides = array<i32>} : memref<2x4x26x64xf32, #tpu.memory_space<vmem>>, vector<1x1x1x16xf32>,
        %get3A_493 = arith.constant 0 : i32
        %get3A_494 = arith.index_cast %get3A_493 : i32 to index
        %get3A_495 = arith.index_cast %add3A_305 : i32 to index
        %get3A_496 = arith.constant 48 : index
        %get3A_497 = tpu.vector_load %arg9[%get3A_494, %get3A_495, %get3A_496] {strides = array<i32>} : memref<2x104x64xf32, #tpu.memory_space<vmem>>, vector<1x1x16xf32>,
        %get3A_498 = vector.shape_cast %get3A_497 : vector<1x1x16xf32> to vector<16xf32>
        %get3A_499 = arith.constant 0 : i32
        %get3A_500 = arith.index_cast %get3A_499 : i32 to index
        %get3A_501 = arith.index_cast %add3A_305 : i32 to index
        %get3A_502 = arith.constant 48 : index
        %get3A_503 = tpu.vector_load %arg10[%get3A_500, %get3A_501, %get3A_502] {strides = array<i32>} : memref<2x104x64xf32, #tpu.memory_space<vmem>>, vector<1x1x16xf32>,
        %get3A_504 = vector.shape_cast %get3A_503 : vector<1x1x16xf32> to vector<16xf32>
        %abs3A_505 = math.absf %get3A_504 : vector<16xf32>
        %neg3A_506 = arith.constant 0.000000e+00 : f32
        %neg3A_507 = vector.broadcast %neg3A_506 : f32 to vector<16xf32>
        %neg3A_508 = arith.subf %neg3A_507, %abs3A_505 : vector<16xf32>
        %exp3A_509 = math.exp %neg3A_508 : vector<16xf32>
        %add3A_510 = arith.constant 2.000000e+00 : f32
        %add3A_511 = vector.broadcast %add3A_510 : f32 to vector<16xf32>
        %add3A_512 = arith.addf %exp3A_509, %add3A_511 : vector<16xf32>
        %div3A_513 = arith.divf %exp3A_509, %add3A_512 : vector<16xf32>
        %mul3A_514 = arith.mulf %div3A_513, %div3A_513 : vector<16xf32>
        %max3A_515 = arith.constant 0.000000e+00 : f32
        %max3A_516 = vector.broadcast %max3A_515 : f32 to vector<16xf32>
        %max3A_517 = arith.maximumf %get3A_504, %max3A_516 : vector<16xf32>
        %mul3A_518 = arith.constant 0.222222224 : f32
        %mul3A_519 = vector.broadcast %mul3A_518 : f32 to vector<16xf32>
        %mul3A_520 = arith.mulf %mul3A_514, %mul3A_519 : vector<16xf32>
        %add3A_521 = arith.constant 0.285714298 : f32
        %add3A_522 = vector.broadcast %add3A_521 : f32 to vector<16xf32>
        %add3A_523 = arith.addf %add3A_522, %mul3A_520 : vector<16xf32>
        %mul3A_524 = arith.mulf %mul3A_514, %add3A_523 : vector<16xf32>
        %add3A_525 = arith.constant 4.000000e-01 : f32
        %add3A_526 = vector.broadcast %add3A_525 : f32 to vector<16xf32>
        %add3A_527 = arith.addf %add3A_526, %mul3A_524 : vector<16xf32>
        %mul3A_528 = arith.mulf %mul3A_514, %add3A_527 : vector<16xf32>
        %add3A_529 = arith.constant 0.666666686 : f32
        %add3A_530 = vector.broadcast %add3A_529 : f32 to vector<16xf32>
        %add3A_531 = arith.addf %add3A_530, %mul3A_528 : vector<16xf32>
        %mul3A_532 = arith.mulf %mul3A_514, %add3A_531 : vector<16xf32>
        %add3A_533 = arith.constant 2.000000e+00 : f32
        %add3A_534 = vector.broadcast %add3A_533 : f32 to vector<16xf32>
        %add3A_535 = arith.addf %add3A_534, %mul3A_532 : vector<16xf32>
        %mul3A_536 = arith.mulf %div3A_513, %add3A_535 : vector<16xf32>
        %add3A_537 = arith.addf %max3A_517, %mul3A_536 : vector<16xf32>
        %sub3A_538 = arith.subf %get3A_498, %add3A_537 : vector<16xf32>
        %swap3A_539 = arith.constant 0 : i32
        %swap3A_540 = arith.constant 1 : i32
        %swap3A_541 = arith.index_cast %swap3A_539 : i32 to index
        %swap3A_542 = arith.index_cast %swap3A_540 : i32 to index
        %swap3A_543 = arith.index_cast %scan3A_303 : i32 to index
        %swap3A_544 = arith.constant 48 : index
        %swap3A_545 = tpu.vector_load %arg11[%swap3A_541, %swap3A_542, %swap3A_543, %swap3A_544] {strides = array<i32>} : memref<2x4x26x64xf32, #tpu.memory_space<vmem>>, vector<1x1x1x16xf32>,
        %swap3A_546 = vector.shape_cast %swap3A_545 : vector<1x1x1x16xf32> to vector<16xf32>
        %swap3A_547 = vector.shape_cast %sub3A_538 : vector<16xf32> to vector<1x1x1x16xf32>
        tpu.vector_store %arg11[%swap3A_541, %swap3A_542, %swap3A_543, %swap3A_544], %swap3A_547 {strides = array<i32>} : memref<2x4x26x64xf32, #tpu.memory_space<vmem>>, vector<1x1x1x16xf32>,
        %add3A_548 = arith.addf %get3A_498, %add3A_537 : vector<16xf32>
        %swap3A_549 = arith.constant 0 : i32
        %swap3A_550 = arith.constant 1 : i32
        %swap3A_551 = arith.index_cast %swap3A_549 : i32 to index
        %swap3A_552 = arith.index_cast %swap3A_550 : i32 to index
        %swap3A_553 = arith.index_cast %scan3A_303 : i32 to index
        %swap3A_554 = arith.constant 48 : index
        %swap3A_555 = tpu.vector_load %arg12[%swap3A_551, %swap3A_552, %swap3A_553, %swap3A_554] {strides = array<i32>} : memref<2x4x26x64xf32, #tpu.memory_space<vmem>>, vector<1x1x1x16xf32>,
        %swap3A_556 = vector.shape_cast %swap3A_555 : vector<1x1x1x16xf32> to vector<16xf32>
        %swap3A_557 = vector.shape_cast %add3A_548 : vector<16xf32> to vector<1x1x1x16xf32>
        tpu.vector_store %arg12[%swap3A_551, %swap3A_552, %swap3A_553, %swap3A_554], %swap3A_557 {strides = array<i32>} : memref<2x4x26x64xf32, #tpu.memory_space<vmem>>, vector<1x1x1x16xf32>,
      }
      %scan3A_152 = arith.constant 26 : i32
      %scan3A_153 = arith.constant 0 : i32
      %scan3A_154 = arith.constant 0 : i32
      %scan3A_155 = arith.constant 26 : i32
      %scan3A_156 = arith.addi %scan3A_154, %scan3A_155 : i32
      %scan3A_157 = arith.constant 1 : i32
      scf.for %scan3A_303 = %scan3A_154 to %scan3A_156 step %scan3A_157  : i32 {
        %add3A_304 = arith.constant 52 : i32
        %add3A_305 = arith.addi %add3A_304, %scan3A_303 : i32
        %get3A = arith.constant 0 : i32
        %get3A_306 = arith.index_cast %get3A : i32 to index
        %get3A_307 = arith.index_cast %add3A_305 : i32 to index
        %get3A_308 = arith.constant 0 : index
        %get3A_309 = tpu.vector_load %arg9[%get3A_306, %get3A_307, %get3A_308] {strides = array<i32>} : memref<2x104x64xf32, #tpu.memory_space<vmem>>, vector<1x1x16xf32>,
        %get3A_310 = vector.shape_cast %get3A_309 : vector<1x1x16xf32> to vector<16xf32>
        %get3A_311 = arith.constant 0 : i32
        %get3A_312 = arith.index_cast %get3A_311 : i32 to index
        %get3A_313 = arith.index_cast %add3A_305 : i32 to index
        %get3A_314 = arith.constant 0 : index
        %get3A_315 = tpu.vector_load %arg10[%get3A_312, %get3A_313, %get3A_314] {strides = array<i32>} : memref<2x104x64xf32, #tpu.memory_space<vmem>>, vector<1x1x16xf32>,
        %get3A_316 = vector.shape_cast %get3A_315 : vector<1x1x16xf32> to vector<16xf32>
        %abs3A = math.absf %get3A_316 : vector<16xf32>
        %neg3A = arith.constant 0.000000e+00 : f32
        %neg3A_317 = vector.broadcast %neg3A : f32 to vector<16xf32>
        %neg3A_318 = arith.subf %neg3A_317, %abs3A : vector<16xf32>
        %exp3A = math.exp %neg3A_318 : vector<16xf32>
        %add3A_319 = arith.constant 2.000000e+00 : f32
        %add3A_320 = vector.broadcast %add3A_319 : f32 to vector<16xf32>
        %add3A_321 = arith.addf %exp3A, %add3A_320 : vector<16xf32>
        %div3A = arith.divf %exp3A, %add3A_321 : vector<16xf32>
        %mul3A_322 = arith.mulf %div3A, %div3A : vector<16xf32>
        %max3A = arith.constant 0.000000e+00 : f32
        %max3A_323 = vector.broadcast %max3A : f32 to vector<16xf32>
        %max3A_324 = arith.maximumf %get3A_316, %max3A_323 : vector<16xf32>
        %mul3A_325 = arith.constant 0.222222224 : f32
        %mul3A_326 = vector.broadcast %mul3A_325 : f32 to vector<16xf32>
        %mul3A_327 = arith.mulf %mul3A_322, %mul3A_326 : vector<16xf32>
        %add3A_328 = arith.constant 0.285714298 : f32
        %add3A_329 = vector.broadcast %add3A_328 : f32 to vector<16xf32>
        %add3A_330 = arith.addf %add3A_329, %mul3A_327 : vector<16xf32>
        %mul3A_331 = arith.mulf %mul3A_322, %add3A_330 : vector<16xf32>
        %add3A_332 = arith.constant 4.000000e-01 : f32
        %add3A_333 = vector.broadcast %add3A_332 : f32 to vector<16xf32>
        %add3A_334 = arith.addf %add3A_333, %mul3A_331 : vector<16xf32>
        %mul3A_335 = arith.mulf %mul3A_322, %add3A_334 : vector<16xf32>
        %add3A_336 = arith.constant 0.666666686 : f32
        %add3A_337 = vector.broadcast %add3A_336 : f32 to vector<16xf32>
        %add3A_338 = arith.addf %add3A_337, %mul3A_335 : vector<16xf32>
        %mul3A_339 = arith.mulf %mul3A_322, %add3A_338 : vector<16xf32>
        %add3A_340 = arith.constant 2.000000e+00 : f32
        %add3A_341 = vector.broadcast %add3A_340 : f32 to vector<16xf32>
        %add3A_342 = arith.addf %add3A_341, %mul3A_339 : vector<16xf32>
        %mul3A_343 = arith.mulf %div3A, %add3A_342 : vector<16xf32>
        %add3A_344 = arith.addf %max3A_324, %mul3A_343 : vector<16xf32>
        %sub3A = arith.subf %get3A_310, %add3A_344 : vector<16xf32>
        %swap3A = arith.constant 0 : i32
        %swap3A_345 = arith.constant 2 : i32
        %swap3A_346 = arith.index_cast %swap3A : i32 to index
        %swap3A_347 = arith.index_cast %swap3A_345 : i32 to index
        %swap3A_348 = arith.index_cast %scan3A_303 : i32 to index
        %swap3A_349 = arith.constant 0 : index
        %swap3A_350 = tpu.vector_load %arg11[%swap3A_346, %swap3A_347, %swap3A_348, %swap3A_349] {strides = array<i32>} : memref<2x4x26x64xf32, #tpu.memory_space<vmem>>, vector<1x1x1x16xf32>,
        %swap3A_351 = vector.shape_cast %swap3A_350 : vector<1x1x1x16xf32> to vector<16xf32>
        %swap3A_352 = vector.shape_cast %sub3A : vector<16xf32> to vector<1x1x1x16xf32>
        tpu.vector_store %arg11[%swap3A_346, %swap3A_347, %swap3A_348, %swap3A_349], %swap3A_352 {strides = array<i32>} : memref<2x4x26x64xf32, #tpu.memory_space<vmem>>, vector<1x1x1x16xf32>,
        %add3A_353 = arith.addf %get3A_310, %add3A_344 : vector<16xf32>
        %swap3A_354 = arith.constant 0 : i32
        %swap3A_355 = arith.constant 2 : i32
        %swap3A_356 = arith.index_cast %swap3A_354 : i32 to index
        %swap3A_357 = arith.index_cast %swap3A_355 : i32 to index
        %swap3A_358 = arith.index_cast %scan3A_303 : i32 to index
        %swap3A_359 = arith.constant 0 : index
        %swap3A_360 = tpu.vector_load %arg12[%swap3A_356, %swap3A_357, %swap3A_358, %swap3A_359] {strides = array<i32>} : memref<2x4x26x64xf32, #tpu.memory_space<vmem>>, vector<1x1x1x16xf32>,
        %swap3A_361 = vector.shape_cast %swap3A_360 : vector<1x1x1x16xf32> to vector<16xf32>
        %swap3A_362 = vector.shape_cast %add3A_353 : vector<16xf32> to vector<1x1x1x16xf32>
        tpu.vector_store %arg12[%swap3A_356, %swap3A_357, %swap3A_358, %swap3A_359], %swap3A_362 {strides = array<i32>} : memref<2x4x26x64xf32, #tpu.memory_space<vmem>>, vector<1x1x1x16xf32>,
        %get3A_363 = arith.constant 0 : i32
        %get3A_364 = arith.index_cast %get3A_363 : i32 to index
        %get3A_365 = arith.index_cast %add3A_305 : i32 to index
        %get3A_366 = arith.constant 16 : index
        %get3A_367 = tpu.vector_load %arg9[%get3A_364, %get3A_365, %get3A_366] {strides = array<i32>} : memref<2x104x64xf32, #tpu.memory_space<vmem>>, vector<1x1x16xf32>,
        %get3A_368 = vector.shape_cast %get3A_367 : vector<1x1x16xf32> to vector<16xf32>
        %get3A_369 = arith.constant 0 : i32
        %get3A_370 = arith.index_cast %get3A_369 : i32 to index
        %get3A_371 = arith.index_cast %add3A_305 : i32 to index
        %get3A_372 = arith.constant 16 : index
        %get3A_373 = tpu.vector_load %arg10[%get3A_370, %get3A_371, %get3A_372] {strides = array<i32>} : memref<2x104x64xf32, #tpu.memory_space<vmem>>, vector<1x1x16xf32>,
        %get3A_374 = vector.shape_cast %get3A_373 : vector<1x1x16xf32> to vector<16xf32>
        %abs3A_375 = math.absf %get3A_374 : vector<16xf32>
        %neg3A_376 = arith.constant 0.000000e+00 : f32
        %neg3A_377 = vector.broadcast %neg3A_376 : f32 to vector<16xf32>
        %neg3A_378 = arith.subf %neg3A_377, %abs3A_375 : vector<16xf32>
        %exp3A_379 = math.exp %neg3A_378 : vector<16xf32>
        %add3A_380 = arith.constant 2.000000e+00 : f32
        %add3A_381 = vector.broadcast %add3A_380 : f32 to vector<16xf32>
        %add3A_382 = arith.addf %exp3A_379, %add3A_381 : vector<16xf32>
        %div3A_383 = arith.divf %exp3A_379, %add3A_382 : vector<16xf32>
        %mul3A_384 = arith.mulf %div3A_383, %div3A_383 : vector<16xf32>
        %max3A_385 = arith.constant 0.000000e+00 : f32
        %max3A_386 = vector.broadcast %max3A_385 : f32 to vector<16xf32>
        %max3A_387 = arith.maximumf %get3A_374, %max3A_386 : vector<16xf32>
        %mul3A_388 = arith.constant 0.222222224 : f32
        %mul3A_389 = vector.broadcast %mul3A_388 : f32 to vector<16xf32>
        %mul3A_390 = arith.mulf %mul3A_384, %mul3A_389 : vector<16xf32>
        %add3A_391 = arith.constant 0.285714298 : f32
        %add3A_392 = vector.broadcast %add3A_391 : f32 to vector<16xf32>
        %add3A_393 = arith.addf %add3A_392, %mul3A_390 : vector<16xf32>
        %mul3A_394 = arith.mulf %mul3A_384, %add3A_393 : vector<16xf32>
        %add3A_395 = arith.constant 4.000000e-01 : f32
        %add3A_396 = vector.broadcast %add3A_395 : f32 to vector<16xf32>
        %add3A_397 = arith.addf %add3A_396, %mul3A_394 : vector<16xf32>
        %mul3A_398 = arith.mulf %mul3A_384, %add3A_397 : vector<16xf32>
        %add3A_399 = arith.constant 0.666666686 : f32
        %add3A_400 = vector.broadcast %add3A_399 : f32 to vector<16xf32>
        %add3A_401 = arith.addf %add3A_400, %mul3A_398 : vector<16xf32>
        %mul3A_402 = arith.mulf %mul3A_384, %add3A_401 : vector<16xf32>
        %add3A_403 = arith.constant 2.000000e+00 : f32
        %add3A_404 = vector.broadcast %add3A_403 : f32 to vector<16xf32>
        %add3A_405 = arith.addf %add3A_404, %mul3A_402 : vector<16xf32>
        %mul3A_406 = arith.mulf %div3A_383, %add3A_405 : vector<16xf32>
        %add3A_407 = arith.addf %max3A_387, %mul3A_406 : vector<16xf32>
        %sub3A_408 = arith.subf %get3A_368, %add3A_407 : vector<16xf32>
        %swap3A_409 = arith.constant 0 : i32
        %swap3A_410 = arith.constant 2 : i32
        %swap3A_411 = arith.index_cast %swap3A_409 : i32 to index
        %swap3A_412 = arith.index_cast %swap3A_410 : i32 to index
        %swap3A_413 = arith.index_cast %scan3A_303 : i32 to index
        %swap3A_414 = arith.constant 16 : index
        %swap3A_415 = tpu.vector_load %arg11[%swap3A_411, %swap3A_412, %swap3A_413, %swap3A_414] {strides = array<i32>} : memref<2x4x26x64xf32, #tpu.memory_space<vmem>>, vector<1x1x1x16xf32>,
        %swap3A_416 = vector.shape_cast %swap3A_415 : vector<1x1x1x16xf32> to vector<16xf32>
        %swap3A_417 = vector.shape_cast %sub3A_408 : vector<16xf32> to vector<1x1x1x16xf32>
        tpu.vector_store %arg11[%swap3A_411, %swap3A_412, %swap3A_413, %swap3A_414], %swap3A_417 {strides = array<i32>} : memref<2x4x26x64xf32, #tpu.memory_space<vmem>>, vector<1x1x1x16xf32>,
        %add3A_418 = arith.addf %get3A_368, %add3A_407 : vector<16xf32>
        %swap3A_419 = arith.constant 0 : i32
        %swap3A_420 = arith.constant 2 : i32
        %swap3A_421 = arith.index_cast %swap3A_419 : i32 to index
        %swap3A_422 = arith.index_cast %swap3A_420 : i32 to index
        %swap3A_423 = arith.index_cast %scan3A_303 : i32 to index
        %swap3A_424 = arith.constant 16 : index
        %swap3A_425 = tpu.vector_load %arg12[%swap3A_421, %swap3A_422, %swap3A_423, %swap3A_424] {strides = array<i32>} : memref<2x4x26x64xf32, #tpu.memory_space<vmem>>, vector<1x1x1x16xf32>,
        %swap3A_426 = vector.shape_cast %swap3A_425 : vector<1x1x1x16xf32> to vector<16xf32>
        %swap3A_427 = vector.shape_cast %add3A_418 : vector<16xf32> to vector<1x1x1x16xf32>
        tpu.vector_store %arg12[%swap3A_421, %swap3A_422, %swap3A_423, %swap3A_424], %swap3A_427 {strides = array<i32>} : memref<2x4x26x64xf32, #tpu.memory_space<vmem>>, vector<1x1x1x16xf32>,
        %get3A_428 = arith.constant 0 : i32
        %get3A_429 = arith.index_cast %get3A_428 : i32 to index
        %get3A_430 = arith.index_cast %add3A_305 : i32 to index
        %get3A_431 = arith.constant 32 : index
        %get3A_432 = tpu.vector_load %arg9[%get3A_429, %get3A_430, %get3A_431] {strides = array<i32>} : memref<2x104x64xf32, #tpu.memory_space<vmem>>, vector<1x1x16xf32>,
        %get3A_433 = vector.shape_cast %get3A_432 : vector<1x1x16xf32> to vector<16xf32>
        %get3A_434 = arith.constant 0 : i32
        %get3A_435 = arith.index_cast %get3A_434 : i32 to index
        %get3A_436 = arith.index_cast %add3A_305 : i32 to index
        %get3A_437 = arith.constant 32 : index
        %get3A_438 = tpu.vector_load %arg10[%get3A_435, %get3A_436, %get3A_437] {strides = array<i32>} : memref<2x104x64xf32, #tpu.memory_space<vmem>>, vector<1x1x16xf32>,
        %get3A_439 = vector.shape_cast %get3A_438 : vector<1x1x16xf32> to vector<16xf32>
        %abs3A_440 = math.absf %get3A_439 : vector<16xf32>
        %neg3A_441 = arith.constant 0.000000e+00 : f32
        %neg3A_442 = vector.broadcast %neg3A_441 : f32 to vector<16xf32>
        %neg3A_443 = arith.subf %neg3A_442, %abs3A_440 : vector<16xf32>
        %exp3A_444 = math.exp %neg3A_443 : vector<16xf32>
        %add3A_445 = arith.constant 2.000000e+00 : f32
        %add3A_446 = vector.broadcast %add3A_445 : f32 to vector<16xf32>
        %add3A_447 = arith.addf %exp3A_444, %add3A_446 : vector<16xf32>
        %div3A_448 = arith.divf %exp3A_444, %add3A_447 : vector<16xf32>
        %mul3A_449 = arith.mulf %div3A_448, %div3A_448 : vector<16xf32>
        %max3A_450 = arith.constant 0.000000e+00 : f32
        %max3A_451 = vector.broadcast %max3A_450 : f32 to vector<16xf32>
        %max3A_452 = arith.maximumf %get3A_439, %max3A_451 : vector<16xf32>
        %mul3A_453 = arith.constant 0.222222224 : f32
        %mul3A_454 = vector.broadcast %mul3A_453 : f32 to vector<16xf32>
        %mul3A_455 = arith.mulf %mul3A_449, %mul3A_454 : vector<16xf32>
        %add3A_456 = arith.constant 0.285714298 : f32
        %add3A_457 = vector.broadcast %add3A_456 : f32 to vector<16xf32>
        %add3A_458 = arith.addf %add3A_457, %mul3A_455 : vector<16xf32>
        %mul3A_459 = arith.mulf %mul3A_449, %add3A_458 : vector<16xf32>
        %add3A_460 = arith.constant 4.000000e-01 : f32
        %add3A_461 = vector.broadcast %add3A_460 : f32 to vector<16xf32>
        %add3A_462 = arith.addf %add3A_461, %mul3A_459 : vector<16xf32>
        %mul3A_463 = arith.mulf %mul3A_449, %add3A_462 : vector<16xf32>
        %add3A_464 = arith.constant 0.666666686 : f32
        %add3A_465 = vector.broadcast %add3A_464 : f32 to vector<16xf32>
        %add3A_466 = arith.addf %add3A_465, %mul3A_463 : vector<16xf32>
        %mul3A_467 = arith.mulf %mul3A_449, %add3A_466 : vector<16xf32>
        %add3A_468 = arith.constant 2.000000e+00 : f32
        %add3A_469 = vector.broadcast %add3A_468 : f32 to vector<16xf32>
        %add3A_470 = arith.addf %add3A_469, %mul3A_467 : vector<16xf32>
        %mul3A_471 = arith.mulf %div3A_448, %add3A_470 : vector<16xf32>
        %add3A_472 = arith.addf %max3A_452, %mul3A_471 : vector<16xf32>
        %sub3A_473 = arith.subf %get3A_433, %add3A_472 : vector<16xf32>
        %swap3A_474 = arith.constant 0 : i32
        %swap3A_475 = arith.constant 2 : i32
        %swap3A_476 = arith.index_cast %swap3A_474 : i32 to index
        %swap3A_477 = arith.index_cast %swap3A_475 : i32 to index
        %swap3A_478 = arith.index_cast %scan3A_303 : i32 to index
        %swap3A_479 = arith.constant 32 : index
        %swap3A_480 = tpu.vector_load %arg11[%swap3A_476, %swap3A_477, %swap3A_478, %swap3A_479] {strides = array<i32>} : memref<2x4x26x64xf32, #tpu.memory_space<vmem>>, vector<1x1x1x16xf32>,
        %swap3A_481 = vector.shape_cast %swap3A_480 : vector<1x1x1x16xf32> to vector<16xf32>
        %swap3A_482 = vector.shape_cast %sub3A_473 : vector<16xf32> to vector<1x1x1x16xf32>
        tpu.vector_store %arg11[%swap3A_476, %swap3A_477, %swap3A_478, %swap3A_479], %swap3A_482 {strides = array<i32>} : memref<2x4x26x64xf32, #tpu.memory_space<vmem>>, vector<1x1x1x16xf32>,
        %add3A_483 = arith.addf %get3A_433, %add3A_472 : vector<16xf32>
        %swap3A_484 = arith.constant 0 : i32
        %swap3A_485 = arith.constant 2 : i32
        %swap3A_486 = arith.index_cast %swap3A_484 : i32 to index
        %swap3A_487 = arith.index_cast %swap3A_485 : i32 to index
        %swap3A_488 = arith.index_cast %scan3A_303 : i32 to index
        %swap3A_489 = arith.constant 32 : index
        %swap3A_490 = tpu.vector_load %arg12[%swap3A_486, %swap3A_487, %swap3A_488, %swap3A_489] {strides = array<i32>} : memref<2x4x26x64xf32, #tpu.memory_space<vmem>>, vector<1x1x1x16xf32>,
        %swap3A_491 = vector.shape_cast %swap3A_490 : vector<1x1x1x16xf32> to vector<16xf32>
        %swap3A_492 = vector.shape_cast %add3A_483 : vector<16xf32> to vector<1x1x1x16xf32>
        tpu.vector_store %arg12[%swap3A_486, %swap3A_487, %swap3A_488, %swap3A_489], %swap3A_492 {strides = array<i32>} : memref<2x4x26x64xf32, #tpu.memory_space<vmem>>, vector<1x1x1x16xf32>,
        %get3A_493 = arith.constant 0 : i32
        %get3A_494 = arith.index_cast %get3A_493 : i32 to index
        %get3A_495 = arith.index_cast %add3A_305 : i32 to index
        %get3A_496 = arith.constant 48 : index
        %get3A_497 = tpu.vector_load %arg9[%get3A_494, %get3A_495, %get3A_496] {strides = array<i32>} : memref<2x104x64xf32, #tpu.memory_space<vmem>>, vector<1x1x16xf32>,
        %get3A_498 = vector.shape_cast %get3A_497 : vector<1x1x16xf32> to vector<16xf32>
        %get3A_499 = arith.constant 0 : i32
        %get3A_500 = arith.index_cast %get3A_499 : i32 to index
        %get3A_501 = arith.index_cast %add3A_305 : i32 to index
        %get3A_502 = arith.constant 48 : index
        %get3A_503 = tpu.vector_load %arg10[%get3A_500, %get3A_501, %get3A_502] {strides = array<i32>} : memref<2x104x64xf32, #tpu.memory_space<vmem>>, vector<1x1x16xf32>,
        %get3A_504 = vector.shape_cast %get3A_503 : vector<1x1x16xf32> to vector<16xf32>
        %abs3A_505 = math.absf %get3A_504 : vector<16xf32>
        %neg3A_506 = arith.constant 0.000000e+00 : f32
        %neg3A_507 = vector.broadcast %neg3A_506 : f32 to vector<16xf32>
        %neg3A_508 = arith.subf %neg3A_507, %abs3A_505 : vector<16xf32>
        %exp3A_509 = math.exp %neg3A_508 : vector<16xf32>
        %add3A_510 = arith.constant 2.000000e+00 : f32
        %add3A_511 = vector.broadcast %add3A_510 : f32 to vector<16xf32>
        %add3A_512 = arith.addf %exp3A_509, %add3A_511 : vector<16xf32>
        %div3A_513 = arith.divf %exp3A_509, %add3A_512 : vector<16xf32>
        %mul3A_514 = arith.mulf %div3A_513, %div3A_513 : vector<16xf32>
        %max3A_515 = arith.constant 0.000000e+00 : f32
        %max3A_516 = vector.broadcast %max3A_515 : f32 to vector<16xf32>
        %max3A_517 = arith.maximumf %get3A_504, %max3A_516 : vector<16xf32>
        %mul3A_518 = arith.constant 0.222222224 : f32
        %mul3A_519 = vector.broadcast %mul3A_518 : f32 to vector<16xf32>
        %mul3A_520 = arith.mulf %mul3A_514, %mul3A_519 : vector<16xf32>
        %add3A_521 = arith.constant 0.285714298 : f32
        %add3A_522 = vector.broadcast %add3A_521 : f32 to vector<16xf32>
        %add3A_523 = arith.addf %add3A_522, %mul3A_520 : vector<16xf32>
        %mul3A_524 = arith.mulf %mul3A_514, %add3A_523 : vector<16xf32>
        %add3A_525 = arith.constant 4.000000e-01 : f32
        %add3A_526 = vector.broadcast %add3A_525 : f32 to vector<16xf32>
        %add3A_527 = arith.addf %add3A_526, %mul3A_524 : vector<16xf32>
        %mul3A_528 = arith.mulf %mul3A_514, %add3A_527 : vector<16xf32>
        %add3A_529 = arith.constant 0.666666686 : f32
        %add3A_530 = vector.broadcast %add3A_529 : f32 to vector<16xf32>
        %add3A_531 = arith.addf %add3A_530, %mul3A_528 : vector<16xf32>
        %mul3A_532 = arith.mulf %mul3A_514, %add3A_531 : vector<16xf32>
        %add3A_533 = arith.constant 2.000000e+00 : f32
        %add3A_534 = vector.broadcast %add3A_533 : f32 to vector<16xf32>
        %add3A_535 = arith.addf %add3A_534, %mul3A_532 : vector<16xf32>
        %mul3A_536 = arith.mulf %div3A_513, %add3A_535 : vector<16xf32>
        %add3A_537 = arith.addf %max3A_517, %mul3A_536 : vector<16xf32>
        %sub3A_538 = arith.subf %get3A_498, %add3A_537 : vector<16xf32>
        %swap3A_539 = arith.constant 0 : i32
        %swap3A_540 = arith.constant 2 : i32
        %swap3A_541 = arith.index_cast %swap3A_539 : i32 to index
        %swap3A_542 = arith.index_cast %swap3A_540 : i32 to index
        %swap3A_543 = arith.index_cast %scan3A_303 : i32 to index
        %swap3A_544 = arith.constant 48 : index
        %swap3A_545 = tpu.vector_load %arg11[%swap3A_541, %swap3A_542, %swap3A_543, %swap3A_544] {strides = array<i32>} : memref<2x4x26x64xf32, #tpu.memory_space<vmem>>, vector<1x1x1x16xf32>,
        %swap3A_546 = vector.shape_cast %swap3A_545 : vector<1x1x1x16xf32> to vector<16xf32>
        %swap3A_547 = vector.shape_cast %sub3A_538 : vector<16xf32> to vector<1x1x1x16xf32>
        tpu.vector_store %arg11[%swap3A_541, %swap3A_542, %swap3A_543, %swap3A_544], %swap3A_547 {strides = array<i32>} : memref<2x4x26x64xf32, #tpu.memory_space<vmem>>, vector<1x1x1x16xf32>,
        %add3A_548 = arith.addf %get3A_498, %add3A_537 : vector<16xf32>
        %swap3A_549 = arith.constant 0 : i32
        %swap3A_550 = arith.constant 2 : i32
        %swap3A_551 = arith.index_cast %swap3A_549 : i32 to index
        %swap3A_552 = arith.index_cast %swap3A_550 : i32 to index
        %swap3A_553 = arith.index_cast %scan3A_303 : i32 to index
        %swap3A_554 = arith.constant 48 : index
        %swap3A_555 = tpu.vector_load %arg12[%swap3A_551, %swap3A_552, %swap3A_553, %swap3A_554] {strides = array<i32>} : memref<2x4x26x64xf32, #tpu.memory_space<vmem>>, vector<1x1x1x16xf32>,
        %swap3A_556 = vector.shape_cast %swap3A_555 : vector<1x1x1x16xf32> to vector<16xf32>
        %swap3A_557 = vector.shape_cast %add3A_548 : vector<16xf32> to vector<1x1x1x16xf32>
        tpu.vector_store %arg12[%swap3A_551, %swap3A_552, %swap3A_553, %swap3A_554], %swap3A_557 {strides = array<i32>} : memref<2x4x26x64xf32, #tpu.memory_space<vmem>>, vector<1x1x1x16xf32>,
      }
      %scan3A_158 = arith.constant 26 : i32
      %scan3A_159 = arith.constant 0 : i32
      %scan3A_160 = arith.constant 0 : i32
      %scan3A_161 = arith.constant 26 : i32
      %scan3A_162 = arith.addi %scan3A_160, %scan3A_161 : i32
      %scan3A_163 = arith.constant 1 : i32
      scf.for %scan3A_303 = %scan3A_160 to %scan3A_162 step %scan3A_163  : i32 {
        %add3A_304 = arith.constant 78 : i32
        %add3A_305 = arith.addi %add3A_304, %scan3A_303 : i32
        %get3A = arith.constant 0 : i32
        %get3A_306 = arith.index_cast %get3A : i32 to index
        %get3A_307 = arith.index_cast %add3A_305 : i32 to index
        %get3A_308 = arith.constant 0 : index
        %get3A_309 = tpu.vector_load %arg9[%get3A_306, %get3A_307, %get3A_308] {strides = array<i32>} : memref<2x104x64xf32, #tpu.memory_space<vmem>>, vector<1x1x16xf32>,
        %get3A_310 = vector.shape_cast %get3A_309 : vector<1x1x16xf32> to vector<16xf32>
        %get3A_311 = arith.constant 0 : i32
        %get3A_312 = arith.index_cast %get3A_311 : i32 to index
        %get3A_313 = arith.index_cast %add3A_305 : i32 to index
        %get3A_314 = arith.constant 0 : index
        %get3A_315 = tpu.vector_load %arg10[%get3A_312, %get3A_313, %get3A_314] {strides = array<i32>} : memref<2x104x64xf32, #tpu.memory_space<vmem>>, vector<1x1x16xf32>,
        %get3A_316 = vector.shape_cast %get3A_315 : vector<1x1x16xf32> to vector<16xf32>
        %abs3A = math.absf %get3A_316 : vector<16xf32>
        %neg3A = arith.constant 0.000000e+00 : f32
        %neg3A_317 = vector.broadcast %neg3A : f32 to vector<16xf32>
        %neg3A_318 = arith.subf %neg3A_317, %abs3A : vector<16xf32>
        %exp3A = math.exp %neg3A_318 : vector<16xf32>
        %add3A_319 = arith.constant 2.000000e+00 : f32
        %add3A_320 = vector.broadcast %add3A_319 : f32 to vector<16xf32>
        %add3A_321 = arith.addf %exp3A, %add3A_320 : vector<16xf32>
        %div3A = arith.divf %exp3A, %add3A_321 : vector<16xf32>
        %mul3A_322 = arith.mulf %div3A, %div3A : vector<16xf32>
        %max3A = arith.constant 0.000000e+00 : f32
        %max3A_323 = vector.broadcast %max3A : f32 to vector<16xf32>
        %max3A_324 = arith.maximumf %get3A_316, %max3A_323 : vector<16xf32>
        %mul3A_325 = arith.constant 0.222222224 : f32
        %mul3A_326 = vector.broadcast %mul3A_325 : f32 to vector<16xf32>
        %mul3A_327 = arith.mulf %mul3A_322, %mul3A_326 : vector<16xf32>
        %add3A_328 = arith.constant 0.285714298 : f32
        %add3A_329 = vector.broadcast %add3A_328 : f32 to vector<16xf32>
        %add3A_330 = arith.addf %add3A_329, %mul3A_327 : vector<16xf32>
        %mul3A_331 = arith.mulf %mul3A_322, %add3A_330 : vector<16xf32>
        %add3A_332 = arith.constant 4.000000e-01 : f32
        %add3A_333 = vector.broadcast %add3A_332 : f32 to vector<16xf32>
        %add3A_334 = arith.addf %add3A_333, %mul3A_331 : vector<16xf32>
        %mul3A_335 = arith.mulf %mul3A_322, %add3A_334 : vector<16xf32>
        %add3A_336 = arith.constant 0.666666686 : f32
        %add3A_337 = vector.broadcast %add3A_336 : f32 to vector<16xf32>
        %add3A_338 = arith.addf %add3A_337, %mul3A_335 : vector<16xf32>
        %mul3A_339 = arith.mulf %mul3A_322, %add3A_338 : vector<16xf32>
        %add3A_340 = arith.constant 2.000000e+00 : f32
        %add3A_341 = vector.broadcast %add3A_340 : f32 to vector<16xf32>
        %add3A_342 = arith.addf %add3A_341, %mul3A_339 : vector<16xf32>
        %mul3A_343 = arith.mulf %div3A, %add3A_342 : vector<16xf32>
        %add3A_344 = arith.addf %max3A_324, %mul3A_343 : vector<16xf32>
        %sub3A = arith.subf %get3A_310, %add3A_344 : vector<16xf32>
        %swap3A = arith.constant 0 : i32
        %swap3A_345 = arith.constant 3 : i32
        %swap3A_346 = arith.index_cast %swap3A : i32 to index
        %swap3A_347 = arith.index_cast %swap3A_345 : i32 to index
        %swap3A_348 = arith.index_cast %scan3A_303 : i32 to index
        %swap3A_349 = arith.constant 0 : index
        %swap3A_350 = tpu.vector_load %arg11[%swap3A_346, %swap3A_347, %swap3A_348, %swap3A_349] {strides = array<i32>} : memref<2x4x26x64xf32, #tpu.memory_space<vmem>>, vector<1x1x1x16xf32>,
        %swap3A_351 = vector.shape_cast %swap3A_350 : vector<1x1x1x16xf32> to vector<16xf32>
        %swap3A_352 = vector.shape_cast %sub3A : vector<16xf32> to vector<1x1x1x16xf32>
        tpu.vector_store %arg11[%swap3A_346, %swap3A_347, %swap3A_348, %swap3A_349], %swap3A_352 {strides = array<i32>} : memref<2x4x26x64xf32, #tpu.memory_space<vmem>>, vector<1x1x1x16xf32>,
        %add3A_353 = arith.addf %get3A_310, %add3A_344 : vector<16xf32>
        %swap3A_354 = arith.constant 0 : i32
        %swap3A_355 = arith.constant 3 : i32
        %swap3A_356 = arith.index_cast %swap3A_354 : i32 to index
        %swap3A_357 = arith.index_cast %swap3A_355 : i32 to index
        %swap3A_358 = arith.index_cast %scan3A_303 : i32 to index
        %swap3A_359 = arith.constant 0 : index
        %swap3A_360 = tpu.vector_load %arg12[%swap3A_356, %swap3A_357, %swap3A_358, %swap3A_359] {strides = array<i32>} : memref<2x4x26x64xf32, #tpu.memory_space<vmem>>, vector<1x1x1x16xf32>,
        %swap3A_361 = vector.shape_cast %swap3A_360 : vector<1x1x1x16xf32> to vector<16xf32>
        %swap3A_362 = vector.shape_cast %add3A_353 : vector<16xf32> to vector<1x1x1x16xf32>
        tpu.vector_store %arg12[%swap3A_356, %swap3A_357, %swap3A_358, %swap3A_359], %swap3A_362 {strides = array<i32>} : memref<2x4x26x64xf32, #tpu.memory_space<vmem>>, vector<1x1x1x16xf32>,
        %get3A_363 = arith.constant 0 : i32
        %get3A_364 = arith.index_cast %get3A_363 : i32 to index
        %get3A_365 = arith.index_cast %add3A_305 : i32 to index
        %get3A_366 = arith.constant 16 : index
        %get3A_367 = tpu.vector_load %arg9[%get3A_364, %get3A_365, %get3A_366] {strides = array<i32>} : memref<2x104x64xf32, #tpu.memory_space<vmem>>, vector<1x1x16xf32>,
        %get3A_368 = vector.shape_cast %get3A_367 : vector<1x1x16xf32> to vector<16xf32>
        %get3A_369 = arith.constant 0 : i32
        %get3A_370 = arith.index_cast %get3A_369 : i32 to index
        %get3A_371 = arith.index_cast %add3A_305 : i32 to index
        %get3A_372 = arith.constant 16 : index
        %get3A_373 = tpu.vector_load %arg10[%get3A_370, %get3A_371, %get3A_372] {strides = array<i32>} : memref<2x104x64xf32, #tpu.memory_space<vmem>>, vector<1x1x16xf32>,
        %get3A_374 = vector.shape_cast %get3A_373 : vector<1x1x16xf32> to vector<16xf32>
        %abs3A_375 = math.absf %get3A_374 : vector<16xf32>
        %neg3A_376 = arith.constant 0.000000e+00 : f32
        %neg3A_377 = vector.broadcast %neg3A_376 : f32 to vector<16xf32>
        %neg3A_378 = arith.subf %neg3A_377, %abs3A_375 : vector<16xf32>
        %exp3A_379 = math.exp %neg3A_378 : vector<16xf32>
        %add3A_380 = arith.constant 2.000000e+00 : f32
        %add3A_381 = vector.broadcast %add3A_380 : f32 to vector<16xf32>
        %add3A_382 = arith.addf %exp3A_379, %add3A_381 : vector<16xf32>
        %div3A_383 = arith.divf %exp3A_379, %add3A_382 : vector<16xf32>
        %mul3A_384 = arith.mulf %div3A_383, %div3A_383 : vector<16xf32>
        %max3A_385 = arith.constant 0.000000e+00 : f32
        %max3A_386 = vector.broadcast %max3A_385 : f32 to vector<16xf32>
        %max3A_387 = arith.maximumf %get3A_374, %max3A_386 : vector<16xf32>
        %mul3A_388 = arith.constant 0.222222224 : f32
        %mul3A_389 = vector.broadcast %mul3A_388 : f32 to vector<16xf32>
        %mul3A_390 = arith.mulf %mul3A_384, %mul3A_389 : vector<16xf32>
        %add3A_391 = arith.constant 0.285714298 : f32
        %add3A_392 = vector.broadcast %add3A_391 : f32 to vector<16xf32>
        %add3A_393 = arith.addf %add3A_392, %mul3A_390 : vector<16xf32>
        %mul3A_394 = arith.mulf %mul3A_384, %add3A_393 : vector<16xf32>
        %add3A_395 = arith.constant 4.000000e-01 : f32
        %add3A_396 = vector.broadcast %add3A_395 : f32 to vector<16xf32>
        %add3A_397 = arith.addf %add3A_396, %mul3A_394 : vector<16xf32>
        %mul3A_398 = arith.mulf %mul3A_384, %add3A_397 : vector<16xf32>
        %add3A_399 = arith.constant 0.666666686 : f32
        %add3A_400 = vector.broadcast %add3A_399 : f32 to vector<16xf32>
        %add3A_401 = arith.addf %add3A_400, %mul3A_398 : vector<16xf32>
        %mul3A_402 = arith.mulf %mul3A_384, %add3A_401 : vector<16xf32>
        %add3A_403 = arith.constant 2.000000e+00 : f32
        %add3A_404 = vector.broadcast %add3A_403 : f32 to vector<16xf32>
        %add3A_405 = arith.addf %add3A_404, %mul3A_402 : vector<16xf32>
        %mul3A_406 = arith.mulf %div3A_383, %add3A_405 : vector<16xf32>
        %add3A_407 = arith.addf %max3A_387, %mul3A_406 : vector<16xf32>
        %sub3A_408 = arith.subf %get3A_368, %add3A_407 : vector<16xf32>
        %swap3A_409 = arith.constant 0 : i32
        %swap3A_410 = arith.constant 3 : i32
        %swap3A_411 = arith.index_cast %swap3A_409 : i32 to index
        %swap3A_412 = arith.index_cast %swap3A_410 : i32 to index
        %swap3A_413 = arith.index_cast %scan3A_303 : i32 to index
        %swap3A_414 = arith.constant 16 : index
        %swap3A_415 = tpu.vector_load %arg11[%swap3A_411, %swap3A_412, %swap3A_413, %swap3A_414] {strides = array<i32>} : memref<2x4x26x64xf32, #tpu.memory_space<vmem>>, vector<1x1x1x16xf32>,
        %swap3A_416 = vector.shape_cast %swap3A_415 : vector<1x1x1x16xf32> to vector<16xf32>
        %swap3A_417 = vector.shape_cast %sub3A_408 : vector<16xf32> to vector<1x1x1x16xf32>
        tpu.vector_store %arg11[%swap3A_411, %swap3A_412, %swap3A_413, %swap3A_414], %swap3A_417 {strides = array<i32>} : memref<2x4x26x64xf32, #tpu.memory_space<vmem>>, vector<1x1x1x16xf32>,
        %add3A_418 = arith.addf %get3A_368, %add3A_407 : vector<16xf32>
        %swap3A_419 = arith.constant 0 : i32
        %swap3A_420 = arith.constant 3 : i32
        %swap3A_421 = arith.index_cast %swap3A_419 : i32 to index
        %swap3A_422 = arith.index_cast %swap3A_420 : i32 to index
        %swap3A_423 = arith.index_cast %scan3A_303 : i32 to index
        %swap3A_424 = arith.constant 16 : index
        %swap3A_425 = tpu.vector_load %arg12[%swap3A_421, %swap3A_422, %swap3A_423, %swap3A_424] {strides = array<i32>} : memref<2x4x26x64xf32, #tpu.memory_space<vmem>>, vector<1x1x1x16xf32>,
        %swap3A_426 = vector.shape_cast %swap3A_425 : vector<1x1x1x16xf32> to vector<16xf32>
        %swap3A_427 = vector.shape_cast %add3A_418 : vector<16xf32> to vector<1x1x1x16xf32>
        tpu.vector_store %arg12[%swap3A_421, %swap3A_422, %swap3A_423, %swap3A_424], %swap3A_427 {strides = array<i32>} : memref<2x4x26x64xf32, #tpu.memory_space<vmem>>, vector<1x1x1x16xf32>,
        %get3A_428 = arith.constant 0 : i32
        %get3A_429 = arith.index_cast %get3A_428 : i32 to index
        %get3A_430 = arith.index_cast %add3A_305 : i32 to index
        %get3A_431 = arith.constant 32 : index
        %get3A_432 = tpu.vector_load %arg9[%get3A_429, %get3A_430, %get3A_431] {strides = array<i32>} : memref<2x104x64xf32, #tpu.memory_space<vmem>>, vector<1x1x16xf32>,
        %get3A_433 = vector.shape_cast %get3A_432 : vector<1x1x16xf32> to vector<16xf32>
        %get3A_434 = arith.constant 0 : i32
        %get3A_435 = arith.index_cast %get3A_434 : i32 to index
        %get3A_436 = arith.index_cast %add3A_305 : i32 to index
        %get3A_437 = arith.constant 32 : index
        %get3A_438 = tpu.vector_load %arg10[%get3A_435, %get3A_436, %get3A_437] {strides = array<i32>} : memref<2x104x64xf32, #tpu.memory_space<vmem>>, vector<1x1x16xf32>,
        %get3A_439 = vector.shape_cast %get3A_438 : vector<1x1x16xf32> to vector<16xf32>
        %abs3A_440 = math.absf %get3A_439 : vector<16xf32>
        %neg3A_441 = arith.constant 0.000000e+00 : f32
        %neg3A_442 = vector.broadcast %neg3A_441 : f32 to vector<16xf32>
        %neg3A_443 = arith.subf %neg3A_442, %abs3A_440 : vector<16xf32>
        %exp3A_444 = math.exp %neg3A_443 : vector<16xf32>
        %add3A_445 = arith.constant 2.000000e+00 : f32
        %add3A_446 = vector.broadcast %add3A_445 : f32 to vector<16xf32>
        %add3A_447 = arith.addf %exp3A_444, %add3A_446 : vector<16xf32>
        %div3A_448 = arith.divf %exp3A_444, %add3A_447 : vector<16xf32>
        %mul3A_449 = arith.mulf %div3A_448, %div3A_448 : vector<16xf32>
        %max3A_450 = arith.constant 0.000000e+00 : f32
        %max3A_451 = vector.broadcast %max3A_450 : f32 to vector<16xf32>
        %max3A_452 = arith.maximumf %get3A_439, %max3A_451 : vector<16xf32>
        %mul3A_453 = arith.constant 0.222222224 : f32
        %mul3A_454 = vector.broadcast %mul3A_453 : f32 to vector<16xf32>
        %mul3A_455 = arith.mulf %mul3A_449, %mul3A_454 : vector<16xf32>
        %add3A_456 = arith.constant 0.285714298 : f32
        %add3A_457 = vector.broadcast %add3A_456 : f32 to vector<16xf32>
        %add3A_458 = arith.addf %add3A_457, %mul3A_455 : vector<16xf32>
        %mul3A_459 = arith.mulf %mul3A_449, %add3A_458 : vector<16xf32>
        %add3A_460 = arith.constant 4.000000e-01 : f32
        %add3A_461 = vector.broadcast %add3A_460 : f32 to vector<16xf32>
        %add3A_462 = arith.addf %add3A_461, %mul3A_459 : vector<16xf32>
        %mul3A_463 = arith.mulf %mul3A_449, %add3A_462 : vector<16xf32>
        %add3A_464 = arith.constant 0.666666686 : f32
        %add3A_465 = vector.broadcast %add3A_464 : f32 to vector<16xf32>
        %add3A_466 = arith.addf %add3A_465, %mul3A_463 : vector<16xf32>
        %mul3A_467 = arith.mulf %mul3A_449, %add3A_466 : vector<16xf32>
        %add3A_468 = arith.constant 2.000000e+00 : f32
        %add3A_469 = vector.broadcast %add3A_468 : f32 to vector<16xf32>
        %add3A_470 = arith.addf %add3A_469, %mul3A_467 : vector<16xf32>
        %mul3A_471 = arith.mulf %div3A_448, %add3A_470 : vector<16xf32>
        %add3A_472 = arith.addf %max3A_452, %mul3A_471 : vector<16xf32>
        %sub3A_473 = arith.subf %get3A_433, %add3A_472 : vector<16xf32>
        %swap3A_474 = arith.constant 0 : i32
        %swap3A_475 = arith.constant 3 : i32
        %swap3A_476 = arith.index_cast %swap3A_474 : i32 to index
        %swap3A_477 = arith.index_cast %swap3A_475 : i32 to index
        %swap3A_478 = arith.index_cast %scan3A_303 : i32 to index
        %swap3A_479 = arith.constant 32 : index
        %swap3A_480 = tpu.vector_load %arg11[%swap3A_476, %swap3A_477, %swap3A_478, %swap3A_479] {strides = array<i32>} : memref<2x4x26x64xf32, #tpu.memory_space<vmem>>, vector<1x1x1x16xf32>,
        %swap3A_481 = vector.shape_cast %swap3A_480 : vector<1x1x1x16xf32> to vector<16xf32>
        %swap3A_482 = vector.shape_cast %sub3A_473 : vector<16xf32> to vector<1x1x1x16xf32>
        tpu.vector_store %arg11[%swap3A_476, %swap3A_477, %swap3A_478, %swap3A_479], %swap3A_482 {strides = array<i32>} : memref<2x4x26x64xf32, #tpu.memory_space<vmem>>, vector<1x1x1x16xf32>,
        %add3A_483 = arith.addf %get3A_433, %add3A_472 : vector<16xf32>
        %swap3A_484 = arith.constant 0 : i32
        %swap3A_485 = arith.constant 3 : i32
        %swap3A_486 = arith.index_cast %swap3A_484 : i32 to index
        %swap3A_487 = arith.index_cast %swap3A_485 : i32 to index
        %swap3A_488 = arith.index_cast %scan3A_303 : i32 to index
        %swap3A_489 = arith.constant 32 : index
        %swap3A_490 = tpu.vector_load %arg12[%swap3A_486, %swap3A_487, %swap3A_488, %swap3A_489] {strides = array<i32>} : memref<2x4x26x64xf32, #tpu.memory_space<vmem>>, vector<1x1x1x16xf32>,
        %swap3A_491 = vector.shape_cast %swap3A_490 : vector<1x1x1x16xf32> to vector<16xf32>
        %swap3A_492 = vector.shape_cast %add3A_483 : vector<16xf32> to vector<1x1x1x16xf32>
        tpu.vector_store %arg12[%swap3A_486, %swap3A_487, %swap3A_488, %swap3A_489], %swap3A_492 {strides = array<i32>} : memref<2x4x26x64xf32, #tpu.memory_space<vmem>>, vector<1x1x1x16xf32>,
        %get3A_493 = arith.constant 0 : i32
        %get3A_494 = arith.index_cast %get3A_493 : i32 to index
        %get3A_495 = arith.index_cast %add3A_305 : i32 to index
        %get3A_496 = arith.constant 48 : index
        %get3A_497 = tpu.vector_load %arg9[%get3A_494, %get3A_495, %get3A_496] {strides = array<i32>} : memref<2x104x64xf32, #tpu.memory_space<vmem>>, vector<1x1x16xf32>,
        %get3A_498 = vector.shape_cast %get3A_497 : vector<1x1x16xf32> to vector<16xf32>
        %get3A_499 = arith.constant 0 : i32
        %get3A_500 = arith.index_cast %get3A_499 : i32 to index
        %get3A_501 = arith.index_cast %add3A_305 : i32 to index
        %get3A_502 = arith.constant 48 : index
        %get3A_503 = tpu.vector_load %arg10[%get3A_500, %get3A_501, %get3A_502] {strides = array<i32>} : memref<2x104x64xf32, #tpu.memory_space<vmem>>, vector<1x1x16xf32>,
        %get3A_504 = vector.shape_cast %get3A_503 : vector<1x1x16xf32> to vector<16xf32>
        %abs3A_505 = math.absf %get3A_504 : vector<16xf32>
        %neg3A_506 = arith.constant 0.000000e+00 : f32
        %neg3A_507 = vector.broadcast %neg3A_506 : f32 to vector<16xf32>
        %neg3A_508 = arith.subf %neg3A_507, %abs3A_505 : vector<16xf32>
        %exp3A_509 = math.exp %neg3A_508 : vector<16xf32>
        %add3A_510 = arith.constant 2.000000e+00 : f32
        %add3A_511 = vector.broadcast %add3A_510 : f32 to vector<16xf32>
        %add3A_512 = arith.addf %exp3A_509, %add3A_511 : vector<16xf32>
        %div3A_513 = arith.divf %exp3A_509, %add3A_512 : vector<16xf32>
        %mul3A_514 = arith.mulf %div3A_513, %div3A_513 : vector<16xf32>
        %max3A_515 = arith.constant 0.000000e+00 : f32
        %max3A_516 = vector.broadcast %max3A_515 : f32 to vector<16xf32>
        %max3A_517 = arith.maximumf %get3A_504, %max3A_516 : vector<16xf32>
        %mul3A_518 = arith.constant 0.222222224 : f32
        %mul3A_519 = vector.broadcast %mul3A_518 : f32 to vector<16xf32>
        %mul3A_520 = arith.mulf %mul3A_514, %mul3A_519 : vector<16xf32>
        %add3A_521 = arith.constant 0.285714298 : f32
        %add3A_522 = vector.broadcast %add3A_521 : f32 to vector<16xf32>
        %add3A_523 = arith.addf %add3A_522, %mul3A_520 : vector<16xf32>
        %mul3A_524 = arith.mulf %mul3A_514, %add3A_523 : vector<16xf32>
        %add3A_525 = arith.constant 4.000000e-01 : f32
        %add3A_526 = vector.broadcast %add3A_525 : f32 to vector<16xf32>
        %add3A_527 = arith.addf %add3A_526, %mul3A_524 : vector<16xf32>
        %mul3A_528 = arith.mulf %mul3A_514, %add3A_527 : vector<16xf32>
        %add3A_529 = arith.constant 0.666666686 : f32
        %add3A_530 = vector.broadcast %add3A_529 : f32 to vector<16xf32>
        %add3A_531 = arith.addf %add3A_530, %mul3A_528 : vector<16xf32>
        %mul3A_532 = arith.mulf %mul3A_514, %add3A_531 : vector<16xf32>
        %add3A_533 = arith.constant 2.000000e+00 : f32
        %add3A_534 = vector.broadcast %add3A_533 : f32 to vector<16xf32>
        %add3A_535 = arith.addf %add3A_534, %mul3A_532 : vector<16xf32>
        %mul3A_536 = arith.mulf %div3A_513, %add3A_535 : vector<16xf32>
        %add3A_537 = arith.addf %max3A_517, %mul3A_536 : vector<16xf32>
        %sub3A_538 = arith.subf %get3A_498, %add3A_537 : vector<16xf32>
        %swap3A_539 = arith.constant 0 : i32
        %swap3A_540 = arith.constant 3 : i32
        %swap3A_541 = arith.index_cast %swap3A_539 : i32 to index
        %swap3A_542 = arith.index_cast %swap3A_540 : i32 to index
        %swap3A_543 = arith.index_cast %scan3A_303 : i32 to index
        %swap3A_544 = arith.constant 48 : index
        %swap3A_545 = tpu.vector_load %arg11[%swap3A_541, %swap3A_542, %swap3A_543, %swap3A_544] {strides = array<i32>} : memref<2x4x26x64xf32, #tpu.memory_space<vmem>>, vector<1x1x1x16xf32>,
        %swap3A_546 = vector.shape_cast %swap3A_545 : vector<1x1x1x16xf32> to vector<16xf32>
        %swap3A_547 = vector.shape_cast %sub3A_538 : vector<16xf32> to vector<1x1x1x16xf32>
        tpu.vector_store %arg11[%swap3A_541, %swap3A_542, %swap3A_543, %swap3A_544], %swap3A_547 {strides = array<i32>} : memref<2x4x26x64xf32, #tpu.memory_space<vmem>>, vector<1x1x1x16xf32>,
        %add3A_548 = arith.addf %get3A_498, %add3A_537 : vector<16xf32>
        %swap3A_549 = arith.constant 0 : i32
        %swap3A_550 = arith.constant 3 : i32
        %swap3A_551 = arith.index_cast %swap3A_549 : i32 to index
        %swap3A_552 = arith.index_cast %swap3A_550 : i32 to index
        %swap3A_553 = arith.index_cast %scan3A_303 : i32 to index
        %swap3A_554 = arith.constant 48 : index
        %swap3A_555 = tpu.vector_load %arg12[%swap3A_551, %swap3A_552, %swap3A_553, %swap3A_554] {strides = array<i32>} : memref<2x4x26x64xf32, #tpu.memory_space<vmem>>, vector<1x1x1x16xf32>,
        %swap3A_556 = vector.shape_cast %swap3A_555 : vector<1x1x1x16xf32> to vector<16xf32>
        %swap3A_557 = vector.shape_cast %add3A_548 : vector<16xf32> to vector<1x1x1x16xf32>
        tpu.vector_store %arg12[%swap3A_551, %swap3A_552, %swap3A_553, %swap3A_554], %swap3A_557 {strides = array<i32>} : memref<2x4x26x64xf32, #tpu.memory_space<vmem>>, vector<1x1x1x16xf32>,
      }
      %scan3A_164 = arith.constant 26 : i32
      %mul3A_165 = arith.constant 4 : i32
      %mul3A_166 = arith.muli %add3A_108, %mul3A_165 : i32
      %add3A_167 = arith.addi %mul3A_2, %mul3A_166 : i32
      %dma_start3A_168 = arith.constant 0 : i32
      %dma_start3A_169 = arith.constant 0 : i32
      %dma_start3A_170 = arith.constant 0 : i32
      %dma_start3A_171 = arith.constant 0 : i32
      %dma_start3A_172 = tpu.memref_slice %arg11[%dma_start3A_168, %dma_start3A_169, %dma_start3A_170, %dma_start3A_171] : memref<2x4x26x64xf32, #tpu.memory_space<vmem>> -> memref<1x4x26x64xf32, #tpu.memory_space<vmem>>
      %dma_start3A_173 = tpu.memref_squeeze %dma_start3A_172 : memref<1x4x26x64xf32, #tpu.memory_space<vmem>> -> memref<4x26x64xf32, #tpu.memory_space<vmem>>
      %dma_start3A_174 = arith.constant 0 : i32
      %dma_start3A_175 = arith.constant 0 : i32
      %dma_start3A_176 = tpu.memref_slice %arg5[%add3A_167, %dma_start3A_174, %dma_start3A_175] : memref<16384x26x64xf32, #tpu.memory_space<hbm>> -> memref<4x26x64xf32, #tpu.memory_space<hbm>>
      %dma_start3A_177 = arith.constant 0 : i32
      %dma_start3A_178 = arith.constant 0 : i32
      %dma_start3A_179 = tpu.memref_slice %arg5[%add3A_167, %dma_start3A_177, %dma_start3A_178] : memref<16384x26x64xf32, #tpu.memory_space<hbm>> -> memref<4x26x64xf32, #tpu.memory_space<hbm>>
      %dma_start3A_180 = arith.constant 0 : i32
      %dma_start3A_181 = arith.constant 0 : i32
      %dma_start3A_182 = arith.constant 0 : i32
      %dma_start3A_183 = tpu.memref_slice %arg11[%dma_start3A_168, %dma_start3A_180, %dma_start3A_181, %dma_start3A_182] : memref<2x4x26x64xf32, #tpu.memory_space<vmem>> -> memref<1x4x26x64xf32, #tpu.memory_space<vmem>>
      %dma_start3A_184 = tpu.memref_squeeze %dma_start3A_183 : memref<1x4x26x64xf32, #tpu.memory_space<vmem>> -> memref<4x26x64xf32, #tpu.memory_space<vmem>>
      tpu.enqueue_dma source(%dma_start3A_184 : memref<4x26x64xf32, #tpu.memory_space<vmem>>) target(%dma_start3A_179 : memref<4x26x64xf32, #tpu.memory_space<hbm>>) target_semaphore(%arg15 : memref<!tpu.dma_semaphore, #tpu.memory_space<semaphore_mem>>)
      %dma_start3A_185 = arith.constant 0 : i32
      %dma_start3A_186 = arith.constant 0 : i32
      %dma_start3A_187 = arith.constant 0 : i32
      %dma_start3A_188 = arith.constant 0 : i32
      %dma_start3A_189 = tpu.memref_slice %arg12[%dma_start3A_185, %dma_start3A_186, %dma_start3A_187, %dma_start3A_188] : memref<2x4x26x64xf32, #tpu.memory_space<vmem>> -> memref<1x4x26x64xf32, #tpu.memory_space<vmem>>
      %dma_start3A_190 = tpu.memref_squeeze %dma_start3A_189 : memref<1x4x26x64xf32, #tpu.memory_space<vmem>> -> memref<4x26x64xf32, #tpu.memory_space<vmem>>
      %dma_start3A_191 = arith.constant 0 : i32
      %dma_start3A_192 = arith.constant 0 : i32
      %dma_start3A_193 = tpu.memref_slice %arg6[%add3A_167, %dma_start3A_191, %dma_start3A_192] : memref<16384x26x64xf32, #tpu.memory_space<hbm>> -> memref<4x26x64xf32, #tpu.memory_space<hbm>>
      %dma_start3A_194 = arith.constant 0 : i32
      %dma_start3A_195 = arith.constant 0 : i32
      %dma_start3A_196 = tpu.memref_slice %arg6[%add3A_167, %dma_start3A_194, %dma_start3A_195] : memref<16384x26x64xf32, #tpu.memory_space<hbm>> -> memref<4x26x64xf32, #tpu.memory_space<hbm>>
      %dma_start3A_197 = arith.constant 0 : i32
      %dma_start3A_198 = arith.constant 0 : i32
      %dma_start3A_199 = arith.constant 0 : i32
      %dma_start3A_200 = tpu.memref_slice %arg12[%dma_start3A_185, %dma_start3A_197, %dma_start3A_198, %dma_start3A_199] : memref<2x4x26x64xf32, #tpu.memory_space<vmem>> -> memref<1x4x26x64xf32, #tpu.memory_space<vmem>>
      %dma_start3A_201 = tpu.memref_squeeze %dma_start3A_200 : memref<1x4x26x64xf32, #tpu.memory_space<vmem>> -> memref<4x26x64xf32, #tpu.memory_space<vmem>>
      tpu.enqueue_dma source(%dma_start3A_201 : memref<4x26x64xf32, #tpu.memory_space<vmem>>) target(%dma_start3A_196 : memref<4x26x64xf32, #tpu.memory_space<hbm>>) target_semaphore(%arg15 : memref<!tpu.dma_semaphore, #tpu.memory_space<semaphore_mem>>)
      %mul3A_202 = arith.constant 2 : i32
      %mul3A_203 = arith.muli %scan3A_104, %mul3A_202 : i32
      %add3A_204 = arith.constant 1 : i32
      %add3A_205 = arith.addi %mul3A_203, %add3A_204 : i32
      %add3A_206 = arith.constant 1 : i32
      %add3A_207 = arith.addi %add3A_205, %add3A_206 : i32
      %lt3A_208 = arith.constant 128 : i32
      %lt3A_209 = arith.cmpi slt, %add3A_207, %lt3A_208 : i32
      %convert_element_type3A_210 = arith.extui %lt3A_209 : i1 to i32
      %cond3A_211 = arith.constant 0 : i32
      %cond3A_212 = arith.cmpi ne, %convert_element_type3A_210, %cond3A_211 : i32
      scf.if %cond3A_212 {
        %add3A_303 = arith.constant 1 : i32
        %add3A_304 = arith.addi %add3A_205, %add3A_303 : i32
        %dma_start3A_305 = arith.constant 0 : i32
        %dma_start3A_306 = arith.constant 0 : i32
        %dma_start3A_307 = arith.constant 0 : i32
        %dma_start3A_308 = tpu.memref_slice %arg9[%dma_start3A_305, %dma_start3A_306, %dma_start3A_307] : memref<2x104x64xf32, #tpu.memory_space<vmem>> -> memref<1x104x64xf32, #tpu.memory_space<vmem>>
        %dma_start3A_309 = tpu.memref_squeeze %dma_start3A_308 : memref<1x104x64xf32, #tpu.memory_space<vmem>> -> memref<104x64xf32, #tpu.memory_space<vmem>>
        %dma_start3A_310 = arith.constant 0 : i32
        %dma_start3A_311 = tpu.memref_slice %arg8[%add3A_304, %dma_start3A_310] : memref<128x104xi32, #tpu.memory_space<vmem>> -> memref<1x104xi32, #tpu.memory_space<vmem>>
        %dma_start3A_312 = tpu.memref_squeeze %dma_start3A_311 : memref<1x104xi32, #tpu.memory_space<vmem>> -> memref<104xi32, #tpu.memory_space<vmem>>
        %dma_start3A_313 = arith.constant 0 : i32
        %dma_start3A_314 = arith.constant 0 : i32
        %dma_start3A_315 = tpu.memref_slice %arg3[%dma_start3A_313, %dma_start3A_314] : memref<1000000x64xf32, #tpu.memory_space<hbm>> -> memref<1000000x64xf32, #tpu.memory_space<hbm>>
        tpu.enqueue_indirect_dma source(%dma_start3A_315 : memref<1000000x64xf32, #tpu.memory_space<hbm>>) target(%dma_start3A_309 : memref<104x64xf32, #tpu.memory_space<vmem>>) offsets(%dma_start3A_312 : memref<104xi32, #tpu.memory_space<vmem>>) semaphore(%arg13 : memref<!tpu.dma_semaphore, #tpu.memory_space<semaphore_mem>>)
        %dma_start3A_316 = arith.constant 0 : i32
        %dma_start3A_317 = arith.constant 0 : i32
        %dma_start3A_318 = arith.constant 0 : i32
        %dma_start3A_319 = tpu.memref_slice %arg10[%dma_start3A_316, %dma_start3A_317, %dma_start3A_318] : memref<2x104x64xf32, #tpu.memory_space<vmem>> -> memref<1x104x64xf32, #tpu.memory_space<vmem>>
        %dma_start3A_320 = tpu.memref_squeeze %dma_start3A_319 : memref<1x104x64xf32, #tpu.memory_space<vmem>> -> memref<104x64xf32, #tpu.memory_space<vmem>>
        %dma_start3A_321 = arith.constant 0 : i32
        %dma_start3A_322 = tpu.memref_slice %arg8[%add3A_304, %dma_start3A_321] : memref<128x104xi32, #tpu.memory_space<vmem>> -> memref<1x104xi32, #tpu.memory_space<vmem>>
        %dma_start3A_323 = tpu.memref_squeeze %dma_start3A_322 : memref<1x104xi32, #tpu.memory_space<vmem>> -> memref<104xi32, #tpu.memory_space<vmem>>
        %dma_start3A_324 = arith.constant 0 : i32
        %dma_start3A_325 = arith.constant 0 : i32
        %dma_start3A_326 = tpu.memref_slice %arg4[%dma_start3A_324, %dma_start3A_325] : memref<1000000x64xf32, #tpu.memory_space<hbm>> -> memref<1000000x64xf32, #tpu.memory_space<hbm>>
        tpu.enqueue_indirect_dma source(%dma_start3A_326 : memref<1000000x64xf32, #tpu.memory_space<hbm>>) target(%dma_start3A_320 : memref<104x64xf32, #tpu.memory_space<vmem>>) offsets(%dma_start3A_323 : memref<104xi32, #tpu.memory_space<vmem>>) semaphore(%arg13 : memref<!tpu.dma_semaphore, #tpu.memory_space<semaphore_mem>>)
      } else {
      }
      %dma_wait3A_213 = arith.constant 0 : i32
      %dma_wait3A_214 = arith.constant 1 : i32
      %dma_wait3A_215 = arith.constant 0 : i32
      %dma_wait3A_216 = arith.constant 0 : i32
      %dma_wait3A_217 = tpu.memref_slice %arg9[%dma_wait3A_214, %dma_wait3A_215, %dma_wait3A_216] : memref<2x104x64xf32, #tpu.memory_space<vmem>> -> memref<1x104x64xf32, #tpu.memory_space<vmem>>
      %dma_wait3A_218 = tpu.memref_squeeze %dma_wait3A_217 : memref<1x104x64xf32, #tpu.memory_space<vmem>> -> memref<104x64xf32, #tpu.memory_space<vmem>>
      %dma_wait3A_219 = arith.constant 0 : i32
      %dma_wait3A_220 = tpu.memref_slice %arg8[%dma_wait3A_213, %dma_wait3A_219] : memref<128x104xi32, #tpu.memory_space<vmem>> -> memref<1x104xi32, #tpu.memory_space<vmem>>
      %dma_wait3A_221 = tpu.memref_squeeze %dma_wait3A_220 : memref<1x104xi32, #tpu.memory_space<vmem>> -> memref<104xi32, #tpu.memory_space<vmem>>
      %dma_wait3A_222 = arith.constant 0 : i32
      %dma_wait3A_223 = arith.constant 0 : i32
      %dma_wait3A_224 = tpu.memref_slice %arg3[%dma_wait3A_222, %dma_wait3A_223] : memref<1000000x64xf32, #tpu.memory_space<hbm>> -> memref<1000000x64xf32, #tpu.memory_space<hbm>>
      tpu.wait_indirect_dma semaphore(%arg14 : memref<!tpu.dma_semaphore, #tpu.memory_space<semaphore_mem>>) src(%dma_wait3A_224 : memref<1000000x64xf32, #tpu.memory_space<hbm>>) dst(%dma_wait3A_218 : memref<104x64xf32, #tpu.memory_space<vmem>>)
      %dma_wait3A_225 = arith.constant 0 : i32
      %dma_wait3A_226 = arith.constant 1 : i32
      %dma_wait3A_227 = arith.constant 0 : i32
      %dma_wait3A_228 = arith.constant 0 : i32
      %dma_wait3A_229 = tpu.memref_slice %arg10[%dma_wait3A_226, %dma_wait3A_227, %dma_wait3A_228] : memref<2x104x64xf32, #tpu.memory_space<vmem>> -> memref<1x104x64xf32, #tpu.memory_space<vmem>>
      %dma_wait3A_230 = tpu.memref_squeeze %dma_wait3A_229 : memref<1x104x64xf32, #tpu.memory_space<vmem>> -> memref<104x64xf32, #tpu.memory_space<vmem>>
      %dma_wait3A_231 = arith.constant 0 : i32
      %dma_wait3A_232 = tpu.memref_slice %arg8[%dma_wait3A_225, %dma_wait3A_231] : memref<128x104xi32, #tpu.memory_space<vmem>> -> memref<1x104xi32, #tpu.memory_space<vmem>>
      %dma_wait3A_233 = tpu.memref_squeeze %dma_wait3A_232 : memref<1x104xi32, #tpu.memory_space<vmem>> -> memref<104xi32, #tpu.memory_space<vmem>>
      %dma_wait3A_234 = arith.constant 0 : i32
      %dma_wait3A_235 = arith.constant 0 : i32
      %dma_wait3A_236 = tpu.memref_slice %arg4[%dma_wait3A_234, %dma_wait3A_235] : memref<1000000x64xf32, #tpu.memory_space<hbm>> -> memref<1000000x64xf32, #tpu.memory_space<hbm>>
      tpu.wait_indirect_dma semaphore(%arg14 : memref<!tpu.dma_semaphore, #tpu.memory_space<semaphore_mem>>) src(%dma_wait3A_236 : memref<1000000x64xf32, #tpu.memory_space<hbm>>) dst(%dma_wait3A_230 : memref<104x64xf32, #tpu.memory_space<vmem>>)
      %ge3A_237 = arith.constant 2 : i32
      %ge3A_238 = arith.cmpi sge, %add3A_205, %ge3A_237 : i32
      %convert_element_type3A_239 = arith.extui %ge3A_238 : i1 to i32
      %cond3A_240 = arith.constant 0 : i32
      %cond3A_241 = arith.cmpi ne, %convert_element_type3A_239, %cond3A_240 : i32
      scf.if %cond3A_241 {
        %dma_wait3A_303 = arith.constant 1 : i32
        %dma_wait3A_304 = arith.constant 0 : i32
        %dma_wait3A_305 = arith.constant 0 : i32
        %dma_wait3A_306 = arith.constant 0 : i32
        %dma_wait3A_307 = tpu.memref_slice %arg11[%dma_wait3A_303, %dma_wait3A_304, %dma_wait3A_305, %dma_wait3A_306] : memref<2x4x26x64xf32, #tpu.memory_space<vmem>> -> memref<1x4x26x64xf32, #tpu.memory_space<vmem>>
        %dma_wait3A_308 = tpu.memref_squeeze %dma_wait3A_307 : memref<1x4x26x64xf32, #tpu.memory_space<vmem>> -> memref<4x26x64xf32, #tpu.memory_space<vmem>>
        %dma_wait3A_309 = arith.constant 0 : i32
        %dma_wait3A_310 = arith.constant 0 : i32
        %dma_wait3A_311 = tpu.memref_slice %arg5[%mul3A_2, %dma_wait3A_309, %dma_wait3A_310] : memref<16384x26x64xf32, #tpu.memory_space<hbm>> -> memref<4x26x64xf32, #tpu.memory_space<hbm>>
        %dma_wait3A_312 = arith.constant 0 : i32
        %dma_wait3A_313 = arith.constant 0 : i32
        %dma_wait3A_314 = tpu.memref_slice %arg5[%mul3A_2, %dma_wait3A_312, %dma_wait3A_313] : memref<16384x26x64xf32, #tpu.memory_space<hbm>> -> memref<4x26x64xf32, #tpu.memory_space<hbm>>
        %dma_wait3A_315 = arith.constant 0 : i32
        %dma_wait3A_316 = arith.constant 0 : i32
        %dma_wait3A_317 = arith.constant 0 : i32
        %dma_wait3A_318 = tpu.memref_slice %arg11[%dma_wait3A_303, %dma_wait3A_315, %dma_wait3A_316, %dma_wait3A_317] : memref<2x4x26x64xf32, #tpu.memory_space<vmem>> -> memref<1x4x26x64xf32, #tpu.memory_space<vmem>>
        %dma_wait3A_319 = tpu.memref_squeeze %dma_wait3A_318 : memref<1x4x26x64xf32, #tpu.memory_space<vmem>> -> memref<4x26x64xf32, #tpu.memory_space<vmem>>
        tpu.wait_dma2 semaphore(%arg16 : memref<!tpu.dma_semaphore, #tpu.memory_space<semaphore_mem>>) src(%dma_wait3A_319 : memref<4x26x64xf32, #tpu.memory_space<vmem>>) dst(%dma_wait3A_314 : memref<4x26x64xf32, #tpu.memory_space<hbm>>)
        %dma_wait3A_320 = arith.constant 1 : i32
        %dma_wait3A_321 = arith.constant 0 : i32
        %dma_wait3A_322 = arith.constant 0 : i32
        %dma_wait3A_323 = arith.constant 0 : i32
        %dma_wait3A_324 = tpu.memref_slice %arg12[%dma_wait3A_320, %dma_wait3A_321, %dma_wait3A_322, %dma_wait3A_323] : memref<2x4x26x64xf32, #tpu.memory_space<vmem>> -> memref<1x4x26x64xf32, #tpu.memory_space<vmem>>
        %dma_wait3A_325 = tpu.memref_squeeze %dma_wait3A_324 : memref<1x4x26x64xf32, #tpu.memory_space<vmem>> -> memref<4x26x64xf32, #tpu.memory_space<vmem>>
        %dma_wait3A_326 = arith.constant 0 : i32
        %dma_wait3A_327 = arith.constant 0 : i32
        %dma_wait3A_328 = tpu.memref_slice %arg6[%mul3A_2, %dma_wait3A_326, %dma_wait3A_327] : memref<16384x26x64xf32, #tpu.memory_space<hbm>> -> memref<4x26x64xf32, #tpu.memory_space<hbm>>
        %dma_wait3A_329 = arith.constant 0 : i32
        %dma_wait3A_330 = arith.constant 0 : i32
        %dma_wait3A_331 = tpu.memref_slice %arg6[%mul3A_2, %dma_wait3A_329, %dma_wait3A_330] : memref<16384x26x64xf32, #tpu.memory_space<hbm>> -> memref<4x26x64xf32, #tpu.memory_space<hbm>>
        %dma_wait3A_332 = arith.constant 0 : i32
        %dma_wait3A_333 = arith.constant 0 : i32
        %dma_wait3A_334 = arith.constant 0 : i32
        %dma_wait3A_335 = tpu.memref_slice %arg12[%dma_wait3A_320, %dma_wait3A_332, %dma_wait3A_333, %dma_wait3A_334] : memref<2x4x26x64xf32, #tpu.memory_space<vmem>> -> memref<1x4x26x64xf32, #tpu.memory_space<vmem>>
        %dma_wait3A_336 = tpu.memref_squeeze %dma_wait3A_335 : memref<1x4x26x64xf32, #tpu.memory_space<vmem>> -> memref<4x26x64xf32, #tpu.memory_space<vmem>>
        tpu.wait_dma2 semaphore(%arg16 : memref<!tpu.dma_semaphore, #tpu.memory_space<semaphore_mem>>) src(%dma_wait3A_336 : memref<4x26x64xf32, #tpu.memory_space<vmem>>) dst(%dma_wait3A_331 : memref<4x26x64xf32, #tpu.memory_space<hbm>>)
      } else {
      }
      %scan3A_242 = arith.constant 0 : i32
      %scan3A_243 = arith.constant 0 : i32
      %scan3A_244 = arith.constant 26 : i32
      %scan3A_245 = arith.addi %scan3A_243, %scan3A_244 : i32
      %scan3A_246 = arith.constant 1 : i32
      scf.for %scan3A_303 = %scan3A_243 to %scan3A_245 step %scan3A_246  : i32 {
        %add3A_304 = arith.constant 0 : i32
        %add3A_305 = arith.addi %add3A_304, %scan3A_303 : i32
        %get3A = arith.constant 1 : i32
        %get3A_306 = arith.index_cast %get3A : i32 to index
        %get3A_307 = arith.index_cast %add3A_305 : i32 to index
        %get3A_308 = arith.constant 0 : index
        %get3A_309 = tpu.vector_load %arg9[%get3A_306, %get3A_307, %get3A_308] {strides = array<i32>} : memref<2x104x64xf32, #tpu.memory_space<vmem>>, vector<1x1x16xf32>,
        %get3A_310 = vector.shape_cast %get3A_309 : vector<1x1x16xf32> to vector<16xf32>
        %get3A_311 = arith.constant 1 : i32
        %get3A_312 = arith.index_cast %get3A_311 : i32 to index
        %get3A_313 = arith.index_cast %add3A_305 : i32 to index
        %get3A_314 = arith.constant 0 : index
        %get3A_315 = tpu.vector_load %arg10[%get3A_312, %get3A_313, %get3A_314] {strides = array<i32>} : memref<2x104x64xf32, #tpu.memory_space<vmem>>, vector<1x1x16xf32>,
        %get3A_316 = vector.shape_cast %get3A_315 : vector<1x1x16xf32> to vector<16xf32>
        %abs3A = math.absf %get3A_316 : vector<16xf32>
        %neg3A = arith.constant 0.000000e+00 : f32
        %neg3A_317 = vector.broadcast %neg3A : f32 to vector<16xf32>
        %neg3A_318 = arith.subf %neg3A_317, %abs3A : vector<16xf32>
        %exp3A = math.exp %neg3A_318 : vector<16xf32>
        %add3A_319 = arith.constant 2.000000e+00 : f32
        %add3A_320 = vector.broadcast %add3A_319 : f32 to vector<16xf32>
        %add3A_321 = arith.addf %exp3A, %add3A_320 : vector<16xf32>
        %div3A = arith.divf %exp3A, %add3A_321 : vector<16xf32>
        %mul3A_322 = arith.mulf %div3A, %div3A : vector<16xf32>
        %max3A = arith.constant 0.000000e+00 : f32
        %max3A_323 = vector.broadcast %max3A : f32 to vector<16xf32>
        %max3A_324 = arith.maximumf %get3A_316, %max3A_323 : vector<16xf32>
        %mul3A_325 = arith.constant 0.222222224 : f32
        %mul3A_326 = vector.broadcast %mul3A_325 : f32 to vector<16xf32>
        %mul3A_327 = arith.mulf %mul3A_322, %mul3A_326 : vector<16xf32>
        %add3A_328 = arith.constant 0.285714298 : f32
        %add3A_329 = vector.broadcast %add3A_328 : f32 to vector<16xf32>
        %add3A_330 = arith.addf %add3A_329, %mul3A_327 : vector<16xf32>
        %mul3A_331 = arith.mulf %mul3A_322, %add3A_330 : vector<16xf32>
        %add3A_332 = arith.constant 4.000000e-01 : f32
        %add3A_333 = vector.broadcast %add3A_332 : f32 to vector<16xf32>
        %add3A_334 = arith.addf %add3A_333, %mul3A_331 : vector<16xf32>
        %mul3A_335 = arith.mulf %mul3A_322, %add3A_334 : vector<16xf32>
        %add3A_336 = arith.constant 0.666666686 : f32
        %add3A_337 = vector.broadcast %add3A_336 : f32 to vector<16xf32>
        %add3A_338 = arith.addf %add3A_337, %mul3A_335 : vector<16xf32>
        %mul3A_339 = arith.mulf %mul3A_322, %add3A_338 : vector<16xf32>
        %add3A_340 = arith.constant 2.000000e+00 : f32
        %add3A_341 = vector.broadcast %add3A_340 : f32 to vector<16xf32>
        %add3A_342 = arith.addf %add3A_341, %mul3A_339 : vector<16xf32>
        %mul3A_343 = arith.mulf %div3A, %add3A_342 : vector<16xf32>
        %add3A_344 = arith.addf %max3A_324, %mul3A_343 : vector<16xf32>
        %sub3A = arith.subf %get3A_310, %add3A_344 : vector<16xf32>
        %swap3A = arith.constant 1 : i32
        %swap3A_345 = arith.constant 0 : i32
        %swap3A_346 = arith.index_cast %swap3A : i32 to index
        %swap3A_347 = arith.index_cast %swap3A_345 : i32 to index
        %swap3A_348 = arith.index_cast %scan3A_303 : i32 to index
        %swap3A_349 = arith.constant 0 : index
        %swap3A_350 = tpu.vector_load %arg11[%swap3A_346, %swap3A_347, %swap3A_348, %swap3A_349] {strides = array<i32>} : memref<2x4x26x64xf32, #tpu.memory_space<vmem>>, vector<1x1x1x16xf32>,
        %swap3A_351 = vector.shape_cast %swap3A_350 : vector<1x1x1x16xf32> to vector<16xf32>
        %swap3A_352 = vector.shape_cast %sub3A : vector<16xf32> to vector<1x1x1x16xf32>
        tpu.vector_store %arg11[%swap3A_346, %swap3A_347, %swap3A_348, %swap3A_349], %swap3A_352 {strides = array<i32>} : memref<2x4x26x64xf32, #tpu.memory_space<vmem>>, vector<1x1x1x16xf32>,
        %add3A_353 = arith.addf %get3A_310, %add3A_344 : vector<16xf32>
        %swap3A_354 = arith.constant 1 : i32
        %swap3A_355 = arith.constant 0 : i32
        %swap3A_356 = arith.index_cast %swap3A_354 : i32 to index
        %swap3A_357 = arith.index_cast %swap3A_355 : i32 to index
        %swap3A_358 = arith.index_cast %scan3A_303 : i32 to index
        %swap3A_359 = arith.constant 0 : index
        %swap3A_360 = tpu.vector_load %arg12[%swap3A_356, %swap3A_357, %swap3A_358, %swap3A_359] {strides = array<i32>} : memref<2x4x26x64xf32, #tpu.memory_space<vmem>>, vector<1x1x1x16xf32>,
        %swap3A_361 = vector.shape_cast %swap3A_360 : vector<1x1x1x16xf32> to vector<16xf32>
        %swap3A_362 = vector.shape_cast %add3A_353 : vector<16xf32> to vector<1x1x1x16xf32>
        tpu.vector_store %arg12[%swap3A_356, %swap3A_357, %swap3A_358, %swap3A_359], %swap3A_362 {strides = array<i32>} : memref<2x4x26x64xf32, #tpu.memory_space<vmem>>, vector<1x1x1x16xf32>,
        %get3A_363 = arith.constant 1 : i32
        %get3A_364 = arith.index_cast %get3A_363 : i32 to index
        %get3A_365 = arith.index_cast %add3A_305 : i32 to index
        %get3A_366 = arith.constant 16 : index
        %get3A_367 = tpu.vector_load %arg9[%get3A_364, %get3A_365, %get3A_366] {strides = array<i32>} : memref<2x104x64xf32, #tpu.memory_space<vmem>>, vector<1x1x16xf32>,
        %get3A_368 = vector.shape_cast %get3A_367 : vector<1x1x16xf32> to vector<16xf32>
        %get3A_369 = arith.constant 1 : i32
        %get3A_370 = arith.index_cast %get3A_369 : i32 to index
        %get3A_371 = arith.index_cast %add3A_305 : i32 to index
        %get3A_372 = arith.constant 16 : index
        %get3A_373 = tpu.vector_load %arg10[%get3A_370, %get3A_371, %get3A_372] {strides = array<i32>} : memref<2x104x64xf32, #tpu.memory_space<vmem>>, vector<1x1x16xf32>,
        %get3A_374 = vector.shape_cast %get3A_373 : vector<1x1x16xf32> to vector<16xf32>
        %abs3A_375 = math.absf %get3A_374 : vector<16xf32>
        %neg3A_376 = arith.constant 0.000000e+00 : f32
        %neg3A_377 = vector.broadcast %neg3A_376 : f32 to vector<16xf32>
        %neg3A_378 = arith.subf %neg3A_377, %abs3A_375 : vector<16xf32>
        %exp3A_379 = math.exp %neg3A_378 : vector<16xf32>
        %add3A_380 = arith.constant 2.000000e+00 : f32
        %add3A_381 = vector.broadcast %add3A_380 : f32 to vector<16xf32>
        %add3A_382 = arith.addf %exp3A_379, %add3A_381 : vector<16xf32>
        %div3A_383 = arith.divf %exp3A_379, %add3A_382 : vector<16xf32>
        %mul3A_384 = arith.mulf %div3A_383, %div3A_383 : vector<16xf32>
        %max3A_385 = arith.constant 0.000000e+00 : f32
        %max3A_386 = vector.broadcast %max3A_385 : f32 to vector<16xf32>
        %max3A_387 = arith.maximumf %get3A_374, %max3A_386 : vector<16xf32>
        %mul3A_388 = arith.constant 0.222222224 : f32
        %mul3A_389 = vector.broadcast %mul3A_388 : f32 to vector<16xf32>
        %mul3A_390 = arith.mulf %mul3A_384, %mul3A_389 : vector<16xf32>
        %add3A_391 = arith.constant 0.285714298 : f32
        %add3A_392 = vector.broadcast %add3A_391 : f32 to vector<16xf32>
        %add3A_393 = arith.addf %add3A_392, %mul3A_390 : vector<16xf32>
        %mul3A_394 = arith.mulf %mul3A_384, %add3A_393 : vector<16xf32>
        %add3A_395 = arith.constant 4.000000e-01 : f32
        %add3A_396 = vector.broadcast %add3A_395 : f32 to vector<16xf32>
        %add3A_397 = arith.addf %add3A_396, %mul3A_394 : vector<16xf32>
        %mul3A_398 = arith.mulf %mul3A_384, %add3A_397 : vector<16xf32>
        %add3A_399 = arith.constant 0.666666686 : f32
        %add3A_400 = vector.broadcast %add3A_399 : f32 to vector<16xf32>
        %add3A_401 = arith.addf %add3A_400, %mul3A_398 : vector<16xf32>
        %mul3A_402 = arith.mulf %mul3A_384, %add3A_401 : vector<16xf32>
        %add3A_403 = arith.constant 2.000000e+00 : f32
        %add3A_404 = vector.broadcast %add3A_403 : f32 to vector<16xf32>
        %add3A_405 = arith.addf %add3A_404, %mul3A_402 : vector<16xf32>
        %mul3A_406 = arith.mulf %div3A_383, %add3A_405 : vector<16xf32>
        %add3A_407 = arith.addf %max3A_387, %mul3A_406 : vector<16xf32>
        %sub3A_408 = arith.subf %get3A_368, %add3A_407 : vector<16xf32>
        %swap3A_409 = arith.constant 1 : i32
        %swap3A_410 = arith.constant 0 : i32
        %swap3A_411 = arith.index_cast %swap3A_409 : i32 to index
        %swap3A_412 = arith.index_cast %swap3A_410 : i32 to index
        %swap3A_413 = arith.index_cast %scan3A_303 : i32 to index
        %swap3A_414 = arith.constant 16 : index
        %swap3A_415 = tpu.vector_load %arg11[%swap3A_411, %swap3A_412, %swap3A_413, %swap3A_414] {strides = array<i32>} : memref<2x4x26x64xf32, #tpu.memory_space<vmem>>, vector<1x1x1x16xf32>,
        %swap3A_416 = vector.shape_cast %swap3A_415 : vector<1x1x1x16xf32> to vector<16xf32>
        %swap3A_417 = vector.shape_cast %sub3A_408 : vector<16xf32> to vector<1x1x1x16xf32>
        tpu.vector_store %arg11[%swap3A_411, %swap3A_412, %swap3A_413, %swap3A_414], %swap3A_417 {strides = array<i32>} : memref<2x4x26x64xf32, #tpu.memory_space<vmem>>, vector<1x1x1x16xf32>,
        %add3A_418 = arith.addf %get3A_368, %add3A_407 : vector<16xf32>
        %swap3A_419 = arith.constant 1 : i32
        %swap3A_420 = arith.constant 0 : i32
        %swap3A_421 = arith.index_cast %swap3A_419 : i32 to index
        %swap3A_422 = arith.index_cast %swap3A_420 : i32 to index
        %swap3A_423 = arith.index_cast %scan3A_303 : i32 to index
        %swap3A_424 = arith.constant 16 : index
        %swap3A_425 = tpu.vector_load %arg12[%swap3A_421, %swap3A_422, %swap3A_423, %swap3A_424] {strides = array<i32>} : memref<2x4x26x64xf32, #tpu.memory_space<vmem>>, vector<1x1x1x16xf32>,
        %swap3A_426 = vector.shape_cast %swap3A_425 : vector<1x1x1x16xf32> to vector<16xf32>
        %swap3A_427 = vector.shape_cast %add3A_418 : vector<16xf32> to vector<1x1x1x16xf32>
        tpu.vector_store %arg12[%swap3A_421, %swap3A_422, %swap3A_423, %swap3A_424], %swap3A_427 {strides = array<i32>} : memref<2x4x26x64xf32, #tpu.memory_space<vmem>>, vector<1x1x1x16xf32>,
        %get3A_428 = arith.constant 1 : i32
        %get3A_429 = arith.index_cast %get3A_428 : i32 to index
        %get3A_430 = arith.index_cast %add3A_305 : i32 to index
        %get3A_431 = arith.constant 32 : index
        %get3A_432 = tpu.vector_load %arg9[%get3A_429, %get3A_430, %get3A_431] {strides = array<i32>} : memref<2x104x64xf32, #tpu.memory_space<vmem>>, vector<1x1x16xf32>,
        %get3A_433 = vector.shape_cast %get3A_432 : vector<1x1x16xf32> to vector<16xf32>
        %get3A_434 = arith.constant 1 : i32
        %get3A_435 = arith.index_cast %get3A_434 : i32 to index
        %get3A_436 = arith.index_cast %add3A_305 : i32 to index
        %get3A_437 = arith.constant 32 : index
        %get3A_438 = tpu.vector_load %arg10[%get3A_435, %get3A_436, %get3A_437] {strides = array<i32>} : memref<2x104x64xf32, #tpu.memory_space<vmem>>, vector<1x1x16xf32>,
        %get3A_439 = vector.shape_cast %get3A_438 : vector<1x1x16xf32> to vector<16xf32>
        %abs3A_440 = math.absf %get3A_439 : vector<16xf32>
        %neg3A_441 = arith.constant 0.000000e+00 : f32
        %neg3A_442 = vector.broadcast %neg3A_441 : f32 to vector<16xf32>
        %neg3A_443 = arith.subf %neg3A_442, %abs3A_440 : vector<16xf32>
        %exp3A_444 = math.exp %neg3A_443 : vector<16xf32>
        %add3A_445 = arith.constant 2.000000e+00 : f32
        %add3A_446 = vector.broadcast %add3A_445 : f32 to vector<16xf32>
        %add3A_447 = arith.addf %exp3A_444, %add3A_446 : vector<16xf32>
        %div3A_448 = arith.divf %exp3A_444, %add3A_447 : vector<16xf32>
        %mul3A_449 = arith.mulf %div3A_448, %div3A_448 : vector<16xf32>
        %max3A_450 = arith.constant 0.000000e+00 : f32
        %max3A_451 = vector.broadcast %max3A_450 : f32 to vector<16xf32>
        %max3A_452 = arith.maximumf %get3A_439, %max3A_451 : vector<16xf32>
        %mul3A_453 = arith.constant 0.222222224 : f32
        %mul3A_454 = vector.broadcast %mul3A_453 : f32 to vector<16xf32>
        %mul3A_455 = arith.mulf %mul3A_449, %mul3A_454 : vector<16xf32>
        %add3A_456 = arith.constant 0.285714298 : f32
        %add3A_457 = vector.broadcast %add3A_456 : f32 to vector<16xf32>
        %add3A_458 = arith.addf %add3A_457, %mul3A_455 : vector<16xf32>
        %mul3A_459 = arith.mulf %mul3A_449, %add3A_458 : vector<16xf32>
        %add3A_460 = arith.constant 4.000000e-01 : f32
        %add3A_461 = vector.broadcast %add3A_460 : f32 to vector<16xf32>
        %add3A_462 = arith.addf %add3A_461, %mul3A_459 : vector<16xf32>
        %mul3A_463 = arith.mulf %mul3A_449, %add3A_462 : vector<16xf32>
        %add3A_464 = arith.constant 0.666666686 : f32
        %add3A_465 = vector.broadcast %add3A_464 : f32 to vector<16xf32>
        %add3A_466 = arith.addf %add3A_465, %mul3A_463 : vector<16xf32>
        %mul3A_467 = arith.mulf %mul3A_449, %add3A_466 : vector<16xf32>
        %add3A_468 = arith.constant 2.000000e+00 : f32
        %add3A_469 = vector.broadcast %add3A_468 : f32 to vector<16xf32>
        %add3A_470 = arith.addf %add3A_469, %mul3A_467 : vector<16xf32>
        %mul3A_471 = arith.mulf %div3A_448, %add3A_470 : vector<16xf32>
        %add3A_472 = arith.addf %max3A_452, %mul3A_471 : vector<16xf32>
        %sub3A_473 = arith.subf %get3A_433, %add3A_472 : vector<16xf32>
        %swap3A_474 = arith.constant 1 : i32
        %swap3A_475 = arith.constant 0 : i32
        %swap3A_476 = arith.index_cast %swap3A_474 : i32 to index
        %swap3A_477 = arith.index_cast %swap3A_475 : i32 to index
        %swap3A_478 = arith.index_cast %scan3A_303 : i32 to index
        %swap3A_479 = arith.constant 32 : index
        %swap3A_480 = tpu.vector_load %arg11[%swap3A_476, %swap3A_477, %swap3A_478, %swap3A_479] {strides = array<i32>} : memref<2x4x26x64xf32, #tpu.memory_space<vmem>>, vector<1x1x1x16xf32>,
        %swap3A_481 = vector.shape_cast %swap3A_480 : vector<1x1x1x16xf32> to vector<16xf32>
        %swap3A_482 = vector.shape_cast %sub3A_473 : vector<16xf32> to vector<1x1x1x16xf32>
        tpu.vector_store %arg11[%swap3A_476, %swap3A_477, %swap3A_478, %swap3A_479], %swap3A_482 {strides = array<i32>} : memref<2x4x26x64xf32, #tpu.memory_space<vmem>>, vector<1x1x1x16xf32>,
        %add3A_483 = arith.addf %get3A_433, %add3A_472 : vector<16xf32>
        %swap3A_484 = arith.constant 1 : i32
        %swap3A_485 = arith.constant 0 : i32
        %swap3A_486 = arith.index_cast %swap3A_484 : i32 to index
        %swap3A_487 = arith.index_cast %swap3A_485 : i32 to index
        %swap3A_488 = arith.index_cast %scan3A_303 : i32 to index
        %swap3A_489 = arith.constant 32 : index
        %swap3A_490 = tpu.vector_load %arg12[%swap3A_486, %swap3A_487, %swap3A_488, %swap3A_489] {strides = array<i32>} : memref<2x4x26x64xf32, #tpu.memory_space<vmem>>, vector<1x1x1x16xf32>,
        %swap3A_491 = vector.shape_cast %swap3A_490 : vector<1x1x1x16xf32> to vector<16xf32>
        %swap3A_492 = vector.shape_cast %add3A_483 : vector<16xf32> to vector<1x1x1x16xf32>
        tpu.vector_store %arg12[%swap3A_486, %swap3A_487, %swap3A_488, %swap3A_489], %swap3A_492 {strides = array<i32>} : memref<2x4x26x64xf32, #tpu.memory_space<vmem>>, vector<1x1x1x16xf32>,
        %get3A_493 = arith.constant 1 : i32
        %get3A_494 = arith.index_cast %get3A_493 : i32 to index
        %get3A_495 = arith.index_cast %add3A_305 : i32 to index
        %get3A_496 = arith.constant 48 : index
        %get3A_497 = tpu.vector_load %arg9[%get3A_494, %get3A_495, %get3A_496] {strides = array<i32>} : memref<2x104x64xf32, #tpu.memory_space<vmem>>, vector<1x1x16xf32>,
        %get3A_498 = vector.shape_cast %get3A_497 : vector<1x1x16xf32> to vector<16xf32>
        %get3A_499 = arith.constant 1 : i32
        %get3A_500 = arith.index_cast %get3A_499 : i32 to index
        %get3A_501 = arith.index_cast %add3A_305 : i32 to index
        %get3A_502 = arith.constant 48 : index
        %get3A_503 = tpu.vector_load %arg10[%get3A_500, %get3A_501, %get3A_502] {strides = array<i32>} : memref<2x104x64xf32, #tpu.memory_space<vmem>>, vector<1x1x16xf32>,
        %get3A_504 = vector.shape_cast %get3A_503 : vector<1x1x16xf32> to vector<16xf32>
        %abs3A_505 = math.absf %get3A_504 : vector<16xf32>
        %neg3A_506 = arith.constant 0.000000e+00 : f32
        %neg3A_507 = vector.broadcast %neg3A_506 : f32 to vector<16xf32>
        %neg3A_508 = arith.subf %neg3A_507, %abs3A_505 : vector<16xf32>
        %exp3A_509 = math.exp %neg3A_508 : vector<16xf32>
        %add3A_510 = arith.constant 2.000000e+00 : f32
        %add3A_511 = vector.broadcast %add3A_510 : f32 to vector<16xf32>
        %add3A_512 = arith.addf %exp3A_509, %add3A_511 : vector<16xf32>
        %div3A_513 = arith.divf %exp3A_509, %add3A_512 : vector<16xf32>
        %mul3A_514 = arith.mulf %div3A_513, %div3A_513 : vector<16xf32>
        %max3A_515 = arith.constant 0.000000e+00 : f32
        %max3A_516 = vector.broadcast %max3A_515 : f32 to vector<16xf32>
        %max3A_517 = arith.maximumf %get3A_504, %max3A_516 : vector<16xf32>
        %mul3A_518 = arith.constant 0.222222224 : f32
        %mul3A_519 = vector.broadcast %mul3A_518 : f32 to vector<16xf32>
        %mul3A_520 = arith.mulf %mul3A_514, %mul3A_519 : vector<16xf32>
        %add3A_521 = arith.constant 0.285714298 : f32
        %add3A_522 = vector.broadcast %add3A_521 : f32 to vector<16xf32>
        %add3A_523 = arith.addf %add3A_522, %mul3A_520 : vector<16xf32>
        %mul3A_524 = arith.mulf %mul3A_514, %add3A_523 : vector<16xf32>
        %add3A_525 = arith.constant 4.000000e-01 : f32
        %add3A_526 = vector.broadcast %add3A_525 : f32 to vector<16xf32>
        %add3A_527 = arith.addf %add3A_526, %mul3A_524 : vector<16xf32>
        %mul3A_528 = arith.mulf %mul3A_514, %add3A_527 : vector<16xf32>
        %add3A_529 = arith.constant 0.666666686 : f32
        %add3A_530 = vector.broadcast %add3A_529 : f32 to vector<16xf32>
        %add3A_531 = arith.addf %add3A_530, %mul3A_528 : vector<16xf32>
        %mul3A_532 = arith.mulf %mul3A_514, %add3A_531 : vector<16xf32>
        %add3A_533 = arith.constant 2.000000e+00 : f32
        %add3A_534 = vector.broadcast %add3A_533 : f32 to vector<16xf32>
        %add3A_535 = arith.addf %add3A_534, %mul3A_532 : vector<16xf32>
        %mul3A_536 = arith.mulf %div3A_513, %add3A_535 : vector<16xf32>
        %add3A_537 = arith.addf %max3A_517, %mul3A_536 : vector<16xf32>
        %sub3A_538 = arith.subf %get3A_498, %add3A_537 : vector<16xf32>
        %swap3A_539 = arith.constant 1 : i32
        %swap3A_540 = arith.constant 0 : i32
        %swap3A_541 = arith.index_cast %swap3A_539 : i32 to index
        %swap3A_542 = arith.index_cast %swap3A_540 : i32 to index
        %swap3A_543 = arith.index_cast %scan3A_303 : i32 to index
        %swap3A_544 = arith.constant 48 : index
        %swap3A_545 = tpu.vector_load %arg11[%swap3A_541, %swap3A_542, %swap3A_543, %swap3A_544] {strides = array<i32>} : memref<2x4x26x64xf32, #tpu.memory_space<vmem>>, vector<1x1x1x16xf32>,
        %swap3A_546 = vector.shape_cast %swap3A_545 : vector<1x1x1x16xf32> to vector<16xf32>
        %swap3A_547 = vector.shape_cast %sub3A_538 : vector<16xf32> to vector<1x1x1x16xf32>
        tpu.vector_store %arg11[%swap3A_541, %swap3A_542, %swap3A_543, %swap3A_544], %swap3A_547 {strides = array<i32>} : memref<2x4x26x64xf32, #tpu.memory_space<vmem>>, vector<1x1x1x16xf32>,
        %add3A_548 = arith.addf %get3A_498, %add3A_537 : vector<16xf32>
        %swap3A_549 = arith.constant 1 : i32
        %swap3A_550 = arith.constant 0 : i32
        %swap3A_551 = arith.index_cast %swap3A_549 : i32 to index
        %swap3A_552 = arith.index_cast %swap3A_550 : i32 to index
        %swap3A_553 = arith.index_cast %scan3A_303 : i32 to index
        %swap3A_554 = arith.constant 48 : index
        %swap3A_555 = tpu.vector_load %arg12[%swap3A_551, %swap3A_552, %swap3A_553, %swap3A_554] {strides = array<i32>} : memref<2x4x26x64xf32, #tpu.memory_space<vmem>>, vector<1x1x1x16xf32>,
        %swap3A_556 = vector.shape_cast %swap3A_555 : vector<1x1x1x16xf32> to vector<16xf32>
        %swap3A_557 = vector.shape_cast %add3A_548 : vector<16xf32> to vector<1x1x1x16xf32>
        tpu.vector_store %arg12[%swap3A_551, %swap3A_552, %swap3A_553, %swap3A_554], %swap3A_557 {strides = array<i32>} : memref<2x4x26x64xf32, #tpu.memory_space<vmem>>, vector<1x1x1x16xf32>,
      }
      %scan3A_247 = arith.constant 26 : i32
      %scan3A_248 = arith.constant 0 : i32
      %scan3A_249 = arith.constant 0 : i32
      %scan3A_250 = arith.constant 26 : i32
      %scan3A_251 = arith.addi %scan3A_249, %scan3A_250 : i32
      %scan3A_252 = arith.constant 1 : i32
      scf.for %scan3A_303 = %scan3A_249 to %scan3A_251 step %scan3A_252  : i32 {
        %add3A_304 = arith.constant 26 : i32
        %add3A_305 = arith.addi %add3A_304, %scan3A_303 : i32
        %get3A = arith.constant 1 : i32
        %get3A_306 = arith.index_cast %get3A : i32 to index
        %get3A_307 = arith.index_cast %add3A_305 : i32 to index
        %get3A_308 = arith.constant 0 : index
        %get3A_309 = tpu.vector_load %arg9[%get3A_306, %get3A_307, %get3A_308] {strides = array<i32>} : memref<2x104x64xf32, #tpu.memory_space<vmem>>, vector<1x1x16xf32>,
        %get3A_310 = vector.shape_cast %get3A_309 : vector<1x1x16xf32> to vector<16xf32>
        %get3A_311 = arith.constant 1 : i32
        %get3A_312 = arith.index_cast %get3A_311 : i32 to index
        %get3A_313 = arith.index_cast %add3A_305 : i32 to index
        %get3A_314 = arith.constant 0 : index
        %get3A_315 = tpu.vector_load %arg10[%get3A_312, %get3A_313, %get3A_314] {strides = array<i32>} : memref<2x104x64xf32, #tpu.memory_space<vmem>>, vector<1x1x16xf32>,
        %get3A_316 = vector.shape_cast %get3A_315 : vector<1x1x16xf32> to vector<16xf32>
        %abs3A = math.absf %get3A_316 : vector<16xf32>
        %neg3A = arith.constant 0.000000e+00 : f32
        %neg3A_317 = vector.broadcast %neg3A : f32 to vector<16xf32>
        %neg3A_318 = arith.subf %neg3A_317, %abs3A : vector<16xf32>
        %exp3A = math.exp %neg3A_318 : vector<16xf32>
        %add3A_319 = arith.constant 2.000000e+00 : f32
        %add3A_320 = vector.broadcast %add3A_319 : f32 to vector<16xf32>
        %add3A_321 = arith.addf %exp3A, %add3A_320 : vector<16xf32>
        %div3A = arith.divf %exp3A, %add3A_321 : vector<16xf32>
        %mul3A_322 = arith.mulf %div3A, %div3A : vector<16xf32>
        %max3A = arith.constant 0.000000e+00 : f32
        %max3A_323 = vector.broadcast %max3A : f32 to vector<16xf32>
        %max3A_324 = arith.maximumf %get3A_316, %max3A_323 : vector<16xf32>
        %mul3A_325 = arith.constant 0.222222224 : f32
        %mul3A_326 = vector.broadcast %mul3A_325 : f32 to vector<16xf32>
        %mul3A_327 = arith.mulf %mul3A_322, %mul3A_326 : vector<16xf32>
        %add3A_328 = arith.constant 0.285714298 : f32
        %add3A_329 = vector.broadcast %add3A_328 : f32 to vector<16xf32>
        %add3A_330 = arith.addf %add3A_329, %mul3A_327 : vector<16xf32>
        %mul3A_331 = arith.mulf %mul3A_322, %add3A_330 : vector<16xf32>
        %add3A_332 = arith.constant 4.000000e-01 : f32
        %add3A_333 = vector.broadcast %add3A_332 : f32 to vector<16xf32>
        %add3A_334 = arith.addf %add3A_333, %mul3A_331 : vector<16xf32>
        %mul3A_335 = arith.mulf %mul3A_322, %add3A_334 : vector<16xf32>
        %add3A_336 = arith.constant 0.666666686 : f32
        %add3A_337 = vector.broadcast %add3A_336 : f32 to vector<16xf32>
        %add3A_338 = arith.addf %add3A_337, %mul3A_335 : vector<16xf32>
        %mul3A_339 = arith.mulf %mul3A_322, %add3A_338 : vector<16xf32>
        %add3A_340 = arith.constant 2.000000e+00 : f32
        %add3A_341 = vector.broadcast %add3A_340 : f32 to vector<16xf32>
        %add3A_342 = arith.addf %add3A_341, %mul3A_339 : vector<16xf32>
        %mul3A_343 = arith.mulf %div3A, %add3A_342 : vector<16xf32>
        %add3A_344 = arith.addf %max3A_324, %mul3A_343 : vector<16xf32>
        %sub3A = arith.subf %get3A_310, %add3A_344 : vector<16xf32>
        %swap3A = arith.constant 1 : i32
        %swap3A_345 = arith.constant 1 : i32
        %swap3A_346 = arith.index_cast %swap3A : i32 to index
        %swap3A_347 = arith.index_cast %swap3A_345 : i32 to index
        %swap3A_348 = arith.index_cast %scan3A_303 : i32 to index
        %swap3A_349 = arith.constant 0 : index
        %swap3A_350 = tpu.vector_load %arg11[%swap3A_346, %swap3A_347, %swap3A_348, %swap3A_349] {strides = array<i32>} : memref<2x4x26x64xf32, #tpu.memory_space<vmem>>, vector<1x1x1x16xf32>,
        %swap3A_351 = vector.shape_cast %swap3A_350 : vector<1x1x1x16xf32> to vector<16xf32>
        %swap3A_352 = vector.shape_cast %sub3A : vector<16xf32> to vector<1x1x1x16xf32>
        tpu.vector_store %arg11[%swap3A_346, %swap3A_347, %swap3A_348, %swap3A_349], %swap3A_352 {strides = array<i32>} : memref<2x4x26x64xf32, #tpu.memory_space<vmem>>, vector<1x1x1x16xf32>,
        %add3A_353 = arith.addf %get3A_310, %add3A_344 : vector<16xf32>
        %swap3A_354 = arith.constant 1 : i32
        %swap3A_355 = arith.constant 1 : i32
        %swap3A_356 = arith.index_cast %swap3A_354 : i32 to index
        %swap3A_357 = arith.index_cast %swap3A_355 : i32 to index
        %swap3A_358 = arith.index_cast %scan3A_303 : i32 to index
        %swap3A_359 = arith.constant 0 : index
        %swap3A_360 = tpu.vector_load %arg12[%swap3A_356, %swap3A_357, %swap3A_358, %swap3A_359] {strides = array<i32>} : memref<2x4x26x64xf32, #tpu.memory_space<vmem>>, vector<1x1x1x16xf32>,
        %swap3A_361 = vector.shape_cast %swap3A_360 : vector<1x1x1x16xf32> to vector<16xf32>
        %swap3A_362 = vector.shape_cast %add3A_353 : vector<16xf32> to vector<1x1x1x16xf32>
        tpu.vector_store %arg12[%swap3A_356, %swap3A_357, %swap3A_358, %swap3A_359], %swap3A_362 {strides = array<i32>} : memref<2x4x26x64xf32, #tpu.memory_space<vmem>>, vector<1x1x1x16xf32>,
        %get3A_363 = arith.constant 1 : i32
        %get3A_364 = arith.index_cast %get3A_363 : i32 to index
        %get3A_365 = arith.index_cast %add3A_305 : i32 to index
        %get3A_366 = arith.constant 16 : index
        %get3A_367 = tpu.vector_load %arg9[%get3A_364, %get3A_365, %get3A_366] {strides = array<i32>} : memref<2x104x64xf32, #tpu.memory_space<vmem>>, vector<1x1x16xf32>,
        %get3A_368 = vector.shape_cast %get3A_367 : vector<1x1x16xf32> to vector<16xf32>
        %get3A_369 = arith.constant 1 : i32
        %get3A_370 = arith.index_cast %get3A_369 : i32 to index
        %get3A_371 = arith.index_cast %add3A_305 : i32 to index
        %get3A_372 = arith.constant 16 : index
        %get3A_373 = tpu.vector_load %arg10[%get3A_370, %get3A_371, %get3A_372] {strides = array<i32>} : memref<2x104x64xf32, #tpu.memory_space<vmem>>, vector<1x1x16xf32>,
        %get3A_374 = vector.shape_cast %get3A_373 : vector<1x1x16xf32> to vector<16xf32>
        %abs3A_375 = math.absf %get3A_374 : vector<16xf32>
        %neg3A_376 = arith.constant 0.000000e+00 : f32
        %neg3A_377 = vector.broadcast %neg3A_376 : f32 to vector<16xf32>
        %neg3A_378 = arith.subf %neg3A_377, %abs3A_375 : vector<16xf32>
        %exp3A_379 = math.exp %neg3A_378 : vector<16xf32>
        %add3A_380 = arith.constant 2.000000e+00 : f32
        %add3A_381 = vector.broadcast %add3A_380 : f32 to vector<16xf32>
        %add3A_382 = arith.addf %exp3A_379, %add3A_381 : vector<16xf32>
        %div3A_383 = arith.divf %exp3A_379, %add3A_382 : vector<16xf32>
        %mul3A_384 = arith.mulf %div3A_383, %div3A_383 : vector<16xf32>
        %max3A_385 = arith.constant 0.000000e+00 : f32
        %max3A_386 = vector.broadcast %max3A_385 : f32 to vector<16xf32>
        %max3A_387 = arith.maximumf %get3A_374, %max3A_386 : vector<16xf32>
        %mul3A_388 = arith.constant 0.222222224 : f32
        %mul3A_389 = vector.broadcast %mul3A_388 : f32 to vector<16xf32>
        %mul3A_390 = arith.mulf %mul3A_384, %mul3A_389 : vector<16xf32>
        %add3A_391 = arith.constant 0.285714298 : f32
        %add3A_392 = vector.broadcast %add3A_391 : f32 to vector<16xf32>
        %add3A_393 = arith.addf %add3A_392, %mul3A_390 : vector<16xf32>
        %mul3A_394 = arith.mulf %mul3A_384, %add3A_393 : vector<16xf32>
        %add3A_395 = arith.constant 4.000000e-01 : f32
        %add3A_396 = vector.broadcast %add3A_395 : f32 to vector<16xf32>
        %add3A_397 = arith.addf %add3A_396, %mul3A_394 : vector<16xf32>
        %mul3A_398 = arith.mulf %mul3A_384, %add3A_397 : vector<16xf32>
        %add3A_399 = arith.constant 0.666666686 : f32
        %add3A_400 = vector.broadcast %add3A_399 : f32 to vector<16xf32>
        %add3A_401 = arith.addf %add3A_400, %mul3A_398 : vector<16xf32>
        %mul3A_402 = arith.mulf %mul3A_384, %add3A_401 : vector<16xf32>
        %add3A_403 = arith.constant 2.000000e+00 : f32
        %add3A_404 = vector.broadcast %add3A_403 : f32 to vector<16xf32>
        %add3A_405 = arith.addf %add3A_404, %mul3A_402 : vector<16xf32>
        %mul3A_406 = arith.mulf %div3A_383, %add3A_405 : vector<16xf32>
        %add3A_407 = arith.addf %max3A_387, %mul3A_406 : vector<16xf32>
        %sub3A_408 = arith.subf %get3A_368, %add3A_407 : vector<16xf32>
        %swap3A_409 = arith.constant 1 : i32
        %swap3A_410 = arith.constant 1 : i32
        %swap3A_411 = arith.index_cast %swap3A_409 : i32 to index
        %swap3A_412 = arith.index_cast %swap3A_410 : i32 to index
        %swap3A_413 = arith.index_cast %scan3A_303 : i32 to index
        %swap3A_414 = arith.constant 16 : index
        %swap3A_415 = tpu.vector_load %arg11[%swap3A_411, %swap3A_412, %swap3A_413, %swap3A_414] {strides = array<i32>} : memref<2x4x26x64xf32, #tpu.memory_space<vmem>>, vector<1x1x1x16xf32>,
        %swap3A_416 = vector.shape_cast %swap3A_415 : vector<1x1x1x16xf32> to vector<16xf32>
        %swap3A_417 = vector.shape_cast %sub3A_408 : vector<16xf32> to vector<1x1x1x16xf32>
        tpu.vector_store %arg11[%swap3A_411, %swap3A_412, %swap3A_413, %swap3A_414], %swap3A_417 {strides = array<i32>} : memref<2x4x26x64xf32, #tpu.memory_space<vmem>>, vector<1x1x1x16xf32>,
        %add3A_418 = arith.addf %get3A_368, %add3A_407 : vector<16xf32>
        %swap3A_419 = arith.constant 1 : i32
        %swap3A_420 = arith.constant 1 : i32
        %swap3A_421 = arith.index_cast %swap3A_419 : i32 to index
        %swap3A_422 = arith.index_cast %swap3A_420 : i32 to index
        %swap3A_423 = arith.index_cast %scan3A_303 : i32 to index
        %swap3A_424 = arith.constant 16 : index
        %swap3A_425 = tpu.vector_load %arg12[%swap3A_421, %swap3A_422, %swap3A_423, %swap3A_424] {strides = array<i32>} : memref<2x4x26x64xf32, #tpu.memory_space<vmem>>, vector<1x1x1x16xf32>,
        %swap3A_426 = vector.shape_cast %swap3A_425 : vector<1x1x1x16xf32> to vector<16xf32>
        %swap3A_427 = vector.shape_cast %add3A_418 : vector<16xf32> to vector<1x1x1x16xf32>
        tpu.vector_store %arg12[%swap3A_421, %swap3A_422, %swap3A_423, %swap3A_424], %swap3A_427 {strides = array<i32>} : memref<2x4x26x64xf32, #tpu.memory_space<vmem>>, vector<1x1x1x16xf32>,
        %get3A_428 = arith.constant 1 : i32
        %get3A_429 = arith.index_cast %get3A_428 : i32 to index
        %get3A_430 = arith.index_cast %add3A_305 : i32 to index
        %get3A_431 = arith.constant 32 : index
        %get3A_432 = tpu.vector_load %arg9[%get3A_429, %get3A_430, %get3A_431] {strides = array<i32>} : memref<2x104x64xf32, #tpu.memory_space<vmem>>, vector<1x1x16xf32>,
        %get3A_433 = vector.shape_cast %get3A_432 : vector<1x1x16xf32> to vector<16xf32>
        %get3A_434 = arith.constant 1 : i32
        %get3A_435 = arith.index_cast %get3A_434 : i32 to index
        %get3A_436 = arith.index_cast %add3A_305 : i32 to index
        %get3A_437 = arith.constant 32 : index
        %get3A_438 = tpu.vector_load %arg10[%get3A_435, %get3A_436, %get3A_437] {strides = array<i32>} : memref<2x104x64xf32, #tpu.memory_space<vmem>>, vector<1x1x16xf32>,
        %get3A_439 = vector.shape_cast %get3A_438 : vector<1x1x16xf32> to vector<16xf32>
        %abs3A_440 = math.absf %get3A_439 : vector<16xf32>
        %neg3A_441 = arith.constant 0.000000e+00 : f32
        %neg3A_442 = vector.broadcast %neg3A_441 : f32 to vector<16xf32>
        %neg3A_443 = arith.subf %neg3A_442, %abs3A_440 : vector<16xf32>
        %exp3A_444 = math.exp %neg3A_443 : vector<16xf32>
        %add3A_445 = arith.constant 2.000000e+00 : f32
        %add3A_446 = vector.broadcast %add3A_445 : f32 to vector<16xf32>
        %add3A_447 = arith.addf %exp3A_444, %add3A_446 : vector<16xf32>
        %div3A_448 = arith.divf %exp3A_444, %add3A_447 : vector<16xf32>
        %mul3A_449 = arith.mulf %div3A_448, %div3A_448 : vector<16xf32>
        %max3A_450 = arith.constant 0.000000e+00 : f32
        %max3A_451 = vector.broadcast %max3A_450 : f32 to vector<16xf32>
        %max3A_452 = arith.maximumf %get3A_439, %max3A_451 : vector<16xf32>
        %mul3A_453 = arith.constant 0.222222224 : f32
        %mul3A_454 = vector.broadcast %mul3A_453 : f32 to vector<16xf32>
        %mul3A_455 = arith.mulf %mul3A_449, %mul3A_454 : vector<16xf32>
        %add3A_456 = arith.constant 0.285714298 : f32
        %add3A_457 = vector.broadcast %add3A_456 : f32 to vector<16xf32>
        %add3A_458 = arith.addf %add3A_457, %mul3A_455 : vector<16xf32>
        %mul3A_459 = arith.mulf %mul3A_449, %add3A_458 : vector<16xf32>
        %add3A_460 = arith.constant 4.000000e-01 : f32
        %add3A_461 = vector.broadcast %add3A_460 : f32 to vector<16xf32>
        %add3A_462 = arith.addf %add3A_461, %mul3A_459 : vector<16xf32>
        %mul3A_463 = arith.mulf %mul3A_449, %add3A_462 : vector<16xf32>
        %add3A_464 = arith.constant 0.666666686 : f32
        %add3A_465 = vector.broadcast %add3A_464 : f32 to vector<16xf32>
        %add3A_466 = arith.addf %add3A_465, %mul3A_463 : vector<16xf32>
        %mul3A_467 = arith.mulf %mul3A_449, %add3A_466 : vector<16xf32>
        %add3A_468 = arith.constant 2.000000e+00 : f32
        %add3A_469 = vector.broadcast %add3A_468 : f32 to vector<16xf32>
        %add3A_470 = arith.addf %add3A_469, %mul3A_467 : vector<16xf32>
        %mul3A_471 = arith.mulf %div3A_448, %add3A_470 : vector<16xf32>
        %add3A_472 = arith.addf %max3A_452, %mul3A_471 : vector<16xf32>
        %sub3A_473 = arith.subf %get3A_433, %add3A_472 : vector<16xf32>
        %swap3A_474 = arith.constant 1 : i32
        %swap3A_475 = arith.constant 1 : i32
        %swap3A_476 = arith.index_cast %swap3A_474 : i32 to index
        %swap3A_477 = arith.index_cast %swap3A_475 : i32 to index
        %swap3A_478 = arith.index_cast %scan3A_303 : i32 to index
        %swap3A_479 = arith.constant 32 : index
        %swap3A_480 = tpu.vector_load %arg11[%swap3A_476, %swap3A_477, %swap3A_478, %swap3A_479] {strides = array<i32>} : memref<2x4x26x64xf32, #tpu.memory_space<vmem>>, vector<1x1x1x16xf32>,
        %swap3A_481 = vector.shape_cast %swap3A_480 : vector<1x1x1x16xf32> to vector<16xf32>
        %swap3A_482 = vector.shape_cast %sub3A_473 : vector<16xf32> to vector<1x1x1x16xf32>
        tpu.vector_store %arg11[%swap3A_476, %swap3A_477, %swap3A_478, %swap3A_479], %swap3A_482 {strides = array<i32>} : memref<2x4x26x64xf32, #tpu.memory_space<vmem>>, vector<1x1x1x16xf32>,
        %add3A_483 = arith.addf %get3A_433, %add3A_472 : vector<16xf32>
        %swap3A_484 = arith.constant 1 : i32
        %swap3A_485 = arith.constant 1 : i32
        %swap3A_486 = arith.index_cast %swap3A_484 : i32 to index
        %swap3A_487 = arith.index_cast %swap3A_485 : i32 to index
        %swap3A_488 = arith.index_cast %scan3A_303 : i32 to index
        %swap3A_489 = arith.constant 32 : index
        %swap3A_490 = tpu.vector_load %arg12[%swap3A_486, %swap3A_487, %swap3A_488, %swap3A_489] {strides = array<i32>} : memref<2x4x26x64xf32, #tpu.memory_space<vmem>>, vector<1x1x1x16xf32>,
        %swap3A_491 = vector.shape_cast %swap3A_490 : vector<1x1x1x16xf32> to vector<16xf32>
        %swap3A_492 = vector.shape_cast %add3A_483 : vector<16xf32> to vector<1x1x1x16xf32>
        tpu.vector_store %arg12[%swap3A_486, %swap3A_487, %swap3A_488, %swap3A_489], %swap3A_492 {strides = array<i32>} : memref<2x4x26x64xf32, #tpu.memory_space<vmem>>, vector<1x1x1x16xf32>,
        %get3A_493 = arith.constant 1 : i32
        %get3A_494 = arith.index_cast %get3A_493 : i32 to index
        %get3A_495 = arith.index_cast %add3A_305 : i32 to index
        %get3A_496 = arith.constant 48 : index
        %get3A_497 = tpu.vector_load %arg9[%get3A_494, %get3A_495, %get3A_496] {strides = array<i32>} : memref<2x104x64xf32, #tpu.memory_space<vmem>>, vector<1x1x16xf32>,
        %get3A_498 = vector.shape_cast %get3A_497 : vector<1x1x16xf32> to vector<16xf32>
        %get3A_499 = arith.constant 1 : i32
        %get3A_500 = arith.index_cast %get3A_499 : i32 to index
        %get3A_501 = arith.index_cast %add3A_305 : i32 to index
        %get3A_502 = arith.constant 48 : index
        %get3A_503 = tpu.vector_load %arg10[%get3A_500, %get3A_501, %get3A_502] {strides = array<i32>} : memref<2x104x64xf32, #tpu.memory_space<vmem>>, vector<1x1x16xf32>,
        %get3A_504 = vector.shape_cast %get3A_503 : vector<1x1x16xf32> to vector<16xf32>
        %abs3A_505 = math.absf %get3A_504 : vector<16xf32>
        %neg3A_506 = arith.constant 0.000000e+00 : f32
        %neg3A_507 = vector.broadcast %neg3A_506 : f32 to vector<16xf32>
        %neg3A_508 = arith.subf %neg3A_507, %abs3A_505 : vector<16xf32>
        %exp3A_509 = math.exp %neg3A_508 : vector<16xf32>
        %add3A_510 = arith.constant 2.000000e+00 : f32
        %add3A_511 = vector.broadcast %add3A_510 : f32 to vector<16xf32>
        %add3A_512 = arith.addf %exp3A_509, %add3A_511 : vector<16xf32>
        %div3A_513 = arith.divf %exp3A_509, %add3A_512 : vector<16xf32>
        %mul3A_514 = arith.mulf %div3A_513, %div3A_513 : vector<16xf32>
        %max3A_515 = arith.constant 0.000000e+00 : f32
        %max3A_516 = vector.broadcast %max3A_515 : f32 to vector<16xf32>
        %max3A_517 = arith.maximumf %get3A_504, %max3A_516 : vector<16xf32>
        %mul3A_518 = arith.constant 0.222222224 : f32
        %mul3A_519 = vector.broadcast %mul3A_518 : f32 to vector<16xf32>
        %mul3A_520 = arith.mulf %mul3A_514, %mul3A_519 : vector<16xf32>
        %add3A_521 = arith.constant 0.285714298 : f32
        %add3A_522 = vector.broadcast %add3A_521 : f32 to vector<16xf32>
        %add3A_523 = arith.addf %add3A_522, %mul3A_520 : vector<16xf32>
        %mul3A_524 = arith.mulf %mul3A_514, %add3A_523 : vector<16xf32>
        %add3A_525 = arith.constant 4.000000e-01 : f32
        %add3A_526 = vector.broadcast %add3A_525 : f32 to vector<16xf32>
        %add3A_527 = arith.addf %add3A_526, %mul3A_524 : vector<16xf32>
        %mul3A_528 = arith.mulf %mul3A_514, %add3A_527 : vector<16xf32>
        %add3A_529 = arith.constant 0.666666686 : f32
        %add3A_530 = vector.broadcast %add3A_529 : f32 to vector<16xf32>
        %add3A_531 = arith.addf %add3A_530, %mul3A_528 : vector<16xf32>
        %mul3A_532 = arith.mulf %mul3A_514, %add3A_531 : vector<16xf32>
        %add3A_533 = arith.constant 2.000000e+00 : f32
        %add3A_534 = vector.broadcast %add3A_533 : f32 to vector<16xf32>
        %add3A_535 = arith.addf %add3A_534, %mul3A_532 : vector<16xf32>
        %mul3A_536 = arith.mulf %div3A_513, %add3A_535 : vector<16xf32>
        %add3A_537 = arith.addf %max3A_517, %mul3A_536 : vector<16xf32>
        %sub3A_538 = arith.subf %get3A_498, %add3A_537 : vector<16xf32>
        %swap3A_539 = arith.constant 1 : i32
        %swap3A_540 = arith.constant 1 : i32
        %swap3A_541 = arith.index_cast %swap3A_539 : i32 to index
        %swap3A_542 = arith.index_cast %swap3A_540 : i32 to index
        %swap3A_543 = arith.index_cast %scan3A_303 : i32 to index
        %swap3A_544 = arith.constant 48 : index
        %swap3A_545 = tpu.vector_load %arg11[%swap3A_541, %swap3A_542, %swap3A_543, %swap3A_544] {strides = array<i32>} : memref<2x4x26x64xf32, #tpu.memory_space<vmem>>, vector<1x1x1x16xf32>,
        %swap3A_546 = vector.shape_cast %swap3A_545 : vector<1x1x1x16xf32> to vector<16xf32>
        %swap3A_547 = vector.shape_cast %sub3A_538 : vector<16xf32> to vector<1x1x1x16xf32>
        tpu.vector_store %arg11[%swap3A_541, %swap3A_542, %swap3A_543, %swap3A_544], %swap3A_547 {strides = array<i32>} : memref<2x4x26x64xf32, #tpu.memory_space<vmem>>, vector<1x1x1x16xf32>,
        %add3A_548 = arith.addf %get3A_498, %add3A_537 : vector<16xf32>
        %swap3A_549 = arith.constant 1 : i32
        %swap3A_550 = arith.constant 1 : i32
        %swap3A_551 = arith.index_cast %swap3A_549 : i32 to index
        %swap3A_552 = arith.index_cast %swap3A_550 : i32 to index
        %swap3A_553 = arith.index_cast %scan3A_303 : i32 to index
        %swap3A_554 = arith.constant 48 : index
        %swap3A_555 = tpu.vector_load %arg12[%swap3A_551, %swap3A_552, %swap3A_553, %swap3A_554] {strides = array<i32>} : memref<2x4x26x64xf32, #tpu.memory_space<vmem>>, vector<1x1x1x16xf32>,
        %swap3A_556 = vector.shape_cast %swap3A_555 : vector<1x1x1x16xf32> to vector<16xf32>
        %swap3A_557 = vector.shape_cast %add3A_548 : vector<16xf32> to vector<1x1x1x16xf32>
        tpu.vector_store %arg12[%swap3A_551, %swap3A_552, %swap3A_553, %swap3A_554], %swap3A_557 {strides = array<i32>} : memref<2x4x26x64xf32, #tpu.memory_space<vmem>>, vector<1x1x1x16xf32>,
      }
      %scan3A_253 = arith.constant 26 : i32
      %scan3A_254 = arith.constant 0 : i32
      %scan3A_255 = arith.constant 0 : i32
      %scan3A_256 = arith.constant 26 : i32
      %scan3A_257 = arith.addi %scan3A_255, %scan3A_256 : i32
      %scan3A_258 = arith.constant 1 : i32
      scf.for %scan3A_303 = %scan3A_255 to %scan3A_257 step %scan3A_258  : i32 {
        %add3A_304 = arith.constant 52 : i32
        %add3A_305 = arith.addi %add3A_304, %scan3A_303 : i32
        %get3A = arith.constant 1 : i32
        %get3A_306 = arith.index_cast %get3A : i32 to index
        %get3A_307 = arith.index_cast %add3A_305 : i32 to index
        %get3A_308 = arith.constant 0 : index
        %get3A_309 = tpu.vector_load %arg9[%get3A_306, %get3A_307, %get3A_308] {strides = array<i32>} : memref<2x104x64xf32, #tpu.memory_space<vmem>>, vector<1x1x16xf32>,
        %get3A_310 = vector.shape_cast %get3A_309 : vector<1x1x16xf32> to vector<16xf32>
        %get3A_311 = arith.constant 1 : i32
        %get3A_312 = arith.index_cast %get3A_311 : i32 to index
        %get3A_313 = arith.index_cast %add3A_305 : i32 to index
        %get3A_314 = arith.constant 0 : index
        %get3A_315 = tpu.vector_load %arg10[%get3A_312, %get3A_313, %get3A_314] {strides = array<i32>} : memref<2x104x64xf32, #tpu.memory_space<vmem>>, vector<1x1x16xf32>,
        %get3A_316 = vector.shape_cast %get3A_315 : vector<1x1x16xf32> to vector<16xf32>
        %abs3A = math.absf %get3A_316 : vector<16xf32>
        %neg3A = arith.constant 0.000000e+00 : f32
        %neg3A_317 = vector.broadcast %neg3A : f32 to vector<16xf32>
        %neg3A_318 = arith.subf %neg3A_317, %abs3A : vector<16xf32>
        %exp3A = math.exp %neg3A_318 : vector<16xf32>
        %add3A_319 = arith.constant 2.000000e+00 : f32
        %add3A_320 = vector.broadcast %add3A_319 : f32 to vector<16xf32>
        %add3A_321 = arith.addf %exp3A, %add3A_320 : vector<16xf32>
        %div3A = arith.divf %exp3A, %add3A_321 : vector<16xf32>
        %mul3A_322 = arith.mulf %div3A, %div3A : vector<16xf32>
        %max3A = arith.constant 0.000000e+00 : f32
        %max3A_323 = vector.broadcast %max3A : f32 to vector<16xf32>
        %max3A_324 = arith.maximumf %get3A_316, %max3A_323 : vector<16xf32>
        %mul3A_325 = arith.constant 0.222222224 : f32
        %mul3A_326 = vector.broadcast %mul3A_325 : f32 to vector<16xf32>
        %mul3A_327 = arith.mulf %mul3A_322, %mul3A_326 : vector<16xf32>
        %add3A_328 = arith.constant 0.285714298 : f32
        %add3A_329 = vector.broadcast %add3A_328 : f32 to vector<16xf32>
        %add3A_330 = arith.addf %add3A_329, %mul3A_327 : vector<16xf32>
        %mul3A_331 = arith.mulf %mul3A_322, %add3A_330 : vector<16xf32>
        %add3A_332 = arith.constant 4.000000e-01 : f32
        %add3A_333 = vector.broadcast %add3A_332 : f32 to vector<16xf32>
        %add3A_334 = arith.addf %add3A_333, %mul3A_331 : vector<16xf32>
        %mul3A_335 = arith.mulf %mul3A_322, %add3A_334 : vector<16xf32>
        %add3A_336 = arith.constant 0.666666686 : f32
        %add3A_337 = vector.broadcast %add3A_336 : f32 to vector<16xf32>
        %add3A_338 = arith.addf %add3A_337, %mul3A_335 : vector<16xf32>
        %mul3A_339 = arith.mulf %mul3A_322, %add3A_338 : vector<16xf32>
        %add3A_340 = arith.constant 2.000000e+00 : f32
        %add3A_341 = vector.broadcast %add3A_340 : f32 to vector<16xf32>
        %add3A_342 = arith.addf %add3A_341, %mul3A_339 : vector<16xf32>
        %mul3A_343 = arith.mulf %div3A, %add3A_342 : vector<16xf32>
        %add3A_344 = arith.addf %max3A_324, %mul3A_343 : vector<16xf32>
        %sub3A = arith.subf %get3A_310, %add3A_344 : vector<16xf32>
        %swap3A = arith.constant 1 : i32
        %swap3A_345 = arith.constant 2 : i32
        %swap3A_346 = arith.index_cast %swap3A : i32 to index
        %swap3A_347 = arith.index_cast %swap3A_345 : i32 to index
        %swap3A_348 = arith.index_cast %scan3A_303 : i32 to index
        %swap3A_349 = arith.constant 0 : index
        %swap3A_350 = tpu.vector_load %arg11[%swap3A_346, %swap3A_347, %swap3A_348, %swap3A_349] {strides = array<i32>} : memref<2x4x26x64xf32, #tpu.memory_space<vmem>>, vector<1x1x1x16xf32>,
        %swap3A_351 = vector.shape_cast %swap3A_350 : vector<1x1x1x16xf32> to vector<16xf32>
        %swap3A_352 = vector.shape_cast %sub3A : vector<16xf32> to vector<1x1x1x16xf32>
        tpu.vector_store %arg11[%swap3A_346, %swap3A_347, %swap3A_348, %swap3A_349], %swap3A_352 {strides = array<i32>} : memref<2x4x26x64xf32, #tpu.memory_space<vmem>>, vector<1x1x1x16xf32>,
        %add3A_353 = arith.addf %get3A_310, %add3A_344 : vector<16xf32>
        %swap3A_354 = arith.constant 1 : i32
        %swap3A_355 = arith.constant 2 : i32
        %swap3A_356 = arith.index_cast %swap3A_354 : i32 to index
        %swap3A_357 = arith.index_cast %swap3A_355 : i32 to index
        %swap3A_358 = arith.index_cast %scan3A_303 : i32 to index
        %swap3A_359 = arith.constant 0 : index
        %swap3A_360 = tpu.vector_load %arg12[%swap3A_356, %swap3A_357, %swap3A_358, %swap3A_359] {strides = array<i32>} : memref<2x4x26x64xf32, #tpu.memory_space<vmem>>, vector<1x1x1x16xf32>,
        %swap3A_361 = vector.shape_cast %swap3A_360 : vector<1x1x1x16xf32> to vector<16xf32>
        %swap3A_362 = vector.shape_cast %add3A_353 : vector<16xf32> to vector<1x1x1x16xf32>
        tpu.vector_store %arg12[%swap3A_356, %swap3A_357, %swap3A_358, %swap3A_359], %swap3A_362 {strides = array<i32>} : memref<2x4x26x64xf32, #tpu.memory_space<vmem>>, vector<1x1x1x16xf32>,
        %get3A_363 = arith.constant 1 : i32
        %get3A_364 = arith.index_cast %get3A_363 : i32 to index
        %get3A_365 = arith.index_cast %add3A_305 : i32 to index
        %get3A_366 = arith.constant 16 : index
        %get3A_367 = tpu.vector_load %arg9[%get3A_364, %get3A_365, %get3A_366] {strides = array<i32>} : memref<2x104x64xf32, #tpu.memory_space<vmem>>, vector<1x1x16xf32>,
        %get3A_368 = vector.shape_cast %get3A_367 : vector<1x1x16xf32> to vector<16xf32>
        %get3A_369 = arith.constant 1 : i32
        %get3A_370 = arith.index_cast %get3A_369 : i32 to index
        %get3A_371 = arith.index_cast %add3A_305 : i32 to index
        %get3A_372 = arith.constant 16 : index
        %get3A_373 = tpu.vector_load %arg10[%get3A_370, %get3A_371, %get3A_372] {strides = array<i32>} : memref<2x104x64xf32, #tpu.memory_space<vmem>>, vector<1x1x16xf32>,
        %get3A_374 = vector.shape_cast %get3A_373 : vector<1x1x16xf32> to vector<16xf32>
        %abs3A_375 = math.absf %get3A_374 : vector<16xf32>
        %neg3A_376 = arith.constant 0.000000e+00 : f32
        %neg3A_377 = vector.broadcast %neg3A_376 : f32 to vector<16xf32>
        %neg3A_378 = arith.subf %neg3A_377, %abs3A_375 : vector<16xf32>
        %exp3A_379 = math.exp %neg3A_378 : vector<16xf32>
        %add3A_380 = arith.constant 2.000000e+00 : f32
        %add3A_381 = vector.broadcast %add3A_380 : f32 to vector<16xf32>
        %add3A_382 = arith.addf %exp3A_379, %add3A_381 : vector<16xf32>
        %div3A_383 = arith.divf %exp3A_379, %add3A_382 : vector<16xf32>
        %mul3A_384 = arith.mulf %div3A_383, %div3A_383 : vector<16xf32>
        %max3A_385 = arith.constant 0.000000e+00 : f32
        %max3A_386 = vector.broadcast %max3A_385 : f32 to vector<16xf32>
        %max3A_387 = arith.maximumf %get3A_374, %max3A_386 : vector<16xf32>
        %mul3A_388 = arith.constant 0.222222224 : f32
        %mul3A_389 = vector.broadcast %mul3A_388 : f32 to vector<16xf32>
        %mul3A_390 = arith.mulf %mul3A_384, %mul3A_389 : vector<16xf32>
        %add3A_391 = arith.constant 0.285714298 : f32
        %add3A_392 = vector.broadcast %add3A_391 : f32 to vector<16xf32>
        %add3A_393 = arith.addf %add3A_392, %mul3A_390 : vector<16xf32>
        %mul3A_394 = arith.mulf %mul3A_384, %add3A_393 : vector<16xf32>
        %add3A_395 = arith.constant 4.000000e-01 : f32
        %add3A_396 = vector.broadcast %add3A_395 : f32 to vector<16xf32>
        %add3A_397 = arith.addf %add3A_396, %mul3A_394 : vector<16xf32>
        %mul3A_398 = arith.mulf %mul3A_384, %add3A_397 : vector<16xf32>
        %add3A_399 = arith.constant 0.666666686 : f32
        %add3A_400 = vector.broadcast %add3A_399 : f32 to vector<16xf32>
        %add3A_401 = arith.addf %add3A_400, %mul3A_398 : vector<16xf32>
        %mul3A_402 = arith.mulf %mul3A_384, %add3A_401 : vector<16xf32>
        %add3A_403 = arith.constant 2.000000e+00 : f32
        %add3A_404 = vector.broadcast %add3A_403 : f32 to vector<16xf32>
        %add3A_405 = arith.addf %add3A_404, %mul3A_402 : vector<16xf32>
        %mul3A_406 = arith.mulf %div3A_383, %add3A_405 : vector<16xf32>
        %add3A_407 = arith.addf %max3A_387, %mul3A_406 : vector<16xf32>
        %sub3A_408 = arith.subf %get3A_368, %add3A_407 : vector<16xf32>
        %swap3A_409 = arith.constant 1 : i32
        %swap3A_410 = arith.constant 2 : i32
        %swap3A_411 = arith.index_cast %swap3A_409 : i32 to index
        %swap3A_412 = arith.index_cast %swap3A_410 : i32 to index
        %swap3A_413 = arith.index_cast %scan3A_303 : i32 to index
        %swap3A_414 = arith.constant 16 : index
        %swap3A_415 = tpu.vector_load %arg11[%swap3A_411, %swap3A_412, %swap3A_413, %swap3A_414] {strides = array<i32>} : memref<2x4x26x64xf32, #tpu.memory_space<vmem>>, vector<1x1x1x16xf32>,
        %swap3A_416 = vector.shape_cast %swap3A_415 : vector<1x1x1x16xf32> to vector<16xf32>
        %swap3A_417 = vector.shape_cast %sub3A_408 : vector<16xf32> to vector<1x1x1x16xf32>
        tpu.vector_store %arg11[%swap3A_411, %swap3A_412, %swap3A_413, %swap3A_414], %swap3A_417 {strides = array<i32>} : memref<2x4x26x64xf32, #tpu.memory_space<vmem>>, vector<1x1x1x16xf32>,
        %add3A_418 = arith.addf %get3A_368, %add3A_407 : vector<16xf32>
        %swap3A_419 = arith.constant 1 : i32
        %swap3A_420 = arith.constant 2 : i32
        %swap3A_421 = arith.index_cast %swap3A_419 : i32 to index
        %swap3A_422 = arith.index_cast %swap3A_420 : i32 to index
        %swap3A_423 = arith.index_cast %scan3A_303 : i32 to index
        %swap3A_424 = arith.constant 16 : index
        %swap3A_425 = tpu.vector_load %arg12[%swap3A_421, %swap3A_422, %swap3A_423, %swap3A_424] {strides = array<i32>} : memref<2x4x26x64xf32, #tpu.memory_space<vmem>>, vector<1x1x1x16xf32>,
        %swap3A_426 = vector.shape_cast %swap3A_425 : vector<1x1x1x16xf32> to vector<16xf32>
        %swap3A_427 = vector.shape_cast %add3A_418 : vector<16xf32> to vector<1x1x1x16xf32>
        tpu.vector_store %arg12[%swap3A_421, %swap3A_422, %swap3A_423, %swap3A_424], %swap3A_427 {strides = array<i32>} : memref<2x4x26x64xf32, #tpu.memory_space<vmem>>, vector<1x1x1x16xf32>,
        %get3A_428 = arith.constant 1 : i32
        %get3A_429 = arith.index_cast %get3A_428 : i32 to index
        %get3A_430 = arith.index_cast %add3A_305 : i32 to index
        %get3A_431 = arith.constant 32 : index
        %get3A_432 = tpu.vector_load %arg9[%get3A_429, %get3A_430, %get3A_431] {strides = array<i32>} : memref<2x104x64xf32, #tpu.memory_space<vmem>>, vector<1x1x16xf32>,
        %get3A_433 = vector.shape_cast %get3A_432 : vector<1x1x16xf32> to vector<16xf32>
        %get3A_434 = arith.constant 1 : i32
        %get3A_435 = arith.index_cast %get3A_434 : i32 to index
        %get3A_436 = arith.index_cast %add3A_305 : i32 to index
        %get3A_437 = arith.constant 32 : index
        %get3A_438 = tpu.vector_load %arg10[%get3A_435, %get3A_436, %get3A_437] {strides = array<i32>} : memref<2x104x64xf32, #tpu.memory_space<vmem>>, vector<1x1x16xf32>,
        %get3A_439 = vector.shape_cast %get3A_438 : vector<1x1x16xf32> to vector<16xf32>
        %abs3A_440 = math.absf %get3A_439 : vector<16xf32>
        %neg3A_441 = arith.constant 0.000000e+00 : f32
        %neg3A_442 = vector.broadcast %neg3A_441 : f32 to vector<16xf32>
        %neg3A_443 = arith.subf %neg3A_442, %abs3A_440 : vector<16xf32>
        %exp3A_444 = math.exp %neg3A_443 : vector<16xf32>
        %add3A_445 = arith.constant 2.000000e+00 : f32
        %add3A_446 = vector.broadcast %add3A_445 : f32 to vector<16xf32>
        %add3A_447 = arith.addf %exp3A_444, %add3A_446 : vector<16xf32>
        %div3A_448 = arith.divf %exp3A_444, %add3A_447 : vector<16xf32>
        %mul3A_449 = arith.mulf %div3A_448, %div3A_448 : vector<16xf32>
        %max3A_450 = arith.constant 0.000000e+00 : f32
        %max3A_451 = vector.broadcast %max3A_450 : f32 to vector<16xf32>
        %max3A_452 = arith.maximumf %get3A_439, %max3A_451 : vector<16xf32>
        %mul3A_453 = arith.constant 0.222222224 : f32
        %mul3A_454 = vector.broadcast %mul3A_453 : f32 to vector<16xf32>
        %mul3A_455 = arith.mulf %mul3A_449, %mul3A_454 : vector<16xf32>
        %add3A_456 = arith.constant 0.285714298 : f32
        %add3A_457 = vector.broadcast %add3A_456 : f32 to vector<16xf32>
        %add3A_458 = arith.addf %add3A_457, %mul3A_455 : vector<16xf32>
        %mul3A_459 = arith.mulf %mul3A_449, %add3A_458 : vector<16xf32>
        %add3A_460 = arith.constant 4.000000e-01 : f32
        %add3A_461 = vector.broadcast %add3A_460 : f32 to vector<16xf32>
        %add3A_462 = arith.addf %add3A_461, %mul3A_459 : vector<16xf32>
        %mul3A_463 = arith.mulf %mul3A_449, %add3A_462 : vector<16xf32>
        %add3A_464 = arith.constant 0.666666686 : f32
        %add3A_465 = vector.broadcast %add3A_464 : f32 to vector<16xf32>
        %add3A_466 = arith.addf %add3A_465, %mul3A_463 : vector<16xf32>
        %mul3A_467 = arith.mulf %mul3A_449, %add3A_466 : vector<16xf32>
        %add3A_468 = arith.constant 2.000000e+00 : f32
        %add3A_469 = vector.broadcast %add3A_468 : f32 to vector<16xf32>
        %add3A_470 = arith.addf %add3A_469, %mul3A_467 : vector<16xf32>
        %mul3A_471 = arith.mulf %div3A_448, %add3A_470 : vector<16xf32>
        %add3A_472 = arith.addf %max3A_452, %mul3A_471 : vector<16xf32>
        %sub3A_473 = arith.subf %get3A_433, %add3A_472 : vector<16xf32>
        %swap3A_474 = arith.constant 1 : i32
        %swap3A_475 = arith.constant 2 : i32
        %swap3A_476 = arith.index_cast %swap3A_474 : i32 to index
        %swap3A_477 = arith.index_cast %swap3A_475 : i32 to index
        %swap3A_478 = arith.index_cast %scan3A_303 : i32 to index
        %swap3A_479 = arith.constant 32 : index
        %swap3A_480 = tpu.vector_load %arg11[%swap3A_476, %swap3A_477, %swap3A_478, %swap3A_479] {strides = array<i32>} : memref<2x4x26x64xf32, #tpu.memory_space<vmem>>, vector<1x1x1x16xf32>,
        %swap3A_481 = vector.shape_cast %swap3A_480 : vector<1x1x1x16xf32> to vector<16xf32>
        %swap3A_482 = vector.shape_cast %sub3A_473 : vector<16xf32> to vector<1x1x1x16xf32>
        tpu.vector_store %arg11[%swap3A_476, %swap3A_477, %swap3A_478, %swap3A_479], %swap3A_482 {strides = array<i32>} : memref<2x4x26x64xf32, #tpu.memory_space<vmem>>, vector<1x1x1x16xf32>,
        %add3A_483 = arith.addf %get3A_433, %add3A_472 : vector<16xf32>
        %swap3A_484 = arith.constant 1 : i32
        %swap3A_485 = arith.constant 2 : i32
        %swap3A_486 = arith.index_cast %swap3A_484 : i32 to index
        %swap3A_487 = arith.index_cast %swap3A_485 : i32 to index
        %swap3A_488 = arith.index_cast %scan3A_303 : i32 to index
        %swap3A_489 = arith.constant 32 : index
        %swap3A_490 = tpu.vector_load %arg12[%swap3A_486, %swap3A_487, %swap3A_488, %swap3A_489] {strides = array<i32>} : memref<2x4x26x64xf32, #tpu.memory_space<vmem>>, vector<1x1x1x16xf32>,
        %swap3A_491 = vector.shape_cast %swap3A_490 : vector<1x1x1x16xf32> to vector<16xf32>
        %swap3A_492 = vector.shape_cast %add3A_483 : vector<16xf32> to vector<1x1x1x16xf32>
        tpu.vector_store %arg12[%swap3A_486, %swap3A_487, %swap3A_488, %swap3A_489], %swap3A_492 {strides = array<i32>} : memref<2x4x26x64xf32, #tpu.memory_space<vmem>>, vector<1x1x1x16xf32>,
        %get3A_493 = arith.constant 1 : i32
        %get3A_494 = arith.index_cast %get3A_493 : i32 to index
        %get3A_495 = arith.index_cast %add3A_305 : i32 to index
        %get3A_496 = arith.constant 48 : index
        %get3A_497 = tpu.vector_load %arg9[%get3A_494, %get3A_495, %get3A_496] {strides = array<i32>} : memref<2x104x64xf32, #tpu.memory_space<vmem>>, vector<1x1x16xf32>,
        %get3A_498 = vector.shape_cast %get3A_497 : vector<1x1x16xf32> to vector<16xf32>
        %get3A_499 = arith.constant 1 : i32
        %get3A_500 = arith.index_cast %get3A_499 : i32 to index
        %get3A_501 = arith.index_cast %add3A_305 : i32 to index
        %get3A_502 = arith.constant 48 : index
        %get3A_503 = tpu.vector_load %arg10[%get3A_500, %get3A_501, %get3A_502] {strides = array<i32>} : memref<2x104x64xf32, #tpu.memory_space<vmem>>, vector<1x1x16xf32>,
        %get3A_504 = vector.shape_cast %get3A_503 : vector<1x1x16xf32> to vector<16xf32>
        %abs3A_505 = math.absf %get3A_504 : vector<16xf32>
        %neg3A_506 = arith.constant 0.000000e+00 : f32
        %neg3A_507 = vector.broadcast %neg3A_506 : f32 to vector<16xf32>
        %neg3A_508 = arith.subf %neg3A_507, %abs3A_505 : vector<16xf32>
        %exp3A_509 = math.exp %neg3A_508 : vector<16xf32>
        %add3A_510 = arith.constant 2.000000e+00 : f32
        %add3A_511 = vector.broadcast %add3A_510 : f32 to vector<16xf32>
        %add3A_512 = arith.addf %exp3A_509, %add3A_511 : vector<16xf32>
        %div3A_513 = arith.divf %exp3A_509, %add3A_512 : vector<16xf32>
        %mul3A_514 = arith.mulf %div3A_513, %div3A_513 : vector<16xf32>
        %max3A_515 = arith.constant 0.000000e+00 : f32
        %max3A_516 = vector.broadcast %max3A_515 : f32 to vector<16xf32>
        %max3A_517 = arith.maximumf %get3A_504, %max3A_516 : vector<16xf32>
        %mul3A_518 = arith.constant 0.222222224 : f32
        %mul3A_519 = vector.broadcast %mul3A_518 : f32 to vector<16xf32>
        %mul3A_520 = arith.mulf %mul3A_514, %mul3A_519 : vector<16xf32>
        %add3A_521 = arith.constant 0.285714298 : f32
        %add3A_522 = vector.broadcast %add3A_521 : f32 to vector<16xf32>
        %add3A_523 = arith.addf %add3A_522, %mul3A_520 : vector<16xf32>
        %mul3A_524 = arith.mulf %mul3A_514, %add3A_523 : vector<16xf32>
        %add3A_525 = arith.constant 4.000000e-01 : f32
        %add3A_526 = vector.broadcast %add3A_525 : f32 to vector<16xf32>
        %add3A_527 = arith.addf %add3A_526, %mul3A_524 : vector<16xf32>
        %mul3A_528 = arith.mulf %mul3A_514, %add3A_527 : vector<16xf32>
        %add3A_529 = arith.constant 0.666666686 : f32
        %add3A_530 = vector.broadcast %add3A_529 : f32 to vector<16xf32>
        %add3A_531 = arith.addf %add3A_530, %mul3A_528 : vector<16xf32>
        %mul3A_532 = arith.mulf %mul3A_514, %add3A_531 : vector<16xf32>
        %add3A_533 = arith.constant 2.000000e+00 : f32
        %add3A_534 = vector.broadcast %add3A_533 : f32 to vector<16xf32>
        %add3A_535 = arith.addf %add3A_534, %mul3A_532 : vector<16xf32>
        %mul3A_536 = arith.mulf %div3A_513, %add3A_535 : vector<16xf32>
        %add3A_537 = arith.addf %max3A_517, %mul3A_536 : vector<16xf32>
        %sub3A_538 = arith.subf %get3A_498, %add3A_537 : vector<16xf32>
        %swap3A_539 = arith.constant 1 : i32
        %swap3A_540 = arith.constant 2 : i32
        %swap3A_541 = arith.index_cast %swap3A_539 : i32 to index
        %swap3A_542 = arith.index_cast %swap3A_540 : i32 to index
        %swap3A_543 = arith.index_cast %scan3A_303 : i32 to index
        %swap3A_544 = arith.constant 48 : index
        %swap3A_545 = tpu.vector_load %arg11[%swap3A_541, %swap3A_542, %swap3A_543, %swap3A_544] {strides = array<i32>} : memref<2x4x26x64xf32, #tpu.memory_space<vmem>>, vector<1x1x1x16xf32>,
        %swap3A_546 = vector.shape_cast %swap3A_545 : vector<1x1x1x16xf32> to vector<16xf32>
        %swap3A_547 = vector.shape_cast %sub3A_538 : vector<16xf32> to vector<1x1x1x16xf32>
        tpu.vector_store %arg11[%swap3A_541, %swap3A_542, %swap3A_543, %swap3A_544], %swap3A_547 {strides = array<i32>} : memref<2x4x26x64xf32, #tpu.memory_space<vmem>>, vector<1x1x1x16xf32>,
        %add3A_548 = arith.addf %get3A_498, %add3A_537 : vector<16xf32>
        %swap3A_549 = arith.constant 1 : i32
        %swap3A_550 = arith.constant 2 : i32
        %swap3A_551 = arith.index_cast %swap3A_549 : i32 to index
        %swap3A_552 = arith.index_cast %swap3A_550 : i32 to index
        %swap3A_553 = arith.index_cast %scan3A_303 : i32 to index
        %swap3A_554 = arith.constant 48 : index
        %swap3A_555 = tpu.vector_load %arg12[%swap3A_551, %swap3A_552, %swap3A_553, %swap3A_554] {strides = array<i32>} : memref<2x4x26x64xf32, #tpu.memory_space<vmem>>, vector<1x1x1x16xf32>,
        %swap3A_556 = vector.shape_cast %swap3A_555 : vector<1x1x1x16xf32> to vector<16xf32>
        %swap3A_557 = vector.shape_cast %add3A_548 : vector<16xf32> to vector<1x1x1x16xf32>
        tpu.vector_store %arg12[%swap3A_551, %swap3A_552, %swap3A_553, %swap3A_554], %swap3A_557 {strides = array<i32>} : memref<2x4x26x64xf32, #tpu.memory_space<vmem>>, vector<1x1x1x16xf32>,
      }
      %scan3A_259 = arith.constant 26 : i32
      %scan3A_260 = arith.constant 0 : i32
      %scan3A_261 = arith.constant 0 : i32
      %scan3A_262 = arith.constant 26 : i32
      %scan3A_263 = arith.addi %scan3A_261, %scan3A_262 : i32
      %scan3A_264 = arith.constant 1 : i32
      scf.for %scan3A_303 = %scan3A_261 to %scan3A_263 step %scan3A_264  : i32 {
        %add3A_304 = arith.constant 78 : i32
        %add3A_305 = arith.addi %add3A_304, %scan3A_303 : i32
        %get3A = arith.constant 1 : i32
        %get3A_306 = arith.index_cast %get3A : i32 to index
        %get3A_307 = arith.index_cast %add3A_305 : i32 to index
        %get3A_308 = arith.constant 0 : index
        %get3A_309 = tpu.vector_load %arg9[%get3A_306, %get3A_307, %get3A_308] {strides = array<i32>} : memref<2x104x64xf32, #tpu.memory_space<vmem>>, vector<1x1x16xf32>,
        %get3A_310 = vector.shape_cast %get3A_309 : vector<1x1x16xf32> to vector<16xf32>
        %get3A_311 = arith.constant 1 : i32
        %get3A_312 = arith.index_cast %get3A_311 : i32 to index
        %get3A_313 = arith.index_cast %add3A_305 : i32 to index
        %get3A_314 = arith.constant 0 : index
        %get3A_315 = tpu.vector_load %arg10[%get3A_312, %get3A_313, %get3A_314] {strides = array<i32>} : memref<2x104x64xf32, #tpu.memory_space<vmem>>, vector<1x1x16xf32>,
        %get3A_316 = vector.shape_cast %get3A_315 : vector<1x1x16xf32> to vector<16xf32>
        %abs3A = math.absf %get3A_316 : vector<16xf32>
        %neg3A = arith.constant 0.000000e+00 : f32
        %neg3A_317 = vector.broadcast %neg3A : f32 to vector<16xf32>
        %neg3A_318 = arith.subf %neg3A_317, %abs3A : vector<16xf32>
        %exp3A = math.exp %neg3A_318 : vector<16xf32>
        %add3A_319 = arith.constant 2.000000e+00 : f32
        %add3A_320 = vector.broadcast %add3A_319 : f32 to vector<16xf32>
        %add3A_321 = arith.addf %exp3A, %add3A_320 : vector<16xf32>
        %div3A = arith.divf %exp3A, %add3A_321 : vector<16xf32>
        %mul3A_322 = arith.mulf %div3A, %div3A : vector<16xf32>
        %max3A = arith.constant 0.000000e+00 : f32
        %max3A_323 = vector.broadcast %max3A : f32 to vector<16xf32>
        %max3A_324 = arith.maximumf %get3A_316, %max3A_323 : vector<16xf32>
        %mul3A_325 = arith.constant 0.222222224 : f32
        %mul3A_326 = vector.broadcast %mul3A_325 : f32 to vector<16xf32>
        %mul3A_327 = arith.mulf %mul3A_322, %mul3A_326 : vector<16xf32>
        %add3A_328 = arith.constant 0.285714298 : f32
        %add3A_329 = vector.broadcast %add3A_328 : f32 to vector<16xf32>
        %add3A_330 = arith.addf %add3A_329, %mul3A_327 : vector<16xf32>
        %mul3A_331 = arith.mulf %mul3A_322, %add3A_330 : vector<16xf32>
        %add3A_332 = arith.constant 4.000000e-01 : f32
        %add3A_333 = vector.broadcast %add3A_332 : f32 to vector<16xf32>
        %add3A_334 = arith.addf %add3A_333, %mul3A_331 : vector<16xf32>
        %mul3A_335 = arith.mulf %mul3A_322, %add3A_334 : vector<16xf32>
        %add3A_336 = arith.constant 0.666666686 : f32
        %add3A_337 = vector.broadcast %add3A_336 : f32 to vector<16xf32>
        %add3A_338 = arith.addf %add3A_337, %mul3A_335 : vector<16xf32>
        %mul3A_339 = arith.mulf %mul3A_322, %add3A_338 : vector<16xf32>
        %add3A_340 = arith.constant 2.000000e+00 : f32
        %add3A_341 = vector.broadcast %add3A_340 : f32 to vector<16xf32>
        %add3A_342 = arith.addf %add3A_341, %mul3A_339 : vector<16xf32>
        %mul3A_343 = arith.mulf %div3A, %add3A_342 : vector<16xf32>
        %add3A_344 = arith.addf %max3A_324, %mul3A_343 : vector<16xf32>
        %sub3A = arith.subf %get3A_310, %add3A_344 : vector<16xf32>
        %swap3A = arith.constant 1 : i32
        %swap3A_345 = arith.constant 3 : i32
        %swap3A_346 = arith.index_cast %swap3A : i32 to index
        %swap3A_347 = arith.index_cast %swap3A_345 : i32 to index
        %swap3A_348 = arith.index_cast %scan3A_303 : i32 to index
        %swap3A_349 = arith.constant 0 : index
        %swap3A_350 = tpu.vector_load %arg11[%swap3A_346, %swap3A_347, %swap3A_348, %swap3A_349] {strides = array<i32>} : memref<2x4x26x64xf32, #tpu.memory_space<vmem>>, vector<1x1x1x16xf32>,
        %swap3A_351 = vector.shape_cast %swap3A_350 : vector<1x1x1x16xf32> to vector<16xf32>
        %swap3A_352 = vector.shape_cast %sub3A : vector<16xf32> to vector<1x1x1x16xf32>
        tpu.vector_store %arg11[%swap3A_346, %swap3A_347, %swap3A_348, %swap3A_349], %swap3A_352 {strides = array<i32>} : memref<2x4x26x64xf32, #tpu.memory_space<vmem>>, vector<1x1x1x16xf32>,
        %add3A_353 = arith.addf %get3A_310, %add3A_344 : vector<16xf32>
        %swap3A_354 = arith.constant 1 : i32
        %swap3A_355 = arith.constant 3 : i32
        %swap3A_356 = arith.index_cast %swap3A_354 : i32 to index
        %swap3A_357 = arith.index_cast %swap3A_355 : i32 to index
        %swap3A_358 = arith.index_cast %scan3A_303 : i32 to index
        %swap3A_359 = arith.constant 0 : index
        %swap3A_360 = tpu.vector_load %arg12[%swap3A_356, %swap3A_357, %swap3A_358, %swap3A_359] {strides = array<i32>} : memref<2x4x26x64xf32, #tpu.memory_space<vmem>>, vector<1x1x1x16xf32>,
        %swap3A_361 = vector.shape_cast %swap3A_360 : vector<1x1x1x16xf32> to vector<16xf32>
        %swap3A_362 = vector.shape_cast %add3A_353 : vector<16xf32> to vector<1x1x1x16xf32>
        tpu.vector_store %arg12[%swap3A_356, %swap3A_357, %swap3A_358, %swap3A_359], %swap3A_362 {strides = array<i32>} : memref<2x4x26x64xf32, #tpu.memory_space<vmem>>, vector<1x1x1x16xf32>,
        %get3A_363 = arith.constant 1 : i32
        %get3A_364 = arith.index_cast %get3A_363 : i32 to index
        %get3A_365 = arith.index_cast %add3A_305 : i32 to index
        %get3A_366 = arith.constant 16 : index
        %get3A_367 = tpu.vector_load %arg9[%get3A_364, %get3A_365, %get3A_366] {strides = array<i32>} : memref<2x104x64xf32, #tpu.memory_space<vmem>>, vector<1x1x16xf32>,
        %get3A_368 = vector.shape_cast %get3A_367 : vector<1x1x16xf32> to vector<16xf32>
        %get3A_369 = arith.constant 1 : i32
        %get3A_370 = arith.index_cast %get3A_369 : i32 to index
        %get3A_371 = arith.index_cast %add3A_305 : i32 to index
        %get3A_372 = arith.constant 16 : index
        %get3A_373 = tpu.vector_load %arg10[%get3A_370, %get3A_371, %get3A_372] {strides = array<i32>} : memref<2x104x64xf32, #tpu.memory_space<vmem>>, vector<1x1x16xf32>,
        %get3A_374 = vector.shape_cast %get3A_373 : vector<1x1x16xf32> to vector<16xf32>
        %abs3A_375 = math.absf %get3A_374 : vector<16xf32>
        %neg3A_376 = arith.constant 0.000000e+00 : f32
        %neg3A_377 = vector.broadcast %neg3A_376 : f32 to vector<16xf32>
        %neg3A_378 = arith.subf %neg3A_377, %abs3A_375 : vector<16xf32>
        %exp3A_379 = math.exp %neg3A_378 : vector<16xf32>
        %add3A_380 = arith.constant 2.000000e+00 : f32
        %add3A_381 = vector.broadcast %add3A_380 : f32 to vector<16xf32>
        %add3A_382 = arith.addf %exp3A_379, %add3A_381 : vector<16xf32>
        %div3A_383 = arith.divf %exp3A_379, %add3A_382 : vector<16xf32>
        %mul3A_384 = arith.mulf %div3A_383, %div3A_383 : vector<16xf32>
        %max3A_385 = arith.constant 0.000000e+00 : f32
        %max3A_386 = vector.broadcast %max3A_385 : f32 to vector<16xf32>
        %max3A_387 = arith.maximumf %get3A_374, %max3A_386 : vector<16xf32>
        %mul3A_388 = arith.constant 0.222222224 : f32
        %mul3A_389 = vector.broadcast %mul3A_388 : f32 to vector<16xf32>
        %mul3A_390 = arith.mulf %mul3A_384, %mul3A_389 : vector<16xf32>
        %add3A_391 = arith.constant 0.285714298 : f32
        %add3A_392 = vector.broadcast %add3A_391 : f32 to vector<16xf32>
        %add3A_393 = arith.addf %add3A_392, %mul3A_390 : vector<16xf32>
        %mul3A_394 = arith.mulf %mul3A_384, %add3A_393 : vector<16xf32>
        %add3A_395 = arith.constant 4.000000e-01 : f32
        %add3A_396 = vector.broadcast %add3A_395 : f32 to vector<16xf32>
        %add3A_397 = arith.addf %add3A_396, %mul3A_394 : vector<16xf32>
        %mul3A_398 = arith.mulf %mul3A_384, %add3A_397 : vector<16xf32>
        %add3A_399 = arith.constant 0.666666686 : f32
        %add3A_400 = vector.broadcast %add3A_399 : f32 to vector<16xf32>
        %add3A_401 = arith.addf %add3A_400, %mul3A_398 : vector<16xf32>
        %mul3A_402 = arith.mulf %mul3A_384, %add3A_401 : vector<16xf32>
        %add3A_403 = arith.constant 2.000000e+00 : f32
        %add3A_404 = vector.broadcast %add3A_403 : f32 to vector<16xf32>
        %add3A_405 = arith.addf %add3A_404, %mul3A_402 : vector<16xf32>
        %mul3A_406 = arith.mulf %div3A_383, %add3A_405 : vector<16xf32>
        %add3A_407 = arith.addf %max3A_387, %mul3A_406 : vector<16xf32>
        %sub3A_408 = arith.subf %get3A_368, %add3A_407 : vector<16xf32>
        %swap3A_409 = arith.constant 1 : i32
        %swap3A_410 = arith.constant 3 : i32
        %swap3A_411 = arith.index_cast %swap3A_409 : i32 to index
        %swap3A_412 = arith.index_cast %swap3A_410 : i32 to index
        %swap3A_413 = arith.index_cast %scan3A_303 : i32 to index
        %swap3A_414 = arith.constant 16 : index
        %swap3A_415 = tpu.vector_load %arg11[%swap3A_411, %swap3A_412, %swap3A_413, %swap3A_414] {strides = array<i32>} : memref<2x4x26x64xf32, #tpu.memory_space<vmem>>, vector<1x1x1x16xf32>,
        %swap3A_416 = vector.shape_cast %swap3A_415 : vector<1x1x1x16xf32> to vector<16xf32>
        %swap3A_417 = vector.shape_cast %sub3A_408 : vector<16xf32> to vector<1x1x1x16xf32>
        tpu.vector_store %arg11[%swap3A_411, %swap3A_412, %swap3A_413, %swap3A_414], %swap3A_417 {strides = array<i32>} : memref<2x4x26x64xf32, #tpu.memory_space<vmem>>, vector<1x1x1x16xf32>,
        %add3A_418 = arith.addf %get3A_368, %add3A_407 : vector<16xf32>
        %swap3A_419 = arith.constant 1 : i32
        %swap3A_420 = arith.constant 3 : i32
        %swap3A_421 = arith.index_cast %swap3A_419 : i32 to index
        %swap3A_422 = arith.index_cast %swap3A_420 : i32 to index
        %swap3A_423 = arith.index_cast %scan3A_303 : i32 to index
        %swap3A_424 = arith.constant 16 : index
        %swap3A_425 = tpu.vector_load %arg12[%swap3A_421, %swap3A_422, %swap3A_423, %swap3A_424] {strides = array<i32>} : memref<2x4x26x64xf32, #tpu.memory_space<vmem>>, vector<1x1x1x16xf32>,
        %swap3A_426 = vector.shape_cast %swap3A_425 : vector<1x1x1x16xf32> to vector<16xf32>
        %swap3A_427 = vector.shape_cast %add3A_418 : vector<16xf32> to vector<1x1x1x16xf32>
        tpu.vector_store %arg12[%swap3A_421, %swap3A_422, %swap3A_423, %swap3A_424], %swap3A_427 {strides = array<i32>} : memref<2x4x26x64xf32, #tpu.memory_space<vmem>>, vector<1x1x1x16xf32>,
        %get3A_428 = arith.constant 1 : i32
        %get3A_429 = arith.index_cast %get3A_428 : i32 to index
        %get3A_430 = arith.index_cast %add3A_305 : i32 to index
        %get3A_431 = arith.constant 32 : index
        %get3A_432 = tpu.vector_load %arg9[%get3A_429, %get3A_430, %get3A_431] {strides = array<i32>} : memref<2x104x64xf32, #tpu.memory_space<vmem>>, vector<1x1x16xf32>,
        %get3A_433 = vector.shape_cast %get3A_432 : vector<1x1x16xf32> to vector<16xf32>
        %get3A_434 = arith.constant 1 : i32
        %get3A_435 = arith.index_cast %get3A_434 : i32 to index
        %get3A_436 = arith.index_cast %add3A_305 : i32 to index
        %get3A_437 = arith.constant 32 : index
        %get3A_438 = tpu.vector_load %arg10[%get3A_435, %get3A_436, %get3A_437] {strides = array<i32>} : memref<2x104x64xf32, #tpu.memory_space<vmem>>, vector<1x1x16xf32>,
        %get3A_439 = vector.shape_cast %get3A_438 : vector<1x1x16xf32> to vector<16xf32>
        %abs3A_440 = math.absf %get3A_439 : vector<16xf32>
        %neg3A_441 = arith.constant 0.000000e+00 : f32
        %neg3A_442 = vector.broadcast %neg3A_441 : f32 to vector<16xf32>
        %neg3A_443 = arith.subf %neg3A_442, %abs3A_440 : vector<16xf32>
        %exp3A_444 = math.exp %neg3A_443 : vector<16xf32>
        %add3A_445 = arith.constant 2.000000e+00 : f32
        %add3A_446 = vector.broadcast %add3A_445 : f32 to vector<16xf32>
        %add3A_447 = arith.addf %exp3A_444, %add3A_446 : vector<16xf32>
        %div3A_448 = arith.divf %exp3A_444, %add3A_447 : vector<16xf32>
        %mul3A_449 = arith.mulf %div3A_448, %div3A_448 : vector<16xf32>
        %max3A_450 = arith.constant 0.000000e+00 : f32
        %max3A_451 = vector.broadcast %max3A_450 : f32 to vector<16xf32>
        %max3A_452 = arith.maximumf %get3A_439, %max3A_451 : vector<16xf32>
        %mul3A_453 = arith.constant 0.222222224 : f32
        %mul3A_454 = vector.broadcast %mul3A_453 : f32 to vector<16xf32>
        %mul3A_455 = arith.mulf %mul3A_449, %mul3A_454 : vector<16xf32>
        %add3A_456 = arith.constant 0.285714298 : f32
        %add3A_457 = vector.broadcast %add3A_456 : f32 to vector<16xf32>
        %add3A_458 = arith.addf %add3A_457, %mul3A_455 : vector<16xf32>
        %mul3A_459 = arith.mulf %mul3A_449, %add3A_458 : vector<16xf32>
        %add3A_460 = arith.constant 4.000000e-01 : f32
        %add3A_461 = vector.broadcast %add3A_460 : f32 to vector<16xf32>
        %add3A_462 = arith.addf %add3A_461, %mul3A_459 : vector<16xf32>
        %mul3A_463 = arith.mulf %mul3A_449, %add3A_462 : vector<16xf32>
        %add3A_464 = arith.constant 0.666666686 : f32
        %add3A_465 = vector.broadcast %add3A_464 : f32 to vector<16xf32>
        %add3A_466 = arith.addf %add3A_465, %mul3A_463 : vector<16xf32>
        %mul3A_467 = arith.mulf %mul3A_449, %add3A_466 : vector<16xf32>
        %add3A_468 = arith.constant 2.000000e+00 : f32
        %add3A_469 = vector.broadcast %add3A_468 : f32 to vector<16xf32>
        %add3A_470 = arith.addf %add3A_469, %mul3A_467 : vector<16xf32>
        %mul3A_471 = arith.mulf %div3A_448, %add3A_470 : vector<16xf32>
        %add3A_472 = arith.addf %max3A_452, %mul3A_471 : vector<16xf32>
        %sub3A_473 = arith.subf %get3A_433, %add3A_472 : vector<16xf32>
        %swap3A_474 = arith.constant 1 : i32
        %swap3A_475 = arith.constant 3 : i32
        %swap3A_476 = arith.index_cast %swap3A_474 : i32 to index
        %swap3A_477 = arith.index_cast %swap3A_475 : i32 to index
        %swap3A_478 = arith.index_cast %scan3A_303 : i32 to index
        %swap3A_479 = arith.constant 32 : index
        %swap3A_480 = tpu.vector_load %arg11[%swap3A_476, %swap3A_477, %swap3A_478, %swap3A_479] {strides = array<i32>} : memref<2x4x26x64xf32, #tpu.memory_space<vmem>>, vector<1x1x1x16xf32>,
        %swap3A_481 = vector.shape_cast %swap3A_480 : vector<1x1x1x16xf32> to vector<16xf32>
        %swap3A_482 = vector.shape_cast %sub3A_473 : vector<16xf32> to vector<1x1x1x16xf32>
        tpu.vector_store %arg11[%swap3A_476, %swap3A_477, %swap3A_478, %swap3A_479], %swap3A_482 {strides = array<i32>} : memref<2x4x26x64xf32, #tpu.memory_space<vmem>>, vector<1x1x1x16xf32>,
        %add3A_483 = arith.addf %get3A_433, %add3A_472 : vector<16xf32>
        %swap3A_484 = arith.constant 1 : i32
        %swap3A_485 = arith.constant 3 : i32
        %swap3A_486 = arith.index_cast %swap3A_484 : i32 to index
        %swap3A_487 = arith.index_cast %swap3A_485 : i32 to index
        %swap3A_488 = arith.index_cast %scan3A_303 : i32 to index
        %swap3A_489 = arith.constant 32 : index
        %swap3A_490 = tpu.vector_load %arg12[%swap3A_486, %swap3A_487, %swap3A_488, %swap3A_489] {strides = array<i32>} : memref<2x4x26x64xf32, #tpu.memory_space<vmem>>, vector<1x1x1x16xf32>,
        %swap3A_491 = vector.shape_cast %swap3A_490 : vector<1x1x1x16xf32> to vector<16xf32>
        %swap3A_492 = vector.shape_cast %add3A_483 : vector<16xf32> to vector<1x1x1x16xf32>
        tpu.vector_store %arg12[%swap3A_486, %swap3A_487, %swap3A_488, %swap3A_489], %swap3A_492 {strides = array<i32>} : memref<2x4x26x64xf32, #tpu.memory_space<vmem>>, vector<1x1x1x16xf32>,
        %get3A_493 = arith.constant 1 : i32
        %get3A_494 = arith.index_cast %get3A_493 : i32 to index
        %get3A_495 = arith.index_cast %add3A_305 : i32 to index
        %get3A_496 = arith.constant 48 : index
        %get3A_497 = tpu.vector_load %arg9[%get3A_494, %get3A_495, %get3A_496] {strides = array<i32>} : memref<2x104x64xf32, #tpu.memory_space<vmem>>, vector<1x1x16xf32>,
        %get3A_498 = vector.shape_cast %get3A_497 : vector<1x1x16xf32> to vector<16xf32>
        %get3A_499 = arith.constant 1 : i32
        %get3A_500 = arith.index_cast %get3A_499 : i32 to index
        %get3A_501 = arith.index_cast %add3A_305 : i32 to index
        %get3A_502 = arith.constant 48 : index
        %get3A_503 = tpu.vector_load %arg10[%get3A_500, %get3A_501, %get3A_502] {strides = array<i32>} : memref<2x104x64xf32, #tpu.memory_space<vmem>>, vector<1x1x16xf32>,
        %get3A_504 = vector.shape_cast %get3A_503 : vector<1x1x16xf32> to vector<16xf32>
        %abs3A_505 = math.absf %get3A_504 : vector<16xf32>
        %neg3A_506 = arith.constant 0.000000e+00 : f32
        %neg3A_507 = vector.broadcast %neg3A_506 : f32 to vector<16xf32>
        %neg3A_508 = arith.subf %neg3A_507, %abs3A_505 : vector<16xf32>
        %exp3A_509 = math.exp %neg3A_508 : vector<16xf32>
        %add3A_510 = arith.constant 2.000000e+00 : f32
        %add3A_511 = vector.broadcast %add3A_510 : f32 to vector<16xf32>
        %add3A_512 = arith.addf %exp3A_509, %add3A_511 : vector<16xf32>
        %div3A_513 = arith.divf %exp3A_509, %add3A_512 : vector<16xf32>
        %mul3A_514 = arith.mulf %div3A_513, %div3A_513 : vector<16xf32>
        %max3A_515 = arith.constant 0.000000e+00 : f32
        %max3A_516 = vector.broadcast %max3A_515 : f32 to vector<16xf32>
        %max3A_517 = arith.maximumf %get3A_504, %max3A_516 : vector<16xf32>
        %mul3A_518 = arith.constant 0.222222224 : f32
        %mul3A_519 = vector.broadcast %mul3A_518 : f32 to vector<16xf32>
        %mul3A_520 = arith.mulf %mul3A_514, %mul3A_519 : vector<16xf32>
        %add3A_521 = arith.constant 0.285714298 : f32
        %add3A_522 = vector.broadcast %add3A_521 : f32 to vector<16xf32>
        %add3A_523 = arith.addf %add3A_522, %mul3A_520 : vector<16xf32>
        %mul3A_524 = arith.mulf %mul3A_514, %add3A_523 : vector<16xf32>
        %add3A_525 = arith.constant 4.000000e-01 : f32
        %add3A_526 = vector.broadcast %add3A_525 : f32 to vector<16xf32>
        %add3A_527 = arith.addf %add3A_526, %mul3A_524 : vector<16xf32>
        %mul3A_528 = arith.mulf %mul3A_514, %add3A_527 : vector<16xf32>
        %add3A_529 = arith.constant 0.666666686 : f32
        %add3A_530 = vector.broadcast %add3A_529 : f32 to vector<16xf32>
        %add3A_531 = arith.addf %add3A_530, %mul3A_528 : vector<16xf32>
        %mul3A_532 = arith.mulf %mul3A_514, %add3A_531 : vector<16xf32>
        %add3A_533 = arith.constant 2.000000e+00 : f32
        %add3A_534 = vector.broadcast %add3A_533 : f32 to vector<16xf32>
        %add3A_535 = arith.addf %add3A_534, %mul3A_532 : vector<16xf32>
        %mul3A_536 = arith.mulf %div3A_513, %add3A_535 : vector<16xf32>
        %add3A_537 = arith.addf %max3A_517, %mul3A_536 : vector<16xf32>
        %sub3A_538 = arith.subf %get3A_498, %add3A_537 : vector<16xf32>
        %swap3A_539 = arith.constant 1 : i32
        %swap3A_540 = arith.constant 3 : i32
        %swap3A_541 = arith.index_cast %swap3A_539 : i32 to index
        %swap3A_542 = arith.index_cast %swap3A_540 : i32 to index
        %swap3A_543 = arith.index_cast %scan3A_303 : i32 to index
        %swap3A_544 = arith.constant 48 : index
        %swap3A_545 = tpu.vector_load %arg11[%swap3A_541, %swap3A_542, %swap3A_543, %swap3A_544] {strides = array<i32>} : memref<2x4x26x64xf32, #tpu.memory_space<vmem>>, vector<1x1x1x16xf32>,
        %swap3A_546 = vector.shape_cast %swap3A_545 : vector<1x1x1x16xf32> to vector<16xf32>
        %swap3A_547 = vector.shape_cast %sub3A_538 : vector<16xf32> to vector<1x1x1x16xf32>
        tpu.vector_store %arg11[%swap3A_541, %swap3A_542, %swap3A_543, %swap3A_544], %swap3A_547 {strides = array<i32>} : memref<2x4x26x64xf32, #tpu.memory_space<vmem>>, vector<1x1x1x16xf32>,
        %add3A_548 = arith.addf %get3A_498, %add3A_537 : vector<16xf32>
        %swap3A_549 = arith.constant 1 : i32
        %swap3A_550 = arith.constant 3 : i32
        %swap3A_551 = arith.index_cast %swap3A_549 : i32 to index
        %swap3A_552 = arith.index_cast %swap3A_550 : i32 to index
        %swap3A_553 = arith.index_cast %scan3A_303 : i32 to index
        %swap3A_554 = arith.constant 48 : index
        %swap3A_555 = tpu.vector_load %arg12[%swap3A_551, %swap3A_552, %swap3A_553, %swap3A_554] {strides = array<i32>} : memref<2x4x26x64xf32, #tpu.memory_space<vmem>>, vector<1x1x1x16xf32>,
        %swap3A_556 = vector.shape_cast %swap3A_555 : vector<1x1x1x16xf32> to vector<16xf32>
        %swap3A_557 = vector.shape_cast %add3A_548 : vector<16xf32> to vector<1x1x1x16xf32>
        tpu.vector_store %arg12[%swap3A_551, %swap3A_552, %swap3A_553, %swap3A_554], %swap3A_557 {strides = array<i32>} : memref<2x4x26x64xf32, #tpu.memory_space<vmem>>, vector<1x1x1x16xf32>,
      }
      %scan3A_265 = arith.constant 26 : i32
      %mul3A_266 = arith.constant 4 : i32
      %mul3A_267 = arith.muli %add3A_205, %mul3A_266 : i32
      %add3A_268 = arith.addi %mul3A_2, %mul3A_267 : i32
      %dma_start3A_269 = arith.constant 1 : i32
      %dma_start3A_270 = arith.constant 0 : i32
      %dma_start3A_271 = arith.constant 0 : i32
      %dma_start3A_272 = arith.constant 0 : i32
      %dma_start3A_273 = tpu.memref_slice %arg11[%dma_start3A_269, %dma_start3A_270, %dma_start3A_271, %dma_start3A_272] : memref<2x4x26x64xf32, #tpu.memory_space<vmem>> -> memref<1x4x26x64xf32, #tpu.memory_space<vmem>>
      %dma_start3A_274 = tpu.memref_squeeze %dma_start3A_273 : memref<1x4x26x64xf32, #tpu.memory_space<vmem>> -> memref<4x26x64xf32, #tpu.memory_space<vmem>>
      %dma_start3A_275 = arith.constant 0 : i32
      %dma_start3A_276 = arith.constant 0 : i32
      %dma_start3A_277 = tpu.memref_slice %arg5[%add3A_268, %dma_start3A_275, %dma_start3A_276] : memref<16384x26x64xf32, #tpu.memory_space<hbm>> -> memref<4x26x64xf32, #tpu.memory_space<hbm>>
      %dma_start3A_278 = arith.constant 0 : i32
      %dma_start3A_279 = arith.constant 0 : i32
      %dma_start3A_280 = tpu.memref_slice %arg5[%add3A_268, %dma_start3A_278, %dma_start3A_279] : memref<16384x26x64xf32, #tpu.memory_space<hbm>> -> memref<4x26x64xf32, #tpu.memory_space<hbm>>
      %dma_start3A_281 = arith.constant 0 : i32
      %dma_start3A_282 = arith.constant 0 : i32
      %dma_start3A_283 = arith.constant 0 : i32
      %dma_start3A_284 = tpu.memref_slice %arg11[%dma_start3A_269, %dma_start3A_281, %dma_start3A_282, %dma_start3A_283] : memref<2x4x26x64xf32, #tpu.memory_space<vmem>> -> memref<1x4x26x64xf32, #tpu.memory_space<vmem>>
      %dma_start3A_285 = tpu.memref_squeeze %dma_start3A_284 : memref<1x4x26x64xf32, #tpu.memory_space<vmem>> -> memref<4x26x64xf32, #tpu.memory_space<vmem>>
      tpu.enqueue_dma source(%dma_start3A_285 : memref<4x26x64xf32, #tpu.memory_space<vmem>>) target(%dma_start3A_280 : memref<4x26x64xf32, #tpu.memory_space<hbm>>) target_semaphore(%arg16 : memref<!tpu.dma_semaphore, #tpu.memory_space<semaphore_mem>>)
      %dma_start3A_286 = arith.constant 1 : i32
      %dma_start3A_287 = arith.constant 0 : i32
      %dma_start3A_288 = arith.constant 0 : i32
      %dma_start3A_289 = arith.constant 0 : i32
      %dma_start3A_290 = tpu.memref_slice %arg12[%dma_start3A_286, %dma_start3A_287, %dma_start3A_288, %dma_start3A_289] : memref<2x4x26x64xf32, #tpu.memory_space<vmem>> -> memref<1x4x26x64xf32, #tpu.memory_space<vmem>>
      %dma_start3A_291 = tpu.memref_squeeze %dma_start3A_290 : memref<1x4x26x64xf32, #tpu.memory_space<vmem>> -> memref<4x26x64xf32, #tpu.memory_space<vmem>>
      %dma_start3A_292 = arith.constant 0 : i32
      %dma_start3A_293 = arith.constant 0 : i32
      %dma_start3A_294 = tpu.memref_slice %arg6[%add3A_268, %dma_start3A_292, %dma_start3A_293] : memref<16384x26x64xf32, #tpu.memory_space<hbm>> -> memref<4x26x64xf32, #tpu.memory_space<hbm>>
      %dma_start3A_295 = arith.constant 0 : i32
      %dma_start3A_296 = arith.constant 0 : i32
      %dma_start3A_297 = tpu.memref_slice %arg6[%add3A_268, %dma_start3A_295, %dma_start3A_296] : memref<16384x26x64xf32, #tpu.memory_space<hbm>> -> memref<4x26x64xf32, #tpu.memory_space<hbm>>
      %dma_start3A_298 = arith.constant 0 : i32
      %dma_start3A_299 = arith.constant 0 : i32
      %dma_start3A_300 = arith.constant 0 : i32
      %dma_start3A_301 = tpu.memref_slice %arg12[%dma_start3A_286, %dma_start3A_298, %dma_start3A_299, %dma_start3A_300] : memref<2x4x26x64xf32, #tpu.memory_space<vmem>> -> memref<1x4x26x64xf32, #tpu.memory_space<vmem>>
      %dma_start3A_302 = tpu.memref_squeeze %dma_start3A_301 : memref<1x4x26x64xf32, #tpu.memory_space<vmem>> -> memref<4x26x64xf32, #tpu.memory_space<vmem>>
      tpu.enqueue_dma source(%dma_start3A_302 : memref<4x26x64xf32, #tpu.memory_space<vmem>>) target(%dma_start3A_297 : memref<4x26x64xf32, #tpu.memory_space<hbm>>) target_semaphore(%arg16 : memref<!tpu.dma_semaphore, #tpu.memory_space<semaphore_mem>>)
    }
    %scan3A_36 = arith.constant 64 : i32
    %dma_wait3A = arith.constant 0 : i32
    %dma_wait3A_37 = arith.constant 0 : i32
    %dma_wait3A_38 = arith.constant 0 : i32
    %dma_wait3A_39 = arith.constant 0 : i32
    %dma_wait3A_40 = tpu.memref_slice %arg11[%dma_wait3A, %dma_wait3A_37, %dma_wait3A_38, %dma_wait3A_39] : memref<2x4x26x64xf32, #tpu.memory_space<vmem>> -> memref<1x4x26x64xf32, #tpu.memory_space<vmem>>
    %dma_wait3A_41 = tpu.memref_squeeze %dma_wait3A_40 : memref<1x4x26x64xf32, #tpu.memory_space<vmem>> -> memref<4x26x64xf32, #tpu.memory_space<vmem>>
    %dma_wait3A_42 = arith.constant 0 : i32
    %dma_wait3A_43 = arith.constant 0 : i32
    %dma_wait3A_44 = tpu.memref_slice %arg5[%mul3A_2, %dma_wait3A_42, %dma_wait3A_43] : memref<16384x26x64xf32, #tpu.memory_space<hbm>> -> memref<4x26x64xf32, #tpu.memory_space<hbm>>
    %dma_wait3A_45 = arith.constant 0 : i32
    %dma_wait3A_46 = arith.constant 0 : i32
    %dma_wait3A_47 = tpu.memref_slice %arg5[%mul3A_2, %dma_wait3A_45, %dma_wait3A_46] : memref<16384x26x64xf32, #tpu.memory_space<hbm>> -> memref<4x26x64xf32, #tpu.memory_space<hbm>>
    %dma_wait3A_48 = arith.constant 0 : i32
    %dma_wait3A_49 = arith.constant 0 : i32
    %dma_wait3A_50 = arith.constant 0 : i32
    %dma_wait3A_51 = tpu.memref_slice %arg11[%dma_wait3A, %dma_wait3A_48, %dma_wait3A_49, %dma_wait3A_50] : memref<2x4x26x64xf32, #tpu.memory_space<vmem>> -> memref<1x4x26x64xf32, #tpu.memory_space<vmem>>
    %dma_wait3A_52 = tpu.memref_squeeze %dma_wait3A_51 : memref<1x4x26x64xf32, #tpu.memory_space<vmem>> -> memref<4x26x64xf32, #tpu.memory_space<vmem>>
    tpu.wait_dma2 semaphore(%arg15 : memref<!tpu.dma_semaphore, #tpu.memory_space<semaphore_mem>>) src(%dma_wait3A_52 : memref<4x26x64xf32, #tpu.memory_space<vmem>>) dst(%dma_wait3A_47 : memref<4x26x64xf32, #tpu.memory_space<hbm>>)
    %dma_wait3A_53 = arith.constant 0 : i32
    %dma_wait3A_54 = arith.constant 0 : i32
    %dma_wait3A_55 = arith.constant 0 : i32
    %dma_wait3A_56 = arith.constant 0 : i32
    %dma_wait3A_57 = tpu.memref_slice %arg12[%dma_wait3A_53, %dma_wait3A_54, %dma_wait3A_55, %dma_wait3A_56] : memref<2x4x26x64xf32, #tpu.memory_space<vmem>> -> memref<1x4x26x64xf32, #tpu.memory_space<vmem>>
    %dma_wait3A_58 = tpu.memref_squeeze %dma_wait3A_57 : memref<1x4x26x64xf32, #tpu.memory_space<vmem>> -> memref<4x26x64xf32, #tpu.memory_space<vmem>>
    %dma_wait3A_59 = arith.constant 0 : i32
    %dma_wait3A_60 = arith.constant 0 : i32
    %dma_wait3A_61 = tpu.memref_slice %arg6[%mul3A_2, %dma_wait3A_59, %dma_wait3A_60] : memref<16384x26x64xf32, #tpu.memory_space<hbm>> -> memref<4x26x64xf32, #tpu.memory_space<hbm>>
    %dma_wait3A_62 = arith.constant 0 : i32
    %dma_wait3A_63 = arith.constant 0 : i32
    %dma_wait3A_64 = tpu.memref_slice %arg6[%mul3A_2, %dma_wait3A_62, %dma_wait3A_63] : memref<16384x26x64xf32, #tpu.memory_space<hbm>> -> memref<4x26x64xf32, #tpu.memory_space<hbm>>
    %dma_wait3A_65 = arith.constant 0 : i32
    %dma_wait3A_66 = arith.constant 0 : i32
    %dma_wait3A_67 = arith.constant 0 : i32
    %dma_wait3A_68 = tpu.memref_slice %arg12[%dma_wait3A_53, %dma_wait3A_65, %dma_wait3A_66, %dma_wait3A_67] : memref<2x4x26x64xf32, #tpu.memory_space<vmem>> -> memref<1x4x26x64xf32, #tpu.memory_space<vmem>>
    %dma_wait3A_69 = tpu.memref_squeeze %dma_wait3A_68 : memref<1x4x26x64xf32, #tpu.memory_space<vmem>> -> memref<4x26x64xf32, #tpu.memory_space<vmem>>
    tpu.wait_dma2 semaphore(%arg15 : memref<!tpu.dma_semaphore, #tpu.memory_space<semaphore_mem>>) src(%dma_wait3A_69 : memref<4x26x64xf32, #tpu.memory_space<vmem>>) dst(%dma_wait3A_64 : memref<4x26x64xf32, #tpu.memory_space<hbm>>)
    %dma_wait3A_70 = arith.constant 1 : i32
    %dma_wait3A_71 = arith.constant 0 : i32
    %dma_wait3A_72 = arith.constant 0 : i32
    %dma_wait3A_73 = arith.constant 0 : i32
    %dma_wait3A_74 = tpu.memref_slice %arg11[%dma_wait3A_70, %dma_wait3A_71, %dma_wait3A_72, %dma_wait3A_73] : memref<2x4x26x64xf32, #tpu.memory_space<vmem>> -> memref<1x4x26x64xf32, #tpu.memory_space<vmem>>
    %dma_wait3A_75 = tpu.memref_squeeze %dma_wait3A_74 : memref<1x4x26x64xf32, #tpu.memory_space<vmem>> -> memref<4x26x64xf32, #tpu.memory_space<vmem>>
    %dma_wait3A_76 = arith.constant 0 : i32
    %dma_wait3A_77 = arith.constant 0 : i32
    %dma_wait3A_78 = tpu.memref_slice %arg5[%mul3A_2, %dma_wait3A_76, %dma_wait3A_77] : memref<16384x26x64xf32, #tpu.memory_space<hbm>> -> memref<4x26x64xf32, #tpu.memory_space<hbm>>
    %dma_wait3A_79 = arith.constant 0 : i32
    %dma_wait3A_80 = arith.constant 0 : i32
    %dma_wait3A_81 = tpu.memref_slice %arg5[%mul3A_2, %dma_wait3A_79, %dma_wait3A_80] : memref<16384x26x64xf32, #tpu.memory_space<hbm>> -> memref<4x26x64xf32, #tpu.memory_space<hbm>>
    %dma_wait3A_82 = arith.constant 0 : i32
    %dma_wait3A_83 = arith.constant 0 : i32
    %dma_wait3A_84 = arith.constant 0 : i32
    %dma_wait3A_85 = tpu.memref_slice %arg11[%dma_wait3A_70, %dma_wait3A_82, %dma_wait3A_83, %dma_wait3A_84] : memref<2x4x26x64xf32, #tpu.memory_space<vmem>> -> memref<1x4x26x64xf32, #tpu.memory_space<vmem>>
    %dma_wait3A_86 = tpu.memref_squeeze %dma_wait3A_85 : memref<1x4x26x64xf32, #tpu.memory_space<vmem>> -> memref<4x26x64xf32, #tpu.memory_space<vmem>>
    tpu.wait_dma2 semaphore(%arg16 : memref<!tpu.dma_semaphore, #tpu.memory_space<semaphore_mem>>) src(%dma_wait3A_86 : memref<4x26x64xf32, #tpu.memory_space<vmem>>) dst(%dma_wait3A_81 : memref<4x26x64xf32, #tpu.memory_space<hbm>>)
    %dma_wait3A_87 = arith.constant 1 : i32
    %dma_wait3A_88 = arith.constant 0 : i32
    %dma_wait3A_89 = arith.constant 0 : i32
    %dma_wait3A_90 = arith.constant 0 : i32
    %dma_wait3A_91 = tpu.memref_slice %arg12[%dma_wait3A_87, %dma_wait3A_88, %dma_wait3A_89, %dma_wait3A_90] : memref<2x4x26x64xf32, #tpu.memory_space<vmem>> -> memref<1x4x26x64xf32, #tpu.memory_space<vmem>>
    %dma_wait3A_92 = tpu.memref_squeeze %dma_wait3A_91 : memref<1x4x26x64xf32, #tpu.memory_space<vmem>> -> memref<4x26x64xf32, #tpu.memory_space<vmem>>
    %dma_wait3A_93 = arith.constant 0 : i32
    %dma_wait3A_94 = arith.constant 0 : i32
    %dma_wait3A_95 = tpu.memref_slice %arg6[%mul3A_2, %dma_wait3A_93, %dma_wait3A_94] : memref<16384x26x64xf32, #tpu.memory_space<hbm>> -> memref<4x26x64xf32, #tpu.memory_space<hbm>>
    %dma_wait3A_96 = arith.constant 0 : i32
    %dma_wait3A_97 = arith.constant 0 : i32
    %dma_wait3A_98 = tpu.memref_slice %arg6[%mul3A_2, %dma_wait3A_96, %dma_wait3A_97] : memref<16384x26x64xf32, #tpu.memory_space<hbm>> -> memref<4x26x64xf32, #tpu.memory_space<hbm>>
    %dma_wait3A_99 = arith.constant 0 : i32
    %dma_wait3A_100 = arith.constant 0 : i32
    %dma_wait3A_101 = arith.constant 0 : i32
    %dma_wait3A_102 = tpu.memref_slice %arg12[%dma_wait3A_87, %dma_wait3A_99, %dma_wait3A_100, %dma_wait3A_101] : memref<2x4x26x64xf32, #tpu.memory_space<vmem>> -> memref<1x4x26x64xf32, #tpu.memory_space<vmem>>
    %dma_wait3A_103 = tpu.memref_squeeze %dma_wait3A_102 : memref<1x4x26x64xf32, #tpu.memory_space<vmem>> -> memref<4x26x64xf32, #tpu.memory_space<vmem>>
    tpu.wait_dma2 semaphore(%arg16 : memref<!tpu.dma_semaphore, #tpu.memory_space<semaphore_mem>>) src(%dma_wait3A_103 : memref<4x26x64xf32, #tpu.memory_space<vmem>>) dst(%dma_wait3A_98 : memref<4x26x64xf32, #tpu.memory_space<hbm>>)
    return
  }
}

</mosaic_0001>

<sc_bundles>
// kernel: kernel.3.cloned.1.call-start
scs
__scs_entry_jumppad:
0x0: {  	(pc) =	sbr.rel $0x88, $3  }
0x1: {  	(tag) =	ssettag $0x0;
	lr =	simm.s32 $0x1  }
0x2: {  	[smem:$0x3F9E] =	sst lr;
	_ =	strace $0xD0000000  }
0x3: {  	_ = 	snop  }
0x4: {  	_ = 	snop  }
0x5: {  	_ = 	snop  }
0x6: {  	_ = 	snop  }
0x7: {  	_ = 	snop  }
__scs_overlays_trampoline_lowered:
0x8: {  	[smem:$0x3FAD] =	sst s0  }
0x9: {  	[smem:$0x3FAE] =	sst s1  }
0xa: {  	[smem:$0x3FAF] =	sst s2  }
0xb: {  	[smem:$0x3FB0] =	sst s3  }
0xc: {  	[smem:$0x3FB1] =	sst s4  }
0xd: {  	[smem:$0x3FB2] =	sst s5  }
0xe: {  	[smem:$0x3FB3] =	sst s6  }
0xf: {  	[smem:$0x3FB4] =	sst s7  }
0x10: {  	[smem:$0x3FB5] =	sst s8  }
0x11: {  	[smem:$0x3FB6] =	sst s9;
	s0 =	simm.s32 @!p0 $0x0  }
0x12: {  	s1 =	sld [smem:$0x3F9C];
	s0 =	simm.s32 @p0 $0x1  }
0x13: {  	[smem:$0x3FB7] =	sst s0;
	s0 =	simm.s32 @!p1 $0x0  }
0x14: {  	s2 =	sld [smem:$0x3F9B];
	s0 =	simm.s32 @p1 $0x1  }
0x15: {  	[smem:$0x3FB8] =	sst s0;
	s0 =	simm.s32 @!p2 $0x0  }
0x16: {  	s3 =	sld [smem:$0x3FDB];
	s0 =	simm.s32 @p2 $0x1  }
0x17: {  	s4 =	simm.s32 $0x1BF5;
	[smem:$0x3FBA] =	sst s0  }
0x18: {  	s0 =	sld [smem:$0x3F9D];
	_ =	swait.ge [sflag:s4], $0x0  }
0x19: {  	s7 =	sld [smem:$0x3F9E]  }
0x1a: {  	s8 =	sadd.s32 $0xFFFFE003, lr  }
0x1b: {  	s9 =	sadd.s32 $0xFFFFFEF7, lr;
	s5 =	simm.s32 $0xFFFFFFFF;
	p2 =	slt.u32 s8, $0xFFFFF086  }
0x1c: {  	p1 =	slt.u32 s9, $0xF7A;
	s5 =	simm.s32 @!p2 $0x0  }
0x1d: {  	s5 =	simm.s32 @p1 $0x1;
	p0 =	seq.s32 s7, s2  }
0x1e: {  	s7 =	smul.u32 @!p0 $0xF7A, s2;
	p2 =	seq.s32 @!p0 s5, $0x0  }
0x1f: {  	s9 =	smul.u32 $0xF7A, s1;
	s8 =	simm.s32 @!p0 $0x1BF5;
	p2 =	por !p2, p0  }
0x20: {  	[sflag:s8] =	ssyncset.s32 @!p0 $0xFFFFF086;
	s6 =	sadd.s32 @!p0 s3, s7;
	s7 =	simm.s32 @!p0 $0x108  }
0x21: {  	s3 =	sadd.s32 s3, s9;
	s6 =	sadd.s32 @!p0 $0x88, s6;
	s7 =	simm.s32 @p2 $0x1082  }
0x22: {  	[simem:s7], [sflag:s8] =	dma.local @!p0 [hbm:s6], $0xF7A  }
0x23: {  	s9 =	sor.u32 $0xD0000000, s2;
	s6 =	simm.s32 $0x108;
	_ =	swait.ge @!p0 [sflag:s8], $0x0  }
0x24: {  	s3 =	sadd.s32 $0x88, s3;
	s6 =	simm.s32 @!p1 $0x1082;
	[sflag:s4] =	ssyncset.s32 $0xFFFFF086  }
0x25: {  	[simem:s6], [sflag:s4] =	dma.local [hbm:s3], $0xF7A  }
0x26: {  	[smem:$0x3F9E] =	sst s1;
	(tag) =	ssettag s2;
	_ =	strace s9  }
0x27: {  	s1 =	sld [smem:$0x3FAE]  }
0x28: {  	s2 =	sld [smem:$0x3FAF]  }
0x29: {  	s4 =	sld [smem:$0x3FB1]  }
0x2a: {  	p0 =	seq.s32 s5, $0x0;
	s5 =	sld [smem:$0x3FB2]  }
0x2b: {  	s6 =	sld [smem:$0x3FB3]  }
0x2c: {  	s7 =	sld [smem:$0x3FB4]  }
0x2d: {  	s3 =	simm.s32 $0x108;
	s8 =	sld [smem:$0x3FB5]  }
0x2e: {  	s3 =	simm.s32 @!p0 $0x1082;
	s9 =	sld [smem:$0x3FB6]  }
0x2f: {  	lr =	sadd.s32 s0, s3;
	s0 =	sld [smem:$0x3FAD]  }
0x30: {  	s3 =	sld [smem:$0x3FB0]  }
0x31: {  	[smem:$0x3FB9] =	sst s10  }
0x32: {  	s10 =	sld [smem:$0x3FB7];
	_ =	sdelay $0x3  }
0x33: {  	p0 =	seq.s32 s10, $0x1;
	s10 =	sld [smem:$0x3FB9];
	_ =	sdelay $0x3  }
0x34: {  	[smem:$0x3FB9] =	sst s10  }
0x35: {  	s10 =	sld [smem:$0x3FB8];
	_ =	sdelay $0x3  }
0x36: {  	p1 =	seq.s32 s10, $0x1;
	s10 =	sld [smem:$0x3FB9];
	_ =	sdelay $0x3  }
0x37: {  	[smem:$0x3FB9] =	sst s10  }
0x38: {  	s10 =	sld [smem:$0x3FBA]  }
0x39: {  	_ = 	snop;
	(pc) =	sbr.ind lr, $3  }
0x3a: {  	_ = 	snop  }
0x3b: {  	_ = 	snop  }
0x3c: {  	p2 =	seq.s32 s10, $0x1;
	s10 =	sld [smem:$0x3FB9]  }
0x3d: {  	_ =	shalt  }
0x3e: {  	_ =	shalt  }
0x3f: {  	_ =	shalt  }
0x40: {  	_ =	shalt  }
0x41: {  	_ =	shalt  }
0x42: {  	_ =	shalt  }
0x43: {  	_ =	shalt  }
0x44: {  	_ =	shalt  }
0x45: {  	_ =	shalt  }
0x46: {  	_ =	shalt  }
0x47: {  	_ =	shalt  }
0x48: {  	_ =	shalt  }
0x49: {  	_ =	shalt  }
0x4a: {  	_ =	shalt  }
0x4b: {  	_ =	shalt  }
0x4c: {  	_ =	shalt  }
0x4d: {  	_ =	shalt  }
0x4e: {  	_ =	shalt  }
0x4f: {  	_ =	shalt  }
0x50: {  	_ =	shalt  }
0x51: {  	_ =	shalt  }
0x52: {  	_ =	shalt  }
0x53: {  	_ =	shalt  }
0x54: {  	_ =	shalt  }
0x55: {  	_ =	shalt  }
0x56: {  	_ =	shalt  }
0x57: {  	_ =	shalt  }
0x58: {  	_ =	shalt  }
0x59: {  	_ =	shalt  }
0x5a: {  	_ =	shalt  }
0x5b: {  	_ =	shalt  }
0x5c: {  	_ =	shalt  }
0x5d: {  	_ =	shalt  }
0x5e: {  	_ =	shalt  }
0x5f: {  	_ =	shalt  }
0x60: {  	_ =	shalt  }
0x61: {  	_ =	shalt  }
0x62: {  	_ =	shalt  }
0x63: {  	_ =	shalt  }
0x64: {  	_ =	shalt  }
0x65: {  	_ =	shalt  }
0x66: {  	_ =	shalt  }
0x67: {  	_ =	shalt  }
0x68: {  	_ =	shalt  }
0x69: {  	_ =	shalt  }
0x6a: {  	_ =	shalt  }
0x6b: {  	_ =	shalt  }
0x6c: {  	_ =	shalt  }
0x6d: {  	_ =	shalt  }
0x6e: {  	_ =	shalt  }
0x6f: {  	_ =	shalt  }
0x70: {  	_ =	shalt  }
0x71: {  	_ =	shalt  }
0x72: {  	_ =	shalt  }
0x73: {  	_ =	shalt  }
0x74: {  	_ =	shalt  }
0x75: {  	_ =	shalt  }
0x76: {  	_ =	shalt  }
0x77: {  	_ =	shalt  }
0x78: {  	_ =	shalt  }
0x79: {  	_ =	shalt  }
0x7a: {  	_ =	shalt  }
0x7b: {  	_ =	shalt  }
0x7c: {  	_ =	shalt  }
0x7d: {  	_ =	shalt  }
0x7e: {  	_ =	shalt  }
0x7f: {  	_ =	shalt  }
0x80: {  	_ =	shalt  }
0x81: {  	_ =	shalt  }
0x82: {  	_ =	shalt  }
0x83: {  	_ =	shalt  }
0x84: {  	_ =	shalt  }
0x85: {  	_ =	shalt  }
0x86: {  	_ =	shalt  }
0x87: {  	_ =	shalt  }
.Lfunc_end0:
.L_simem_size_0:
called_computation.2_lowered:
.L_overlay_start_0:
0x88: {  	s2 =	sld [smem:$0x3FD9]  }
0x89: {  	s3 =	sld [smem:$0x3FFE];
	_ =	sdelay $0x1  }
0x8a: {  	s1 =	srdreg.scid  }
0x8b: {  	s0 =	sand.u32 $0x1, s1  }
0x8c: {  	s14 =	sshll.u32 s0, $0xA;
	s2 =	sadd.s32 s3, s2  }
0x8d: {  	s2 =	sadd.s32 s2, s14  }
0x8e: {  	[smem:$0x3FC5] =	sst s2  }
0x8f: {  	_ = 	snop  }
0x90: {  	s2 =	sld [smem:$0x3FD0];
	_ =	sdelay $0x2  }
0x91: {  	s15 =	simm.s32 $0xB;
	s4 =	simm.s32 $0x10  }
0x92: {  	[smem:s4], [sflag:s15] =	dma.local [hbm:s2], $0x1  }
0x93: {  	_ =	swait.eq [sflag:s15], $0x1  }
0x94: {  	[sflag:s15] =	ssyncset.done $0x0  }
0x95: {  	s16 =	sld [smem:$0x10];
	[sflag:s15] =	ssyncadd.s32 $0xFFFFFFFF  }
0x96: {  	s17 =	sld [smem:$0x11];
	(tm) =	ssettm $0x1  }
0x97: {  	s18 =	sld [smem:$0x3FFB];
	_ =	sdelay $0x3  }
0x98: {  	_ =	strace s18  }
0x99: {  	s4 =	sld [smem:$0x3FFC];
	_ =	sdelay $0x3  }
0x9a: {  	_ =	strace s4  }
0x9b: {  	s4 =	sld [smem:$0x3FFD];
	_ =	sdelay $0x3  }
0x9c: {  	_ =	strace s4  }
0x9d: {  	_ =	strace $0x8FFFFFFF  }
0x9e: {  	s19 =	sld [smem:$0x3FDB];
	_ =	sdelay $0x1  }
0x9f: {  	s5 =	simm.s32 $_scs_section_size  }
0xa0: {  	s6 =	simm.s32 $_size__tile_overlayer_lowered;
	s7 =	simm.s32 $_tile_overlayer_lowered  }
0xa1: {  	s22 =	simm.s32 $0x1BFF;
	s21 =	sshll.u32 s7, $0x1;
	s4 =	sadd.s32 s5, s19  }
0xa2: {  	s8 =	simm.s32 $0x0;
	s20 =	sshll.u32 s6, $0x1;
	s6 =	sadd.s32 s21, s4  }
0xa3: {  	[timem:s8], [sflag:s22] =	dma.local [hbm:s6], s20  }
0xa4: {  	_ =	swait.ge [sflag:s22], s20  }
0xa5: {  	s5 =	ssub.s32 $0x0, s20;
	[sflag:s22] =	ssyncset.done $0x0  }
0xa6: {  	[sflag:s22] =	ssyncadd.s32 s5;
	_ =	sdelay $0x1  }
0xa7: {  	s23 =	simm.s32 $0x1B8B  }
0xa8: {  	_ =	swait.ge [sflag:s23], $0x1  }
0xa9: {  	[sflag:s23] =	ssyncset.done $0x0  }
0xaa: {  	s25 =	simm.s32 $0x1B8E;
	s24 =	sld [smem:$0x3FFE];
	[sflag:s23] =	ssyncadd.s32 $0xFFFFFFFF  }
0xab: {  	s26 =	simm.s32 $execute0_lowered;
	[smem:$0x3FD2] =	sst s25  }
0xac: {  	s6 =	sshll.u32 s26, $0x1;
	_ =	strace $0x80000046;
	[dreg:$0x1] =	wrdreg $0xFFFFFFFF  }
0xad: {  	s28 =	simm.s32 $_size_execute0_lowered;
	s4 =	sadd.s32 s4, s6;
	[dreg:$0x0] =	wrdreg $0x0  }
0xae: {  	s6 =	sshll.u32 s28, $0x1;
	[dreg:$0x2] =	wrdreg s4  }
0xaf: {  	[dreg:$0x3] =	wrdreg s6  }
0xb0: {  	[dreg:$0x4] =	wrdreg $0xC0  }
0xb1: {  	_ =	task [dreg:s8], $0x5FFFF  }
0xb2: {  	[dreg:$0x1] =	wrdreg $0xFFFFFFFF  }
0xb3: {  	[dreg:$0x0] =	wrdreg $0x60  }
0xb4: {  	[dreg:$0x2] =	wrdreg s24  }
0xb5: {  	[dreg:$0x3] =	wrdreg s16  }
0xb6: {  	[dreg:$0x4] =	wrdreg s17  }
0xb7: {  	[dreg:$0x5] =	wrdreg $0x9  }
0xb8: {  	_ =	task.clear_ibuf [dreg:s8], $0x6FFFF;
	_ =	strace $0x90000046  }
0xb9: {  	s29 =	simm.s32 $0x9;
	_ =	strace $0x80000048  }
0xba: {  	_ =	swait.ge [sflag:s29], $0x1  }
0xbb: {  	[sflag:s29] =	ssyncadd.s32 $0xFFFFFFFF  }
0xbc: {  	_ =	strace $0x90000048  }
0xbd: {  	_ =	sfence  }
0xbe: {  	s30 =	sld [smem:$0x0];
	_ =	sdelay $0x2  }
0xbf: {  	s31 =	sshll.u32 s1, $0xD;
	s1 =	sshrl.u32 s1, $0x2  }
0xc0: {  	s3 =	sand.u32 $0x4000, s31;
	s1 =	sadd.s32 s1, s30  }
0xc1: {  	s0 =	sor.u32 s3, s0;
	s1 =	sshll.u32 s1, $0x11  }
0xc2: {  	s0 =	sor.u32 s1, s0  }
0xc3: {  	s0 =	sadd.s32 $0x8F2B, s0  }
0xc4: {  	[sflag:s0] =	ssyncadd.remote.s32 $0x1  }
0xc5: {  	_ =	sfence.sel $0xFFFF  }
0xc6: {  	[dreg:$0x0] =	wrdreg $0xFFFFFFFF;
	(pc) =	sbr.abs _section_cstart, $3  }
0xc7: {  	[dreg:$0x1] =	wrdreg $0xFFFFFFFF  }
0xc8: {  	_ =	task.clear_ibuf [dreg:s8], $0x2FFFF;
	_ =	strace $0x9FFFFFFF  }
0xc9: {  	(tm) =	ssettm $0x7FFFFFFF  }
tec
execute0_lowered:
.L_overlay_start_1:
0x0: {  	(tag) =	ssettag $0x1  }
0x1: {  	s0 =	rddreg [dreg:$0x0]  }
0x2: {  	s1 =	srdreg.scid;
	s2 =	rddreg [dreg:$0x1]  }
0x3: {  	s4 =	stileid.u32;
	s3 =	rddreg [dreg:$0x2]  }
0x4: {  	s10 =	simm.s32 $0x5;
	s11 =	simm.s32 $0x68;
	s15 =	simm.s32 $0x8E00  }
0x5: {  	s16 =	simm.s32 $0xC200;
	s17 =	simm.s32 $0x1;
	s18 =	simm.s32 $0xDC00  }
0x6: {  	s19 =	simm.s32 $0x11000;
	s20 =	simm.s32 $0x2;
	s21 =	simm.s32 $0xF600  }
0x7: {  	s22 =	simm.s32 $0x12A00;
	s23 =	simm.s32 $0x3;
	s24 =	simm.s32 $0x4  }
0x8: {  	s25 =	simm.s32 $0x0;
	s1 =	sand.u32 $0x1, s1;
	s5 =	sshll.u32 s4, $0xA  }
.Ltmp0:
0x9: {  	s4 =	simm.s32 $0x0;
	s6 =	sshll.u32 s1, $0x9;
	(pc) =	sbr.rel .LBB2_1-.Ltmp0, $4  }
0xa: {  	s7 =	sadd.s32 $0xF43600, s0;
	s1 =	ssub.s32 $0x2, s1;
	s5 =	sor.u32 s6, s5  }
0xb: {  	[smem:$0x7FF] =	sst s4;
	s9 =	sshrl.u32 s1, $0x1;
	s6 =	sshll.u32 s5, $0x2  }
0xc: {  	_ =	strace $0x80000047;
	s31 =	ssub.s32 s1, s9;
	s8 =	sadd.s32 s6, s0  }
0xd: {  	s6 =	sadd.s32 $0x16E4800, s0;
	s9 =	smax.u32 s31, $0x1;
	s8 =	sadd.s32 $0x1200, s8  }
.LBB2_45:
0xe: {  	_ =	swait.ge [sflag:s23], $0x1A00  }
0xf: {  	[sflag:s23] =	ssyncset.done $0x0  }
0x10: {  	[sflag:s23] =	ssyncadd.s32 $0xFFFFE600  }
0x11: {  	_ =	swait.ge [sflag:s23], $0x1A00  }
0x12: {  	[sflag:s23] =	ssyncset.done $0x0  }
0x13: {  	s25 =	sadd.s32 $0x1, s25;
	[sflag:s23] =	ssyncadd.s32 $0xFFFFE600  }
0x14: {  	p0 =	sne.s32 s25, s9;
	_ =	swait.ge [sflag:s24], $0x1A00  }
.Ltmp1:
0x15: {  	[sflag:s24] =	ssyncset.done $0x0;
	(pc) =	sbr.rel @!p0 .LBB2_46-.Ltmp1, $4  }
0x16: {  	[sflag:s24] =	ssyncadd.s32 $0xFFFFE600  }
0x17: {  	_ =	swait.ge [sflag:s24], $0x1A00  }
0x18: {  	[sflag:s24] =	ssyncset.done $0x0  }
0x19: {  	[sflag:s24] =	ssyncadd.s32 $0xFFFFE600  }
.LBB2_1:
0x1a: {  	[tilespmem:s4], [sflag:$0x5] =	stream.linear.gather [hbm4b:s8+s4], $0x4000, $0x38;
	[tilespmem:$0x14400] =	vst v63  }
0x1b: {  	_ =	swait.ge [sflag:s10], $0x4000  }
0x1c: {  	[sflag:s10] =	ssyncset.done $0x0  }
0x1d: {  	s1 =	simm.s32 $0x0;
	[sflag:s10] =	ssyncadd.s32 $0xFFFFC000  }
0x1e: {  	v0 =	vld [tilespmem:s1+$0x0];
	_ =	sdelay $0x3  }
0x1f: {  	s0 =	simm.s32 $0x4034  }
0x20: {  	[tilespmem:s0+$0xFFFFFFCC] =	vst v0  }
0x21: {  	v0 =	vld [tilespmem:s1+$0xA];
	_ =	sdelay $0x4  }
0x22: {  	[tilespmem:s0+$0xFFFFFFD6] =	vst v0  }
0x23: {  	v0 =	vld [tilespmem:s1+$0x20];
	_ =	sdelay $0x4  }
0x24: {  	[tilespmem:s0+$0xFFFFFFE6] =	vst v0  }
0x25: {  	v0 =	vld [tilespmem:s1+$0x2A];
	_ =	sdelay $0x4  }
0x26: {  	[tilespmem:s0+$0xFFFFFFF0] =	vst v0  }
0x27: {  	v0 =	vld [tilespmem:s1+$0x40];
	_ =	sdelay $0x4  }
0x28: {  	[tilespmem:s0+$0x0] =	vst v0  }
0x29: {  	v0 =	vld [tilespmem:s1+$0x4A];
	_ =	sdelay $0x4  }
0x2a: {  	[tilespmem:s0+$0xA] =	vst v0  }
0x2b: {  	v0 =	vld [tilespmem:s1+$0x60];
	_ =	sdelay $0x4  }
0x2c: {  	[tilespmem:s0+$0x1A] =	vst v0  }
0x2d: {  	v0 =	vld [tilespmem:s1+$0x6A];
	_ =	sdelay $0x4  }
0x2e: {  	s13 =	simm.s32 $0x400;
	s1 =	simm.s32 $0x80;
	[tilespmem:s0+$0x24] =	vst v0  }
.LBB2_2:
0x2f: {  	p0 =	sne.s32 s13, $0xFE00;
	v0 =	vld [tilespmem:s1+$0x0];
	_ =	sdelay $0x3  }
0x30: {  	s0 =	sadd.s32 $0x68, s0  }
0x31: {  	[tilespmem:s0+$0xFFFFFFCC] =	vst v0  }
0x32: {  	v0 =	vld [tilespmem:s1+$0xA];
	_ =	sdelay $0x4  }
0x33: {  	[tilespmem:s0+$0xFFFFFFD6] =	vst v0  }
0x34: {  	v0 =	vld [tilespmem:s1+$0x20];
	_ =	sdelay $0x4  }
0x35: {  	[tilespmem:s0+$0xFFFFFFE6] =	vst v0  }
0x36: {  	v0 =	vld [tilespmem:s1+$0x2A];
	_ =	sdelay $0x4  }
0x37: {  	[tilespmem:s0+$0xFFFFFFF0] =	vst v0  }
0x38: {  	v0 =	vld [tilespmem:s1+$0x40];
	_ =	sdelay $0x4  }
0x39: {  	[tilespmem:s0+$0x0] =	vst v0  }
0x3a: {  	v0 =	vld [tilespmem:s1+$0x4A];
	_ =	sdelay $0x4  }
0x3b: {  	[tilespmem:s0+$0xA] =	vst v0  }
0x3c: {  	v0 =	vld [tilespmem:s1+$0x60];
	_ =	sdelay $0x4  }
0x3d: {  	[tilespmem:s0+$0x1A] =	vst v0  }
0x3e: {  	v0 =	vld [tilespmem:s1+$0x6A]  }
.Ltmp2:
0x3f: {  	(pc) =	sbr.rel @p0 .LBB2_2-.Ltmp2, $2  }
0x40: {  	_ =	sdelay $0x2  }
0x41: {  	s1 =	sshra.s32 s13, $0x2;
	s13 =	sadd.s32 $0x200, s13;
	[tilespmem:s0+$0x24] =	vst v0  }
0x42: {  	v0 =	vld [tilespmem:s1+$0x0];
	_ =	sdelay $0x3  }
0x43: {  	s0 =	sadd.s32 $0x68, s0  }
0x44: {  	[tilespmem:s0+$0xFFFFFFCC] =	vst v0  }
0x45: {  	v0 =	vld [tilespmem:s1+$0xA];
	_ =	sdelay $0x4  }
0x46: {  	[tilespmem:s0+$0xFFFFFFD6] =	vst v0  }
0x47: {  	v0 =	vld [tilespmem:s1+$0x20];
	_ =	sdelay $0x4  }
0x48: {  	[tilespmem:s0+$0xFFFFFFE6] =	vst v0  }
0x49: {  	v0 =	vld [tilespmem:s1+$0x2A];
	_ =	sdelay $0x4  }
0x4a: {  	[tilespmem:s0+$0xFFFFFFF0] =	vst v0  }
0x4b: {  	v0 =	vld [tilespmem:s1+$0x40];
	_ =	sdelay $0x4  }
0x4c: {  	[tilespmem:s0+$0x0] =	vst v0  }
0x4d: {  	v0 =	vld [tilespmem:s1+$0x4A];
	_ =	sdelay $0x4  }
0x4e: {  	[tilespmem:s0+$0xA] =	vst v0  }
0x4f: {  	v0 =	vld [tilespmem:s1+$0x60];
	_ =	sdelay $0x4  }
0x50: {  	[tilespmem:s0+$0x1A] =	vst v0  }
0x51: {  	v0 =	vld [tilespmem:s1+$0x6A];
	_ =	sdelay $0x4  }
0x52: {  	s29 =	simm.s32 $0x4000;
	s30 =	simm.s32 $0x7400;
	[tilespmem:s0+$0x24] =	vst v0  }
0x53: {  	[tilespmem:s30], [sflag:$0x1] =	stream.indirect.gather [hbm4b:s6+s11], $0x40, s29, s11, $0xb8;
	[tilespmem:$0x14400] =	vst v63  }
0x54: {  	s31 =	simm.s32 $0xA800;
	s26 =	simm.s32 $0x0  }
0x55: {  	[tilespmem:s31], [sflag:$0x1] =	stream.indirect.gather [hbm4b:s7+s11], $0x40, s29, s11, $0xb8;
	[tilespmem:$0x14400] =	vst v63  }
.LBB2_4:
0x56: {  	s28 =	sshllo.u32 s26, $0x1  }
0x57: {  	s0 =	smul.u32 $0x1A0, s28;
	_ =	sdelay $0x1  }
0x58: {  	s0 =	sshra.s32 s0, $0x2  }
0x59: {  	s0 =	sadd.s32 $0x4000, s0  }
0x5a: {  	[tilespmem:s15], [sflag:$0x2] =	stream.indirect.gather [hbm4b:s6+s11], $0x40, s0, s11, $0xb8;
	[tilespmem:$0x14400] =	vst v63  }
0x5b: {  	_ = 	snop  }
0x5c: {  	[tilespmem:s16], [sflag:$0x2] =	stream.indirect.gather [hbm4b:s7+s11], $0x40, s0, s11, $0xb8;
	[tilespmem:$0x14400] =	vst v63  }
0x5d: {  	_ =	swait.ge [sflag:s17], $0x1A00  }
0x5e: {  	[sflag:s17] =	ssyncset.done $0x0  }
0x5f: {  	[sflag:s17] =	ssyncadd.s32 $0xFFFFE600  }
0x60: {  	_ =	swait.ge [sflag:s17], $0x1A00  }
0x61: {  	p0 =	seq.s32 s26, $0x0;
	[sflag:s17] =	ssyncset.done $0x0  }
0x62: {  	s0 =	simm.s32 @!p0 $0x3;
	[sflag:s17] =	ssyncadd.s32 $0xFFFFE600  }
0x63: {  	_ =	swait.ge @!p0 [sflag:s0], $0x1A00  }
0x64: {  	[sflag:s0] =	ssyncset.done @!p0 $0x0  }
0x65: {  	[sflag:s0] =	ssyncadd.s32 @!p0 $0xFFFFE600  }
0x66: {  	_ =	swait.ge @!p0 [sflag:s0], $0x1A00  }
0x67: {  	[sflag:s0] =	ssyncset.done @!p0 $0x0  }
0x68: {  	s31 =	simm.s32 $0x0;
	[sflag:s0] =	ssyncadd.s32 @!p0 $0xFFFFE600  }
0x69: {  	v5 =	vld [tilespmem:s31+$0xA820]  }
0x6a: {  	v9 =	vld [tilespmem:s31+$0xA830]  }
0x6b: {  	v10 =	vld [tilespmem:s31+$0xA800];
	_ =	sdelay $0x2  }
0x6c: {  	v0 =	vand.u32 $0x7FFFFFFF, v5  }
0x6d: {  	v1 =	vand.u32 $0x7FFFFFFF, v9;
	v0 =	vsub.f32 $0.0e+00, v0  }
0x6e: {  	v2 =	vand.u32 $0x7FFFFFFF, v10;
	v1 =	vsub.f32 $0.0e+00, v1  }
0x6f: {  	v2 =	vsub.f32 $0.0e+00, v2;
	v0 =	vmul.f32 $1.442695020e+00, v0  }
0x70: {  	v1 =	vmul.f32 $1.442695020e+00, v1  }
0x71: {  	v2 =	vmul.f32 $1.442695020e+00, v2;
	(erf) = vpow2.f32 v0  }
0x72: {  	v6 =	vld [tilespmem:s31+$0xA810];
	(erf) = vpow2.f32 v1  }
0x73: {  	(erf) = vpow2.f32 v2;
	_ =	sdelay $0x3  }
0x74: {  	v0 =	vand.u32 $0x7FFFFFFF, v6  }
0x75: {  	v0 =	vsub.f32 $0.0e+00, v0;
	_ =	sdelay $0x1  }
0x76: {  	v0 =	vmul.f32 $1.442695020e+00, v0;
	v1 =	vpop (erf)  }
0x77: {  	v2 =	vadd.f32 $2.000000000e+00, v1;
	v4 =	vpop (erf)  }
0x78: {  	(erf) = vpow2.f32 v0;
	v0 =	vadd.f32 $2.000000000e+00, v4;
	v7 =	vpop (erf)  }
0x79: {  	v3 =	vadd.f32 $2.000000000e+00, v7;
	(erf) = vrcp.f32 v2  }
0x7a: {  	(erf) = vrcp.f32 v0  }
0x7b: {  	s29 =	simm.s32 $0x40;
	(erf) = vrcp.f32 v3  }
0x7c: {  	v8 =	vld [tilespmem:s29+$0xA820]  }
0x7d: {  	v2 =	vld [tilespmem:s29+$0xA830]  }
0x7e: {  	v3 =	vld [tilespmem:s29+$0xA800];
	_ =	sdelay $0x2  }
0x7f: {  	v0 =	vand.u32 $0x7FFFFFFF, v8;
	v11 =	vpop (erf)  }
0x80: {  	v14 =	vsub.f32 $0.0e+00, v0;
	v13 =	vand.u32 $0x7FFFFFFF, v2;
	v12 =	vpop (erf)  }
0x81: {  	v13 =	vsub.f32 $0.0e+00, v13;
	v16 =	vand.u32 $0x7FFFFFFF, v3;
	v15 =	vpop (erf)  }
0x82: {  	v0 =	vld [tilespmem:s29+$0xA810];
	v14 =	vmul.f32 $1.442695020e+00, v14;
	v16 =	vsub.f32 $0.0e+00, v16;
	v12 =	vmul.f32 v12, v1;
	v1 =	vpop (erf)  }
0x83: {  	v17 =	vmul.f32 v1, v7;
	v1 =	vmul.f32 $1.442695020e+00, v13  }
0x84: {  	(erf) = vpow2.f32 v14;
	v7 =	vmul.f32 $1.442695020e+00, v16  }
0x85: {  	v13 =	vmul.f32 v17, v17;
	(erf) = vpow2.f32 v1  }
0x86: {  	(erf) = vpow2.f32 v7  }
0x87: {  	v1 =	vand.u32 $0x7FFFFFFF, v0;
	v7 =	vmul.f32 $2.222222240e-01, v13  }
0x88: {  	v16 =	vmul.f32 v12, v12;
	v1 =	vsub.f32 $0.0e+00, v1  }
0x89: {  	v19 =	vmul.f32 v15, v4;
	v4 =	vadd.f32 $2.857142980e-01, v7  }
0x8a: {  	v1 =	vmul.f32 $1.442695020e+00, v1;
	v7 =	vmul.f32 $2.222222240e-01, v16  }
0x8b: {  	v14 =	vadd.f32 $2.000000000e+00, v11;
	v18 =	vmul.f32 v19, v19;
	v4 =	vmul.f32 v4, v13  }
0x8c: {  	(erf) = vpow2.f32 v1;
	v7 =	vadd.f32 $2.857142980e-01, v7  }
0x8d: {  	v15 =	vpop (erf);
	v1 =	vmul.f32 $2.222222240e-01, v18;
	(erf) = vrcp.f32 v14;
	v4 =	vadd.f32 $4.000000060e-01, v4  }
0x8e: {  	v14 =	vadd.f32 $2.000000000e+00, v15;
	v7 =	vmul.f32 v7, v16;
	v20 =	vpop (erf)  }
0x8f: {  	v1 =	vadd.f32 $2.857142980e-01, v1;
	v4 =	vmul.f32 v4, v13;
	v21 =	vadd.f32 $2.000000000e+00, v20;
	v22 =	vpop (erf)  }
0x90: {  	(erf) = vrcp.f32 v14;
	v7 =	vadd.f32 $4.000000060e-01, v7;
	v23 =	vadd.f32 $2.000000000e+00, v22  }
0x91: {  	v1 =	vmul.f32 v1, v18;
	v4 =	vadd.f32 $6.666666860e-01, v4;
	(erf) = vrcp.f32 v21  }
0x92: {  	v7 =	vmul.f32 v7, v16;
	(erf) = vrcp.f32 v23  }
0x93: {  	v4 =	vmul.f32 v4, v13  }
0x94: {  	s30 =	simm.s32 $0x80;
	v1 =	vadd.f32 $4.000000060e-01, v1;
	v13 =	vadd.f32 $6.666666860e-01, v7  }
0x95: {  	v14 =	vpop (erf);
	v7 =	vld [tilespmem:s30+$0xA830];
	v23 =	vadd.f32 $2.000000000e+00, v4  }
0x96: {  	v21 =	vmul.f32 v1, v18;
	v24 =	vpop (erf);
	v4 =	vld [tilespmem:s30+$0xA820];
	v13 =	vmul.f32 v13, v16  }
0x97: {  	v10 =	vmax.f32 v10, $0.0e+00;
	v1 =	vld [tilespmem:s30+$0xA800];
	v16 =	vmul.f32 v24, v11;
	v17 =	vmul.f32 v23, v17  }
0x98: {  	v11 =	vadd.f32 $6.666666860e-01, v21;
	v24 =	vmax.f32 v9, $0.0e+00;
	v13 =	vadd.f32 $2.000000000e+00, v13  }
0x99: {  	v21 =	vmax.f32 v5, $0.0e+00;
	v9 =	vpop (erf);
	v25 =	vmul.f32 v16, v16;
	v17 =	vadd.f32 v17, v10  }
0x9a: {  	v5 =	vld [tilespmem:s30+$0xA810];
	v13 =	vmul.f32 v13, v12;
	v10 =	vand.u32 $0x7FFFFFFF, v7;
	v12 =	vmul.f32 v9, v15;
	v9 =	vpop (erf)  }
0x9b: {  	v23 =	vand.u32 $0x7FFFFFFF, v4;
	v27 =	vsub.f32 $0.0e+00, v10;
	v10 =	vmul.f32 v9, v20;
	v9 =	vpop (erf)  }
0x9c: {  	v26 =	vand.u32 $0x7FFFFFFF, v1;
	v20 =	vsub.f32 $0.0e+00, v23;
	v15 =	vmul.f32 v9, v22  }
0x9d: {  	v23 =	vsub.f32 $0.0e+00, v26;
	v9 =	vmul.f32 $2.222222240e-01, v25;
	v26 =	vmul.f32 $1.442695020e+00, v27  }
0x9e: {  	v21 =	vadd.f32 v13, v21;
	v13 =	vmul.f32 $1.442695020e+00, v20;
	v30 =	vmul.f32 v15, v15  }
0x9f: {  	v27 =	vand.u32 $0x7FFFFFFF, v5;
	v23 =	vmul.f32 $1.442695020e+00, v23;
	v20 =	vmul.f32 v12, v12  }
0xa0: {  	v27 =	vsub.f32 $0.0e+00, v27;
	(erf) = vpow2.f32 v13;
	v28 =	vmul.f32 $2.222222240e-01, v30  }
0xa1: {  	v9 =	vadd.f32 $2.857142980e-01, v9;
	v13 =	vmul.f32 v10, v10;
	(erf) = vpow2.f32 v26  }
0xa2: {  	v22 =	vld [tilespmem:s31+$0x7420];
	v27 =	vmul.f32 $1.442695020e+00, v27;
	(erf) = vpow2.f32 v23;
	v23 =	vadd.f32 $2.857142980e-01, v28  }
0xa3: {  	v26 =	vmul.f32 $2.222222240e-01, v20;
	v9 =	vmul.f32 v9, v25  }
0xa4: {  	v31 =	vmul.f32 $2.222222240e-01, v13;
	v28 =	vadd.f32 $2.000000000e+00, v14;
	v23 =	vmul.f32 v23, v30  }
0xa5: {  	v11 =	vmul.f32 v11, v18;
	v26 =	vadd.f32 $2.857142980e-01, v26;
	v9 =	vadd.f32 $4.000000060e-01, v9  }
0xa6: {  	(erf) = vpow2.f32 v27;
	v27 =	vadd.f32 $2.857142980e-01, v31;
	v23 =	vadd.f32 $4.000000060e-01, v23  }
0xa7: {  	v29 =	vsub.f32 v22, v21;
	v26 =	vmul.f32 v26, v20;
	(erf) = vrcp.f32 v28  }
0xa8: {  	v33 =	vadd.f32 v21, v22;
	v32 =	vmul.f32 v9, v25;
	v27 =	vmul.f32 v27, v13  }
0xa9: {  	v28 =	vadd.f32 $2.000000000e+00, v11;
	v11 =	vld [tilespmem:s29+$0x7410];
	v26 =	vadd.f32 $4.000000060e-01, v26  }
0xaa: {  	v9 =	vld [tilespmem:s30+$0x7410];
	v32 =	vadd.f32 $6.666666860e-01, v32;
	v27 =	vadd.f32 $4.000000060e-01, v27;
	v31 =	vmul.f32 v23, v30;
	v23 =	vpop (erf)  }
0xab: {  	[tilespmem:s31+$0xDC20] =	vst v29;
	v29 =	vld [tilespmem:s31+$0x7400];
	v28 =	vmul.f32 v28, v19;
	v26 =	vmul.f32 v26, v20;
	v19 =	vadd.f32 $2.000000000e+00, v23;
	v21 =	vpop (erf)  }
0xac: {  	v32 =	vmul.f32 v32, v25;
	v27 =	vmul.f32 v27, v13;
	v34 =	vadd.f32 $2.000000000e+00, v21;
	v22 =	vpop (erf)  }
0xad: {  	v31 =	vadd.f32 $6.666666860e-01, v31;
	(erf) = vrcp.f32 v19;
	v35 =	vadd.f32 $2.000000000e+00, v22  }
0xae: {  	v19 =	vadd.f32 $6.666666860e-01, v27;
	v27 =	vadd.f32 v28, v24;
	v28 =	vld [tilespmem:s31+$0x7430];
	(erf) = vrcp.f32 v34  }
0xaf: {  	s0 =	simm.s32 $0x300;
	v18 =	vld [tilespmem:s31+$0x7410];
	[tilespmem:s31+$0x11020] =	vst v33;
	v25 =	vpop (erf);
	v24 =	vmul.f32 v31, v30;
	v30 =	vadd.f32 $2.000000000e+00, v32;
	(erf) = vrcp.f32 v35  }
.LBB2_5:
0xb0: {  	s1 =	sshra.s32 s0, $0x2;
	p1 =	sne.s32 s0, $0x1900;
	s0 =	sadd.s32 $0x100, s0;
	v26 =	vadd.f32 $6.666666860e-01, v26;
	v31 =	vadd.f32 v17, v29;
	v32 =	vmax.f32 v6, $0.0e+00;
	v6 =	vmovc v0;
	v0 =	vmovc v5  }
0xb1: {  	v17 =	vsub.f32 v29, v17;
	v33 =	vld [tilespmem:s1+$0xA830];
	v34 =	vadd.f32 $2.000000000e+00, v24;
	v5 =	vpop (erf);
	v29 =	vmul.f32 v30, v16  }
0xb2: {  	v35 =	vmax.f32 v3, $0.0e+00;
	v3 =	vmovc v1;
	v24 =	vmax.f32 v2, $0.0e+00;
	v2 =	vmovc v7;
	v30 =	vld [tilespmem:s1+$0xA820];
	v20 =	vmul.f32 v26, v20;
	[tilespmem:s31+$0x11000] =	vst v31  }
0xb3: {  	v16 =	vmul.f32 v5, v14;
	v1 =	vld [tilespmem:s1+$0xA800];
	[tilespmem:s31+$0xDC00] =	vst v17;
	v7 =	vadd.f32 v29, v32;
	v17 =	vadd.f32 v27, v28  }
0xb4: {  	v14 =	vmovc v25;
	v15 =	vmul.f32 v34, v15;
	v26 =	vsub.f32 v28, v27;
	v5 =	vld [tilespmem:s1+$0xA810];
	v20 =	vadd.f32 $2.000000000e+00, v20  }
0xb5: {  	v27 =	vmul.f32 v16, v16;
	v25 =	vld [tilespmem:s1+$0x7410];
	v28 =	vsub.f32 v18, v7;
	v7 =	vadd.f32 v7, v18;
	[tilespmem:s31+$0x11030] =	vst v17  }
0xb6: {  	v29 =	vmax.f32 v8, $0.0e+00;
	v17 =	vadd.f32 v15, v35;
	v18 =	vpop (erf);
	v20 =	vmul.f32 v20, v12;
	[tilespmem:s31+$0xDC30] =	vst v26  }
0xb7: {  	v31 =	vand.u32 $0x7FFFFFFF, v33;
	v32 =	vand.u32 $0x7FFFFFFF, v30;
	v12 =	vmul.f32 v18, v23;
	v18 =	vpop (erf);
	[tilespmem:s31+$0xDC10] =	vst v28  }
0xb8: {  	v26 =	vsub.f32 $0.0e+00, v31;
	v23 =	vand.u32 $0x7FFFFFFF, v1;
	v28 =	vmul.f32 v18, v21;
	v15 =	vpop (erf);
	[tilespmem:s31+$0x11010] =	vst v7;
	s31 =	smov.u32 s29;
	s29 =	smov.u32 s30;
	s30 =	smov.u32 s1  }
0xb9: {  	v8 =	vmovc v4;
	v21 =	vsub.f32 $0.0e+00, v32;
	v15 =	vmul.f32 v15, v22;
	v22 =	vmul.f32 $2.222222240e-01, v27;
	v31 =	vld [tilespmem:s31+$0x7420];
	v7 =	vmovc v33  }
0xba: {  	v4 =	vmovc v30;
	v29 =	vadd.f32 v20, v29;
	v18 =	vmovc v11;
	v23 =	vsub.f32 $0.0e+00, v23;
	v26 =	vmul.f32 $1.442695020e+00, v26  }
0xbb: {  	v11 =	vmovc v9;
	v21 =	vmul.f32 $1.442695020e+00, v21;
	v9 =	vmovc v25;
	v30 =	vmul.f32 v15, v15;
	v22 =	vadd.f32 $2.857142980e-01, v22  }
0xbc: {  	v20 =	vmul.f32 v12, v12;
	v25 =	vand.u32 $0x7FFFFFFF, v5;
	v23 =	vmul.f32 $1.442695020e+00, v23  }
0xbd: {  	v25 =	vsub.f32 $0.0e+00, v25;
	(erf) = vpow2.f32 v21;
	v21 =	vmul.f32 $2.222222240e-01, v30  }
0xbe: {  	(erf) = vpow2.f32 v26;
	v26 =	vmul.f32 v28, v28;
	v32 =	vsub.f32 v31, v29  }
0xbf: {  	(erf) = vpow2.f32 v23;
	v21 =	vadd.f32 $2.857142980e-01, v21;
	v23 =	vmul.f32 $2.222222240e-01, v20  }
0xc0: {  	v33 =	vadd.f32 $2.000000000e+00, v14;
	v25 =	vmul.f32 $1.442695020e+00, v25;
	v34 =	vmul.f32 $2.222222240e-01, v26;
	[tilespmem:s31+$0xDC20] =	vst v32  }
0xc1: {  	v22 =	vmul.f32 v22, v27;
	v21 =	vmul.f32 v21, v30;
	v23 =	vadd.f32 $2.857142980e-01, v23  }
0xc2: {  	v19 =	vmul.f32 v19, v13;
	v13 =	vmovc v26;
	(erf) = vpow2.f32 v25;
	v25 =	vadd.f32 $2.857142980e-01, v34  }
0xc3: {  	v22 =	vadd.f32 $4.000000060e-01, v22;
	v21 =	vadd.f32 $4.000000060e-01, v21;
	v34 =	vmul.f32 v23, v20  }
0xc4: {  	v19 =	vadd.f32 $2.000000000e+00, v19;
	v25 =	vmul.f32 v25, v13;
	(erf) = vrcp.f32 v33  }
0xc5: {  	v35 =	vmul.f32 v22, v27;
	v32 =	vmul.f32 v21, v30;
	v26 =	vadd.f32 $4.000000060e-01, v34  }
0xc6: {  	v31 =	vadd.f32 v29, v31;
	v33 =	vmul.f32 v19, v10;
	v23 =	vpop (erf);
	v25 =	vadd.f32 $4.000000060e-01, v25  }
.Ltmp3:
0xc7: {  	v19 =	vadd.f32 $6.666666860e-01, v35;
	v36 =	vadd.f32 $2.000000000e+00, v23;
	v21 =	vpop (erf);
	v26 =	vmul.f32 v26, v20;
	v29 =	vld [tilespmem:s31+$0x7400];
	(pc) =	sbr.rel @p1 .LBB2_5-.Ltmp3, $4  }
0xc8: {  	v32 =	vadd.f32 $6.666666860e-01, v32;
	v34 =	vadd.f32 $2.000000000e+00, v21;
	v22 =	vpop (erf);
	v37 =	vmul.f32 v25, v13;
	[tilespmem:s31+$0x11020] =	vst v31  }
0xc9: {  	v10 =	vmovc v28;
	v35 =	vmul.f32 v19, v27;
	v31 =	vadd.f32 $2.000000000e+00, v22;
	(erf) = vrcp.f32 v36  }
0xca: {  	v27 =	vadd.f32 v33, v24;
	(erf) = vrcp.f32 v34;
	v19 =	vadd.f32 $6.666666860e-01, v37;
	v28 =	vld [tilespmem:s31+$0x7430]  }
0xcb: {  	v24 =	vmul.f32 v32, v30;
	v30 =	vadd.f32 $2.000000000e+00, v35;
	(erf) = vrcp.f32 v31;
	v25 =	vpop (erf)  }
0xcc: {  	_ = 	snop  }
0xcd: {  	v31 =	vadd.f32 v17, v29;
	v6 =	vmax.f32 v6, $0.0e+00;
	v32 =	vpop (erf);
	v16 =	vmul.f32 v30, v16  }
0xce: {  	v17 =	vsub.f32 v29, v17;
	v26 =	vadd.f32 $6.666666860e-01, v26;
	v14 =	vmul.f32 v32, v14  }
0xcf: {  	v6 =	vadd.f32 v16, v6;
	v16 =	vadd.f32 v27, v28  }
0xd0: {  	[tilespmem:s31+$0xDC00] =	vst v17;
	v17 =	vsub.f32 v28, v27;
	v27 =	vmul.f32 v14, v14  }
0xd1: {  	[tilespmem:s31+$0x11030] =	vst v16;
	v16 =	vmul.f32 v26, v20  }
0xd2: {  	v28 =	vsub.f32 v18, v6;
	v6 =	vadd.f32 v6, v18;
	[tilespmem:s31+$0xDC30] =	vst v17;
	v17 =	vmul.f32 $2.222222240e-01, v27  }
0xd3: {  	v18 =	vpop (erf);
	v16 =	vadd.f32 $2.000000000e+00, v16  }
0xd4: {  	[tilespmem:s31+$0x11010] =	vst v6;
	v6 =	vadd.f32 $2.857142980e-01, v17;
	v17 =	vmul.f32 v18, v23  }
0xd5: {  	v12 =	vmul.f32 v16, v12  }
0xd6: {  	[tilespmem:s31+$0x11000] =	vst v31;
	v6 =	vmul.f32 v6, v27;
	v16 =	vmul.f32 v17, v17  }
0xd7: {  	v20 =	vadd.f32 $2.000000000e+00, v25;
	[tilespmem:s31+$0xDC10] =	vst v28  }
0xd8: {  	v18 =	vld [tilespmem:s29+$0x7420];
	v6 =	vadd.f32 $4.000000060e-01, v6;
	v23 =	vmul.f32 $2.222222240e-01, v16  }
0xd9: {  	v13 =	vmul.f32 v19, v13;
	(erf) = vrcp.f32 v20  }
0xda: {  	v8 =	vmax.f32 v8, $0.0e+00;
	v6 =	vmul.f32 v6, v27;
	v23 =	vadd.f32 $2.857142980e-01, v23  }
0xdb: {  	v3 =	vmax.f32 v3, $0.0e+00;
	v13 =	vadd.f32 $2.000000000e+00, v13;
	v8 =	vadd.f32 v12, v8;
	v12 =	vpop (erf)  }
0xdc: {  	v20 =	vadd.f32 $2.000000000e+00, v24;
	v24 =	vpop (erf);
	v6 =	vadd.f32 $6.666666860e-01, v6;
	v19 =	vmul.f32 v23, v16  }
0xdd: {  	v26 =	vsub.f32 v18, v8;
	v8 =	vadd.f32 v8, v18;
	v22 =	vmul.f32 v24, v22  }
0xde: {  	v15 =	vmul.f32 v20, v15;
	v23 =	vld [tilespmem:s29+$0x7400];
	v6 =	vmul.f32 v6, v27;
	v19 =	vadd.f32 $4.000000060e-01, v19  }
0xdf: {  	v2 =	vmax.f32 v2, $0.0e+00;
	[tilespmem:s29+$0x11020] =	vst v8;
	v8 =	vmul.f32 v12, v21;
	v18 =	vmul.f32 v22, v22  }
0xe0: {  	v0 =	vmax.f32 v0, $0.0e+00;
	v10 =	vmul.f32 v13, v10;
	v20 =	vld [tilespmem:s29+$0x7430];
	v6 =	vadd.f32 $2.000000000e+00, v6  }
0xe1: {  	v3 =	vadd.f32 v15, v3;
	v13 =	vmul.f32 v8, v8;
	v12 =	vmul.f32 $2.222222240e-01, v18  }
0xe2: {  	v2 =	vadd.f32 v10, v2;
	v15 =	vmul.f32 v19, v16;
	v19 =	vpop (erf);
	v6 =	vmul.f32 v6, v14  }
0xe3: {  	v10 =	vadd.f32 v3, v23;
	v3 =	vsub.f32 v23, v3;
	v14 =	vmul.f32 v19, v25  }
0xe4: {  	v12 =	vadd.f32 $2.857142980e-01, v12;
	v19 =	vmul.f32 $2.222222240e-01, v13;
	v0 =	vadd.f32 v6, v0  }
0xe5: {  	[tilespmem:s29+$0xDC00] =	vst v3;
	v6 =	vadd.f32 v2, v20;
	v2 =	vsub.f32 v20, v2;
	v3 =	vmul.f32 v14, v14  }
0xe6: {  	[tilespmem:s29+$0x11000] =	vst v10;
	v10 =	vadd.f32 $6.666666860e-01, v15;
	v12 =	vmul.f32 v12, v18;
	v15 =	vadd.f32 $2.857142980e-01, v19  }
0xe7: {  	v19 =	vsub.f32 v11, v0;
	v0 =	vadd.f32 v0, v11;
	[tilespmem:s29+$0xDC30] =	vst v2;
	v2 =	vmul.f32 $2.222222240e-01, v3  }
0xe8: {  	[tilespmem:s29+$0x11030] =	vst v6;
	v6 =	vmul.f32 v10, v16  }
0xe9: {  	v10 =	vadd.f32 $4.000000060e-01, v12;
	v11 =	vmul.f32 v15, v13;
	[tilespmem:s29+$0x11010] =	vst v0;
	v0 =	vadd.f32 $2.857142980e-01, v2  }
0xea: {  	v6 =	vadd.f32 $2.000000000e+00, v6  }
0xeb: {  	[tilespmem:s29+$0xDC20] =	vst v26;
	v2 =	vmul.f32 v10, v18;
	v11 =	vadd.f32 $4.000000060e-01, v11;
	v0 =	vmul.f32 v0, v3  }
0xec: {  	v4 =	vmax.f32 v4, $0.0e+00;
	[tilespmem:s29+$0xDC10] =	vst v19;
	v6 =	vmul.f32 v6, v17  }
0xed: {  	v10 =	vld [tilespmem:s30+$0x7420];
	v2 =	vadd.f32 $6.666666860e-01, v2;
	v11 =	vmul.f32 v11, v13;
	v0 =	vadd.f32 $4.000000060e-01, v0  }
0xee: {  	v4 =	vadd.f32 v6, v4  }
0xef: {  	v2 =	vmul.f32 v2, v18;
	v6 =	vadd.f32 $6.666666860e-01, v11;
	v0 =	vmul.f32 v0, v3;
	_ =	sdelay $0x1  }
0xf0: {  	v2 =	vadd.f32 $2.000000000e+00, v2;
	v6 =	vmul.f32 v6, v13;
	v0 =	vadd.f32 $6.666666860e-01, v0  }
0xf1: {  	v11 =	vsub.f32 v10, v4;
	v4 =	vadd.f32 v4, v10;
	v10 =	vld [tilespmem:s30+$0x7400]  }
0xf2: {  	v2 =	vmul.f32 v2, v22;
	v6 =	vadd.f32 $2.000000000e+00, v6;
	v0 =	vmul.f32 v0, v3  }
0xf3: {  	v1 =	vmax.f32 v1, $0.0e+00;
	v3 =	vld [tilespmem:s30+$0x7430]  }
0xf4: {  	v1 =	vadd.f32 v2, v1;
	v2 =	vmul.f32 v6, v8;
	v0 =	vadd.f32 $2.000000000e+00, v0  }
0xf5: {  	[tilespmem:s30+$0x11020] =	vst v4;
	v4 =	vmax.f32 v7, $0.0e+00  }
0xf6: {  	v2 =	vadd.f32 v2, v4;
	v4 =	vadd.f32 v1, v10;
	v0 =	vmul.f32 v0, v14  }
0xf7: {  	v5 =	vmax.f32 v5, $0.0e+00;
	[tilespmem:s30+$0xDC20] =	vst v11;
	v1 =	vsub.f32 v10, v1  }
0xf8: {  	[tilespmem:s30+$0x11000] =	vst v4;
	v4 =	vadd.f32 v2, v3;
	v0 =	vadd.f32 v0, v5  }
0xf9: {  	[tilespmem:s30+$0xDC00] =	vst v1;
	v1 =	vsub.f32 v3, v2  }
0xfa: {  	[tilespmem:s30+$0x11030] =	vst v4;
	v2 =	vsub.f32 v9, v0  }
0xfb: {  	[tilespmem:s30+$0xDC30] =	vst v1;
	v0 =	vadd.f32 v0, v9  }
0xfc: {  	[tilespmem:s30+$0xDC10] =	vst v2  }
0xfd: {  	s29 =	simm.s32 $0x0;
	[tilespmem:s30+$0x11010] =	vst v0  }
0xfe: {  	v23 =	vld [tilespmem:s29+$0xAEA0]  }
0xff: {  	v25 =	vld [tilespmem:s29+$0xAEB0]  }
0x100: {  	v26 =	vld [tilespmem:s29+$0xAE80];
	_ =	sdelay $0x2  }
0x101: {  	v3 =	vld [tilespmem:s29+$0xAE90];
	v0 =	vand.u32 $0x7FFFFFFF, v23  }
0x102: {  	v1 =	vand.u32 $0x7FFFFFFF, v25;
	v0 =	vsub.f32 $0.0e+00, v0  }
0x103: {  	v2 =	vand.u32 $0x7FFFFFFF, v26;
	v1 =	vsub.f32 $0.0e+00, v1  }
0x104: {  	v2 =	vsub.f32 $0.0e+00, v2;
	v0 =	vmul.f32 $1.442695020e+00, v0  }
0x105: {  	v1 =	vmul.f32 $1.442695020e+00, v1  }
0x106: {  	v4 =	vand.u32 $0x7FFFFFFF, v3;
	v2 =	vmul.f32 $1.442695020e+00, v2;
	(erf) = vpow2.f32 v0  }
0x107: {  	v0 =	vsub.f32 $0.0e+00, v4;
	(erf) = vpow2.f32 v1  }
0x108: {  	(erf) = vpow2.f32 v2  }
0x109: {  	v0 =	vmul.f32 $1.442695020e+00, v0;
	_ =	sdelay $0x1  }
0x10a: {  	(erf) = vpow2.f32 v0;
	_ =	sdelay $0x3  }
0x10b: {  	p2 =	por $0x1, $0x1;
	v16 =	vpop (erf)  }
.Ltmp4:
0x10c: {  	v0 =	vadd.f32 $2.000000000e+00, v16;
	v11 =	vpop (erf);
	(pc) =	sbr.rel @!p2 .LBB2_7-.Ltmp4, $4  }
0x10d: {  	v1 =	vadd.f32 $2.000000000e+00, v11;
	v12 =	vpop (erf)  }
0x10e: {  	v2 =	vadd.f32 $2.000000000e+00, v12;
	(erf) = vrcp.f32 v0  }
0x10f: {  	(erf) = vrcp.f32 v1  }
0x110: {  	p3 =	por $0x0, $0x0;
	p1 =	por $0x0, $0x0;
	v6 =	vld [tilespmem:s29+$0x7A90];
	v29 =	vpop (erf);
	(erf) = vrcp.f32 v2  }
0x111: {  	s30 =	simm.s32 $0x40  }
0x112: {  	v1 =	vld [tilespmem:s30+$0xAEB0];
	_ =	sdelay $0x1  }
0x113: {  	v4 =	vld [tilespmem:s30+$0xAEA0]  }
0x114: {  	v2 =	vld [tilespmem:s30+$0xAE80];
	_ =	sdelay $0x1  }
0x115: {  	v9 =	vand.u32 $0x7FFFFFFF, v1  }
0x116: {  	v5 =	vpop (erf)  }
0x117: {  	v0 =	vld [tilespmem:s30+$0xAE90];
	v8 =	vand.u32 $0x7FFFFFFF, v4;
	v7 =	vmul.f32 v5, v16;
	v5 =	vpop (erf)  }
0x118: {  	v10 =	vand.u32 $0x7FFFFFFF, v2;
	v13 =	vsub.f32 $0.0e+00, v9;
	v8 =	vsub.f32 $0.0e+00, v8;
	v9 =	vpop (erf)  }
0x119: {  	v24 =	vmul.f32 v5, v11;
	v5 =	vsub.f32 $0.0e+00, v10;
	v9 =	vmul.f32 v9, v12  }
0x11a: {  	v10 =	vmul.f32 $1.442695020e+00, v13;
	v8 =	vmul.f32 $1.442695020e+00, v8  }
0x11b: {  	v5 =	vmul.f32 $1.442695020e+00, v5;
	v13 =	vmul.f32 v9, v9  }
0x11c: {  	v11 =	vand.u32 $0x7FFFFFFF, v0;
	v27 =	vmul.f32 v24, v24;
	(erf) = vpow2.f32 v8  }
0x11d: {  	v8 =	vsub.f32 $0.0e+00, v11;
	(erf) = vpow2.f32 v10;
	v11 =	vmul.f32 $2.222222240e-01, v13  }
0x11e: {  	(erf) = vpow2.f32 v5  }
0x11f: {  	v8 =	vmul.f32 $1.442695020e+00, v8;
	v5 =	vadd.f32 $2.857142980e-01, v11;
	v11 =	vmul.f32 $2.222222240e-01, v27  }
0x120: {  	v15 =	vmul.f32 v7, v7  }
0x121: {  	(erf) = vpow2.f32 v8;
	v8 =	vadd.f32 $2.857142980e-01, v11  }
0x122: {  	v10 =	vmul.f32 $2.222222240e-01, v15  }
0x123: {  	v5 =	vmul.f32 v5, v13;
	v8 =	vmul.f32 v8, v27  }
0x124: {  	v12 =	vadd.f32 $2.000000000e+00, v29;
	v10 =	vadd.f32 $2.857142980e-01, v10  }
0x125: {  	v5 =	vadd.f32 $4.000000060e-01, v5;
	v8 =	vadd.f32 $4.000000060e-01, v8  }
0x126: {  	p4 =	por $0x1, $0x1;
	v10 =	vmul.f32 v10, v15;
	v16 =	vpop (erf)  }
.Ltmp5:
0x127: {  	v14 =	vadd.f32 $2.000000000e+00, v16;
	v11 =	vpop (erf);
	v5 =	vmul.f32 v5, v13;
	v8 =	vmul.f32 v8, v27;
	(pc) =	sbr.rel @!p4 .LBB2_9-.Ltmp5, $4  }
0x128: {  	v10 =	vadd.f32 $4.000000060e-01, v10;
	(erf) = vrcp.f32 v12;
	v17 =	vadd.f32 $2.000000000e+00, v11;
	v12 =	vpop (erf)  }
0x129: {  	v19 =	vadd.f32 $2.000000000e+00, v12;
	(erf) = vrcp.f32 v14;
	v18 =	vadd.f32 $6.666666860e-01, v5  }
0x12a: {  	v28 =	vmul.f32 v10, v15;
	(erf) = vrcp.f32 v17  }
0x12b: {  	p3 =	por $0x1, $0x1;
	v5 =	vld [tilespmem:s30+$0x7A90];
	(erf) = vrcp.f32 v19;
	v14 =	vadd.f32 $6.666666860e-01, v8;
	v33 =	vmul.f32 v18, v13;
	v8 =	vpop (erf)  }
0x12c: {  	s1 =	simm.s32 $0x80  }
0x12d: {  	v10 =	vadd.f32 $6.666666860e-01, v28;
	v22 =	vld [tilespmem:s1+$0xAEB0]  }
0x12e: {  	v13 =	vadd.f32 $2.000000000e+00, v33;
	v17 =	vld [tilespmem:s1+$0xAEA0]  }
0x12f: {  	v18 =	vld [tilespmem:s1+$0xAE80];
	v15 =	vmul.f32 v10, v15  }
0x130: {  	v9 =	vmul.f32 v13, v9  }
0x131: {  	v13 =	vmax.f32 v26, $0.0e+00;
	v15 =	vadd.f32 $2.000000000e+00, v15  }
0x132: {  	v20 =	vmax.f32 v23, $0.0e+00;
	v19 =	vpop (erf);
	v13 =	vadd.f32 v9, v13  }
0x133: {  	v10 =	vmul.f32 v19, v29;
	v19 =	vpop (erf);
	v15 =	vmul.f32 v15, v7;
	v9 =	vand.u32 $0x7FFFFFFF, v17  }
0x134: {  	v21 =	vld [tilespmem:s1+$0xAE90];
	v23 =	vand.u32 $0x7FFFFFFF, v22;
	v28 =	vand.u32 $0x7FFFFFFF, v18;
	v7 =	vmul.f32 v19, v16;
	v16 =	vpop (erf)  }
0x135: {  	v23 =	vsub.f32 $0.0e+00, v23;
	v28 =	vsub.f32 $0.0e+00, v28;
	v19 =	vmul.f32 v16, v11;
	v11 =	vpop (erf)  }
0x136: {  	v26 =	vmul.f32 v10, v10;
	v16 =	vsub.f32 $0.0e+00, v9;
	v9 =	vmul.f32 v11, v12  }
0x137: {  	v23 =	vmul.f32 $1.442695020e+00, v23;
	v28 =	vmul.f32 $1.442695020e+00, v28  }
0x138: {  	v29 =	vadd.f32 v15, v20;
	v16 =	vmul.f32 $1.442695020e+00, v16;
	v62 =	vmul.f32 v9, v9  }
0x139: {  	v20 =	vand.u32 $0x7FFFFFFF, v21;
	v15 =	vmul.f32 v7, v7;
	v11 =	vmul.f32 $2.222222240e-01, v26  }
0x13a: {  	v30 =	vsub.f32 $0.0e+00, v20;
	(erf) = vpow2.f32 v16;
	v16 =	vmul.f32 $2.222222240e-01, v62  }
0x13b: {  	v20 =	vmul.f32 v19, v19;
	v11 =	vadd.f32 $2.857142980e-01, v11;
	(erf) = vpow2.f32 v23  }
0x13c: {  	(erf) = vpow2.f32 v28;
	v28 =	vmul.f32 $2.222222240e-01, v15;
	v16 =	vadd.f32 $2.857142980e-01, v16  }
0x13d: {  	v31 =	vadd.f32 $2.000000000e+00, v8;
	v30 =	vmul.f32 $1.442695020e+00, v30;
	v32 =	vmul.f32 $2.222222240e-01, v20  }
0x13e: {  	v12 =	vld [tilespmem:s29+$0x7AA0];
	v11 =	vmul.f32 v11, v26;
	v28 =	vadd.f32 $2.857142980e-01, v28;
	v16 =	vmul.f32 v16, v62  }
0x13f: {  	v14 =	vmul.f32 v14, v27;
	(erf) = vpow2.f32 v30;
	v30 =	vadd.f32 $2.857142980e-01, v32  }
0x140: {  	v11 =	vadd.f32 $4.000000060e-01, v11;
	v27 =	vmul.f32 v28, v15;
	v16 =	vadd.f32 $4.000000060e-01, v16  }
0x141: {  	v25 =	vmax.f32 v25, $0.0e+00;
	(erf) = vrcp.f32 v31  }
0x142: {  	v28 =	vmul.f32 v30, v20;
	v31 =	vmul.f32 v11, v26;
	v27 =	vadd.f32 $4.000000060e-01, v27  }
0x143: {  	v14 =	vadd.f32 $2.000000000e+00, v14;
	v23 =	vsub.f32 v12, v29;
	v30 =	vmul.f32 v16, v62  }
0x144: {  	p5 =	por $0x1, $0x1;
	v63 =	vadd.f32 $4.000000060e-01, v28;
	v28 =	vmul.f32 v27, v15;
	v27 =	vadd.f32 $6.666666860e-01, v31;
	v16 =	vpop (erf)  }
.Ltmp6:
0x145: {  	v34 =	vmul.f32 v14, v24;
	v35 =	vadd.f32 $6.666666860e-01, v30;
	v30 =	vld [tilespmem:s29+$0x7A80];
	v14 =	vadd.f32 $2.000000000e+00, v16;
	v11 =	vpop (erf);
	(pc) =	sbr.rel @!p5 .LBB2_11-.Ltmp6, $4  }
0x146: {  	v24 =	vld [tilespmem:s1+$0x7A90];
	v29 =	vadd.f32 v29, v12;
	[tilespmem:s29+$0xE2A0] =	vst v23;
	v31 =	vmul.f32 v63, v20;
	v23 =	vadd.f32 $2.000000000e+00, v11;
	v12 =	vpop (erf)  }
0x147: {  	v26 =	vmul.f32 v27, v26;
	(erf) = vrcp.f32 v14;
	v36 =	vadd.f32 $2.000000000e+00, v12  }
0x148: {  	v32 =	vadd.f32 v34, v25;
	v14 =	vadd.f32 $6.666666860e-01, v31;
	v31 =	vld [tilespmem:s29+$0x7AB0];
	(erf) = vrcp.f32 v23  }
0x149: {  	s13 =	simm.s32 $0x300;
	p4 =	por $0x1, $0x1;
	s0 =	simm.s32 $0x0;
	[tilespmem:s29+$0x116A0] =	vst v29;
	v33 =	vmul.f32 v35, v62;
	v27 =	vpop (erf);
	v34 =	vadd.f32 $2.000000000e+00, v26;
	(erf) = vrcp.f32 v36  }
.LBB2_12:
0x14a: {  	s14 =	sshra.s32 s13, $0x2;
	p5 =	sne.s32 s13, $0x1900;
	s13 =	sadd.s32 $0x100, s13;
	v23 =	vadd.f32 $6.666666860e-01, v28;
	v25 =	vadd.f32 v13, v30;
	v26 =	vmax.f32 v3, $0.0e+00;
	v3 =	vmovc v0;
	v0 =	vmovc v21  }
0x14b: {  	v13 =	vsub.f32 v30, v13;
	v28 =	vld [tilespmem:s14+$0xAEB0];
	v29 =	vadd.f32 $2.000000000e+00, v33;
	v21 =	vpop (erf);
	v30 =	vmul.f32 v34, v10  }
0x14c: {  	v34 =	vmax.f32 v2, $0.0e+00;
	v2 =	vmovc v18;
	v33 =	vld [tilespmem:s14+$0xAEA0];
	v15 =	vmul.f32 v23, v15;
	v23 =	vmax.f32 v1, $0.0e+00;
	[tilespmem:s0+$0x11680] =	vst v25;
	v1 =	vmovc v22  }
0x14d: {  	v10 =	vmul.f32 v21, v8;
	v18 =	vld [tilespmem:s14+$0xAE80];
	[tilespmem:s0+$0xE280] =	vst v13;
	v13 =	vadd.f32 v30, v26;
	v30 =	vadd.f32 v32, v31  }
0x14e: {  	v8 =	vmovc v27;
	v9 =	vmul.f32 v29, v9;
	v25 =	vsub.f32 v31, v32;
	v21 =	vld [tilespmem:s14+$0xAE90];
	v15 =	vadd.f32 $2.000000000e+00, v15  }
0x14f: {  	v27 =	vmul.f32 v10, v10;
	v26 =	vld [tilespmem:s14+$0x7A90];
	v29 =	vsub.f32 v6, v13;
	v6 =	vadd.f32 v13, v6;
	[tilespmem:s0+$0x116B0] =	vst v30  }
0x150: {  	v13 =	vadd.f32 v9, v34;
	v30 =	vmax.f32 v4, $0.0e+00;
	v22 =	vpop (erf);
	v15 =	vmul.f32 v15, v7;
	[tilespmem:s0+$0xE2B0] =	vst v25  }
0x151: {  	v32 =	vand.u32 $0x7FFFFFFF, v28;
	v34 =	vand.u32 $0x7FFFFFFF, v33;
	v7 =	vmul.f32 v22, v16;
	v16 =	vpop (erf);
	[tilespmem:s0+$0xE290] =	vst v29  }
0x152: {  	v29 =	vsub.f32 $0.0e+00, v32;
	v25 =	vand.u32 $0x7FFFFFFF, v18;
	v31 =	vmul.f32 v16, v11;
	v9 =	vpop (erf);
	[tilespmem:s0+$0x11690] =	vst v6;
	s0 =	smov.u32 s30;
	s30 =	smov.u32 s1;
	s1 =	smov.u32 s14  }
0x153: {  	v4 =	vmovc v17;
	v22 =	vmovc v28;
	v11 =	vsub.f32 $0.0e+00, v34;
	v9 =	vmul.f32 v9, v12;
	v12 =	vmul.f32 $2.222222240e-01, v27;
	v32 =	vld [tilespmem:s0+$0x7AA0]  }
0x154: {  	v17 =	vmovc v33;
	v28 =	vadd.f32 v15, v30;
	v16 =	vsub.f32 $0.0e+00, v25;
	v25 =	vmul.f32 $1.442695020e+00, v29;
	v6 =	vmovc v5  }
0x155: {  	v5 =	vmovc v24;
	v11 =	vmul.f32 $1.442695020e+00, v11;
	v24 =	vmovc v26;
	v29 =	vmul.f32 v9, v9;
	v12 =	vadd.f32 $2.857142980e-01, v12  }
0x156: {  	v15 =	vmul.f32 v7, v7;
	v26 =	vand.u32 $0x7FFFFFFF, v21;
	v16 =	vmul.f32 $1.442695020e+00, v16  }
0x157: {  	v26 =	vsub.f32 $0.0e+00, v26;
	(erf) = vpow2.f32 v11;
	v11 =	vmul.f32 $2.222222240e-01, v29  }
0x158: {  	(erf) = vpow2.f32 v25;
	v25 =	vmul.f32 v31, v31;
	v30 =	vsub.f32 v32, v28  }
0x159: {  	(erf) = vpow2.f32 v16;
	v11 =	vadd.f32 $2.857142980e-01, v11;
	v16 =	vmul.f32 $2.222222240e-01, v15  }
0x15a: {  	v33 =	vadd.f32 $2.000000000e+00, v8;
	v26 =	vmul.f32 $1.442695020e+00, v26;
	v34 =	vmul.f32 $2.222222240e-01, v25;
	[tilespmem:s0+$0xE2A0] =	vst v30  }
0x15b: {  	v12 =	vmul.f32 v12, v27;
	v11 =	vmul.f32 v11, v29;
	v16 =	vadd.f32 $2.857142980e-01, v16  }
0x15c: {  	v14 =	vmul.f32 v14, v20;
	v20 =	vmovc v25;
	(erf) = vpow2.f32 v26;
	v26 =	vadd.f32 $2.857142980e-01, v34  }
0x15d: {  	v12 =	vadd.f32 $4.000000060e-01, v12;
	v11 =	vadd.f32 $4.000000060e-01, v11;
	v34 =	vmul.f32 v16, v15  }
0x15e: {  	v14 =	vadd.f32 $2.000000000e+00, v14;
	v25 =	vmul.f32 v26, v20;
	(erf) = vrcp.f32 v33  }
0x15f: {  	v35 =	vmul.f32 v12, v27;
	v26 =	vmul.f32 v11, v29;
	v30 =	vadd.f32 $4.000000060e-01, v34  }
0x160: {  	v32 =	vadd.f32 v28, v32;
	v33 =	vmul.f32 v14, v19;
	v16 =	vpop (erf);
	v25 =	vadd.f32 $4.000000060e-01, v25  }
.Ltmp7:
0x161: {  	v37 =	vadd.f32 $6.666666860e-01, v35;
	v14 =	vadd.f32 $2.000000000e+00, v16;
	v11 =	vpop (erf);
	v28 =	vmul.f32 v30, v15;
	v30 =	vld [tilespmem:s0+$0x7A80];
	(pc) =	sbr.rel @p5 .LBB2_12-.Ltmp7, $4  }
0x162: {  	v26 =	vadd.f32 $6.666666860e-01, v26;
	v34 =	vadd.f32 $2.000000000e+00, v11;
	v12 =	vpop (erf);
	v25 =	vmul.f32 v25, v20;
	[tilespmem:s0+$0x116A0] =	vst v32  }
0x163: {  	v19 =	vmovc v31;
	v36 =	vmul.f32 v37, v27;
	v35 =	vadd.f32 $2.000000000e+00, v12;
	(erf) = vrcp.f32 v14  }
0x164: {  	v32 =	vadd.f32 v33, v23;
	(erf) = vrcp.f32 v34;
	v14 =	vadd.f32 $6.666666860e-01, v25;
	v31 =	vld [tilespmem:s0+$0x7AB0]  }
0x165: {  	v33 =	vmul.f32 v26, v29;
	v34 =	vadd.f32 $2.000000000e+00, v36;
	(erf) = vrcp.f32 v35;
	v27 =	vpop (erf)  }
0x166: {  	v35 =	vmov v3  }
0x167: {  	v36 =	vmovc v6;
	v3 =	vmovc v0;
	v26 =	vmov v2;
	v25 =	vmov v1;
	v29 =	vmov v8  }
0x168: {  	v23 =	vmovc v4;
	v6 =	vmovc v5;
	v0 =	vmov v21;
	v1 =	vmov v22;
	v2 =	vmov v18  }
0x169: {  	s13 =	smov.u32 s30;
	v8 =	vmovc v27;
	s30 =	smov.u32 s1;
	v4 =	vmovc v17;
	v5 =	vmov v24;
	v27 =	vmov v20;
	v24 =	vmov v19  }
.LBB2_14:
0x16a: {  	v17 =	vpop @p3 (erf)  }
0x16b: {  	v18 =	vadd.f32 @p4 v13, v30;
	v17 =	vmul.f32 @p3 v17, v29  }
0x16c: {  	v10 =	vmul.f32 @p4 v34, v10;
	v20 =	vadd.f32 @p3 $6.666666860e-01, v28;
	v21 =	vmax.f32 @p4 v35, $0.0e+00  }
0x16d: {  	v13 =	vsub.f32 @p4 v30, v13;
	v22 =	vadd.f32 @p3 $2.000000000e+00, v33;
	v19 =	vmul.f32 @p3 v17, v17  }
0x16e: {  	[tilespmem:s0+$0x11680] =	vst @p4 v18;
	v10 =	vadd.f32 @p4 v10, v21;
	v18 =	vadd.f32 @p4 v32, v31  }
0x16f: {  	v15 =	vmul.f32 @p3 v20, v15;
	[tilespmem:s0+$0xE280] =	vst @p4 v13;
	v13 =	vsub.f32 @p4 v31, v32;
	v21 =	vmul.f32 @p3 $2.222222240e-01, v19  }
0x170: {  	v9 =	vmul.f32 @p3 v22, v9;
	v20 =	vpop (erf);
	v28 =	vsub.f32 @p4 v36, v10;
	[tilespmem:s0+$0x116B0] =	vst @p4 v18;
	v10 =	vadd.f32 @p4 v10, v36  }
0x171: {  	[tilespmem:s0+$0xE2B0] =	vst @p4 v13;
	v13 =	vmax.f32 @p3 v26, $0.0e+00;
	v16 =	vmul.f32 v20, v16;
	v18 =	vadd.f32 @p3 $2.857142980e-01, v21  }
0x172: {  	v23 =	vmax.f32 @p3 v23, $0.0e+00;
	v15 =	vadd.f32 @p3 $2.000000000e+00, v15  }
0x173: {  	v9 =	vadd.f32 @p3 v9, v13;
	v20 =	vmul.f32 v16, v16;
	v18 =	vmul.f32 @p3 v18, v19  }
0x174: {  	[tilespmem:s0+$0xE290] =	vst @p4 v28;
	v7 =	vmul.f32 @p3 v15, v7;
	v21 =	vmax.f32 @p3 v25, $0.0e+00;
	v13 =	vpop (erf);
	v25 =	vadd.f32 $2.000000000e+00, v8  }
0x175: {  	[tilespmem:s0+$0x11690] =	vst @p4 v10;
	s0 =	smov.u32 @p3 s13;
	v10 =	vpop (erf);
	v11 =	vmul.f32 v13, v11;
	v22 =	vmul.f32 $2.222222240e-01, v20;
	v18 =	vadd.f32 @p3 $4.000000060e-01, v18  }
0x176: {  	v3 =	vpsel p3, v3, v0;
	v15 =	vld @p3 [tilespmem:s0+$0x7AA0];
	v10 =	vmul.f32 v10, v12;
	(erf) = vrcp.f32 v25  }
0x177: {  	v6 =	vpsel p3, v6, v0;
	v12 =	vmul.f32 @p3 v14, v27;
	v18 =	vmul.f32 @p3 v18, v19  }
0x178: {  	v3 =	vmax.f32 @p3 v3, $0.0e+00;
	v7 =	vadd.f32 @p3 v7, v23;
	v14 =	vadd.f32 $2.857142980e-01, v22  }
0x179: {  	v27 =	vld @p3 [tilespmem:s0+$0x7AB0];
	v25 =	vmul.f32 v11, v11;
	v12 =	vadd.f32 @p3 $2.000000000e+00, v12;
	v18 =	vadd.f32 @p3 $6.666666860e-01, v18  }
0x17a: {  	v17 =	vpsel p3, v17, v0;
	v13 =	vmul.f32 v10, v10;
	v22 =	vld @p3 [tilespmem:s0+$0x7A80];
	v14 =	vmul.f32 v14, v20  }
0x17b: {  	v26 =	vsub.f32 @p3 v15, v7;
	v12 =	vmul.f32 @p3 v12, v24;
	v18 =	vmul.f32 @p3 v18, v19  }
0x17c: {  	v7 =	vadd.f32 @p3 v7, v15;
	v23 =	vmul.f32 $2.222222240e-01, v13;
	v14 =	vadd.f32 $4.000000060e-01, v14  }
0x17d: {  	v9 =	vpsel p3, v9, v0;
	v12 =	vadd.f32 @p3 v12, v21;
	v15 =	vadd.f32 @p3 $2.000000000e+00, v18  }
0x17e: {  	v21 =	vpsel p3, v27, v0;
	v19 =	vadd.f32 $2.857142980e-01, v23;
	v23 =	vmul.f32 $2.222222240e-01, v25  }
0x17f: {  	v12 =	vpsel p3, v12, v0;
	v24 =	vpop (erf);
	v18 =	vpsel p3, v22, v0;
	v15 =	vpsel p3, v15, v0  }
0x180: {  	[tilespmem:s0+$0x116A0] =	vst @p3 v7;
	v8 =	vmul.f32 v24, v8;
	v7 =	vsub.f32 @p3 v18, v9;
	v15 =	vmul.f32 @p3 v15, v17  }
0x181: {  	[tilespmem:s0+$0xE2A0] =	vst @p3 v26;
	s0 =	smov.u32 @p3 s0;
	v14 =	vmul.f32 v14, v20;
	v22 =	vadd.f32 @p3 v9, v18;
	v9 =	vadd.f32 @p3 v12, v21  }
0x182: {  	[tilespmem:s0+$0xE280] =	vst @p3 v7;
	v7 =	vsub.f32 @p3 v21, v12;
	v12 =	vmul.f32 v8, v8;
	v3 =	vadd.f32 @p3 v15, v3  }
0x183: {  	v14 =	vadd.f32 $6.666666860e-01, v14;
	v17 =	vadd.f32 $2.857142980e-01, v23;
	v15 =	vmul.f32 v19, v13  }
0x184: {  	[tilespmem:s0+$0x116B0] =	vst @p3 v9;
	v18 =	vsub.f32 @p3 v6, v3;
	v3 =	vadd.f32 @p3 v3, v6;
	v6 =	vmul.f32 $2.222222240e-01, v12  }
0x185: {  	v9 =	vmul.f32 v14, v20;
	[tilespmem:s0+$0xE2B0] =	vst @p3 v7  }
0x186: {  	v14 =	vmul.f32 v17, v25;
	v7 =	vadd.f32 $4.000000060e-01, v15;
	[tilespmem:s0+$0x11690] =	vst @p3 v3;
	v3 =	vadd.f32 $2.857142980e-01, v6  }
0x187: {  	v9 =	vadd.f32 $2.000000000e+00, v9  }
0x188: {  	[tilespmem:s0+$0x11680] =	vst @p3 v22;
	v14 =	vadd.f32 $4.000000060e-01, v14;
	v6 =	vmul.f32 v7, v13;
	v3 =	vmul.f32 v3, v12  }
0x189: {  	v4 =	vmax.f32 v4, $0.0e+00;
	v9 =	vmul.f32 v9, v16;
	[tilespmem:s0+$0xE290] =	vst @p3 v18  }
0x18a: {  	v14 =	vmul.f32 v14, v25;
	v7 =	vld [tilespmem:s30+$0x7AA0];
	v6 =	vadd.f32 $6.666666860e-01, v6;
	v3 =	vadd.f32 $4.000000060e-01, v3  }
0x18b: {  	v4 =	vadd.f32 v9, v4  }
0x18c: {  	v9 =	vadd.f32 $6.666666860e-01, v14;
	v6 =	vmul.f32 v6, v13;
	v3 =	vmul.f32 v3, v12;
	_ =	sdelay $0x1  }
0x18d: {  	v9 =	vmul.f32 v9, v25;
	v6 =	vadd.f32 $2.000000000e+00, v6;
	v3 =	vadd.f32 $6.666666860e-01, v3  }
0x18e: {  	v13 =	vsub.f32 v7, v4;
	v4 =	vadd.f32 v4, v7;
	v7 =	vld [tilespmem:s30+$0x7A80]  }
0x18f: {  	v9 =	vadd.f32 $2.000000000e+00, v9;
	v6 =	vmul.f32 v6, v10;
	v3 =	vmul.f32 v3, v12  }
0x190: {  	v2 =	vmax.f32 v2, $0.0e+00;
	[tilespmem:s30+$0x116A0] =	vst v4;
	v4 =	vld [tilespmem:s30+$0x7AB0]  }
0x191: {  	v2 =	vadd.f32 v6, v2;
	v6 =	vmul.f32 v9, v11;
	v3 =	vadd.f32 $2.000000000e+00, v3  }
0x192: {  	v1 =	vmax.f32 v1, $0.0e+00  }
0x193: {  	v1 =	vadd.f32 v6, v1;
	v6 =	vadd.f32 v2, v7;
	v3 =	vmul.f32 v3, v8  }
0x194: {  	v0 =	vmax.f32 v0, $0.0e+00;
	[tilespmem:s30+$0xE2A0] =	vst v13;
	v2 =	vsub.f32 v7, v2  }
0x195: {  	[tilespmem:s30+$0x11680] =	vst v6;
	v0 =	vadd.f32 v3, v0;
	v3 =	vadd.f32 v1, v4  }
0x196: {  	[tilespmem:s30+$0xE280] =	vst v2;
	v1 =	vsub.f32 v4, v1  }
0x197: {  	v2 =	vsub.f32 v5, v0;
	[tilespmem:s30+$0x116B0] =	vst v3  }
0x198: {  	v0 =	vadd.f32 v0, v5;
	[tilespmem:s30+$0xE2B0] =	vst v1  }
0x199: {  	[tilespmem:s30+$0xE290] =	vst v2  }
0x19a: {  	[tilespmem:s30+$0x11690] =	vst v0  }
0x19b: {  	v23 =	vld [tilespmem:s29+$0xB520]  }
0x19c: {  	v25 =	vld [tilespmem:s29+$0xB530]  }
0x19d: {  	v26 =	vld [tilespmem:s29+$0xB500];
	_ =	sdelay $0x2  }
0x19e: {  	v3 =	vld [tilespmem:s29+$0xB510];
	v0 =	vand.u32 $0x7FFFFFFF, v23  }
0x19f: {  	v1 =	vand.u32 $0x7FFFFFFF, v25;
	v0 =	vsub.f32 $0.0e+00, v0  }
0x1a0: {  	v2 =	vand.u32 $0x7FFFFFFF, v26;
	v1 =	vsub.f32 $0.0e+00, v1  }
0x1a1: {  	v2 =	vsub.f32 $0.0e+00, v2;
	v0 =	vmul.f32 $1.442695020e+00, v0  }
0x1a2: {  	v1 =	vmul.f32 $1.442695020e+00, v1  }
0x1a3: {  	v4 =	vand.u32 $0x7FFFFFFF, v3;
	v2 =	vmul.f32 $1.442695020e+00, v2;
	(erf) = vpow2.f32 v0  }
0x1a4: {  	v0 =	vsub.f32 $0.0e+00, v4;
	(erf) = vpow2.f32 v1  }
0x1a5: {  	(erf) = vpow2.f32 v2  }
0x1a6: {  	v0 =	vmul.f32 $1.442695020e+00, v0;
	_ =	sdelay $0x1  }
0x1a7: {  	(erf) = vpow2.f32 v0;
	_ =	sdelay $0x3  }
0x1a8: {  	v16 =	vpop (erf)  }
.Ltmp8:
0x1a9: {  	v0 =	vadd.f32 $2.000000000e+00, v16;
	v11 =	vpop (erf);
	(pc) =	sbr.rel @!p2 .LBB2_15-.Ltmp8, $4  }
0x1aa: {  	v1 =	vadd.f32 $2.000000000e+00, v11;
	v12 =	vpop (erf)  }
0x1ab: {  	v2 =	vadd.f32 $2.000000000e+00, v12;
	(erf) = vrcp.f32 v0  }
0x1ac: {  	(erf) = vrcp.f32 v1  }
0x1ad: {  	v6 =	vld [tilespmem:s29+$0x8110];
	v29 =	vpop (erf);
	(erf) = vrcp.f32 v2  }
0x1ae: {  	s30 =	simm.s32 $0x40  }
0x1af: {  	v1 =	vld [tilespmem:s30+$0xB530];
	_ =	sdelay $0x1  }
0x1b0: {  	v4 =	vld [tilespmem:s30+$0xB520]  }
0x1b1: {  	v2 =	vld [tilespmem:s30+$0xB500];
	_ =	sdelay $0x1  }
0x1b2: {  	v9 =	vand.u32 $0x7FFFFFFF, v1  }
0x1b3: {  	v5 =	vpop (erf)  }
0x1b4: {  	v0 =	vld [tilespmem:s30+$0xB510];
	v8 =	vand.u32 $0x7FFFFFFF, v4;
	v7 =	vmul.f32 v5, v16;
	v5 =	vpop (erf)  }
0x1b5: {  	v10 =	vand.u32 $0x7FFFFFFF, v2;
	v13 =	vsub.f32 $0.0e+00, v9;
	v8 =	vsub.f32 $0.0e+00, v8;
	v9 =	vpop (erf)  }
0x1b6: {  	v24 =	vmul.f32 v5, v11;
	v5 =	vsub.f32 $0.0e+00, v10;
	v9 =	vmul.f32 v9, v12  }
0x1b7: {  	v10 =	vmul.f32 $1.442695020e+00, v13;
	v8 =	vmul.f32 $1.442695020e+00, v8  }
0x1b8: {  	v5 =	vmul.f32 $1.442695020e+00, v5;
	v13 =	vmul.f32 v9, v9  }
0x1b9: {  	v11 =	vand.u32 $0x7FFFFFFF, v0;
	v27 =	vmul.f32 v24, v24;
	(erf) = vpow2.f32 v8  }
0x1ba: {  	v8 =	vsub.f32 $0.0e+00, v11;
	(erf) = vpow2.f32 v10;
	v11 =	vmul.f32 $2.222222240e-01, v13  }
0x1bb: {  	(erf) = vpow2.f32 v5  }
0x1bc: {  	v8 =	vmul.f32 $1.442695020e+00, v8;
	v5 =	vadd.f32 $2.857142980e-01, v11;
	v11 =	vmul.f32 $2.222222240e-01, v27  }
0x1bd: {  	v15 =	vmul.f32 v7, v7  }
0x1be: {  	(erf) = vpow2.f32 v8;
	v8 =	vadd.f32 $2.857142980e-01, v11  }
0x1bf: {  	v10 =	vmul.f32 $2.222222240e-01, v15  }
0x1c0: {  	v5 =	vmul.f32 v5, v13;
	v8 =	vmul.f32 v8, v27  }
0x1c1: {  	v12 =	vadd.f32 $2.000000000e+00, v29;
	v10 =	vadd.f32 $2.857142980e-01, v10  }
0x1c2: {  	v5 =	vadd.f32 $4.000000060e-01, v5;
	v8 =	vadd.f32 $4.000000060e-01, v8  }
0x1c3: {  	p3 =	por $0x1, $0x1;
	v10 =	vmul.f32 v10, v15;
	v16 =	vpop (erf)  }
.Ltmp9:
0x1c4: {  	v14 =	vadd.f32 $2.000000000e+00, v16;
	v11 =	vpop (erf);
	v5 =	vmul.f32 v5, v13;
	v8 =	vmul.f32 v8, v27;
	(pc) =	sbr.rel @!p3 .LBB2_17-.Ltmp9, $4  }
0x1c5: {  	v10 =	vadd.f32 $4.000000060e-01, v10;
	(erf) = vrcp.f32 v12;
	v17 =	vadd.f32 $2.000000000e+00, v11;
	v12 =	vpop (erf)  }
0x1c6: {  	v19 =	vadd.f32 $2.000000000e+00, v12;
	(erf) = vrcp.f32 v14;
	v18 =	vadd.f32 $6.666666860e-01, v5  }
0x1c7: {  	v28 =	vmul.f32 v10, v15;
	(erf) = vrcp.f32 v17  }
0x1c8: {  	p2 =	por $0x1, $0x1;
	v5 =	vld [tilespmem:s30+$0x8110];
	(erf) = vrcp.f32 v19;
	v14 =	vadd.f32 $6.666666860e-01, v8;
	v33 =	vmul.f32 v18, v13;
	v8 =	vpop (erf)  }
0x1c9: {  	s1 =	simm.s32 $0x80  }
0x1ca: {  	v10 =	vadd.f32 $6.666666860e-01, v28;
	v22 =	vld [tilespmem:s1+$0xB530]  }
0x1cb: {  	v13 =	vadd.f32 $2.000000000e+00, v33;
	v17 =	vld [tilespmem:s1+$0xB520]  }
0x1cc: {  	v18 =	vld [tilespmem:s1+$0xB500];
	v15 =	vmul.f32 v10, v15  }
0x1cd: {  	v9 =	vmul.f32 v13, v9  }
0x1ce: {  	v13 =	vmax.f32 v26, $0.0e+00;
	v15 =	vadd.f32 $2.000000000e+00, v15  }
0x1cf: {  	v20 =	vmax.f32 v23, $0.0e+00;
	v19 =	vpop (erf);
	v13 =	vadd.f32 v9, v13  }
0x1d0: {  	v10 =	vmul.f32 v19, v29;
	v19 =	vpop (erf);
	v15 =	vmul.f32 v15, v7;
	v9 =	vand.u32 $0x7FFFFFFF, v17  }
0x1d1: {  	v21 =	vld [tilespmem:s1+$0xB510];
	v23 =	vand.u32 $0x7FFFFFFF, v22;
	v28 =	vand.u32 $0x7FFFFFFF, v18;
	v7 =	vmul.f32 v19, v16;
	v16 =	vpop (erf)  }
0x1d2: {  	v23 =	vsub.f32 $0.0e+00, v23;
	v28 =	vsub.f32 $0.0e+00, v28;
	v19 =	vmul.f32 v16, v11;
	v11 =	vpop (erf)  }
0x1d3: {  	v26 =	vmul.f32 v10, v10;
	v16 =	vsub.f32 $0.0e+00, v9;
	v9 =	vmul.f32 v11, v12  }
0x1d4: {  	v23 =	vmul.f32 $1.442695020e+00, v23;
	v28 =	vmul.f32 $1.442695020e+00, v28  }
0x1d5: {  	v29 =	vadd.f32 v15, v20;
	v16 =	vmul.f32 $1.442695020e+00, v16;
	v62 =	vmul.f32 v9, v9  }
0x1d6: {  	v20 =	vand.u32 $0x7FFFFFFF, v21;
	v15 =	vmul.f32 v7, v7;
	v11 =	vmul.f32 $2.222222240e-01, v26  }
0x1d7: {  	v30 =	vsub.f32 $0.0e+00, v20;
	(erf) = vpow2.f32 v16;
	v16 =	vmul.f32 $2.222222240e-01, v62  }
0x1d8: {  	v20 =	vmul.f32 v19, v19;
	v11 =	vadd.f32 $2.857142980e-01, v11;
	(erf) = vpow2.f32 v23  }
0x1d9: {  	(erf) = vpow2.f32 v28;
	v28 =	vmul.f32 $2.222222240e-01, v15;
	v16 =	vadd.f32 $2.857142980e-01, v16  }
0x1da: {  	v31 =	vadd.f32 $2.000000000e+00, v8;
	v30 =	vmul.f32 $1.442695020e+00, v30;
	v32 =	vmul.f32 $2.222222240e-01, v20  }
0x1db: {  	v12 =	vld [tilespmem:s29+$0x8120];
	v11 =	vmul.f32 v11, v26;
	v28 =	vadd.f32 $2.857142980e-01, v28;
	v16 =	vmul.f32 v16, v62  }
0x1dc: {  	v14 =	vmul.f32 v14, v27;
	(erf) = vpow2.f32 v30;
	v30 =	vadd.f32 $2.857142980e-01, v32  }
0x1dd: {  	v11 =	vadd.f32 $4.000000060e-01, v11;
	v27 =	vmul.f32 v28, v15;
	v16 =	vadd.f32 $4.000000060e-01, v16  }
0x1de: {  	v25 =	vmax.f32 v25, $0.0e+00;
	(erf) = vrcp.f32 v31  }
0x1df: {  	v28 =	vmul.f32 v30, v20;
	v31 =	vmul.f32 v11, v26;
	v27 =	vadd.f32 $4.000000060e-01, v27  }
0x1e0: {  	v14 =	vadd.f32 $2.000000000e+00, v14;
	v23 =	vsub.f32 v12, v29;
	v30 =	vmul.f32 v16, v62  }
0x1e1: {  	p3 =	por $0x1, $0x1;
	v63 =	vadd.f32 $4.000000060e-01, v28;
	v28 =	vmul.f32 v27, v15;
	v27 =	vadd.f32 $6.666666860e-01, v31;
	v16 =	vpop (erf)  }
.Ltmp10:
0x1e2: {  	v34 =	vmul.f32 v14, v24;
	v35 =	vadd.f32 $6.666666860e-01, v30;
	v30 =	vld [tilespmem:s29+$0x8100];
	v14 =	vadd.f32 $2.000000000e+00, v16;
	v11 =	vpop (erf);
	(pc) =	sbr.rel @!p3 .LBB2_19-.Ltmp10, $4  }
0x1e3: {  	v24 =	vld [tilespmem:s1+$0x8110];
	v29 =	vadd.f32 v29, v12;
	[tilespmem:s29+$0xE920] =	vst v23;
	v31 =	vmul.f32 v63, v20;
	v23 =	vadd.f32 $2.000000000e+00, v11;
	v12 =	vpop (erf)  }
0x1e4: {  	v26 =	vmul.f32 v27, v26;
	(erf) = vrcp.f32 v14;
	v36 =	vadd.f32 $2.000000000e+00, v12  }
0x1e5: {  	v32 =	vadd.f32 v34, v25;
	v14 =	vadd.f32 $6.666666860e-01, v31;
	v31 =	vld [tilespmem:s29+$0x8130];
	(erf) = vrcp.f32 v23  }
0x1e6: {  	s0 =	simm.s32 $0x300;
	p1 =	por $0x1, $0x1;
	[tilespmem:s29+$0x11D20] =	vst v29;
	v33 =	vmul.f32 v35, v62;
	v27 =	vpop (erf);
	v34 =	vadd.f32 $2.000000000e+00, v26;
	(erf) = vrcp.f32 v36  }
.LBB2_20:
0x1e7: {  	s13 =	sshra.s32 s0, $0x2;
	p3 =	sne.s32 s0, $0x1900;
	s0 =	sadd.s32 $0x100, s0;
	v23 =	vadd.f32 $6.666666860e-01, v28;
	v25 =	vadd.f32 v13, v30;
	v26 =	vmax.f32 v3, $0.0e+00;
	v3 =	vmovc v0;
	v0 =	vmovc v21  }
0x1e8: {  	v13 =	vsub.f32 v30, v13;
	v28 =	vld [tilespmem:s13+$0xB530];
	v29 =	vadd.f32 $2.000000000e+00, v33;
	v21 =	vpop (erf);
	v30 =	vmul.f32 v34, v10  }
0x1e9: {  	v34 =	vmax.f32 v2, $0.0e+00;
	v2 =	vmovc v18;
	v33 =	vld [tilespmem:s13+$0xB520];
	v15 =	vmul.f32 v23, v15;
	v23 =	vmax.f32 v1, $0.0e+00;
	[tilespmem:s29+$0x11D00] =	vst v25;
	v1 =	vmovc v22  }
0x1ea: {  	v10 =	vmul.f32 v21, v8;
	v18 =	vld [tilespmem:s13+$0xB500];
	[tilespmem:s29+$0xE900] =	vst v13;
	v13 =	vadd.f32 v30, v26;
	v30 =	vadd.f32 v32, v31  }
0x1eb: {  	v8 =	vmovc v27;
	v9 =	vmul.f32 v29, v9;
	v25 =	vsub.f32 v31, v32;
	v21 =	vld [tilespmem:s13+$0xB510];
	v15 =	vadd.f32 $2.000000000e+00, v15  }
0x1ec: {  	v27 =	vmul.f32 v10, v10;
	v26 =	vld [tilespmem:s13+$0x8110];
	v29 =	vsub.f32 v6, v13;
	v6 =	vadd.f32 v13, v6;
	[tilespmem:s29+$0x11D30] =	vst v30  }
0x1ed: {  	v13 =	vadd.f32 v9, v34;
	v30 =	vmax.f32 v4, $0.0e+00;
	v22 =	vpop (erf);
	v15 =	vmul.f32 v15, v7;
	[tilespmem:s29+$0xE930] =	vst v25  }
0x1ee: {  	v32 =	vand.u32 $0x7FFFFFFF, v28;
	v34 =	vand.u32 $0x7FFFFFFF, v33;
	v7 =	vmul.f32 v22, v16;
	v16 =	vpop (erf);
	[tilespmem:s29+$0xE910] =	vst v29  }
0x1ef: {  	v29 =	vsub.f32 $0.0e+00, v32;
	v25 =	vand.u32 $0x7FFFFFFF, v18;
	v31 =	vmul.f32 v16, v11;
	v9 =	vpop (erf);
	[tilespmem:s29+$0x11D10] =	vst v6;
	s29 =	smov.u32 s30;
	s30 =	smov.u32 s1;
	s1 =	smov.u32 s13  }
0x1f0: {  	v4 =	vmovc v17;
	v22 =	vmovc v28;
	v11 =	vsub.f32 $0.0e+00, v34;
	v9 =	vmul.f32 v9, v12;
	v12 =	vmul.f32 $2.222222240e-01, v27;
	v32 =	vld [tilespmem:s29+$0x8120]  }
0x1f1: {  	v17 =	vmovc v33;
	v28 =	vadd.f32 v15, v30;
	v16 =	vsub.f32 $0.0e+00, v25;
	v25 =	vmul.f32 $1.442695020e+00, v29;
	v6 =	vmovc v5  }
0x1f2: {  	v5 =	vmovc v24;
	v11 =	vmul.f32 $1.442695020e+00, v11;
	v24 =	vmovc v26;
	v29 =	vmul.f32 v9, v9;
	v12 =	vadd.f32 $2.857142980e-01, v12  }
0x1f3: {  	v15 =	vmul.f32 v7, v7;
	v26 =	vand.u32 $0x7FFFFFFF, v21;
	v16 =	vmul.f32 $1.442695020e+00, v16  }
0x1f4: {  	v26 =	vsub.f32 $0.0e+00, v26;
	(erf) = vpow2.f32 v11;
	v11 =	vmul.f32 $2.222222240e-01, v29  }
0x1f5: {  	(erf) = vpow2.f32 v25;
	v25 =	vmul.f32 v31, v31;
	v30 =	vsub.f32 v32, v28  }
0x1f6: {  	(erf) = vpow2.f32 v16;
	v11 =	vadd.f32 $2.857142980e-01, v11;
	v16 =	vmul.f32 $2.222222240e-01, v15  }
0x1f7: {  	v33 =	vadd.f32 $2.000000000e+00, v8;
	v26 =	vmul.f32 $1.442695020e+00, v26;
	v34 =	vmul.f32 $2.222222240e-01, v25;
	[tilespmem:s29+$0xE920] =	vst v30  }
0x1f8: {  	v12 =	vmul.f32 v12, v27;
	v11 =	vmul.f32 v11, v29;
	v16 =	vadd.f32 $2.857142980e-01, v16  }
0x1f9: {  	v14 =	vmul.f32 v14, v20;
	v20 =	vmovc v25;
	(erf) = vpow2.f32 v26;
	v26 =	vadd.f32 $2.857142980e-01, v34  }
0x1fa: {  	v12 =	vadd.f32 $4.000000060e-01, v12;
	v11 =	vadd.f32 $4.000000060e-01, v11;
	v34 =	vmul.f32 v16, v15  }
0x1fb: {  	v14 =	vadd.f32 $2.000000000e+00, v14;
	v25 =	vmul.f32 v26, v20;
	(erf) = vrcp.f32 v33  }
0x1fc: {  	v35 =	vmul.f32 v12, v27;
	v26 =	vmul.f32 v11, v29;
	v30 =	vadd.f32 $4.000000060e-01, v34  }
0x1fd: {  	v32 =	vadd.f32 v28, v32;
	v33 =	vmul.f32 v14, v19;
	v16 =	vpop (erf);
	v25 =	vadd.f32 $4.000000060e-01, v25  }
.Ltmp11:
0x1fe: {  	v37 =	vadd.f32 $6.666666860e-01, v35;
	v14 =	vadd.f32 $2.000000000e+00, v16;
	v11 =	vpop (erf);
	v28 =	vmul.f32 v30, v15;
	v30 =	vld [tilespmem:s29+$0x8100];
	(pc) =	sbr.rel @p3 .LBB2_20-.Ltmp11, $4  }
0x1ff: {  	v26 =	vadd.f32 $6.666666860e-01, v26;
	v34 =	vadd.f32 $2.000000000e+00, v11;
	v12 =	vpop (erf);
	v25 =	vmul.f32 v25, v20;
	[tilespmem:s29+$0x11D20] =	vst v32  }
0x200: {  	v19 =	vmovc v31;
	v36 =	vmul.f32 v37, v27;
	v35 =	vadd.f32 $2.000000000e+00, v12;
	(erf) = vrcp.f32 v14  }
0x201: {  	v32 =	vadd.f32 v33, v23;
	(erf) = vrcp.f32 v34;
	v14 =	vadd.f32 $6.666666860e-01, v25;
	v31 =	vld [tilespmem:s29+$0x8130]  }
0x202: {  	v33 =	vmul.f32 v26, v29;
	v34 =	vadd.f32 $2.000000000e+00, v36;
	(erf) = vrcp.f32 v35;
	v27 =	vpop (erf)  }
0x203: {  	v35 =	vmov v3  }
0x204: {  	v36 =	vmovc v6;
	v3 =	vmovc v0;
	v26 =	vmov v2;
	v25 =	vmov v1;
	v29 =	vmov v8  }
0x205: {  	v23 =	vmovc v4;
	v6 =	vmovc v5;
	v0 =	vmov v21;
	v1 =	vmov v22;
	v2 =	vmov v18  }
0x206: {  	s0 =	smov.u32 s29;
	s29 =	smov.u32 s30;
	v8 =	vmovc v27;
	s30 =	smov.u32 s1;
	v4 =	vmovc v17;
	v5 =	vmov v24;
	v27 =	vmov v20;
	v24 =	vmov v19  }
.LBB2_22:
0x207: {  	v17 =	vpop @p2 (erf)  }
0x208: {  	v18 =	vadd.f32 @p1 v13, v30;
	v17 =	vmul.f32 @p2 v17, v29  }
0x209: {  	v10 =	vmul.f32 @p1 v34, v10;
	v20 =	vadd.f32 @p2 $6.666666860e-01, v28;
	v21 =	vmax.f32 @p1 v35, $0.0e+00  }
0x20a: {  	v13 =	vsub.f32 @p1 v30, v13;
	v22 =	vadd.f32 @p2 $2.000000000e+00, v33;
	v19 =	vmul.f32 @p2 v17, v17  }
0x20b: {  	[tilespmem:s0+$0x11D00] =	vst @p1 v18;
	v10 =	vadd.f32 @p1 v10, v21;
	v18 =	vadd.f32 @p1 v32, v31  }
0x20c: {  	v15 =	vmul.f32 @p2 v20, v15;
	[tilespmem:s0+$0xE900] =	vst @p1 v13;
	v13 =	vsub.f32 @p1 v31, v32;
	v21 =	vmul.f32 @p2 $2.222222240e-01, v19  }
0x20d: {  	v9 =	vmul.f32 @p2 v22, v9;
	v20 =	vpop (erf);
	v28 =	vsub.f32 @p1 v36, v10;
	[tilespmem:s0+$0x11D30] =	vst @p1 v18;
	v10 =	vadd.f32 @p1 v10, v36  }
0x20e: {  	[tilespmem:s0+$0xE930] =	vst @p1 v13;
	v13 =	vmax.f32 @p2 v26, $0.0e+00;
	v16 =	vmul.f32 v20, v16;
	v18 =	vadd.f32 @p2 $2.857142980e-01, v21  }
0x20f: {  	v23 =	vmax.f32 @p2 v23, $0.0e+00;
	v15 =	vadd.f32 @p2 $2.000000000e+00, v15  }
0x210: {  	v9 =	vadd.f32 @p2 v9, v13;
	v20 =	vmul.f32 v16, v16;
	v18 =	vmul.f32 @p2 v18, v19  }
0x211: {  	[tilespmem:s0+$0xE910] =	vst @p1 v28;
	v7 =	vmul.f32 @p2 v15, v7;
	v21 =	vmax.f32 @p2 v25, $0.0e+00;
	v13 =	vpop (erf);
	v25 =	vadd.f32 $2.000000000e+00, v8  }
0x212: {  	[tilespmem:s0+$0x11D10] =	vst @p1 v10;
	s0 =	smov.u32 @p2 s29;
	v10 =	vpop (erf);
	v11 =	vmul.f32 v13, v11;
	v22 =	vmul.f32 $2.222222240e-01, v20;
	v18 =	vadd.f32 @p2 $4.000000060e-01, v18  }
0x213: {  	v3 =	vpsel p2, v3, v0;
	v15 =	vld @p2 [tilespmem:s0+$0x8120];
	v10 =	vmul.f32 v10, v12;
	(erf) = vrcp.f32 v25  }
0x214: {  	v6 =	vpsel p2, v6, v0;
	v12 =	vmul.f32 @p2 v14, v27;
	v18 =	vmul.f32 @p2 v18, v19  }
0x215: {  	v3 =	vmax.f32 @p2 v3, $0.0e+00;
	v7 =	vadd.f32 @p2 v7, v23;
	v14 =	vadd.f32 $2.857142980e-01, v22  }
0x216: {  	v27 =	vld @p2 [tilespmem:s0+$0x8130];
	v25 =	vmul.f32 v11, v11;
	v12 =	vadd.f32 @p2 $2.000000000e+00, v12;
	v18 =	vadd.f32 @p2 $6.666666860e-01, v18  }
0x217: {  	v17 =	vpsel p2, v17, v0;
	v13 =	vmul.f32 v10, v10;
	v22 =	vld @p2 [tilespmem:s0+$0x8100];
	v14 =	vmul.f32 v14, v20  }
0x218: {  	v26 =	vsub.f32 @p2 v15, v7;
	v12 =	vmul.f32 @p2 v12, v24;
	v18 =	vmul.f32 @p2 v18, v19  }
0x219: {  	v7 =	vadd.f32 @p2 v7, v15;
	v23 =	vmul.f32 $2.222222240e-01, v13;
	v14 =	vadd.f32 $4.000000060e-01, v14  }
0x21a: {  	v9 =	vpsel p2, v9, v0;
	v12 =	vadd.f32 @p2 v12, v21;
	v15 =	vadd.f32 @p2 $2.000000000e+00, v18  }
0x21b: {  	v21 =	vpsel p2, v27, v0;
	v19 =	vadd.f32 $2.857142980e-01, v23;
	v23 =	vmul.f32 $2.222222240e-01, v25  }
0x21c: {  	v12 =	vpsel p2, v12, v0;
	v24 =	vpop (erf);
	v18 =	vpsel p2, v22, v0;
	v15 =	vpsel p2, v15, v0  }
0x21d: {  	[tilespmem:s0+$0x11D20] =	vst @p2 v7;
	v8 =	vmul.f32 v24, v8;
	v7 =	vsub.f32 @p2 v18, v9;
	v15 =	vmul.f32 @p2 v15, v17  }
0x21e: {  	[tilespmem:s0+$0xE920] =	vst @p2 v26;
	s0 =	smov.u32 @p2 s0;
	v14 =	vmul.f32 v14, v20;
	v22 =	vadd.f32 @p2 v9, v18;
	v9 =	vadd.f32 @p2 v12, v21  }
0x21f: {  	[tilespmem:s0+$0xE900] =	vst @p2 v7;
	v7 =	vsub.f32 @p2 v21, v12;
	v12 =	vmul.f32 v8, v8;
	v3 =	vadd.f32 @p2 v15, v3  }
0x220: {  	v14 =	vadd.f32 $6.666666860e-01, v14;
	v17 =	vadd.f32 $2.857142980e-01, v23;
	v15 =	vmul.f32 v19, v13  }
0x221: {  	[tilespmem:s0+$0x11D30] =	vst @p2 v9;
	v18 =	vsub.f32 @p2 v6, v3;
	v3 =	vadd.f32 @p2 v3, v6;
	v6 =	vmul.f32 $2.222222240e-01, v12  }
0x222: {  	v9 =	vmul.f32 v14, v20;
	[tilespmem:s0+$0xE930] =	vst @p2 v7  }
0x223: {  	v14 =	vmul.f32 v17, v25;
	v7 =	vadd.f32 $4.000000060e-01, v15;
	[tilespmem:s0+$0x11D10] =	vst @p2 v3;
	v3 =	vadd.f32 $2.857142980e-01, v6  }
0x224: {  	v9 =	vadd.f32 $2.000000000e+00, v9  }
0x225: {  	[tilespmem:s0+$0x11D00] =	vst @p2 v22;
	v14 =	vadd.f32 $4.000000060e-01, v14;
	v6 =	vmul.f32 v7, v13;
	v3 =	vmul.f32 v3, v12  }
0x226: {  	v4 =	vmax.f32 v4, $0.0e+00;
	v9 =	vmul.f32 v9, v16;
	[tilespmem:s0+$0xE910] =	vst @p2 v18  }
0x227: {  	v14 =	vmul.f32 v14, v25;
	v7 =	vld [tilespmem:s30+$0x8120];
	v6 =	vadd.f32 $6.666666860e-01, v6;
	v3 =	vadd.f32 $4.000000060e-01, v3  }
0x228: {  	v4 =	vadd.f32 v9, v4  }
0x229: {  	v9 =	vadd.f32 $6.666666860e-01, v14;
	v6 =	vmul.f32 v6, v13;
	v3 =	vmul.f32 v3, v12;
	_ =	sdelay $0x1  }
0x22a: {  	v9 =	vmul.f32 v9, v25;
	v6 =	vadd.f32 $2.000000000e+00, v6;
	v3 =	vadd.f32 $6.666666860e-01, v3  }
0x22b: {  	v13 =	vsub.f32 v7, v4;
	v4 =	vadd.f32 v4, v7;
	v7 =	vld [tilespmem:s30+$0x8100]  }
0x22c: {  	v9 =	vadd.f32 $2.000000000e+00, v9;
	v6 =	vmul.f32 v6, v10;
	v3 =	vmul.f32 v3, v12  }
0x22d: {  	v2 =	vmax.f32 v2, $0.0e+00;
	[tilespmem:s30+$0x11D20] =	vst v4;
	v4 =	vld [tilespmem:s30+$0x8130]  }
0x22e: {  	v2 =	vadd.f32 v6, v2;
	v6 =	vmul.f32 v9, v11;
	v3 =	vadd.f32 $2.000000000e+00, v3  }
0x22f: {  	v1 =	vmax.f32 v1, $0.0e+00  }
0x230: {  	v1 =	vadd.f32 v6, v1;
	v6 =	vadd.f32 v2, v7;
	v3 =	vmul.f32 v3, v8  }
0x231: {  	v0 =	vmax.f32 v0, $0.0e+00;
	[tilespmem:s30+$0xE920] =	vst v13;
	v2 =	vsub.f32 v7, v2  }
0x232: {  	[tilespmem:s30+$0x11D00] =	vst v6;
	v0 =	vadd.f32 v3, v0;
	v3 =	vadd.f32 v1, v4  }
0x233: {  	[tilespmem:s30+$0xE900] =	vst v2;
	v1 =	vsub.f32 v4, v1  }
0x234: {  	v2 =	vsub.f32 v5, v0;
	[tilespmem:s30+$0x11D30] =	vst v3  }
0x235: {  	v0 =	vadd.f32 v0, v5;
	[tilespmem:s30+$0xE930] =	vst v1  }
0x236: {  	[tilespmem:s30+$0xE910] =	vst v2  }
0x237: {  	s31 =	simm.s32 $0x0;
	[tilespmem:s30+$0x11D10] =	vst v0  }
0x238: {  	v5 =	vld [tilespmem:s31+$0xBBA0]  }
0x239: {  	v9 =	vld [tilespmem:s31+$0xBBB0]  }
0x23a: {  	v10 =	vld [tilespmem:s31+$0xBB80];
	_ =	sdelay $0x2  }
0x23b: {  	v0 =	vand.u32 $0x7FFFFFFF, v5  }
0x23c: {  	v1 =	vand.u32 $0x7FFFFFFF, v9;
	v0 =	vsub.f32 $0.0e+00, v0  }
0x23d: {  	v2 =	vand.u32 $0x7FFFFFFF, v10;
	v1 =	vsub.f32 $0.0e+00, v1  }
0x23e: {  	v2 =	vsub.f32 $0.0e+00, v2;
	v0 =	vmul.f32 $1.442695020e+00, v0  }
0x23f: {  	v1 =	vmul.f32 $1.442695020e+00, v1  }
0x240: {  	v2 =	vmul.f32 $1.442695020e+00, v2;
	(erf) = vpow2.f32 v0  }
0x241: {  	v6 =	vld [tilespmem:s31+$0xBB90];
	(erf) = vpow2.f32 v1  }
0x242: {  	(erf) = vpow2.f32 v2;
	_ =	sdelay $0x3  }
0x243: {  	v0 =	vand.u32 $0x7FFFFFFF, v6  }
0x244: {  	v0 =	vsub.f32 $0.0e+00, v0;
	_ =	sdelay $0x1  }
0x245: {  	v0 =	vmul.f32 $1.442695020e+00, v0;
	v1 =	vpop (erf)  }
0x246: {  	v2 =	vadd.f32 $2.000000000e+00, v1;
	v4 =	vpop (erf)  }
0x247: {  	(erf) = vpow2.f32 v0;
	v0 =	vadd.f32 $2.000000000e+00, v4;
	v7 =	vpop (erf)  }
0x248: {  	v3 =	vadd.f32 $2.000000000e+00, v7;
	(erf) = vrcp.f32 v2  }
0x249: {  	(erf) = vrcp.f32 v0  }
0x24a: {  	s29 =	simm.s32 $0x40;
	(erf) = vrcp.f32 v3  }
0x24b: {  	v8 =	vld [tilespmem:s29+$0xBBA0]  }
0x24c: {  	v2 =	vld [tilespmem:s29+$0xBBB0]  }
0x24d: {  	v3 =	vld [tilespmem:s29+$0xBB80];
	_ =	sdelay $0x2  }
0x24e: {  	v0 =	vand.u32 $0x7FFFFFFF, v8;
	v11 =	vpop (erf)  }
0x24f: {  	v14 =	vsub.f32 $0.0e+00, v0;
	v13 =	vand.u32 $0x7FFFFFFF, v2;
	v12 =	vpop (erf)  }
0x250: {  	v13 =	vsub.f32 $0.0e+00, v13;
	v16 =	vand.u32 $0x7FFFFFFF, v3;
	v15 =	vpop (erf)  }
0x251: {  	v0 =	vld [tilespmem:s29+$0xBB90];
	v14 =	vmul.f32 $1.442695020e+00, v14;
	v16 =	vsub.f32 $0.0e+00, v16;
	v12 =	vmul.f32 v12, v1;
	v1 =	vpop (erf)  }
0x252: {  	v17 =	vmul.f32 v1, v7;
	v1 =	vmul.f32 $1.442695020e+00, v13  }
0x253: {  	(erf) = vpow2.f32 v14;
	v7 =	vmul.f32 $1.442695020e+00, v16  }
0x254: {  	v13 =	vmul.f32 v17, v17;
	(erf) = vpow2.f32 v1  }
0x255: {  	(erf) = vpow2.f32 v7  }
0x256: {  	v1 =	vand.u32 $0x7FFFFFFF, v0;
	v7 =	vmul.f32 $2.222222240e-01, v13  }
0x257: {  	v16 =	vmul.f32 v12, v12;
	v1 =	vsub.f32 $0.0e+00, v1  }
0x258: {  	v19 =	vmul.f32 v15, v4;
	v4 =	vadd.f32 $2.857142980e-01, v7  }
0x259: {  	v1 =	vmul.f32 $1.442695020e+00, v1;
	v7 =	vmul.f32 $2.222222240e-01, v16  }
0x25a: {  	v14 =	vadd.f32 $2.000000000e+00, v11;
	v18 =	vmul.f32 v19, v19;
	v4 =	vmul.f32 v4, v13  }
0x25b: {  	(erf) = vpow2.f32 v1;
	v7 =	vadd.f32 $2.857142980e-01, v7  }
0x25c: {  	v15 =	vpop (erf);
	v1 =	vmul.f32 $2.222222240e-01, v18;
	(erf) = vrcp.f32 v14;
	v4 =	vadd.f32 $4.000000060e-01, v4  }
0x25d: {  	v14 =	vadd.f32 $2.000000000e+00, v15;
	v7 =	vmul.f32 v7, v16;
	v20 =	vpop (erf)  }
0x25e: {  	v1 =	vadd.f32 $2.857142980e-01, v1;
	v4 =	vmul.f32 v4, v13;
	v21 =	vadd.f32 $2.000000000e+00, v20;
	v22 =	vpop (erf)  }
0x25f: {  	(erf) = vrcp.f32 v14;
	v7 =	vadd.f32 $4.000000060e-01, v7;
	v23 =	vadd.f32 $2.000000000e+00, v22  }
0x260: {  	v1 =	vmul.f32 v1, v18;
	v4 =	vadd.f32 $6.666666860e-01, v4;
	(erf) = vrcp.f32 v21  }
0x261: {  	v7 =	vmul.f32 v7, v16;
	(erf) = vrcp.f32 v23  }
0x262: {  	v4 =	vmul.f32 v4, v13  }
0x263: {  	s30 =	simm.s32 $0x80;
	v1 =	vadd.f32 $4.000000060e-01, v1;
	v13 =	vadd.f32 $6.666666860e-01, v7  }
0x264: {  	v14 =	vpop (erf);
	v7 =	vld [tilespmem:s30+$0xBBB0];
	v23 =	vadd.f32 $2.000000000e+00, v4  }
0x265: {  	v21 =	vmul.f32 v1, v18;
	v24 =	vpop (erf);
	v4 =	vld [tilespmem:s30+$0xBBA0];
	v13 =	vmul.f32 v13, v16  }
0x266: {  	v10 =	vmax.f32 v10, $0.0e+00;
	v1 =	vld [tilespmem:s30+$0xBB80];
	v16 =	vmul.f32 v24, v11;
	v17 =	vmul.f32 v23, v17  }
0x267: {  	v11 =	vadd.f32 $6.666666860e-01, v21;
	v24 =	vmax.f32 v9, $0.0e+00;
	v13 =	vadd.f32 $2.000000000e+00, v13  }
0x268: {  	v21 =	vmax.f32 v5, $0.0e+00;
	v9 =	vpop (erf);
	v25 =	vmul.f32 v16, v16;
	v17 =	vadd.f32 v17, v10  }
0x269: {  	v5 =	vld [tilespmem:s30+$0xBB90];
	v13 =	vmul.f32 v13, v12;
	v10 =	vand.u32 $0x7FFFFFFF, v7;
	v12 =	vmul.f32 v9, v15;
	v9 =	vpop (erf)  }
0x26a: {  	v23 =	vand.u32 $0x7FFFFFFF, v4;
	v27 =	vsub.f32 $0.0e+00, v10;
	v10 =	vmul.f32 v9, v20;
	v9 =	vpop (erf)  }
0x26b: {  	v26 =	vand.u32 $0x7FFFFFFF, v1;
	v20 =	vsub.f32 $0.0e+00, v23;
	v15 =	vmul.f32 v9, v22  }
0x26c: {  	v23 =	vsub.f32 $0.0e+00, v26;
	v9 =	vmul.f32 $2.222222240e-01, v25;
	v26 =	vmul.f32 $1.442695020e+00, v27  }
0x26d: {  	v21 =	vadd.f32 v13, v21;
	v13 =	vmul.f32 $1.442695020e+00, v20;
	v30 =	vmul.f32 v15, v15  }
0x26e: {  	v27 =	vand.u32 $0x7FFFFFFF, v5;
	v23 =	vmul.f32 $1.442695020e+00, v23;
	v20 =	vmul.f32 v12, v12  }
0x26f: {  	v27 =	vsub.f32 $0.0e+00, v27;
	(erf) = vpow2.f32 v13;
	v28 =	vmul.f32 $2.222222240e-01, v30  }
0x270: {  	v9 =	vadd.f32 $2.857142980e-01, v9;
	v13 =	vmul.f32 v10, v10;
	(erf) = vpow2.f32 v26  }
0x271: {  	v22 =	vld [tilespmem:s31+$0x87A0];
	v27 =	vmul.f32 $1.442695020e+00, v27;
	(erf) = vpow2.f32 v23;
	v23 =	vadd.f32 $2.857142980e-01, v28  }
0x272: {  	v26 =	vmul.f32 $2.222222240e-01, v20;
	v9 =	vmul.f32 v9, v25  }
0x273: {  	v31 =	vmul.f32 $2.222222240e-01, v13;
	v28 =	vadd.f32 $2.000000000e+00, v14;
	v23 =	vmul.f32 v23, v30  }
0x274: {  	v11 =	vmul.f32 v11, v18;
	v26 =	vadd.f32 $2.857142980e-01, v26;
	v9 =	vadd.f32 $4.000000060e-01, v9  }
0x275: {  	(erf) = vpow2.f32 v27;
	v27 =	vadd.f32 $2.857142980e-01, v31;
	v23 =	vadd.f32 $4.000000060e-01, v23  }
0x276: {  	v29 =	vsub.f32 v22, v21;
	v26 =	vmul.f32 v26, v20;
	(erf) = vrcp.f32 v28  }
0x277: {  	v61 =	vadd.f32 v21, v22;
	v60 =	vmul.f32 v9, v25;
	v27 =	vmul.f32 v27, v13  }
0x278: {  	v28 =	vadd.f32 $2.000000000e+00, v11;
	v11 =	vld [tilespmem:s29+$0x8790];
	v26 =	vadd.f32 $4.000000060e-01, v26  }
0x279: {  	v9 =	vld [tilespmem:s30+$0x8790];
	v32 =	vadd.f32 $6.666666860e-01, v60;
	v27 =	vadd.f32 $4.000000060e-01, v27;
	v31 =	vmul.f32 v23, v30;
	v23 =	vpop (erf)  }
0x27a: {  	[tilespmem:s31+$0xEFA0] =	vst v29;
	v29 =	vld [tilespmem:s31+$0x8780];
	v28 =	vmul.f32 v28, v19;
	v26 =	vmul.f32 v26, v20;
	v19 =	vadd.f32 $2.000000000e+00, v23;
	v21 =	vpop (erf)  }
0x27b: {  	v32 =	vmul.f32 v32, v25;
	v27 =	vmul.f32 v27, v13;
	v62 =	vadd.f32 $2.000000000e+00, v21;
	v22 =	vpop (erf)  }
0x27c: {  	v31 =	vadd.f32 $6.666666860e-01, v31;
	(erf) = vrcp.f32 v19;
	v63 =	vadd.f32 $2.000000000e+00, v22  }
0x27d: {  	v19 =	vadd.f32 $6.666666860e-01, v27;
	v27 =	vadd.f32 v28, v24;
	v28 =	vld [tilespmem:s31+$0x87B0];
	(erf) = vrcp.f32 v62  }
0x27e: {  	s0 =	simm.s32 $0x300;
	v18 =	vld [tilespmem:s31+$0x8790];
	[tilespmem:s31+$0x123A0] =	vst v61;
	v25 =	vpop (erf);
	v24 =	vmul.f32 v31, v30;
	v30 =	vadd.f32 $2.000000000e+00, v32;
	(erf) = vrcp.f32 v63  }
.LBB2_23:
0x27f: {  	s1 =	sshra.s32 s0, $0x2;
	p1 =	sne.s32 s0, $0x1900;
	s0 =	sadd.s32 $0x100, s0;
	v26 =	vadd.f32 $6.666666860e-01, v26;
	v31 =	vadd.f32 v17, v29;
	v32 =	vmax.f32 v6, $0.0e+00;
	v6 =	vmovc v0;
	v0 =	vmovc v5  }
0x280: {  	v17 =	vsub.f32 v29, v17;
	v33 =	vld [tilespmem:s1+$0xBBB0];
	v34 =	vadd.f32 $2.000000000e+00, v24;
	v5 =	vpop (erf);
	v29 =	vmul.f32 v30, v16  }
0x281: {  	v35 =	vmax.f32 v3, $0.0e+00;
	v3 =	vmovc v1;
	v24 =	vmax.f32 v2, $0.0e+00;
	v2 =	vmovc v7;
	v30 =	vld [tilespmem:s1+$0xBBA0];
	v20 =	vmul.f32 v26, v20;
	[tilespmem:s31+$0x12380] =	vst v31  }
0x282: {  	v16 =	vmul.f32 v5, v14;
	v1 =	vld [tilespmem:s1+$0xBB80];
	[tilespmem:s31+$0xEF80] =	vst v17;
	v7 =	vadd.f32 v29, v32;
	v17 =	vadd.f32 v27, v28  }
0x283: {  	v14 =	vmovc v25;
	v15 =	vmul.f32 v34, v15;
	v26 =	vsub.f32 v28, v27;
	v5 =	vld [tilespmem:s1+$0xBB90];
	v20 =	vadd.f32 $2.000000000e+00, v20  }
0x284: {  	v27 =	vmul.f32 v16, v16;
	v25 =	vld [tilespmem:s1+$0x8790];
	v28 =	vsub.f32 v18, v7;
	v7 =	vadd.f32 v7, v18;
	[tilespmem:s31+$0x123B0] =	vst v17  }
0x285: {  	v29 =	vmax.f32 v8, $0.0e+00;
	v17 =	vadd.f32 v15, v35;
	v18 =	vpop (erf);
	v20 =	vmul.f32 v20, v12;
	[tilespmem:s31+$0xEFB0] =	vst v26  }
0x286: {  	v31 =	vand.u32 $0x7FFFFFFF, v33;
	v32 =	vand.u32 $0x7FFFFFFF, v30;
	v12 =	vmul.f32 v18, v23;
	v18 =	vpop (erf);
	[tilespmem:s31+$0xEF90] =	vst v28  }
0x287: {  	v26 =	vsub.f32 $0.0e+00, v31;
	v23 =	vand.u32 $0x7FFFFFFF, v1;
	v28 =	vmul.f32 v18, v21;
	v15 =	vpop (erf);
	[tilespmem:s31+$0x12390] =	vst v7;
	s31 =	smov.u32 s29;
	s29 =	smov.u32 s30;
	s30 =	smov.u32 s1  }
0x288: {  	v8 =	vmovc v4;
	v21 =	vsub.f32 $0.0e+00, v32;
	v15 =	vmul.f32 v15, v22;
	v22 =	vmul.f32 $2.222222240e-01, v27;
	v31 =	vld [tilespmem:s31+$0x87A0];
	v7 =	vmovc v33  }
0x289: {  	v4 =	vmovc v30;
	v29 =	vadd.f32 v20, v29;
	v18 =	vmovc v11;
	v23 =	vsub.f32 $0.0e+00, v23;
	v26 =	vmul.f32 $1.442695020e+00, v26  }
0x28a: {  	v11 =	vmovc v9;
	v21 =	vmul.f32 $1.442695020e+00, v21;
	v9 =	vmovc v25;
	v30 =	vmul.f32 v15, v15;
	v22 =	vadd.f32 $2.857142980e-01, v22  }
0x28b: {  	v20 =	vmul.f32 v12, v12;
	v25 =	vand.u32 $0x7FFFFFFF, v5;
	v23 =	vmul.f32 $1.442695020e+00, v23  }
0x28c: {  	v25 =	vsub.f32 $0.0e+00, v25;
	(erf) = vpow2.f32 v21;
	v21 =	vmul.f32 $2.222222240e-01, v30  }
0x28d: {  	(erf) = vpow2.f32 v26;
	v26 =	vmul.f32 v28, v28;
	v32 =	vsub.f32 v31, v29  }
0x28e: {  	(erf) = vpow2.f32 v23;
	v21 =	vadd.f32 $2.857142980e-01, v21;
	v23 =	vmul.f32 $2.222222240e-01, v20  }
0x28f: {  	v33 =	vadd.f32 $2.000000000e+00, v14;
	v25 =	vmul.f32 $1.442695020e+00, v25;
	v34 =	vmul.f32 $2.222222240e-01, v26;
	[tilespmem:s31+$0xEFA0] =	vst v32  }
0x290: {  	v22 =	vmul.f32 v22, v27;
	v21 =	vmul.f32 v21, v30;
	v23 =	vadd.f32 $2.857142980e-01, v23  }
0x291: {  	v19 =	vmul.f32 v19, v13;
	v13 =	vmovc v26;
	(erf) = vpow2.f32 v25;
	v25 =	vadd.f32 $2.857142980e-01, v34  }
0x292: {  	v22 =	vadd.f32 $4.000000060e-01, v22;
	v21 =	vadd.f32 $4.000000060e-01, v21;
	v34 =	vmul.f32 v23, v20  }
0x293: {  	v19 =	vadd.f32 $2.000000000e+00, v19;
	v25 =	vmul.f32 v25, v13;
	(erf) = vrcp.f32 v33  }
0x294: {  	v35 =	vmul.f32 v22, v27;
	v32 =	vmul.f32 v21, v30;
	v26 =	vadd.f32 $4.000000060e-01, v34  }
0x295: {  	v31 =	vadd.f32 v29, v31;
	v33 =	vmul.f32 v19, v10;
	v23 =	vpop (erf);
	v25 =	vadd.f32 $4.000000060e-01, v25  }
.Ltmp12:
0x296: {  	v19 =	vadd.f32 $6.666666860e-01, v35;
	v36 =	vadd.f32 $2.000000000e+00, v23;
	v21 =	vpop (erf);
	v26 =	vmul.f32 v26, v20;
	v29 =	vld [tilespmem:s31+$0x8780];
	(pc) =	sbr.rel @p1 .LBB2_23-.Ltmp12, $4  }
0x297: {  	v32 =	vadd.f32 $6.666666860e-01, v32;
	v34 =	vadd.f32 $2.000000000e+00, v21;
	v22 =	vpop (erf);
	v37 =	vmul.f32 v25, v13;
	[tilespmem:s31+$0x123A0] =	vst v31  }
0x298: {  	v10 =	vmovc v28;
	v35 =	vmul.f32 v19, v27;
	v31 =	vadd.f32 $2.000000000e+00, v22;
	(erf) = vrcp.f32 v36  }
0x299: {  	v27 =	vadd.f32 v33, v24;
	(erf) = vrcp.f32 v34;
	v19 =	vadd.f32 $6.666666860e-01, v37;
	v28 =	vld [tilespmem:s31+$0x87B0]  }
0x29a: {  	v24 =	vmul.f32 v32, v30;
	v30 =	vadd.f32 $2.000000000e+00, v35;
	(erf) = vrcp.f32 v31;
	v25 =	vpop (erf)  }
0x29b: {  	_ = 	snop  }
0x29c: {  	v31 =	vadd.f32 v17, v29;
	v6 =	vmax.f32 v6, $0.0e+00;
	v32 =	vpop (erf);
	v16 =	vmul.f32 v30, v16  }
0x29d: {  	v17 =	vsub.f32 v29, v17;
	v26 =	vadd.f32 $6.666666860e-01, v26;
	v14 =	vmul.f32 v32, v14  }
0x29e: {  	v6 =	vadd.f32 v16, v6;
	v16 =	vadd.f32 v27, v28  }
0x29f: {  	[tilespmem:s31+$0xEF80] =	vst v17;
	v17 =	vsub.f32 v28, v27;
	v27 =	vmul.f32 v14, v14  }
0x2a0: {  	[tilespmem:s31+$0x123B0] =	vst v16;
	v16 =	vmul.f32 v26, v20  }
0x2a1: {  	v28 =	vsub.f32 v18, v6;
	v6 =	vadd.f32 v6, v18;
	[tilespmem:s31+$0xEFB0] =	vst v17;
	v17 =	vmul.f32 $2.222222240e-01, v27  }
0x2a2: {  	v18 =	vpop (erf);
	v16 =	vadd.f32 $2.000000000e+00, v16  }
0x2a3: {  	[tilespmem:s31+$0x12390] =	vst v6;
	v6 =	vadd.f32 $2.857142980e-01, v17;
	v17 =	vmul.f32 v18, v23  }
0x2a4: {  	v12 =	vmul.f32 v16, v12  }
0x2a5: {  	[tilespmem:s31+$0x12380] =	vst v31;
	v6 =	vmul.f32 v6, v27;
	v16 =	vmul.f32 v17, v17  }
0x2a6: {  	v20 =	vadd.f32 $2.000000000e+00, v25;
	[tilespmem:s31+$0xEF90] =	vst v28  }
0x2a7: {  	v18 =	vld [tilespmem:s29+$0x87A0];
	v6 =	vadd.f32 $4.000000060e-01, v6;
	v23 =	vmul.f32 $2.222222240e-01, v16  }
0x2a8: {  	v13 =	vmul.f32 v19, v13;
	(erf) = vrcp.f32 v20  }
0x2a9: {  	v8 =	vmax.f32 v8, $0.0e+00;
	v6 =	vmul.f32 v6, v27;
	v23 =	vadd.f32 $2.857142980e-01, v23  }
0x2aa: {  	v3 =	vmax.f32 v3, $0.0e+00;
	v13 =	vadd.f32 $2.000000000e+00, v13;
	v8 =	vadd.f32 v12, v8;
	v12 =	vpop (erf)  }
0x2ab: {  	v20 =	vadd.f32 $2.000000000e+00, v24;
	v24 =	vpop (erf);
	v6 =	vadd.f32 $6.666666860e-01, v6;
	v19 =	vmul.f32 v23, v16  }
0x2ac: {  	v26 =	vsub.f32 v18, v8;
	v8 =	vadd.f32 v8, v18;
	v22 =	vmul.f32 v24, v22  }
0x2ad: {  	v15 =	vmul.f32 v20, v15;
	v23 =	vld [tilespmem:s29+$0x8780];
	v6 =	vmul.f32 v6, v27;
	v19 =	vadd.f32 $4.000000060e-01, v19  }
0x2ae: {  	v2 =	vmax.f32 v2, $0.0e+00;
	[tilespmem:s29+$0x123A0] =	vst v8;
	v8 =	vmul.f32 v12, v21;
	v18 =	vmul.f32 v22, v22  }
0x2af: {  	v0 =	vmax.f32 v0, $0.0e+00;
	v10 =	vmul.f32 v13, v10;
	v20 =	vld [tilespmem:s29+$0x87B0];
	v6 =	vadd.f32 $2.000000000e+00, v6  }
0x2b0: {  	v3 =	vadd.f32 v15, v3;
	v13 =	vmul.f32 v8, v8;
	v12 =	vmul.f32 $2.222222240e-01, v18  }
0x2b1: {  	v2 =	vadd.f32 v10, v2;
	v15 =	vmul.f32 v19, v16;
	v19 =	vpop (erf);
	v6 =	vmul.f32 v6, v14  }
0x2b2: {  	v10 =	vadd.f32 v3, v23;
	v3 =	vsub.f32 v23, v3;
	v14 =	vmul.f32 v19, v25  }
0x2b3: {  	v12 =	vadd.f32 $2.857142980e-01, v12;
	v19 =	vmul.f32 $2.222222240e-01, v13;
	v0 =	vadd.f32 v6, v0  }
0x2b4: {  	[tilespmem:s29+$0xEF80] =	vst v3;
	v6 =	vadd.f32 v2, v20;
	v2 =	vsub.f32 v20, v2;
	v3 =	vmul.f32 v14, v14  }
0x2b5: {  	[tilespmem:s29+$0x12380] =	vst v10;
	v10 =	vadd.f32 $6.666666860e-01, v15;
	v12 =	vmul.f32 v12, v18;
	v15 =	vadd.f32 $2.857142980e-01, v19  }
0x2b6: {  	v19 =	vsub.f32 v11, v0;
	v0 =	vadd.f32 v0, v11;
	[tilespmem:s29+$0xEFB0] =	vst v2;
	v2 =	vmul.f32 $2.222222240e-01, v3  }
0x2b7: {  	[tilespmem:s29+$0x123B0] =	vst v6;
	v6 =	vmul.f32 v10, v16  }
0x2b8: {  	v10 =	vadd.f32 $4.000000060e-01, v12;
	v11 =	vmul.f32 v15, v13;
	[tilespmem:s29+$0x12390] =	vst v0;
	v0 =	vadd.f32 $2.857142980e-01, v2  }
0x2b9: {  	v6 =	vadd.f32 $2.000000000e+00, v6  }
0x2ba: {  	[tilespmem:s29+$0xEFA0] =	vst v26;
	v2 =	vmul.f32 v10, v18;
	v11 =	vadd.f32 $4.000000060e-01, v11;
	v0 =	vmul.f32 v0, v3  }
0x2bb: {  	v4 =	vmax.f32 v4, $0.0e+00;
	[tilespmem:s29+$0xEF90] =	vst v19;
	v6 =	vmul.f32 v6, v17  }
0x2bc: {  	v10 =	vld [tilespmem:s30+$0x87A0];
	v2 =	vadd.f32 $6.666666860e-01, v2;
	v11 =	vmul.f32 v11, v13;
	v0 =	vadd.f32 $4.000000060e-01, v0  }
0x2bd: {  	v4 =	vadd.f32 v6, v4  }
0x2be: {  	v2 =	vmul.f32 v2, v18;
	v6 =	vadd.f32 $6.666666860e-01, v11;
	v0 =	vmul.f32 v0, v3;
	_ =	sdelay $0x1  }
0x2bf: {  	v2 =	vadd.f32 $2.000000000e+00, v2;
	v6 =	vmul.f32 v6, v13;
	v0 =	vadd.f32 $6.666666860e-01, v0  }
0x2c0: {  	v11 =	vsub.f32 v10, v4;
	v4 =	vadd.f32 v4, v10;
	v10 =	vld [tilespmem:s30+$0x8780]  }
0x2c1: {  	v2 =	vmul.f32 v2, v22;
	v6 =	vadd.f32 $2.000000000e+00, v6;
	v0 =	vmul.f32 v0, v3  }
0x2c2: {  	v1 =	vmax.f32 v1, $0.0e+00;
	v3 =	vld [tilespmem:s30+$0x87B0]  }
0x2c3: {  	v1 =	vadd.f32 v2, v1;
	v2 =	vmul.f32 v6, v8;
	v0 =	vadd.f32 $2.000000000e+00, v0  }
0x2c4: {  	[tilespmem:s30+$0x123A0] =	vst v4;
	v4 =	vmax.f32 v7, $0.0e+00  }
0x2c5: {  	v2 =	vadd.f32 v2, v4;
	v4 =	vadd.f32 v1, v10;
	v0 =	vmul.f32 v0, v14  }
0x2c6: {  	v5 =	vmax.f32 v5, $0.0e+00;
	[tilespmem:s30+$0xEFA0] =	vst v11;
	v1 =	vsub.f32 v10, v1  }
0x2c7: {  	[tilespmem:s30+$0x12380] =	vst v4;
	v4 =	vadd.f32 v2, v3;
	v0 =	vadd.f32 v0, v5  }
0x2c8: {  	s0 =	sshll.u32 s26, $0x3;
	[tilespmem:s30+$0xEF80] =	vst v1;
	v1 =	vsub.f32 v3, v2  }
0x2c9: {  	s0 =	sadd.s32 s5, s0;
	[tilespmem:s30+$0x123B0] =	vst v4;
	v2 =	vsub.f32 v9, v0  }
0x2ca: {  	s0 =	smul.u32 $0xD0, s0;
	[tilespmem:s30+$0xEFB0] =	vst v1;
	v0 =	vadd.f32 v0, v9  }
0x2cb: {  	[tilespmem:s30+$0xEF90] =	vst v2  }
0x2cc: {  	p1 =	seq.s32 s26, $0x3F;
	s1 =	sadd.s32 s2, s0;
	[tilespmem:s30+$0x12390] =	vst v0  }
0x2cd: {  	[hbm4b:s1+s4] =	stream.linear.scatter [tilespmem:s18], [sflag:$0x3], $0x1A00, $0x38;
	[tilespmem:$0x14400] =	vst v63  }
0x2ce: {  	s0 =	sadd.s32 s3, s0;
	s1 =	smul.u32 @!p1 $0x340, s26  }
0x2cf: {  	[hbm4b:s0+s4] =	stream.linear.scatter [tilespmem:s19], [sflag:$0x3], $0x1A00, $0x38;
	[tilespmem:$0x14400] =	vst v63  }
0x2d0: {  	s0 =	sshra.s32 @!p1 s1, $0x2  }
0x2d1: {  	s13 =	simm.s32 @!p1 $0x7400;
	s1 =	simm.s32 @!p1 $0x68;
	s0 =	sadd.s32 @!p1 $0x40D0, s0  }
0x2d2: {  	[tilespmem:s13], [sflag:$0x1] =	stream.indirect.gather @!p1 [hbm4b:s6+s1], $0x40, s0, s1, $0xb8;
	[tilespmem:$0x14400] =	vst v63  }
0x2d3: {  	s13 =	simm.s32 @!p1 $0xA800  }
0x2d4: {  	[tilespmem:s13], [sflag:$0x1] =	stream.indirect.gather @!p1 [hbm4b:s7+s1], $0x40, s0, s1, $0xb8;
	[tilespmem:$0x14400] =	vst v63  }
0x2d5: {  	_ =	swait.ge [sflag:s20], $0x1A00  }
0x2d6: {  	[sflag:s20] =	ssyncset.done $0x0  }
0x2d7: {  	[sflag:s20] =	ssyncadd.s32 $0xFFFFE600  }
0x2d8: {  	_ =	swait.ge [sflag:s20], $0x1A00  }
0x2d9: {  	[sflag:s20] =	ssyncset.done $0x0  }
0x2da: {  	s0 =	simm.s32 @!p0 $0x4;
	[sflag:s20] =	ssyncadd.s32 $0xFFFFE600  }
0x2db: {  	_ =	swait.ge @!p0 [sflag:s0], $0x1A00  }
0x2dc: {  	[sflag:s0] =	ssyncset.done @!p0 $0x0  }
0x2dd: {  	[sflag:s0] =	ssyncadd.s32 @!p0 $0xFFFFE600  }
0x2de: {  	_ =	swait.ge @!p0 [sflag:s0], $0x1A00  }
0x2df: {  	[sflag:s0] =	ssyncset.done @!p0 $0x0  }
0x2e0: {  	s31 =	simm.s32 $0x0;
	[sflag:s0] =	ssyncadd.s32 @!p0 $0xFFFFE600  }
0x2e1: {  	v5 =	vld [tilespmem:s31+$0xC220]  }
0x2e2: {  	v9 =	vld [tilespmem:s31+$0xC230]  }
0x2e3: {  	v10 =	vld [tilespmem:s31+$0xC200];
	_ =	sdelay $0x2  }
0x2e4: {  	v0 =	vand.u32 $0x7FFFFFFF, v5  }
0x2e5: {  	v1 =	vand.u32 $0x7FFFFFFF, v9;
	v0 =	vsub.f32 $0.0e+00, v0  }
0x2e6: {  	v2 =	vand.u32 $0x7FFFFFFF, v10;
	v1 =	vsub.f32 $0.0e+00, v1  }
0x2e7: {  	v2 =	vsub.f32 $0.0e+00, v2;
	v0 =	vmul.f32 $1.442695020e+00, v0  }
0x2e8: {  	v1 =	vmul.f32 $1.442695020e+00, v1  }
0x2e9: {  	v2 =	vmul.f32 $1.442695020e+00, v2;
	(erf) = vpow2.f32 v0  }
0x2ea: {  	v6 =	vld [tilespmem:s31+$0xC210];
	(erf) = vpow2.f32 v1  }
0x2eb: {  	(erf) = vpow2.f32 v2;
	_ =	sdelay $0x3  }
0x2ec: {  	v0 =	vand.u32 $0x7FFFFFFF, v6  }
0x2ed: {  	v0 =	vsub.f32 $0.0e+00, v0;
	_ =	sdelay $0x1  }
0x2ee: {  	v0 =	vmul.f32 $1.442695020e+00, v0;
	v1 =	vpop (erf)  }
0x2ef: {  	v2 =	vadd.f32 $2.000000000e+00, v1;
	v4 =	vpop (erf)  }
0x2f0: {  	(erf) = vpow2.f32 v0;
	v0 =	vadd.f32 $2.000000000e+00, v4;
	v7 =	vpop (erf)  }
0x2f1: {  	v3 =	vadd.f32 $2.000000000e+00, v7;
	(erf) = vrcp.f32 v2  }
0x2f2: {  	(erf) = vrcp.f32 v0  }
0x2f3: {  	s29 =	simm.s32 $0x40;
	(erf) = vrcp.f32 v3  }
0x2f4: {  	v8 =	vld [tilespmem:s29+$0xC220]  }
0x2f5: {  	v2 =	vld [tilespmem:s29+$0xC230]  }
0x2f6: {  	v3 =	vld [tilespmem:s29+$0xC200];
	_ =	sdelay $0x2  }
0x2f7: {  	v0 =	vand.u32 $0x7FFFFFFF, v8;
	v11 =	vpop (erf)  }
0x2f8: {  	v14 =	vsub.f32 $0.0e+00, v0;
	v13 =	vand.u32 $0x7FFFFFFF, v2;
	v12 =	vpop (erf)  }
0x2f9: {  	v13 =	vsub.f32 $0.0e+00, v13;
	v16 =	vand.u32 $0x7FFFFFFF, v3;
	v15 =	vpop (erf)  }
0x2fa: {  	v0 =	vld [tilespmem:s29+$0xC210];
	v14 =	vmul.f32 $1.442695020e+00, v14;
	v16 =	vsub.f32 $0.0e+00, v16;
	v12 =	vmul.f32 v12, v1;
	v1 =	vpop (erf)  }
0x2fb: {  	v17 =	vmul.f32 v1, v7;
	v1 =	vmul.f32 $1.442695020e+00, v13  }
0x2fc: {  	(erf) = vpow2.f32 v14;
	v7 =	vmul.f32 $1.442695020e+00, v16  }
0x2fd: {  	v13 =	vmul.f32 v17, v17;
	(erf) = vpow2.f32 v1  }
0x2fe: {  	(erf) = vpow2.f32 v7  }
0x2ff: {  	v1 =	vand.u32 $0x7FFFFFFF, v0;
	v7 =	vmul.f32 $2.222222240e-01, v13  }
0x300: {  	v16 =	vmul.f32 v12, v12;
	v1 =	vsub.f32 $0.0e+00, v1  }
0x301: {  	v19 =	vmul.f32 v15, v4;
	v4 =	vadd.f32 $2.857142980e-01, v7  }
0x302: {  	v1 =	vmul.f32 $1.442695020e+00, v1;
	v7 =	vmul.f32 $2.222222240e-01, v16  }
0x303: {  	v14 =	vadd.f32 $2.000000000e+00, v11;
	v18 =	vmul.f32 v19, v19;
	v4 =	vmul.f32 v4, v13  }
0x304: {  	(erf) = vpow2.f32 v1;
	v7 =	vadd.f32 $2.857142980e-01, v7  }
0x305: {  	v15 =	vpop (erf);
	v1 =	vmul.f32 $2.222222240e-01, v18;
	(erf) = vrcp.f32 v14;
	v4 =	vadd.f32 $4.000000060e-01, v4  }
0x306: {  	v14 =	vadd.f32 $2.000000000e+00, v15;
	v7 =	vmul.f32 v7, v16;
	v20 =	vpop (erf)  }
0x307: {  	v1 =	vadd.f32 $2.857142980e-01, v1;
	v4 =	vmul.f32 v4, v13;
	v21 =	vadd.f32 $2.000000000e+00, v20;
	v22 =	vpop (erf)  }
0x308: {  	(erf) = vrcp.f32 v14;
	v7 =	vadd.f32 $4.000000060e-01, v7;
	v23 =	vadd.f32 $2.000000000e+00, v22  }
0x309: {  	v1 =	vmul.f32 v1, v18;
	v4 =	vadd.f32 $6.666666860e-01, v4;
	(erf) = vrcp.f32 v21  }
0x30a: {  	v7 =	vmul.f32 v7, v16;
	(erf) = vrcp.f32 v23  }
0x30b: {  	v4 =	vmul.f32 v4, v13  }
0x30c: {  	s30 =	simm.s32 $0x80;
	v1 =	vadd.f32 $4.000000060e-01, v1;
	v13 =	vadd.f32 $6.666666860e-01, v7  }
0x30d: {  	v14 =	vpop (erf);
	v7 =	vld [tilespmem:s30+$0xC230];
	v23 =	vadd.f32 $2.000000000e+00, v4  }
0x30e: {  	v21 =	vmul.f32 v1, v18;
	v24 =	vpop (erf);
	v4 =	vld [tilespmem:s30+$0xC220];
	v13 =	vmul.f32 v13, v16  }
0x30f: {  	v10 =	vmax.f32 v10, $0.0e+00;
	v1 =	vld [tilespmem:s30+$0xC200];
	v16 =	vmul.f32 v24, v11;
	v17 =	vmul.f32 v23, v17  }
0x310: {  	v11 =	vadd.f32 $6.666666860e-01, v21;
	v24 =	vmax.f32 v9, $0.0e+00;
	v13 =	vadd.f32 $2.000000000e+00, v13  }
0x311: {  	v21 =	vmax.f32 v5, $0.0e+00;
	v9 =	vpop (erf);
	v25 =	vmul.f32 v16, v16;
	v17 =	vadd.f32 v17, v10  }
0x312: {  	v5 =	vld [tilespmem:s30+$0xC210];
	v13 =	vmul.f32 v13, v12;
	v10 =	vand.u32 $0x7FFFFFFF, v7;
	v12 =	vmul.f32 v9, v15;
	v9 =	vpop (erf)  }
0x313: {  	v23 =	vand.u32 $0x7FFFFFFF, v4;
	v27 =	vsub.f32 $0.0e+00, v10;
	v10 =	vmul.f32 v9, v20;
	v9 =	vpop (erf)  }
0x314: {  	v26 =	vand.u32 $0x7FFFFFFF, v1;
	v20 =	vsub.f32 $0.0e+00, v23;
	v15 =	vmul.f32 v9, v22  }
0x315: {  	v23 =	vsub.f32 $0.0e+00, v26;
	v9 =	vmul.f32 $2.222222240e-01, v25;
	v26 =	vmul.f32 $1.442695020e+00, v27  }
0x316: {  	v21 =	vadd.f32 v13, v21;
	v13 =	vmul.f32 $1.442695020e+00, v20;
	v30 =	vmul.f32 v15, v15  }
0x317: {  	v27 =	vand.u32 $0x7FFFFFFF, v5;
	v23 =	vmul.f32 $1.442695020e+00, v23;
	v20 =	vmul.f32 v12, v12  }
0x318: {  	v27 =	vsub.f32 $0.0e+00, v27;
	(erf) = vpow2.f32 v13;
	v28 =	vmul.f32 $2.222222240e-01, v30  }
0x319: {  	v9 =	vadd.f32 $2.857142980e-01, v9;
	v13 =	vmul.f32 v10, v10;
	(erf) = vpow2.f32 v26  }
0x31a: {  	v22 =	vld [tilespmem:s31+$0x8E20];
	v27 =	vmul.f32 $1.442695020e+00, v27;
	(erf) = vpow2.f32 v23;
	v23 =	vadd.f32 $2.857142980e-01, v28  }
0x31b: {  	v26 =	vmul.f32 $2.222222240e-01, v20;
	v9 =	vmul.f32 v9, v25  }
0x31c: {  	v31 =	vmul.f32 $2.222222240e-01, v13;
	v28 =	vadd.f32 $2.000000000e+00, v14;
	v23 =	vmul.f32 v23, v30  }
0x31d: {  	v11 =	vmul.f32 v11, v18;
	v26 =	vadd.f32 $2.857142980e-01, v26;
	v9 =	vadd.f32 $4.000000060e-01, v9  }
0x31e: {  	(erf) = vpow2.f32 v27;
	v27 =	vadd.f32 $2.857142980e-01, v31;
	v23 =	vadd.f32 $4.000000060e-01, v23  }
0x31f: {  	v29 =	vsub.f32 v22, v21;
	v26 =	vmul.f32 v26, v20;
	(erf) = vrcp.f32 v28  }
0x320: {  	v33 =	vadd.f32 v21, v22;
	v63 =	vmul.f32 v9, v25;
	v27 =	vmul.f32 v27, v13  }
0x321: {  	v28 =	vadd.f32 $2.000000000e+00, v11;
	v11 =	vld [tilespmem:s29+$0x8E10];
	v26 =	vadd.f32 $4.000000060e-01, v26  }
0x322: {  	v9 =	vld [tilespmem:s30+$0x8E10];
	v32 =	vadd.f32 $6.666666860e-01, v63;
	v27 =	vadd.f32 $4.000000060e-01, v27;
	v31 =	vmul.f32 v23, v30;
	v23 =	vpop (erf)  }
0x323: {  	[tilespmem:s31+$0xF620] =	vst v29;
	v29 =	vld [tilespmem:s31+$0x8E00];
	v28 =	vmul.f32 v28, v19;
	v26 =	vmul.f32 v26, v20;
	v19 =	vadd.f32 $2.000000000e+00, v23;
	v21 =	vpop (erf)  }
0x324: {  	v32 =	vmul.f32 v32, v25;
	v27 =	vmul.f32 v27, v13;
	v34 =	vadd.f32 $2.000000000e+00, v21;
	v22 =	vpop (erf)  }
0x325: {  	v31 =	vadd.f32 $6.666666860e-01, v31;
	(erf) = vrcp.f32 v19;
	v35 =	vadd.f32 $2.000000000e+00, v22  }
0x326: {  	s14 =	simm.s32 $0x300;
	v28 =	vadd.f32 v28, v24;
	v19 =	vadd.f32 $6.666666860e-01, v27;
	v27 =	vld [tilespmem:s31+$0x8E30];
	(erf) = vrcp.f32 v34  }
0x327: {  	s13 =	simm.s32 $0x0;
	s1 =	simm.s32 $0x80;
	s0 =	simm.s32 $0x40;
	v18 =	vld [tilespmem:s31+$0x8E10];
	[tilespmem:s31+$0x12A20] =	vst v33;
	v24 =	vmul.f32 v31, v30;
	v30 =	vadd.f32 $2.000000000e+00, v32;
	v25 =	vpop (erf);
	(erf) = vrcp.f32 v35  }
.LBB2_25:
0x328: {  	s12 =	sshra.s32 s14, $0x2;
	p0 =	sne.s32 s14, $0x1900;
	s14 =	sadd.s32 $0x100, s14;
	v26 =	vadd.f32 $6.666666860e-01, v26;
	v31 =	vadd.f32 v17, v29;
	v32 =	vmax.f32 v6, $0.0e+00;
	v6 =	vmovc v0;
	v0 =	vmovc v5  }
0x329: {  	v17 =	vsub.f32 v29, v17;
	v33 =	vld [tilespmem:s12+$0xC230];
	v34 =	vadd.f32 $2.000000000e+00, v24;
	v5 =	vpop (erf);
	v29 =	vmul.f32 v30, v16  }
0x32a: {  	v35 =	vmax.f32 v3, $0.0e+00;
	v3 =	vmovc v1;
	v24 =	vmax.f32 v2, $0.0e+00;
	v2 =	vmovc v7;
	v30 =	vld [tilespmem:s12+$0xC220];
	v20 =	vmul.f32 v26, v20;
	[tilespmem:s13+$0x12A00] =	vst v31  }
0x32b: {  	v16 =	vmul.f32 v5, v14;
	v1 =	vld [tilespmem:s12+$0xC200];
	[tilespmem:s13+$0xF600] =	vst v17;
	v7 =	vadd.f32 v29, v32;
	v17 =	vadd.f32 v28, v27  }
0x32c: {  	v14 =	vmovc v25;
	v15 =	vmul.f32 v34, v15;
	v26 =	vsub.f32 v27, v28;
	v5 =	vld [tilespmem:s12+$0xC210];
	v20 =	vadd.f32 $2.000000000e+00, v20  }
0x32d: {  	v27 =	vmul.f32 v16, v16;
	v25 =	vld [tilespmem:s12+$0x8E10];
	v28 =	vsub.f32 v18, v7;
	v7 =	vadd.f32 v7, v18;
	[tilespmem:s13+$0x12A30] =	vst v17  }
0x32e: {  	v29 =	vmax.f32 v8, $0.0e+00;
	v17 =	vadd.f32 v15, v35;
	v18 =	vpop (erf);
	v20 =	vmul.f32 v20, v12;
	[tilespmem:s13+$0xF630] =	vst v26  }
0x32f: {  	v31 =	vand.u32 $0x7FFFFFFF, v33;
	v32 =	vand.u32 $0x7FFFFFFF, v30;
	v12 =	vmul.f32 v18, v23;
	v18 =	vpop (erf);
	[tilespmem:s13+$0xF610] =	vst v28  }
0x330: {  	v26 =	vsub.f32 $0.0e+00, v31;
	v23 =	vand.u32 $0x7FFFFFFF, v1;
	v28 =	vmul.f32 v18, v21;
	v15 =	vpop (erf);
	[tilespmem:s13+$0x12A10] =	vst v7;
	s13 =	smov.u32 s0;
	s0 =	smov.u32 s1;
	s1 =	smov.u32 s12  }
0x331: {  	v8 =	vmovc v4;
	v21 =	vsub.f32 $0.0e+00, v32;
	v15 =	vmul.f32 v15, v22;
	v22 =	vmul.f32 $2.222222240e-01, v27;
	v31 =	vld [tilespmem:s13+$0x8E20];
	v7 =	vmovc v33  }
0x332: {  	v4 =	vmovc v30;
	v29 =	vadd.f32 v20, v29;
	v18 =	vmovc v11;
	v23 =	vsub.f32 $0.0e+00, v23;
	v26 =	vmul.f32 $1.442695020e+00, v26  }
0x333: {  	v11 =	vmovc v9;
	v21 =	vmul.f32 $1.442695020e+00, v21;
	v9 =	vmovc v25;
	v30 =	vmul.f32 v15, v15;
	v22 =	vadd.f32 $2.857142980e-01, v22  }
0x334: {  	v20 =	vmul.f32 v12, v12;
	v25 =	vand.u32 $0x7FFFFFFF, v5;
	v23 =	vmul.f32 $1.442695020e+00, v23  }
0x335: {  	v25 =	vsub.f32 $0.0e+00, v25;
	(erf) = vpow2.f32 v21;
	v21 =	vmul.f32 $2.222222240e-01, v30  }
0x336: {  	(erf) = vpow2.f32 v26;
	v26 =	vmul.f32 v28, v28;
	v32 =	vsub.f32 v31, v29  }
0x337: {  	(erf) = vpow2.f32 v23;
	v21 =	vadd.f32 $2.857142980e-01, v21;
	v23 =	vmul.f32 $2.222222240e-01, v20  }
0x338: {  	v33 =	vadd.f32 $2.000000000e+00, v14;
	v25 =	vmul.f32 $1.442695020e+00, v25;
	v34 =	vmul.f32 $2.222222240e-01, v26;
	[tilespmem:s13+$0xF620] =	vst v32  }
0x339: {  	v22 =	vmul.f32 v22, v27;
	v21 =	vmul.f32 v21, v30;
	v23 =	vadd.f32 $2.857142980e-01, v23  }
0x33a: {  	v19 =	vmul.f32 v19, v13;
	v13 =	vmovc v26;
	(erf) = vpow2.f32 v25;
	v25 =	vadd.f32 $2.857142980e-01, v34  }
0x33b: {  	v22 =	vadd.f32 $4.000000060e-01, v22;
	v21 =	vadd.f32 $4.000000060e-01, v21;
	v34 =	vmul.f32 v23, v20  }
0x33c: {  	v19 =	vadd.f32 $2.000000000e+00, v19;
	v25 =	vmul.f32 v25, v13;
	(erf) = vrcp.f32 v33  }
0x33d: {  	v35 =	vmul.f32 v22, v27;
	v32 =	vmul.f32 v21, v30;
	v26 =	vadd.f32 $4.000000060e-01, v34  }
0x33e: {  	v31 =	vadd.f32 v29, v31;
	v33 =	vmul.f32 v19, v10;
	v23 =	vpop (erf);
	v25 =	vadd.f32 $4.000000060e-01, v25  }
.Ltmp13:
0x33f: {  	v19 =	vadd.f32 $6.666666860e-01, v35;
	v36 =	vadd.f32 $2.000000000e+00, v23;
	v21 =	vpop (erf);
	v26 =	vmul.f32 v26, v20;
	v29 =	vld [tilespmem:s13+$0x8E00];
	(pc) =	sbr.rel @p0 .LBB2_25-.Ltmp13, $4  }
0x340: {  	v32 =	vadd.f32 $6.666666860e-01, v32;
	v34 =	vadd.f32 $2.000000000e+00, v21;
	v22 =	vpop (erf);
	v37 =	vmul.f32 v25, v13;
	[tilespmem:s13+$0x12A20] =	vst v31  }
0x341: {  	v10 =	vmovc v28;
	v35 =	vmul.f32 v19, v27;
	v31 =	vadd.f32 $2.000000000e+00, v22;
	(erf) = vrcp.f32 v36  }
0x342: {  	v28 =	vadd.f32 v33, v24;
	(erf) = vrcp.f32 v34;
	v19 =	vadd.f32 $6.666666860e-01, v37;
	v27 =	vld [tilespmem:s13+$0x8E30]  }
0x343: {  	v24 =	vmul.f32 v32, v30;
	v30 =	vadd.f32 $2.000000000e+00, v35;
	(erf) = vrcp.f32 v31;
	v25 =	vpop (erf)  }
0x344: {  	_ = 	snop  }
0x345: {  	v31 =	vadd.f32 v17, v29;
	v6 =	vmax.f32 v6, $0.0e+00;
	v32 =	vpop (erf);
	v16 =	vmul.f32 v30, v16  }
0x346: {  	v17 =	vsub.f32 v29, v17;
	v26 =	vadd.f32 $6.666666860e-01, v26;
	v14 =	vmul.f32 v32, v14  }
0x347: {  	v6 =	vadd.f32 v16, v6;
	v16 =	vadd.f32 v28, v27  }
0x348: {  	[tilespmem:s13+$0xF600] =	vst v17;
	v17 =	vsub.f32 v27, v28;
	v27 =	vmul.f32 v14, v14  }
0x349: {  	[tilespmem:s13+$0x12A30] =	vst v16;
	v16 =	vmul.f32 v26, v20  }
0x34a: {  	v28 =	vsub.f32 v18, v6;
	v6 =	vadd.f32 v6, v18;
	[tilespmem:s13+$0xF630] =	vst v17;
	v17 =	vmul.f32 $2.222222240e-01, v27  }
0x34b: {  	v18 =	vpop (erf);
	v16 =	vadd.f32 $2.000000000e+00, v16  }
0x34c: {  	[tilespmem:s13+$0x12A10] =	vst v6;
	v6 =	vadd.f32 $2.857142980e-01, v17;
	v17 =	vmul.f32 v18, v23  }
0x34d: {  	v12 =	vmul.f32 v16, v12  }
0x34e: {  	[tilespmem:s13+$0x12A00] =	vst v31;
	v6 =	vmul.f32 v6, v27;
	v16 =	vmul.f32 v17, v17  }
0x34f: {  	v20 =	vadd.f32 $2.000000000e+00, v25;
	[tilespmem:s13+$0xF610] =	vst v28  }
0x350: {  	v18 =	vld [tilespmem:s0+$0x8E20];
	v6 =	vadd.f32 $4.000000060e-01, v6;
	v23 =	vmul.f32 $2.222222240e-01, v16  }
0x351: {  	v13 =	vmul.f32 v19, v13;
	(erf) = vrcp.f32 v20  }
0x352: {  	v8 =	vmax.f32 v8, $0.0e+00;
	v6 =	vmul.f32 v6, v27;
	v23 =	vadd.f32 $2.857142980e-01, v23  }
0x353: {  	v3 =	vmax.f32 v3, $0.0e+00;
	v13 =	vadd.f32 $2.000000000e+00, v13;
	v8 =	vadd.f32 v12, v8;
	v12 =	vpop (erf)  }
0x354: {  	v20 =	vadd.f32 $2.000000000e+00, v24;
	v24 =	vpop (erf);
	v6 =	vadd.f32 $6.666666860e-01, v6;
	v19 =	vmul.f32 v23, v16  }
0x355: {  	v26 =	vsub.f32 v18, v8;
	v8 =	vadd.f32 v8, v18;
	v22 =	vmul.f32 v24, v22  }
0x356: {  	v15 =	vmul.f32 v20, v15;
	v23 =	vld [tilespmem:s0+$0x8E00];
	v6 =	vmul.f32 v6, v27;
	v19 =	vadd.f32 $4.000000060e-01, v19  }
0x357: {  	v2 =	vmax.f32 v2, $0.0e+00;
	[tilespmem:s0+$0x12A20] =	vst v8;
	v8 =	vmul.f32 v12, v21;
	v18 =	vmul.f32 v22, v22  }
0x358: {  	v0 =	vmax.f32 v0, $0.0e+00;
	v10 =	vmul.f32 v13, v10;
	v20 =	vld [tilespmem:s0+$0x8E30];
	v6 =	vadd.f32 $2.000000000e+00, v6  }
0x359: {  	v3 =	vadd.f32 v15, v3;
	v13 =	vmul.f32 v8, v8;
	v12 =	vmul.f32 $2.222222240e-01, v18  }
0x35a: {  	v2 =	vadd.f32 v10, v2;
	v15 =	vmul.f32 v19, v16;
	v19 =	vpop (erf);
	v6 =	vmul.f32 v6, v14  }
0x35b: {  	v10 =	vadd.f32 v3, v23;
	v3 =	vsub.f32 v23, v3;
	v14 =	vmul.f32 v19, v25  }
0x35c: {  	v12 =	vadd.f32 $2.857142980e-01, v12;
	v19 =	vmul.f32 $2.222222240e-01, v13;
	v0 =	vadd.f32 v6, v0  }
0x35d: {  	[tilespmem:s0+$0xF600] =	vst v3;
	v6 =	vadd.f32 v2, v20;
	v2 =	vsub.f32 v20, v2;
	v3 =	vmul.f32 v14, v14  }
0x35e: {  	[tilespmem:s0+$0x12A00] =	vst v10;
	v10 =	vadd.f32 $6.666666860e-01, v15;
	v12 =	vmul.f32 v12, v18;
	v15 =	vadd.f32 $2.857142980e-01, v19  }
0x35f: {  	v19 =	vsub.f32 v11, v0;
	v0 =	vadd.f32 v0, v11;
	[tilespmem:s0+$0xF630] =	vst v2;
	v2 =	vmul.f32 $2.222222240e-01, v3  }
0x360: {  	[tilespmem:s0+$0x12A30] =	vst v6;
	v6 =	vmul.f32 v10, v16  }
0x361: {  	v10 =	vadd.f32 $4.000000060e-01, v12;
	v11 =	vmul.f32 v15, v13;
	[tilespmem:s0+$0x12A10] =	vst v0;
	v0 =	vadd.f32 $2.857142980e-01, v2  }
0x362: {  	v6 =	vadd.f32 $2.000000000e+00, v6  }
0x363: {  	[tilespmem:s0+$0xF620] =	vst v26;
	v2 =	vmul.f32 v10, v18;
	v11 =	vadd.f32 $4.000000060e-01, v11;
	v0 =	vmul.f32 v0, v3  }
0x364: {  	v4 =	vmax.f32 v4, $0.0e+00;
	[tilespmem:s0+$0xF610] =	vst v19;
	v6 =	vmul.f32 v6, v17  }
0x365: {  	v10 =	vld [tilespmem:s1+$0x8E20];
	v2 =	vadd.f32 $6.666666860e-01, v2;
	v11 =	vmul.f32 v11, v13;
	v0 =	vadd.f32 $4.000000060e-01, v0  }
0x366: {  	v4 =	vadd.f32 v6, v4  }
0x367: {  	v2 =	vmul.f32 v2, v18;
	v6 =	vadd.f32 $6.666666860e-01, v11;
	v0 =	vmul.f32 v0, v3;
	_ =	sdelay $0x1  }
0x368: {  	v2 =	vadd.f32 $2.000000000e+00, v2;
	v6 =	vmul.f32 v6, v13;
	v0 =	vadd.f32 $6.666666860e-01, v0  }
0x369: {  	v11 =	vsub.f32 v10, v4;
	v4 =	vadd.f32 v4, v10;
	v10 =	vld [tilespmem:s1+$0x8E00]  }
0x36a: {  	v2 =	vmul.f32 v2, v22;
	v6 =	vadd.f32 $2.000000000e+00, v6;
	v0 =	vmul.f32 v0, v3  }
0x36b: {  	v1 =	vmax.f32 v1, $0.0e+00;
	v3 =	vld [tilespmem:s1+$0x8E30]  }
0x36c: {  	v1 =	vadd.f32 v2, v1;
	v2 =	vmul.f32 v6, v8;
	v0 =	vadd.f32 $2.000000000e+00, v0  }
0x36d: {  	[tilespmem:s1+$0x12A20] =	vst v4;
	v4 =	vmax.f32 v7, $0.0e+00  }
0x36e: {  	v2 =	vadd.f32 v2, v4;
	v4 =	vadd.f32 v1, v10;
	v0 =	vmul.f32 v0, v14  }
0x36f: {  	v5 =	vmax.f32 v5, $0.0e+00;
	[tilespmem:s1+$0xF620] =	vst v11;
	v1 =	vsub.f32 v10, v1  }
0x370: {  	[tilespmem:s1+$0x12A00] =	vst v4;
	v4 =	vadd.f32 v2, v3;
	v0 =	vadd.f32 v0, v5  }
0x371: {  	[tilespmem:s1+$0xF600] =	vst v1;
	v1 =	vsub.f32 v3, v2  }
0x372: {  	[tilespmem:s1+$0x12A30] =	vst v4;
	v2 =	vsub.f32 v9, v0  }
0x373: {  	[tilespmem:s1+$0xF630] =	vst v1;
	v0 =	vadd.f32 v0, v9  }
0x374: {  	[tilespmem:s1+$0xF610] =	vst v2  }
0x375: {  	[tilespmem:s1+$0x12A10] =	vst v0  }
0x376: {  	v5 =	vld [tilespmem:s31+$0xC8A0]  }
0x377: {  	v9 =	vld [tilespmem:s31+$0xC8B0]  }
0x378: {  	v10 =	vld [tilespmem:s31+$0xC880];
	_ =	sdelay $0x2  }
0x379: {  	v0 =	vand.u32 $0x7FFFFFFF, v5  }
0x37a: {  	v1 =	vand.u32 $0x7FFFFFFF, v9;
	v0 =	vsub.f32 $0.0e+00, v0  }
0x37b: {  	v2 =	vand.u32 $0x7FFFFFFF, v10;
	v1 =	vsub.f32 $0.0e+00, v1  }
0x37c: {  	v2 =	vsub.f32 $0.0e+00, v2;
	v0 =	vmul.f32 $1.442695020e+00, v0  }
0x37d: {  	v1 =	vmul.f32 $1.442695020e+00, v1  }
0x37e: {  	v2 =	vmul.f32 $1.442695020e+00, v2;
	(erf) = vpow2.f32 v0  }
0x37f: {  	v6 =	vld [tilespmem:s31+$0xC890];
	(erf) = vpow2.f32 v1  }
0x380: {  	(erf) = vpow2.f32 v2;
	_ =	sdelay $0x3  }
0x381: {  	v0 =	vand.u32 $0x7FFFFFFF, v6  }
0x382: {  	v0 =	vsub.f32 $0.0e+00, v0;
	_ =	sdelay $0x1  }
0x383: {  	v0 =	vmul.f32 $1.442695020e+00, v0;
	v1 =	vpop (erf)  }
0x384: {  	v2 =	vadd.f32 $2.000000000e+00, v1;
	v4 =	vpop (erf)  }
0x385: {  	(erf) = vpow2.f32 v0;
	v0 =	vadd.f32 $2.000000000e+00, v4;
	v7 =	vpop (erf)  }
0x386: {  	v3 =	vadd.f32 $2.000000000e+00, v7;
	(erf) = vrcp.f32 v2  }
0x387: {  	(erf) = vrcp.f32 v0  }
0x388: {  	(erf) = vrcp.f32 v3  }
0x389: {  	v8 =	vld [tilespmem:s29+$0xC8A0]  }
0x38a: {  	v2 =	vld [tilespmem:s29+$0xC8B0]  }
0x38b: {  	v3 =	vld [tilespmem:s29+$0xC880];
	_ =	sdelay $0x2  }
0x38c: {  	v0 =	vand.u32 $0x7FFFFFFF, v8;
	v11 =	vpop (erf)  }
0x38d: {  	v14 =	vsub.f32 $0.0e+00, v0;
	v13 =	vand.u32 $0x7FFFFFFF, v2;
	v12 =	vpop (erf)  }
0x38e: {  	v13 =	vsub.f32 $0.0e+00, v13;
	v16 =	vand.u32 $0x7FFFFFFF, v3;
	v15 =	vpop (erf)  }
0x38f: {  	v0 =	vld [tilespmem:s29+$0xC890];
	v14 =	vmul.f32 $1.442695020e+00, v14;
	v16 =	vsub.f32 $0.0e+00, v16;
	v12 =	vmul.f32 v12, v1;
	v1 =	vpop (erf)  }
0x390: {  	v17 =	vmul.f32 v1, v7;
	v1 =	vmul.f32 $1.442695020e+00, v13  }
0x391: {  	(erf) = vpow2.f32 v14;
	v7 =	vmul.f32 $1.442695020e+00, v16  }
0x392: {  	v13 =	vmul.f32 v17, v17;
	(erf) = vpow2.f32 v1  }
0x393: {  	(erf) = vpow2.f32 v7  }
0x394: {  	v1 =	vand.u32 $0x7FFFFFFF, v0;
	v7 =	vmul.f32 $2.222222240e-01, v13  }
0x395: {  	v16 =	vmul.f32 v12, v12;
	v1 =	vsub.f32 $0.0e+00, v1  }
0x396: {  	v19 =	vmul.f32 v15, v4;
	v4 =	vadd.f32 $2.857142980e-01, v7  }
0x397: {  	v1 =	vmul.f32 $1.442695020e+00, v1;
	v7 =	vmul.f32 $2.222222240e-01, v16  }
0x398: {  	v14 =	vadd.f32 $2.000000000e+00, v11;
	v18 =	vmul.f32 v19, v19;
	v4 =	vmul.f32 v4, v13  }
0x399: {  	(erf) = vpow2.f32 v1;
	v7 =	vadd.f32 $2.857142980e-01, v7  }
0x39a: {  	v15 =	vpop (erf);
	v1 =	vmul.f32 $2.222222240e-01, v18;
	(erf) = vrcp.f32 v14;
	v4 =	vadd.f32 $4.000000060e-01, v4  }
0x39b: {  	v14 =	vadd.f32 $2.000000000e+00, v15;
	v7 =	vmul.f32 v7, v16;
	v20 =	vpop (erf)  }
0x39c: {  	v1 =	vadd.f32 $2.857142980e-01, v1;
	v4 =	vmul.f32 v4, v13;
	v21 =	vadd.f32 $2.000000000e+00, v20;
	v22 =	vpop (erf)  }
0x39d: {  	(erf) = vrcp.f32 v14;
	v7 =	vadd.f32 $4.000000060e-01, v7;
	v23 =	vadd.f32 $2.000000000e+00, v22  }
0x39e: {  	v1 =	vmul.f32 v1, v18;
	v4 =	vadd.f32 $6.666666860e-01, v4;
	(erf) = vrcp.f32 v21  }
0x39f: {  	v7 =	vmul.f32 v7, v16;
	(erf) = vrcp.f32 v23  }
0x3a0: {  	v4 =	vmul.f32 v4, v13  }
0x3a1: {  	v1 =	vadd.f32 $4.000000060e-01, v1;
	v13 =	vadd.f32 $6.666666860e-01, v7  }
0x3a2: {  	v14 =	vpop (erf);
	v7 =	vld [tilespmem:s30+$0xC8B0];
	v23 =	vadd.f32 $2.000000000e+00, v4  }
0x3a3: {  	v21 =	vmul.f32 v1, v18;
	v24 =	vpop (erf);
	v4 =	vld [tilespmem:s30+$0xC8A0];
	v13 =	vmul.f32 v13, v16  }
0x3a4: {  	v10 =	vmax.f32 v10, $0.0e+00;
	v1 =	vld [tilespmem:s30+$0xC880];
	v16 =	vmul.f32 v24, v11;
	v17 =	vmul.f32 v23, v17  }
0x3a5: {  	v11 =	vadd.f32 $6.666666860e-01, v21;
	v24 =	vmax.f32 v9, $0.0e+00;
	v13 =	vadd.f32 $2.000000000e+00, v13  }
0x3a6: {  	v21 =	vmax.f32 v5, $0.0e+00;
	v9 =	vpop (erf);
	v25 =	vmul.f32 v16, v16;
	v17 =	vadd.f32 v17, v10  }
0x3a7: {  	v5 =	vld [tilespmem:s30+$0xC890];
	v13 =	vmul.f32 v13, v12;
	v10 =	vand.u32 $0x7FFFFFFF, v7;
	v12 =	vmul.f32 v9, v15;
	v9 =	vpop (erf)  }
0x3a8: {  	v23 =	vand.u32 $0x7FFFFFFF, v4;
	v27 =	vsub.f32 $0.0e+00, v10;
	v10 =	vmul.f32 v9, v20;
	v9 =	vpop (erf)  }
0x3a9: {  	v26 =	vand.u32 $0x7FFFFFFF, v1;
	v20 =	vsub.f32 $0.0e+00, v23;
	v15 =	vmul.f32 v9, v22  }
0x3aa: {  	v23 =	vsub.f32 $0.0e+00, v26;
	v9 =	vmul.f32 $2.222222240e-01, v25;
	v26 =	vmul.f32 $1.442695020e+00, v27  }
0x3ab: {  	v21 =	vadd.f32 v13, v21;
	v13 =	vmul.f32 $1.442695020e+00, v20;
	v30 =	vmul.f32 v15, v15  }
0x3ac: {  	v27 =	vand.u32 $0x7FFFFFFF, v5;
	v23 =	vmul.f32 $1.442695020e+00, v23;
	v20 =	vmul.f32 v12, v12  }
0x3ad: {  	v27 =	vsub.f32 $0.0e+00, v27;
	(erf) = vpow2.f32 v13;
	v28 =	vmul.f32 $2.222222240e-01, v30  }
0x3ae: {  	v9 =	vadd.f32 $2.857142980e-01, v9;
	v13 =	vmul.f32 v10, v10;
	(erf) = vpow2.f32 v26  }
0x3af: {  	v22 =	vld [tilespmem:s31+$0x94A0];
	v27 =	vmul.f32 $1.442695020e+00, v27;
	(erf) = vpow2.f32 v23;
	v23 =	vadd.f32 $2.857142980e-01, v28  }
0x3b0: {  	v26 =	vmul.f32 $2.222222240e-01, v20;
	v9 =	vmul.f32 v9, v25  }
0x3b1: {  	v31 =	vmul.f32 $2.222222240e-01, v13;
	v28 =	vadd.f32 $2.000000000e+00, v14;
	v23 =	vmul.f32 v23, v30  }
0x3b2: {  	v11 =	vmul.f32 v11, v18;
	v26 =	vadd.f32 $2.857142980e-01, v26;
	v9 =	vadd.f32 $4.000000060e-01, v9  }
0x3b3: {  	(erf) = vpow2.f32 v27;
	v27 =	vadd.f32 $2.857142980e-01, v31;
	v23 =	vadd.f32 $4.000000060e-01, v23  }
0x3b4: {  	v29 =	vsub.f32 v22, v21;
	v26 =	vmul.f32 v26, v20;
	(erf) = vrcp.f32 v28  }
0x3b5: {  	v33 =	vadd.f32 v21, v22;
	v63 =	vmul.f32 v9, v25;
	v27 =	vmul.f32 v27, v13  }
0x3b6: {  	v28 =	vadd.f32 $2.000000000e+00, v11;
	v11 =	vld [tilespmem:s29+$0x9490];
	v26 =	vadd.f32 $4.000000060e-01, v26  }
0x3b7: {  	v9 =	vld [tilespmem:s30+$0x9490];
	v32 =	vadd.f32 $6.666666860e-01, v63;
	v27 =	vadd.f32 $4.000000060e-01, v27;
	v31 =	vmul.f32 v23, v30;
	v23 =	vpop (erf)  }
0x3b8: {  	[tilespmem:s31+$0xFCA0] =	vst v29;
	v29 =	vld [tilespmem:s31+$0x9480];
	v28 =	vmul.f32 v28, v19;
	v26 =	vmul.f32 v26, v20;
	v19 =	vadd.f32 $2.000000000e+00, v23;
	v21 =	vpop (erf)  }
0x3b9: {  	v32 =	vmul.f32 v32, v25;
	v27 =	vmul.f32 v27, v13;
	v34 =	vadd.f32 $2.000000000e+00, v21;
	v22 =	vpop (erf)  }
0x3ba: {  	v31 =	vadd.f32 $6.666666860e-01, v31;
	(erf) = vrcp.f32 v19;
	v35 =	vadd.f32 $2.000000000e+00, v22  }
0x3bb: {  	v19 =	vadd.f32 $6.666666860e-01, v27;
	v27 =	vadd.f32 v28, v24;
	v28 =	vld [tilespmem:s31+$0x94B0];
	(erf) = vrcp.f32 v34  }
0x3bc: {  	s0 =	simm.s32 $0x300;
	v18 =	vld [tilespmem:s31+$0x9490];
	[tilespmem:s31+$0x130A0] =	vst v33;
	v25 =	vpop (erf);
	v24 =	vmul.f32 v31, v30;
	v30 =	vadd.f32 $2.000000000e+00, v32;
	(erf) = vrcp.f32 v35  }
.LBB2_27:
0x3bd: {  	s1 =	sshra.s32 s0, $0x2;
	p0 =	sne.s32 s0, $0x1900;
	s0 =	sadd.s32 $0x100, s0;
	v26 =	vadd.f32 $6.666666860e-01, v26;
	v31 =	vadd.f32 v17, v29;
	v32 =	vmax.f32 v6, $0.0e+00;
	v6 =	vmovc v0;
	v0 =	vmovc v5  }
0x3be: {  	v17 =	vsub.f32 v29, v17;
	v33 =	vld [tilespmem:s1+$0xC8B0];
	v34 =	vadd.f32 $2.000000000e+00, v24;
	v5 =	vpop (erf);
	v29 =	vmul.f32 v30, v16  }
0x3bf: {  	v35 =	vmax.f32 v3, $0.0e+00;
	v3 =	vmovc v1;
	v24 =	vmax.f32 v2, $0.0e+00;
	v2 =	vmovc v7;
	v30 =	vld [tilespmem:s1+$0xC8A0];
	v20 =	vmul.f32 v26, v20;
	[tilespmem:s31+$0x13080] =	vst v31  }
0x3c0: {  	v16 =	vmul.f32 v5, v14;
	v1 =	vld [tilespmem:s1+$0xC880];
	[tilespmem:s31+$0xFC80] =	vst v17;
	v7 =	vadd.f32 v29, v32;
	v17 =	vadd.f32 v27, v28  }
0x3c1: {  	v14 =	vmovc v25;
	v15 =	vmul.f32 v34, v15;
	v26 =	vsub.f32 v28, v27;
	v5 =	vld [tilespmem:s1+$0xC890];
	v20 =	vadd.f32 $2.000000000e+00, v20  }
0x3c2: {  	v27 =	vmul.f32 v16, v16;
	v25 =	vld [tilespmem:s1+$0x9490];
	v28 =	vsub.f32 v18, v7;
	v7 =	vadd.f32 v7, v18;
	[tilespmem:s31+$0x130B0] =	vst v17  }
0x3c3: {  	v29 =	vmax.f32 v8, $0.0e+00;
	v17 =	vadd.f32 v15, v35;
	v18 =	vpop (erf);
	v20 =	vmul.f32 v20, v12;
	[tilespmem:s31+$0xFCB0] =	vst v26  }
0x3c4: {  	v31 =	vand.u32 $0x7FFFFFFF, v33;
	v32 =	vand.u32 $0x7FFFFFFF, v30;
	v12 =	vmul.f32 v18, v23;
	v18 =	vpop (erf);
	[tilespmem:s31+$0xFC90] =	vst v28  }
0x3c5: {  	v26 =	vsub.f32 $0.0e+00, v31;
	v23 =	vand.u32 $0x7FFFFFFF, v1;
	v28 =	vmul.f32 v18, v21;
	v15 =	vpop (erf);
	[tilespmem:s31+$0x13090] =	vst v7;
	s31 =	smov.u32 s29;
	s29 =	smov.u32 s30;
	s30 =	smov.u32 s1  }
0x3c6: {  	v8 =	vmovc v4;
	v21 =	vsub.f32 $0.0e+00, v32;
	v15 =	vmul.f32 v15, v22;
	v22 =	vmul.f32 $2.222222240e-01, v27;
	v31 =	vld [tilespmem:s31+$0x94A0];
	v7 =	vmovc v33  }
0x3c7: {  	v4 =	vmovc v30;
	v29 =	vadd.f32 v20, v29;
	v18 =	vmovc v11;
	v23 =	vsub.f32 $0.0e+00, v23;
	v26 =	vmul.f32 $1.442695020e+00, v26  }
0x3c8: {  	v11 =	vmovc v9;
	v21 =	vmul.f32 $1.442695020e+00, v21;
	v9 =	vmovc v25;
	v30 =	vmul.f32 v15, v15;
	v22 =	vadd.f32 $2.857142980e-01, v22  }
0x3c9: {  	v20 =	vmul.f32 v12, v12;
	v25 =	vand.u32 $0x7FFFFFFF, v5;
	v23 =	vmul.f32 $1.442695020e+00, v23  }
0x3ca: {  	v25 =	vsub.f32 $0.0e+00, v25;
	(erf) = vpow2.f32 v21;
	v21 =	vmul.f32 $2.222222240e-01, v30  }
0x3cb: {  	(erf) = vpow2.f32 v26;
	v26 =	vmul.f32 v28, v28;
	v32 =	vsub.f32 v31, v29  }
0x3cc: {  	(erf) = vpow2.f32 v23;
	v21 =	vadd.f32 $2.857142980e-01, v21;
	v23 =	vmul.f32 $2.222222240e-01, v20  }
0x3cd: {  	v33 =	vadd.f32 $2.000000000e+00, v14;
	v25 =	vmul.f32 $1.442695020e+00, v25;
	v34 =	vmul.f32 $2.222222240e-01, v26;
	[tilespmem:s31+$0xFCA0] =	vst v32  }
0x3ce: {  	v22 =	vmul.f32 v22, v27;
	v21 =	vmul.f32 v21, v30;
	v23 =	vadd.f32 $2.857142980e-01, v23  }
0x3cf: {  	v19 =	vmul.f32 v19, v13;
	v13 =	vmovc v26;
	(erf) = vpow2.f32 v25;
	v25 =	vadd.f32 $2.857142980e-01, v34  }
0x3d0: {  	v22 =	vadd.f32 $4.000000060e-01, v22;
	v21 =	vadd.f32 $4.000000060e-01, v21;
	v34 =	vmul.f32 v23, v20  }
0x3d1: {  	v19 =	vadd.f32 $2.000000000e+00, v19;
	v25 =	vmul.f32 v25, v13;
	(erf) = vrcp.f32 v33  }
0x3d2: {  	v35 =	vmul.f32 v22, v27;
	v32 =	vmul.f32 v21, v30;
	v26 =	vadd.f32 $4.000000060e-01, v34  }
0x3d3: {  	v31 =	vadd.f32 v29, v31;
	v33 =	vmul.f32 v19, v10;
	v23 =	vpop (erf);
	v25 =	vadd.f32 $4.000000060e-01, v25  }
.Ltmp14:
0x3d4: {  	v19 =	vadd.f32 $6.666666860e-01, v35;
	v36 =	vadd.f32 $2.000000000e+00, v23;
	v21 =	vpop (erf);
	v26 =	vmul.f32 v26, v20;
	v29 =	vld [tilespmem:s31+$0x9480];
	(pc) =	sbr.rel @p0 .LBB2_27-.Ltmp14, $4  }
0x3d5: {  	v32 =	vadd.f32 $6.666666860e-01, v32;
	v34 =	vadd.f32 $2.000000000e+00, v21;
	v22 =	vpop (erf);
	v37 =	vmul.f32 v25, v13;
	[tilespmem:s31+$0x130A0] =	vst v31  }
0x3d6: {  	v10 =	vmovc v28;
	v35 =	vmul.f32 v19, v27;
	v31 =	vadd.f32 $2.000000000e+00, v22;
	(erf) = vrcp.f32 v36  }
0x3d7: {  	v27 =	vadd.f32 v33, v24;
	(erf) = vrcp.f32 v34;
	v19 =	vadd.f32 $6.666666860e-01, v37;
	v28 =	vld [tilespmem:s31+$0x94B0]  }
0x3d8: {  	v24 =	vmul.f32 v32, v30;
	v30 =	vadd.f32 $2.000000000e+00, v35;
	(erf) = vrcp.f32 v31;
	v25 =	vpop (erf)  }
0x3d9: {  	_ = 	snop  }
0x3da: {  	v31 =	vadd.f32 v17, v29;
	v6 =	vmax.f32 v6, $0.0e+00;
	v32 =	vpop (erf);
	v16 =	vmul.f32 v30, v16  }
0x3db: {  	v17 =	vsub.f32 v29, v17;
	v26 =	vadd.f32 $6.666666860e-01, v26;
	v14 =	vmul.f32 v32, v14  }
0x3dc: {  	v6 =	vadd.f32 v16, v6;
	v16 =	vadd.f32 v27, v28  }
0x3dd: {  	[tilespmem:s31+$0xFC80] =	vst v17;
	v17 =	vsub.f32 v28, v27;
	v27 =	vmul.f32 v14, v14  }
0x3de: {  	[tilespmem:s31+$0x130B0] =	vst v16;
	v16 =	vmul.f32 v26, v20  }
0x3df: {  	v28 =	vsub.f32 v18, v6;
	v6 =	vadd.f32 v6, v18;
	[tilespmem:s31+$0xFCB0] =	vst v17;
	v17 =	vmul.f32 $2.222222240e-01, v27  }
0x3e0: {  	v18 =	vpop (erf);
	v16 =	vadd.f32 $2.000000000e+00, v16  }
0x3e1: {  	[tilespmem:s31+$0x13090] =	vst v6;
	v6 =	vadd.f32 $2.857142980e-01, v17;
	v17 =	vmul.f32 v18, v23  }
0x3e2: {  	v12 =	vmul.f32 v16, v12  }
0x3e3: {  	[tilespmem:s31+$0x13080] =	vst v31;
	v6 =	vmul.f32 v6, v27;
	v16 =	vmul.f32 v17, v17  }
0x3e4: {  	v20 =	vadd.f32 $2.000000000e+00, v25;
	[tilespmem:s31+$0xFC90] =	vst v28  }
0x3e5: {  	v18 =	vld [tilespmem:s29+$0x94A0];
	v6 =	vadd.f32 $4.000000060e-01, v6;
	v23 =	vmul.f32 $2.222222240e-01, v16  }
0x3e6: {  	v13 =	vmul.f32 v19, v13;
	(erf) = vrcp.f32 v20  }
0x3e7: {  	v8 =	vmax.f32 v8, $0.0e+00;
	v6 =	vmul.f32 v6, v27;
	v23 =	vadd.f32 $2.857142980e-01, v23  }
0x3e8: {  	v3 =	vmax.f32 v3, $0.0e+00;
	v13 =	vadd.f32 $2.000000000e+00, v13;
	v8 =	vadd.f32 v12, v8;
	v12 =	vpop (erf)  }
0x3e9: {  	v20 =	vadd.f32 $2.000000000e+00, v24;
	v24 =	vpop (erf);
	v6 =	vadd.f32 $6.666666860e-01, v6;
	v19 =	vmul.f32 v23, v16  }
0x3ea: {  	v26 =	vsub.f32 v18, v8;
	v8 =	vadd.f32 v8, v18;
	v22 =	vmul.f32 v24, v22  }
0x3eb: {  	v15 =	vmul.f32 v20, v15;
	v23 =	vld [tilespmem:s29+$0x9480];
	v6 =	vmul.f32 v6, v27;
	v19 =	vadd.f32 $4.000000060e-01, v19  }
0x3ec: {  	v2 =	vmax.f32 v2, $0.0e+00;
	[tilespmem:s29+$0x130A0] =	vst v8;
	v8 =	vmul.f32 v12, v21;
	v18 =	vmul.f32 v22, v22  }
0x3ed: {  	v0 =	vmax.f32 v0, $0.0e+00;
	v10 =	vmul.f32 v13, v10;
	v20 =	vld [tilespmem:s29+$0x94B0];
	v6 =	vadd.f32 $2.000000000e+00, v6  }
0x3ee: {  	v3 =	vadd.f32 v15, v3;
	v13 =	vmul.f32 v8, v8;
	v12 =	vmul.f32 $2.222222240e-01, v18  }
0x3ef: {  	v2 =	vadd.f32 v10, v2;
	v15 =	vmul.f32 v19, v16;
	v19 =	vpop (erf);
	v6 =	vmul.f32 v6, v14  }
0x3f0: {  	v10 =	vadd.f32 v3, v23;
	v3 =	vsub.f32 v23, v3;
	v14 =	vmul.f32 v19, v25  }
0x3f1: {  	v12 =	vadd.f32 $2.857142980e-01, v12;
	v19 =	vmul.f32 $2.222222240e-01, v13;
	v0 =	vadd.f32 v6, v0  }
0x3f2: {  	[tilespmem:s29+$0xFC80] =	vst v3;
	v6 =	vadd.f32 v2, v20;
	v2 =	vsub.f32 v20, v2;
	v3 =	vmul.f32 v14, v14  }
0x3f3: {  	[tilespmem:s29+$0x13080] =	vst v10;
	v10 =	vadd.f32 $6.666666860e-01, v15;
	v12 =	vmul.f32 v12, v18;
	v15 =	vadd.f32 $2.857142980e-01, v19  }
0x3f4: {  	v19 =	vsub.f32 v11, v0;
	v0 =	vadd.f32 v0, v11;
	[tilespmem:s29+$0xFCB0] =	vst v2;
	v2 =	vmul.f32 $2.222222240e-01, v3  }
0x3f5: {  	[tilespmem:s29+$0x130B0] =	vst v6;
	v6 =	vmul.f32 v10, v16  }
0x3f6: {  	v10 =	vadd.f32 $4.000000060e-01, v12;
	v11 =	vmul.f32 v15, v13;
	[tilespmem:s29+$0x13090] =	vst v0;
	v0 =	vadd.f32 $2.857142980e-01, v2  }
0x3f7: {  	v6 =	vadd.f32 $2.000000000e+00, v6  }
0x3f8: {  	[tilespmem:s29+$0xFCA0] =	vst v26;
	v2 =	vmul.f32 v10, v18;
	v11 =	vadd.f32 $4.000000060e-01, v11;
	v0 =	vmul.f32 v0, v3  }
0x3f9: {  	v4 =	vmax.f32 v4, $0.0e+00;
	[tilespmem:s29+$0xFC90] =	vst v19;
	v6 =	vmul.f32 v6, v17  }
0x3fa: {  	v10 =	vld [tilespmem:s30+$0x94A0];
	v2 =	vadd.f32 $6.666666860e-01, v2;
	v11 =	vmul.f32 v11, v13;
	v0 =	vadd.f32 $4.000000060e-01, v0  }
0x3fb: {  	v4 =	vadd.f32 v6, v4  }
0x3fc: {  	v2 =	vmul.f32 v2, v18;
	v6 =	vadd.f32 $6.666666860e-01, v11;
	v0 =	vmul.f32 v0, v3;
	_ =	sdelay $0x1  }
0x3fd: {  	v2 =	vadd.f32 $2.000000000e+00, v2;
	v6 =	vmul.f32 v6, v13;
	v0 =	vadd.f32 $6.666666860e-01, v0  }
0x3fe: {  	v11 =	vsub.f32 v10, v4;
	v4 =	vadd.f32 v4, v10;
	v10 =	vld [tilespmem:s30+$0x9480]  }
0x3ff: {  	v2 =	vmul.f32 v2, v22;
	v6 =	vadd.f32 $2.000000000e+00, v6;
	v0 =	vmul.f32 v0, v3  }
0x400: {  	v1 =	vmax.f32 v1, $0.0e+00;
	v3 =	vld [tilespmem:s30+$0x94B0]  }
0x401: {  	v1 =	vadd.f32 v2, v1;
	v2 =	vmul.f32 v6, v8;
	v0 =	vadd.f32 $2.000000000e+00, v0  }
0x402: {  	[tilespmem:s30+$0x130A0] =	vst v4;
	v4 =	vmax.f32 v7, $0.0e+00  }
0x403: {  	v2 =	vadd.f32 v2, v4;
	v4 =	vadd.f32 v1, v10;
	v0 =	vmul.f32 v0, v14  }
0x404: {  	v5 =	vmax.f32 v5, $0.0e+00;
	[tilespmem:s30+$0xFCA0] =	vst v11;
	v1 =	vsub.f32 v10, v1  }
0x405: {  	[tilespmem:s30+$0x13080] =	vst v4;
	v4 =	vadd.f32 v2, v3;
	v0 =	vadd.f32 v0, v5  }
0x406: {  	[tilespmem:s30+$0xFC80] =	vst v1;
	v1 =	vsub.f32 v3, v2  }
0x407: {  	[tilespmem:s30+$0x130B0] =	vst v4;
	v2 =	vsub.f32 v9, v0  }
0x408: {  	[tilespmem:s30+$0xFCB0] =	vst v1;
	v0 =	vadd.f32 v0, v9  }
0x409: {  	[tilespmem:s30+$0xFC90] =	vst v2  }
0x40a: {  	s29 =	simm.s32 $0x0;
	[tilespmem:s30+$0x13090] =	vst v0  }
0x40b: {  	v23 =	vld [tilespmem:s29+$0xCF20]  }
0x40c: {  	v25 =	vld [tilespmem:s29+$0xCF30]  }
0x40d: {  	v26 =	vld [tilespmem:s29+$0xCF00];
	_ =	sdelay $0x2  }
0x40e: {  	v3 =	vld [tilespmem:s29+$0xCF10];
	v0 =	vand.u32 $0x7FFFFFFF, v23  }
0x40f: {  	v1 =	vand.u32 $0x7FFFFFFF, v25;
	v0 =	vsub.f32 $0.0e+00, v0  }
0x410: {  	v2 =	vand.u32 $0x7FFFFFFF, v26;
	v1 =	vsub.f32 $0.0e+00, v1  }
0x411: {  	v2 =	vsub.f32 $0.0e+00, v2;
	v0 =	vmul.f32 $1.442695020e+00, v0  }
0x412: {  	v1 =	vmul.f32 $1.442695020e+00, v1  }
0x413: {  	v4 =	vand.u32 $0x7FFFFFFF, v3;
	v2 =	vmul.f32 $1.442695020e+00, v2;
	(erf) = vpow2.f32 v0  }
0x414: {  	v0 =	vsub.f32 $0.0e+00, v4;
	(erf) = vpow2.f32 v1  }
0x415: {  	(erf) = vpow2.f32 v2  }
0x416: {  	v0 =	vmul.f32 $1.442695020e+00, v0;
	_ =	sdelay $0x1  }
0x417: {  	(erf) = vpow2.f32 v0;
	_ =	sdelay $0x3  }
0x418: {  	p1 =	por $0x1, $0x1;
	v16 =	vpop (erf)  }
.Ltmp15:
0x419: {  	v0 =	vadd.f32 $2.000000000e+00, v16;
	v11 =	vpop (erf);
	(pc) =	sbr.rel @!p1 .LBB2_29-.Ltmp15, $4  }
0x41a: {  	v1 =	vadd.f32 $2.000000000e+00, v11;
	v12 =	vpop (erf)  }
0x41b: {  	v2 =	vadd.f32 $2.000000000e+00, v12;
	(erf) = vrcp.f32 v0  }
0x41c: {  	(erf) = vrcp.f32 v1  }
0x41d: {  	p2 =	por $0x0, $0x0;
	p0 =	por $0x0, $0x0;
	v6 =	vld [tilespmem:s29+$0x9B10];
	v29 =	vpop (erf);
	(erf) = vrcp.f32 v2  }
0x41e: {  	s30 =	simm.s32 $0x40  }
0x41f: {  	v1 =	vld [tilespmem:s30+$0xCF30];
	_ =	sdelay $0x1  }
0x420: {  	v4 =	vld [tilespmem:s30+$0xCF20]  }
0x421: {  	v2 =	vld [tilespmem:s30+$0xCF00];
	_ =	sdelay $0x1  }
0x422: {  	v9 =	vand.u32 $0x7FFFFFFF, v1  }
0x423: {  	v5 =	vpop (erf)  }
0x424: {  	v0 =	vld [tilespmem:s30+$0xCF10];
	v8 =	vand.u32 $0x7FFFFFFF, v4;
	v7 =	vmul.f32 v5, v16;
	v5 =	vpop (erf)  }
0x425: {  	v10 =	vand.u32 $0x7FFFFFFF, v2;
	v13 =	vsub.f32 $0.0e+00, v9;
	v8 =	vsub.f32 $0.0e+00, v8;
	v9 =	vpop (erf)  }
0x426: {  	v24 =	vmul.f32 v5, v11;
	v5 =	vsub.f32 $0.0e+00, v10;
	v9 =	vmul.f32 v9, v12  }
0x427: {  	v10 =	vmul.f32 $1.442695020e+00, v13;
	v8 =	vmul.f32 $1.442695020e+00, v8  }
0x428: {  	v5 =	vmul.f32 $1.442695020e+00, v5;
	v13 =	vmul.f32 v9, v9  }
0x429: {  	v11 =	vand.u32 $0x7FFFFFFF, v0;
	v27 =	vmul.f32 v24, v24;
	(erf) = vpow2.f32 v8  }
0x42a: {  	v8 =	vsub.f32 $0.0e+00, v11;
	(erf) = vpow2.f32 v10;
	v11 =	vmul.f32 $2.222222240e-01, v13  }
0x42b: {  	(erf) = vpow2.f32 v5  }
0x42c: {  	v8 =	vmul.f32 $1.442695020e+00, v8;
	v5 =	vadd.f32 $2.857142980e-01, v11;
	v11 =	vmul.f32 $2.222222240e-01, v27  }
0x42d: {  	v15 =	vmul.f32 v7, v7  }
0x42e: {  	(erf) = vpow2.f32 v8;
	v8 =	vadd.f32 $2.857142980e-01, v11  }
0x42f: {  	v10 =	vmul.f32 $2.222222240e-01, v15  }
0x430: {  	v5 =	vmul.f32 v5, v13;
	v8 =	vmul.f32 v8, v27  }
0x431: {  	v12 =	vadd.f32 $2.000000000e+00, v29;
	v10 =	vadd.f32 $2.857142980e-01, v10  }
0x432: {  	v5 =	vadd.f32 $4.000000060e-01, v5;
	v8 =	vadd.f32 $4.000000060e-01, v8  }
0x433: {  	p3 =	por $0x1, $0x1;
	v10 =	vmul.f32 v10, v15;
	v16 =	vpop (erf)  }
.Ltmp16:
0x434: {  	v14 =	vadd.f32 $2.000000000e+00, v16;
	v11 =	vpop (erf);
	v5 =	vmul.f32 v5, v13;
	v8 =	vmul.f32 v8, v27;
	(pc) =	sbr.rel @!p3 .LBB2_31-.Ltmp16, $4  }
0x435: {  	v10 =	vadd.f32 $4.000000060e-01, v10;
	(erf) = vrcp.f32 v12;
	v17 =	vadd.f32 $2.000000000e+00, v11;
	v12 =	vpop (erf)  }
0x436: {  	v19 =	vadd.f32 $2.000000000e+00, v12;
	(erf) = vrcp.f32 v14;
	v18 =	vadd.f32 $6.666666860e-01, v5  }
0x437: {  	v28 =	vmul.f32 v10, v15;
	(erf) = vrcp.f32 v17  }
0x438: {  	p2 =	por $0x1, $0x1;
	v5 =	vld [tilespmem:s30+$0x9B10];
	(erf) = vrcp.f32 v19;
	v14 =	vadd.f32 $6.666666860e-01, v8;
	v33 =	vmul.f32 v18, v13;
	v8 =	vpop (erf)  }
0x439: {  	s1 =	simm.s32 $0x80  }
0x43a: {  	v10 =	vadd.f32 $6.666666860e-01, v28;
	v22 =	vld [tilespmem:s1+$0xCF30]  }
0x43b: {  	v13 =	vadd.f32 $2.000000000e+00, v33;
	v17 =	vld [tilespmem:s1+$0xCF20]  }
0x43c: {  	v18 =	vld [tilespmem:s1+$0xCF00];
	v15 =	vmul.f32 v10, v15  }
0x43d: {  	v9 =	vmul.f32 v13, v9  }
0x43e: {  	v13 =	vmax.f32 v26, $0.0e+00;
	v15 =	vadd.f32 $2.000000000e+00, v15  }
0x43f: {  	v20 =	vmax.f32 v23, $0.0e+00;
	v19 =	vpop (erf);
	v13 =	vadd.f32 v9, v13  }
0x440: {  	v10 =	vmul.f32 v19, v29;
	v19 =	vpop (erf);
	v15 =	vmul.f32 v15, v7;
	v9 =	vand.u32 $0x7FFFFFFF, v17  }
0x441: {  	v21 =	vld [tilespmem:s1+$0xCF10];
	v23 =	vand.u32 $0x7FFFFFFF, v22;
	v28 =	vand.u32 $0x7FFFFFFF, v18;
	v7 =	vmul.f32 v19, v16;
	v16 =	vpop (erf)  }
0x442: {  	v23 =	vsub.f32 $0.0e+00, v23;
	v28 =	vsub.f32 $0.0e+00, v28;
	v19 =	vmul.f32 v16, v11;
	v11 =	vpop (erf)  }
0x443: {  	v26 =	vmul.f32 v10, v10;
	v16 =	vsub.f32 $0.0e+00, v9;
	v9 =	vmul.f32 v11, v12  }
0x444: {  	v23 =	vmul.f32 $1.442695020e+00, v23;
	v28 =	vmul.f32 $1.442695020e+00, v28  }
0x445: {  	v29 =	vadd.f32 v15, v20;
	v16 =	vmul.f32 $1.442695020e+00, v16;
	v62 =	vmul.f32 v9, v9  }
0x446: {  	v20 =	vand.u32 $0x7FFFFFFF, v21;
	v15 =	vmul.f32 v7, v7;
	v11 =	vmul.f32 $2.222222240e-01, v26  }
0x447: {  	v30 =	vsub.f32 $0.0e+00, v20;
	(erf) = vpow2.f32 v16;
	v16 =	vmul.f32 $2.222222240e-01, v62  }
0x448: {  	v20 =	vmul.f32 v19, v19;
	v11 =	vadd.f32 $2.857142980e-01, v11;
	(erf) = vpow2.f32 v23  }
0x449: {  	(erf) = vpow2.f32 v28;
	v28 =	vmul.f32 $2.222222240e-01, v15;
	v16 =	vadd.f32 $2.857142980e-01, v16  }
0x44a: {  	v31 =	vadd.f32 $2.000000000e+00, v8;
	v30 =	vmul.f32 $1.442695020e+00, v30;
	v32 =	vmul.f32 $2.222222240e-01, v20  }
0x44b: {  	v12 =	vld [tilespmem:s29+$0x9B20];
	v11 =	vmul.f32 v11, v26;
	v28 =	vadd.f32 $2.857142980e-01, v28;
	v16 =	vmul.f32 v16, v62  }
0x44c: {  	v14 =	vmul.f32 v14, v27;
	(erf) = vpow2.f32 v30;
	v30 =	vadd.f32 $2.857142980e-01, v32  }
0x44d: {  	v11 =	vadd.f32 $4.000000060e-01, v11;
	v27 =	vmul.f32 v28, v15;
	v16 =	vadd.f32 $4.000000060e-01, v16  }
0x44e: {  	v25 =	vmax.f32 v25, $0.0e+00;
	(erf) = vrcp.f32 v31  }
0x44f: {  	v28 =	vmul.f32 v30, v20;
	v31 =	vmul.f32 v11, v26;
	v27 =	vadd.f32 $4.000000060e-01, v27  }
0x450: {  	v14 =	vadd.f32 $2.000000000e+00, v14;
	v23 =	vsub.f32 v12, v29;
	v30 =	vmul.f32 v16, v62  }
0x451: {  	p4 =	por $0x1, $0x1;
	v63 =	vadd.f32 $4.000000060e-01, v28;
	v28 =	vmul.f32 v27, v15;
	v27 =	vadd.f32 $6.666666860e-01, v31;
	v16 =	vpop (erf)  }
.Ltmp17:
0x452: {  	v34 =	vmul.f32 v14, v24;
	v35 =	vadd.f32 $6.666666860e-01, v30;
	v30 =	vld [tilespmem:s29+$0x9B00];
	v14 =	vadd.f32 $2.000000000e+00, v16;
	v11 =	vpop (erf);
	(pc) =	sbr.rel @!p4 .LBB2_33-.Ltmp17, $4  }
0x453: {  	v24 =	vld [tilespmem:s1+$0x9B10];
	v29 =	vadd.f32 v29, v12;
	[tilespmem:s29+$0x10320] =	vst v23;
	v31 =	vmul.f32 v63, v20;
	v23 =	vadd.f32 $2.000000000e+00, v11;
	v12 =	vpop (erf)  }
0x454: {  	v26 =	vmul.f32 v27, v26;
	(erf) = vrcp.f32 v14;
	v36 =	vadd.f32 $2.000000000e+00, v12  }
0x455: {  	v32 =	vadd.f32 v34, v25;
	v14 =	vadd.f32 $6.666666860e-01, v31;
	v31 =	vld [tilespmem:s29+$0x9B30];
	(erf) = vrcp.f32 v23  }
0x456: {  	s13 =	simm.s32 $0x300;
	p3 =	por $0x1, $0x1;
	s0 =	simm.s32 $0x0;
	[tilespmem:s29+$0x13720] =	vst v29;
	v33 =	vmul.f32 v35, v62;
	v27 =	vpop (erf);
	v34 =	vadd.f32 $2.000000000e+00, v26;
	(erf) = vrcp.f32 v36  }
.LBB2_34:
0x457: {  	s12 =	sshra.s32 s13, $0x2;
	p4 =	sne.s32 s13, $0x1900;
	s13 =	sadd.s32 $0x100, s13;
	v23 =	vadd.f32 $6.666666860e-01, v28;
	v25 =	vadd.f32 v13, v30;
	v26 =	vmax.f32 v3, $0.0e+00;
	v3 =	vmovc v0;
	v0 =	vmovc v21  }
0x458: {  	v13 =	vsub.f32 v30, v13;
	v28 =	vld [tilespmem:s12+$0xCF30];
	v29 =	vadd.f32 $2.000000000e+00, v33;
	v21 =	vpop (erf);
	v30 =	vmul.f32 v34, v10  }
0x459: {  	v34 =	vmax.f32 v2, $0.0e+00;
	v2 =	vmovc v18;
	v33 =	vld [tilespmem:s12+$0xCF20];
	v15 =	vmul.f32 v23, v15;
	v23 =	vmax.f32 v1, $0.0e+00;
	[tilespmem:s0+$0x13700] =	vst v25;
	v1 =	vmovc v22  }
0x45a: {  	v10 =	vmul.f32 v21, v8;
	v18 =	vld [tilespmem:s12+$0xCF00];
	[tilespmem:s0+$0x10300] =	vst v13;
	v13 =	vadd.f32 v30, v26;
	v30 =	vadd.f32 v32, v31  }
0x45b: {  	v8 =	vmovc v27;
	v9 =	vmul.f32 v29, v9;
	v25 =	vsub.f32 v31, v32;
	v21 =	vld [tilespmem:s12+$0xCF10];
	v15 =	vadd.f32 $2.000000000e+00, v15  }
0x45c: {  	v27 =	vmul.f32 v10, v10;
	v26 =	vld [tilespmem:s12+$0x9B10];
	v29 =	vsub.f32 v6, v13;
	v6 =	vadd.f32 v13, v6;
	[tilespmem:s0+$0x13730] =	vst v30  }
0x45d: {  	v13 =	vadd.f32 v9, v34;
	v30 =	vmax.f32 v4, $0.0e+00;
	v22 =	vpop (erf);
	v15 =	vmul.f32 v15, v7;
	[tilespmem:s0+$0x10330] =	vst v25  }
0x45e: {  	v32 =	vand.u32 $0x7FFFFFFF, v28;
	v34 =	vand.u32 $0x7FFFFFFF, v33;
	v7 =	vmul.f32 v22, v16;
	v16 =	vpop (erf);
	[tilespmem:s0+$0x10310] =	vst v29  }
0x45f: {  	v29 =	vsub.f32 $0.0e+00, v32;
	v25 =	vand.u32 $0x7FFFFFFF, v18;
	v31 =	vmul.f32 v16, v11;
	v9 =	vpop (erf);
	[tilespmem:s0+$0x13710] =	vst v6;
	s0 =	smov.u32 s30;
	s30 =	smov.u32 s1;
	s1 =	smov.u32 s12  }
0x460: {  	v4 =	vmovc v17;
	v22 =	vmovc v28;
	v11 =	vsub.f32 $0.0e+00, v34;
	v9 =	vmul.f32 v9, v12;
	v12 =	vmul.f32 $2.222222240e-01, v27;
	v32 =	vld [tilespmem:s0+$0x9B20]  }
0x461: {  	v17 =	vmovc v33;
	v28 =	vadd.f32 v15, v30;
	v16 =	vsub.f32 $0.0e+00, v25;
	v25 =	vmul.f32 $1.442695020e+00, v29;
	v6 =	vmovc v5  }
0x462: {  	v5 =	vmovc v24;
	v11 =	vmul.f32 $1.442695020e+00, v11;
	v24 =	vmovc v26;
	v29 =	vmul.f32 v9, v9;
	v12 =	vadd.f32 $2.857142980e-01, v12  }
0x463: {  	v15 =	vmul.f32 v7, v7;
	v26 =	vand.u32 $0x7FFFFFFF, v21;
	v16 =	vmul.f32 $1.442695020e+00, v16  }
0x464: {  	v26 =	vsub.f32 $0.0e+00, v26;
	(erf) = vpow2.f32 v11;
	v11 =	vmul.f32 $2.222222240e-01, v29  }
0x465: {  	(erf) = vpow2.f32 v25;
	v25 =	vmul.f32 v31, v31;
	v30 =	vsub.f32 v32, v28  }
0x466: {  	(erf) = vpow2.f32 v16;
	v11 =	vadd.f32 $2.857142980e-01, v11;
	v16 =	vmul.f32 $2.222222240e-01, v15  }
0x467: {  	v33 =	vadd.f32 $2.000000000e+00, v8;
	v26 =	vmul.f32 $1.442695020e+00, v26;
	v34 =	vmul.f32 $2.222222240e-01, v25;
	[tilespmem:s0+$0x10320] =	vst v30  }
0x468: {  	v12 =	vmul.f32 v12, v27;
	v11 =	vmul.f32 v11, v29;
	v16 =	vadd.f32 $2.857142980e-01, v16  }
0x469: {  	v14 =	vmul.f32 v14, v20;
	v20 =	vmovc v25;
	(erf) = vpow2.f32 v26;
	v26 =	vadd.f32 $2.857142980e-01, v34  }
0x46a: {  	v12 =	vadd.f32 $4.000000060e-01, v12;
	v11 =	vadd.f32 $4.000000060e-01, v11;
	v34 =	vmul.f32 v16, v15  }
0x46b: {  	v14 =	vadd.f32 $2.000000000e+00, v14;
	v25 =	vmul.f32 v26, v20;
	(erf) = vrcp.f32 v33  }
0x46c: {  	v35 =	vmul.f32 v12, v27;
	v26 =	vmul.f32 v11, v29;
	v30 =	vadd.f32 $4.000000060e-01, v34  }
0x46d: {  	v32 =	vadd.f32 v28, v32;
	v33 =	vmul.f32 v14, v19;
	v16 =	vpop (erf);
	v25 =	vadd.f32 $4.000000060e-01, v25  }
.Ltmp18:
0x46e: {  	v37 =	vadd.f32 $6.666666860e-01, v35;
	v14 =	vadd.f32 $2.000000000e+00, v16;
	v11 =	vpop (erf);
	v28 =	vmul.f32 v30, v15;
	v30 =	vld [tilespmem:s0+$0x9B00];
	(pc) =	sbr.rel @p4 .LBB2_34-.Ltmp18, $4  }
0x46f: {  	v26 =	vadd.f32 $6.666666860e-01, v26;
	v34 =	vadd.f32 $2.000000000e+00, v11;
	v12 =	vpop (erf);
	v25 =	vmul.f32 v25, v20;
	[tilespmem:s0+$0x13720] =	vst v32  }
0x470: {  	v19 =	vmovc v31;
	v36 =	vmul.f32 v37, v27;
	v35 =	vadd.f32 $2.000000000e+00, v12;
	(erf) = vrcp.f32 v14  }
0x471: {  	v32 =	vadd.f32 v33, v23;
	(erf) = vrcp.f32 v34;
	v14 =	vadd.f32 $6.666666860e-01, v25;
	v31 =	vld [tilespmem:s0+$0x9B30]  }
0x472: {  	v33 =	vmul.f32 v26, v29;
	v34 =	vadd.f32 $2.000000000e+00, v36;
	(erf) = vrcp.f32 v35;
	v27 =	vpop (erf)  }
0x473: {  	v35 =	vmov v3  }
0x474: {  	v36 =	vmovc v6;
	v3 =	vmovc v0;
	v26 =	vmov v2;
	v25 =	vmov v1;
	v29 =	vmov v8  }
0x475: {  	v23 =	vmovc v4;
	v6 =	vmovc v5;
	v0 =	vmov v21;
	v1 =	vmov v22;
	v2 =	vmov v18  }
0x476: {  	s13 =	smov.u32 s30;
	v8 =	vmovc v27;
	s30 =	smov.u32 s1;
	v4 =	vmovc v17;
	v5 =	vmov v24;
	v27 =	vmov v20;
	v24 =	vmov v19  }
.LBB2_36:
0x477: {  	v17 =	vpop @p2 (erf)  }
0x478: {  	v18 =	vadd.f32 @p3 v13, v30;
	v17 =	vmul.f32 @p2 v17, v29  }
0x479: {  	v10 =	vmul.f32 @p3 v34, v10;
	v20 =	vadd.f32 @p2 $6.666666860e-01, v28;
	v21 =	vmax.f32 @p3 v35, $0.0e+00  }
0x47a: {  	v13 =	vsub.f32 @p3 v30, v13;
	v22 =	vadd.f32 @p2 $2.000000000e+00, v33;
	v19 =	vmul.f32 @p2 v17, v17  }
0x47b: {  	[tilespmem:s0+$0x13700] =	vst @p3 v18;
	v10 =	vadd.f32 @p3 v10, v21;
	v18 =	vadd.f32 @p3 v32, v31  }
0x47c: {  	v15 =	vmul.f32 @p2 v20, v15;
	[tilespmem:s0+$0x10300] =	vst @p3 v13;
	v13 =	vsub.f32 @p3 v31, v32;
	v21 =	vmul.f32 @p2 $2.222222240e-01, v19  }
0x47d: {  	v9 =	vmul.f32 @p2 v22, v9;
	v20 =	vpop (erf);
	v28 =	vsub.f32 @p3 v36, v10;
	[tilespmem:s0+$0x13730] =	vst @p3 v18;
	v10 =	vadd.f32 @p3 v10, v36  }
0x47e: {  	[tilespmem:s0+$0x10330] =	vst @p3 v13;
	v13 =	vmax.f32 @p2 v26, $0.0e+00;
	v16 =	vmul.f32 v20, v16;
	v18 =	vadd.f32 @p2 $2.857142980e-01, v21  }
0x47f: {  	v23 =	vmax.f32 @p2 v23, $0.0e+00;
	v15 =	vadd.f32 @p2 $2.000000000e+00, v15  }
0x480: {  	v9 =	vadd.f32 @p2 v9, v13;
	v20 =	vmul.f32 v16, v16;
	v18 =	vmul.f32 @p2 v18, v19  }
0x481: {  	[tilespmem:s0+$0x10310] =	vst @p3 v28;
	v7 =	vmul.f32 @p2 v15, v7;
	v21 =	vmax.f32 @p2 v25, $0.0e+00;
	v13 =	vpop (erf);
	v25 =	vadd.f32 $2.000000000e+00, v8  }
0x482: {  	[tilespmem:s0+$0x13710] =	vst @p3 v10;
	s0 =	smov.u32 @p2 s13;
	v10 =	vpop (erf);
	v11 =	vmul.f32 v13, v11;
	v22 =	vmul.f32 $2.222222240e-01, v20;
	v18 =	vadd.f32 @p2 $4.000000060e-01, v18  }
0x483: {  	v3 =	vpsel p2, v3, v0;
	v15 =	vld @p2 [tilespmem:s0+$0x9B20];
	v10 =	vmul.f32 v10, v12;
	(erf) = vrcp.f32 v25  }
0x484: {  	v6 =	vpsel p2, v6, v0;
	v12 =	vmul.f32 @p2 v14, v27;
	v18 =	vmul.f32 @p2 v18, v19  }
0x485: {  	v3 =	vmax.f32 @p2 v3, $0.0e+00;
	v7 =	vadd.f32 @p2 v7, v23;
	v14 =	vadd.f32 $2.857142980e-01, v22  }
0x486: {  	v27 =	vld @p2 [tilespmem:s0+$0x9B30];
	v25 =	vmul.f32 v11, v11;
	v12 =	vadd.f32 @p2 $2.000000000e+00, v12;
	v18 =	vadd.f32 @p2 $6.666666860e-01, v18  }
0x487: {  	v17 =	vpsel p2, v17, v0;
	v13 =	vmul.f32 v10, v10;
	v22 =	vld @p2 [tilespmem:s0+$0x9B00];
	v14 =	vmul.f32 v14, v20  }
0x488: {  	v26 =	vsub.f32 @p2 v15, v7;
	v12 =	vmul.f32 @p2 v12, v24;
	v18 =	vmul.f32 @p2 v18, v19  }
0x489: {  	v7 =	vadd.f32 @p2 v7, v15;
	v23 =	vmul.f32 $2.222222240e-01, v13;
	v14 =	vadd.f32 $4.000000060e-01, v14  }
0x48a: {  	v9 =	vpsel p2, v9, v0;
	v12 =	vadd.f32 @p2 v12, v21;
	v15 =	vadd.f32 @p2 $2.000000000e+00, v18  }
0x48b: {  	v21 =	vpsel p2, v27, v0;
	v19 =	vadd.f32 $2.857142980e-01, v23;
	v23 =	vmul.f32 $2.222222240e-01, v25  }
0x48c: {  	v12 =	vpsel p2, v12, v0;
	v24 =	vpop (erf);
	v18 =	vpsel p2, v22, v0;
	v15 =	vpsel p2, v15, v0  }
0x48d: {  	[tilespmem:s0+$0x13720] =	vst @p2 v7;
	v8 =	vmul.f32 v24, v8;
	v7 =	vsub.f32 @p2 v18, v9;
	v15 =	vmul.f32 @p2 v15, v17  }
0x48e: {  	[tilespmem:s0+$0x10320] =	vst @p2 v26;
	s0 =	smov.u32 @p2 s0;
	v14 =	vmul.f32 v14, v20;
	v22 =	vadd.f32 @p2 v9, v18;
	v9 =	vadd.f32 @p2 v12, v21  }
0x48f: {  	[tilespmem:s0+$0x10300] =	vst @p2 v7;
	v7 =	vsub.f32 @p2 v21, v12;
	v12 =	vmul.f32 v8, v8;
	v3 =	vadd.f32 @p2 v15, v3  }
0x490: {  	v14 =	vadd.f32 $6.666666860e-01, v14;
	v17 =	vadd.f32 $2.857142980e-01, v23;
	v15 =	vmul.f32 v19, v13  }
0x491: {  	[tilespmem:s0+$0x13730] =	vst @p2 v9;
	v18 =	vsub.f32 @p2 v6, v3;
	v3 =	vadd.f32 @p2 v3, v6;
	v6 =	vmul.f32 $2.222222240e-01, v12  }
0x492: {  	v9 =	vmul.f32 v14, v20;
	[tilespmem:s0+$0x10330] =	vst @p2 v7  }
0x493: {  	v14 =	vmul.f32 v17, v25;
	v7 =	vadd.f32 $4.000000060e-01, v15;
	[tilespmem:s0+$0x13710] =	vst @p2 v3;
	v3 =	vadd.f32 $2.857142980e-01, v6  }
0x494: {  	v9 =	vadd.f32 $2.000000000e+00, v9  }
0x495: {  	[tilespmem:s0+$0x13700] =	vst @p2 v22;
	v14 =	vadd.f32 $4.000000060e-01, v14;
	v6 =	vmul.f32 v7, v13;
	v3 =	vmul.f32 v3, v12  }
0x496: {  	v4 =	vmax.f32 v4, $0.0e+00;
	v9 =	vmul.f32 v9, v16;
	[tilespmem:s0+$0x10310] =	vst @p2 v18  }
0x497: {  	v14 =	vmul.f32 v14, v25;
	v7 =	vld [tilespmem:s30+$0x9B20];
	v6 =	vadd.f32 $6.666666860e-01, v6;
	v3 =	vadd.f32 $4.000000060e-01, v3  }
0x498: {  	v4 =	vadd.f32 v9, v4  }
0x499: {  	v9 =	vadd.f32 $6.666666860e-01, v14;
	v6 =	vmul.f32 v6, v13;
	v3 =	vmul.f32 v3, v12;
	_ =	sdelay $0x1  }
0x49a: {  	v9 =	vmul.f32 v9, v25;
	v6 =	vadd.f32 $2.000000000e+00, v6;
	v3 =	vadd.f32 $6.666666860e-01, v3  }
0x49b: {  	v13 =	vsub.f32 v7, v4;
	v4 =	vadd.f32 v4, v7;
	v7 =	vld [tilespmem:s30+$0x9B00]  }
0x49c: {  	v9 =	vadd.f32 $2.000000000e+00, v9;
	v6 =	vmul.f32 v6, v10;
	v3 =	vmul.f32 v3, v12  }
0x49d: {  	v2 =	vmax.f32 v2, $0.0e+00;
	[tilespmem:s30+$0x13720] =	vst v4;
	v4 =	vld [tilespmem:s30+$0x9B30]  }
0x49e: {  	v2 =	vadd.f32 v6, v2;
	v6 =	vmul.f32 v9, v11;
	v3 =	vadd.f32 $2.000000000e+00, v3  }
0x49f: {  	v1 =	vmax.f32 v1, $0.0e+00  }
0x4a0: {  	v1 =	vadd.f32 v6, v1;
	v6 =	vadd.f32 v2, v7;
	v3 =	vmul.f32 v3, v8  }
0x4a1: {  	v0 =	vmax.f32 v0, $0.0e+00;
	[tilespmem:s30+$0x10320] =	vst v13;
	v2 =	vsub.f32 v7, v2  }
0x4a2: {  	[tilespmem:s30+$0x13700] =	vst v6;
	v0 =	vadd.f32 v3, v0;
	v3 =	vadd.f32 v1, v4  }
0x4a3: {  	[tilespmem:s30+$0x10300] =	vst v2;
	v1 =	vsub.f32 v4, v1  }
0x4a4: {  	v2 =	vsub.f32 v5, v0;
	[tilespmem:s30+$0x13730] =	vst v3  }
0x4a5: {  	v0 =	vadd.f32 v0, v5;
	[tilespmem:s30+$0x10330] =	vst v1  }
0x4a6: {  	[tilespmem:s30+$0x10310] =	vst v2  }
0x4a7: {  	[tilespmem:s30+$0x13710] =	vst v0  }
0x4a8: {  	v23 =	vld [tilespmem:s29+$0xD5A0]  }
0x4a9: {  	v25 =	vld [tilespmem:s29+$0xD5B0]  }
0x4aa: {  	v26 =	vld [tilespmem:s29+$0xD580];
	_ =	sdelay $0x2  }
0x4ab: {  	v3 =	vld [tilespmem:s29+$0xD590];
	v0 =	vand.u32 $0x7FFFFFFF, v23  }
0x4ac: {  	v1 =	vand.u32 $0x7FFFFFFF, v25;
	v0 =	vsub.f32 $0.0e+00, v0  }
0x4ad: {  	v2 =	vand.u32 $0x7FFFFFFF, v26;
	v1 =	vsub.f32 $0.0e+00, v1  }
0x4ae: {  	v2 =	vsub.f32 $0.0e+00, v2;
	v0 =	vmul.f32 $1.442695020e+00, v0  }
0x4af: {  	v1 =	vmul.f32 $1.442695020e+00, v1  }
0x4b0: {  	v4 =	vand.u32 $0x7FFFFFFF, v3;
	v2 =	vmul.f32 $1.442695020e+00, v2;
	(erf) = vpow2.f32 v0  }
0x4b1: {  	v0 =	vsub.f32 $0.0e+00, v4;
	(erf) = vpow2.f32 v1  }
0x4b2: {  	(erf) = vpow2.f32 v2  }
0x4b3: {  	v0 =	vmul.f32 $1.442695020e+00, v0;
	_ =	sdelay $0x1  }
0x4b4: {  	(erf) = vpow2.f32 v0;
	_ =	sdelay $0x3  }
0x4b5: {  	v16 =	vpop (erf)  }
.Ltmp19:
0x4b6: {  	v0 =	vadd.f32 $2.000000000e+00, v16;
	v11 =	vpop (erf);
	(pc) =	sbr.rel @!p1 .LBB2_37-.Ltmp19, $4  }
0x4b7: {  	v1 =	vadd.f32 $2.000000000e+00, v11;
	v12 =	vpop (erf)  }
0x4b8: {  	v2 =	vadd.f32 $2.000000000e+00, v12;
	(erf) = vrcp.f32 v0  }
0x4b9: {  	(erf) = vrcp.f32 v1  }
0x4ba: {  	v6 =	vld [tilespmem:s29+$0xA190];
	v29 =	vpop (erf);
	(erf) = vrcp.f32 v2  }
0x4bb: {  	s30 =	simm.s32 $0x40  }
0x4bc: {  	v1 =	vld [tilespmem:s30+$0xD5B0];
	_ =	sdelay $0x1  }
0x4bd: {  	v5 =	vld [tilespmem:s30+$0xD5A0]  }
0x4be: {  	v2 =	vld [tilespmem:s30+$0xD580];
	_ =	sdelay $0x1  }
0x4bf: {  	v9 =	vand.u32 $0x7FFFFFFF, v1  }
0x4c0: {  	v4 =	vpop (erf)  }
0x4c1: {  	v0 =	vld [tilespmem:s30+$0xD590];
	v8 =	vand.u32 $0x7FFFFFFF, v5;
	v7 =	vmul.f32 v4, v16;
	v4 =	vpop (erf)  }
0x4c2: {  	v10 =	vand.u32 $0x7FFFFFFF, v2;
	v13 =	vsub.f32 $0.0e+00, v9;
	v8 =	vsub.f32 $0.0e+00, v8;
	v9 =	vpop (erf)  }
0x4c3: {  	v24 =	vmul.f32 v4, v11;
	v4 =	vsub.f32 $0.0e+00, v10;
	v9 =	vmul.f32 v9, v12  }
0x4c4: {  	v10 =	vmul.f32 $1.442695020e+00, v13;
	v8 =	vmul.f32 $1.442695020e+00, v8  }
0x4c5: {  	v4 =	vmul.f32 $1.442695020e+00, v4;
	v13 =	vmul.f32 v9, v9  }
0x4c6: {  	v11 =	vand.u32 $0x7FFFFFFF, v0;
	v27 =	vmul.f32 v24, v24;
	(erf) = vpow2.f32 v8  }
0x4c7: {  	v8 =	vsub.f32 $0.0e+00, v11;
	(erf) = vpow2.f32 v10;
	v11 =	vmul.f32 $2.222222240e-01, v13  }
0x4c8: {  	(erf) = vpow2.f32 v4  }
0x4c9: {  	v8 =	vmul.f32 $1.442695020e+00, v8;
	v4 =	vadd.f32 $2.857142980e-01, v11;
	v11 =	vmul.f32 $2.222222240e-01, v27  }
0x4ca: {  	v15 =	vmul.f32 v7, v7  }
0x4cb: {  	(erf) = vpow2.f32 v8;
	v8 =	vadd.f32 $2.857142980e-01, v11  }
0x4cc: {  	v10 =	vmul.f32 $2.222222240e-01, v15  }
0x4cd: {  	v4 =	vmul.f32 v4, v13;
	v8 =	vmul.f32 v8, v27  }
0x4ce: {  	v12 =	vadd.f32 $2.000000000e+00, v29;
	v10 =	vadd.f32 $2.857142980e-01, v10  }
0x4cf: {  	v4 =	vadd.f32 $4.000000060e-01, v4;
	v8 =	vadd.f32 $4.000000060e-01, v8  }
0x4d0: {  	p2 =	por $0x1, $0x1;
	v10 =	vmul.f32 v10, v15;
	v16 =	vpop (erf)  }
.Ltmp20:
0x4d1: {  	v14 =	vadd.f32 $2.000000000e+00, v16;
	v11 =	vpop (erf);
	v4 =	vmul.f32 v4, v13;
	v8 =	vmul.f32 v8, v27;
	(pc) =	sbr.rel @!p2 .LBB2_39-.Ltmp20, $4  }
0x4d2: {  	v10 =	vadd.f32 $4.000000060e-01, v10;
	(erf) = vrcp.f32 v12;
	v17 =	vadd.f32 $2.000000000e+00, v11;
	v12 =	vpop (erf)  }
0x4d3: {  	v19 =	vadd.f32 $2.000000000e+00, v12;
	(erf) = vrcp.f32 v14;
	v18 =	vadd.f32 $6.666666860e-01, v4  }
0x4d4: {  	v28 =	vmul.f32 v10, v15;
	(erf) = vrcp.f32 v17  }
0x4d5: {  	p1 =	por $0x1, $0x1;
	v4 =	vld [tilespmem:s30+$0xA190];
	(erf) = vrcp.f32 v19;
	v14 =	vadd.f32 $6.666666860e-01, v8;
	v33 =	vmul.f32 v18, v13;
	v8 =	vpop (erf)  }
0x4d6: {  	s1 =	simm.s32 $0x80  }
0x4d7: {  	v10 =	vadd.f32 $6.666666860e-01, v28;
	v22 =	vld [tilespmem:s1+$0xD5B0]  }
0x4d8: {  	v13 =	vadd.f32 $2.000000000e+00, v33;
	v17 =	vld [tilespmem:s1+$0xD5A0]  }
0x4d9: {  	v18 =	vld [tilespmem:s1+$0xD580];
	v15 =	vmul.f32 v10, v15  }
0x4da: {  	v9 =	vmul.f32 v13, v9  }
0x4db: {  	v13 =	vmax.f32 v26, $0.0e+00;
	v15 =	vadd.f32 $2.000000000e+00, v15  }
0x4dc: {  	v20 =	vmax.f32 v23, $0.0e+00;
	v19 =	vpop (erf);
	v13 =	vadd.f32 v9, v13  }
0x4dd: {  	v10 =	vmul.f32 v19, v29;
	v19 =	vpop (erf);
	v15 =	vmul.f32 v15, v7;
	v9 =	vand.u32 $0x7FFFFFFF, v17  }
0x4de: {  	v21 =	vld [tilespmem:s1+$0xD590];
	v23 =	vand.u32 $0x7FFFFFFF, v22;
	v28 =	vand.u32 $0x7FFFFFFF, v18;
	v7 =	vmul.f32 v19, v16;
	v16 =	vpop (erf)  }
0x4df: {  	v23 =	vsub.f32 $0.0e+00, v23;
	v28 =	vsub.f32 $0.0e+00, v28;
	v19 =	vmul.f32 v16, v11;
	v11 =	vpop (erf)  }
0x4e0: {  	v26 =	vmul.f32 v10, v10;
	v16 =	vsub.f32 $0.0e+00, v9;
	v9 =	vmul.f32 v11, v12  }
0x4e1: {  	v23 =	vmul.f32 $1.442695020e+00, v23;
	v28 =	vmul.f32 $1.442695020e+00, v28  }
0x4e2: {  	v29 =	vadd.f32 v15, v20;
	v16 =	vmul.f32 $1.442695020e+00, v16;
	v62 =	vmul.f32 v9, v9  }
0x4e3: {  	v20 =	vand.u32 $0x7FFFFFFF, v21;
	v15 =	vmul.f32 v7, v7;
	v11 =	vmul.f32 $2.222222240e-01, v26  }
0x4e4: {  	v30 =	vsub.f32 $0.0e+00, v20;
	(erf) = vpow2.f32 v16;
	v16 =	vmul.f32 $2.222222240e-01, v62  }
0x4e5: {  	v20 =	vmul.f32 v19, v19;
	v11 =	vadd.f32 $2.857142980e-01, v11;
	(erf) = vpow2.f32 v23  }
0x4e6: {  	(erf) = vpow2.f32 v28;
	v28 =	vmul.f32 $2.222222240e-01, v15;
	v16 =	vadd.f32 $2.857142980e-01, v16  }
0x4e7: {  	v31 =	vadd.f32 $2.000000000e+00, v8;
	v30 =	vmul.f32 $1.442695020e+00, v30;
	v32 =	vmul.f32 $2.222222240e-01, v20  }
0x4e8: {  	v12 =	vld [tilespmem:s29+$0xA1A0];
	v11 =	vmul.f32 v11, v26;
	v28 =	vadd.f32 $2.857142980e-01, v28;
	v16 =	vmul.f32 v16, v62  }
0x4e9: {  	v14 =	vmul.f32 v14, v27;
	(erf) = vpow2.f32 v30;
	v30 =	vadd.f32 $2.857142980e-01, v32  }
0x4ea: {  	v11 =	vadd.f32 $4.000000060e-01, v11;
	v27 =	vmul.f32 v28, v15;
	v16 =	vadd.f32 $4.000000060e-01, v16  }
0x4eb: {  	v25 =	vmax.f32 v25, $0.0e+00;
	(erf) = vrcp.f32 v31  }
0x4ec: {  	v28 =	vmul.f32 v30, v20;
	v31 =	vmul.f32 v11, v26;
	v27 =	vadd.f32 $4.000000060e-01, v27  }
0x4ed: {  	v14 =	vadd.f32 $2.000000000e+00, v14;
	v23 =	vsub.f32 v12, v29;
	v30 =	vmul.f32 v16, v62  }
0x4ee: {  	p2 =	por $0x1, $0x1;
	v63 =	vadd.f32 $4.000000060e-01, v28;
	v28 =	vmul.f32 v27, v15;
	v27 =	vadd.f32 $6.666666860e-01, v31;
	v16 =	vpop (erf)  }
.Ltmp21:
0x4ef: {  	v34 =	vmul.f32 v14, v24;
	v35 =	vadd.f32 $6.666666860e-01, v30;
	v30 =	vld [tilespmem:s29+$0xA180];
	v14 =	vadd.f32 $2.000000000e+00, v16;
	v11 =	vpop (erf);
	(pc) =	sbr.rel @!p2 .LBB2_41-.Ltmp21, $4  }
0x4f0: {  	v24 =	vld [tilespmem:s1+$0xA190];
	v29 =	vadd.f32 v29, v12;
	[tilespmem:s29+$0x109A0] =	vst v23;
	v31 =	vmul.f32 v63, v20;
	v23 =	vadd.f32 $2.000000000e+00, v11;
	v12 =	vpop (erf)  }
0x4f1: {  	v26 =	vmul.f32 v27, v26;
	(erf) = vrcp.f32 v14;
	v36 =	vadd.f32 $2.000000000e+00, v12  }
0x4f2: {  	v32 =	vadd.f32 v34, v25;
	v14 =	vadd.f32 $6.666666860e-01, v31;
	v31 =	vld [tilespmem:s29+$0xA1B0];
	(erf) = vrcp.f32 v23  }
0x4f3: {  	s0 =	simm.s32 $0x300;
	p0 =	por $0x1, $0x1;
	[tilespmem:s29+$0x13DA0] =	vst v29;
	v33 =	vmul.f32 v35, v62;
	v27 =	vpop (erf);
	v34 =	vadd.f32 $2.000000000e+00, v26;
	(erf) = vrcp.f32 v36  }
.LBB2_42:
0x4f4: {  	s12 =	sshra.s32 s0, $0x2;
	p2 =	sne.s32 s0, $0x1900;
	s0 =	sadd.s32 $0x100, s0;
	v23 =	vadd.f32 $6.666666860e-01, v28;
	v25 =	vadd.f32 v13, v30;
	v26 =	vmax.f32 v3, $0.0e+00;
	v3 =	vmovc v0;
	v0 =	vmovc v21  }
0x4f5: {  	v13 =	vsub.f32 v30, v13;
	v28 =	vld [tilespmem:s12+$0xD5B0];
	v29 =	vadd.f32 $2.000000000e+00, v33;
	v21 =	vpop (erf);
	v30 =	vmul.f32 v34, v10  }
0x4f6: {  	v34 =	vmax.f32 v2, $0.0e+00;
	v2 =	vmovc v18;
	v33 =	vld [tilespmem:s12+$0xD5A0];
	v15 =	vmul.f32 v23, v15;
	v23 =	vmax.f32 v1, $0.0e+00;
	[tilespmem:s29+$0x13D80] =	vst v25;
	v1 =	vmovc v22  }
0x4f7: {  	v10 =	vmul.f32 v21, v8;
	v18 =	vld [tilespmem:s12+$0xD580];
	[tilespmem:s29+$0x10980] =	vst v13;
	v13 =	vadd.f32 v30, v26;
	v30 =	vadd.f32 v32, v31  }
0x4f8: {  	v8 =	vmovc v27;
	v9 =	vmul.f32 v29, v9;
	v25 =	vsub.f32 v31, v32;
	v21 =	vld [tilespmem:s12+$0xD590];
	v15 =	vadd.f32 $2.000000000e+00, v15  }
0x4f9: {  	v27 =	vmul.f32 v10, v10;
	v26 =	vld [tilespmem:s12+$0xA190];
	v29 =	vsub.f32 v6, v13;
	v6 =	vadd.f32 v13, v6;
	[tilespmem:s29+$0x13DB0] =	vst v30  }
0x4fa: {  	v13 =	vadd.f32 v9, v34;
	v30 =	vmax.f32 v5, $0.0e+00;
	v22 =	vpop (erf);
	v15 =	vmul.f32 v15, v7;
	[tilespmem:s29+$0x109B0] =	vst v25  }
0x4fb: {  	v32 =	vand.u32 $0x7FFFFFFF, v28;
	v34 =	vand.u32 $0x7FFFFFFF, v33;
	v7 =	vmul.f32 v22, v16;
	v16 =	vpop (erf);
	[tilespmem:s29+$0x10990] =	vst v29  }
0x4fc: {  	v29 =	vsub.f32 $0.0e+00, v32;
	v25 =	vand.u32 $0x7FFFFFFF, v18;
	v31 =	vmul.f32 v16, v11;
	v9 =	vpop (erf);
	[tilespmem:s29+$0x13D90] =	vst v6;
	s29 =	smov.u32 s30;
	s30 =	smov.u32 s1;
	s1 =	smov.u32 s12  }
0x4fd: {  	v5 =	vmovc v17;
	v22 =	vmovc v28;
	v11 =	vsub.f32 $0.0e+00, v34;
	v9 =	vmul.f32 v9, v12;
	v12 =	vmul.f32 $2.222222240e-01, v27;
	v32 =	vld [tilespmem:s29+$0xA1A0]  }
0x4fe: {  	v17 =	vmovc v33;
	v28 =	vadd.f32 v15, v30;
	v16 =	vsub.f32 $0.0e+00, v25;
	v25 =	vmul.f32 $1.442695020e+00, v29;
	v6 =	vmovc v4  }
0x4ff: {  	v4 =	vmovc v24;
	v11 =	vmul.f32 $1.442695020e+00, v11;
	v24 =	vmovc v26;
	v29 =	vmul.f32 v9, v9;
	v12 =	vadd.f32 $2.857142980e-01, v12  }
0x500: {  	v15 =	vmul.f32 v7, v7;
	v26 =	vand.u32 $0x7FFFFFFF, v21;
	v16 =	vmul.f32 $1.442695020e+00, v16  }
0x501: {  	v26 =	vsub.f32 $0.0e+00, v26;
	(erf) = vpow2.f32 v11;
	v11 =	vmul.f32 $2.222222240e-01, v29  }
0x502: {  	(erf) = vpow2.f32 v25;
	v25 =	vmul.f32 v31, v31;
	v30 =	vsub.f32 v32, v28  }
0x503: {  	(erf) = vpow2.f32 v16;
	v11 =	vadd.f32 $2.857142980e-01, v11;
	v16 =	vmul.f32 $2.222222240e-01, v15  }
0x504: {  	v33 =	vadd.f32 $2.000000000e+00, v8;
	v26 =	vmul.f32 $1.442695020e+00, v26;
	v34 =	vmul.f32 $2.222222240e-01, v25;
	[tilespmem:s29+$0x109A0] =	vst v30  }
0x505: {  	v12 =	vmul.f32 v12, v27;
	v11 =	vmul.f32 v11, v29;
	v16 =	vadd.f32 $2.857142980e-01, v16  }
0x506: {  	v14 =	vmul.f32 v14, v20;
	v20 =	vmovc v25;
	(erf) = vpow2.f32 v26;
	v26 =	vadd.f32 $2.857142980e-01, v34  }
0x507: {  	v12 =	vadd.f32 $4.000000060e-01, v12;
	v11 =	vadd.f32 $4.000000060e-01, v11;
	v34 =	vmul.f32 v16, v15  }
0x508: {  	v14 =	vadd.f32 $2.000000000e+00, v14;
	v25 =	vmul.f32 v26, v20;
	(erf) = vrcp.f32 v33  }
0x509: {  	v35 =	vmul.f32 v12, v27;
	v26 =	vmul.f32 v11, v29;
	v30 =	vadd.f32 $4.000000060e-01, v34  }
0x50a: {  	v32 =	vadd.f32 v28, v32;
	v33 =	vmul.f32 v14, v19;
	v16 =	vpop (erf);
	v25 =	vadd.f32 $4.000000060e-01, v25  }
.Ltmp22:
0x50b: {  	v37 =	vadd.f32 $6.666666860e-01, v35;
	v14 =	vadd.f32 $2.000000000e+00, v16;
	v11 =	vpop (erf);
	v28 =	vmul.f32 v30, v15;
	v30 =	vld [tilespmem:s29+$0xA180];
	(pc) =	sbr.rel @p2 .LBB2_42-.Ltmp22, $4  }
0x50c: {  	v26 =	vadd.f32 $6.666666860e-01, v26;
	v34 =	vadd.f32 $2.000000000e+00, v11;
	v12 =	vpop (erf);
	v25 =	vmul.f32 v25, v20;
	[tilespmem:s29+$0x13DA0] =	vst v32  }
0x50d: {  	v19 =	vmovc v31;
	v36 =	vmul.f32 v37, v27;
	v35 =	vadd.f32 $2.000000000e+00, v12;
	(erf) = vrcp.f32 v14  }
0x50e: {  	v32 =	vadd.f32 v33, v23;
	(erf) = vrcp.f32 v34;
	v14 =	vadd.f32 $6.666666860e-01, v25;
	v31 =	vld [tilespmem:s29+$0xA1B0]  }
0x50f: {  	v33 =	vmul.f32 v26, v29;
	v34 =	vadd.f32 $2.000000000e+00, v36;
	(erf) = vrcp.f32 v35;
	v27 =	vpop (erf)  }
0x510: {  	v35 =	vmov v3  }
0x511: {  	v36 =	vmovc v6;
	v3 =	vmovc v0;
	v26 =	vmov v2;
	v25 =	vmov v1;
	v29 =	vmov v8  }
0x512: {  	v23 =	vmovc v5;
	v6 =	vmovc v4;
	v0 =	vmov v21;
	v1 =	vmov v22;
	v2 =	vmov v18  }
0x513: {  	s0 =	smov.u32 s29;
	s29 =	smov.u32 s30;
	v8 =	vmovc v27;
	s30 =	smov.u32 s1;
	v5 =	vmovc v17;
	v4 =	vmov v24;
	v27 =	vmov v20;
	v24 =	vmov v19  }
.LBB2_44:
0x514: {  	v17 =	vpop @p1 (erf)  }
0x515: {  	v18 =	vadd.f32 @p0 v13, v30;
	v10 =	vmul.f32 @p0 v34, v10;
	v17 =	vmul.f32 @p1 v17, v29  }
0x516: {  	v20 =	vadd.f32 @p1 $6.666666860e-01, v28;
	v21 =	vmax.f32 @p0 v35, $0.0e+00;
	v13 =	vsub.f32 @p0 v30, v13  }
0x517: {  	v22 =	vadd.f32 @p1 $2.000000000e+00, v33;
	v3 =	vpsel p1, v3, v0;
	v19 =	vmul.f32 @p1 v17, v17  }
0x518: {  	v23 =	vmax.f32 @p1 v23, $0.0e+00;
	v3 =	vmax.f32 @p1 v3, $0.0e+00;
	[tilespmem:s0+$0x13D80] =	vst @p0 v18;
	v10 =	vadd.f32 @p0 v10, v21  }
0x519: {  	v18 =	vadd.f32 @p0 v32, v31;
	[tilespmem:s0+$0x10980] =	vst @p0 v13;
	v13 =	vsub.f32 @p0 v31, v32;
	v32 =	vpop (erf);
	v21 =	vmul.f32 @p1 $2.222222240e-01, v19  }
0x51a: {  	v16 =	vmul.f32 v32, v16;
	v28 =	vsub.f32 @p0 v36, v10;
	v10 =	vadd.f32 @p0 v10, v36  }
0x51b: {  	v15 =	vmul.f32 @p1 v20, v15;
	[tilespmem:s0+$0x13DB0] =	vst @p0 v18;
	v36 =	vadd.f32 $2.000000000e+00, v8;
	v18 =	vadd.f32 @p1 $2.857142980e-01, v21  }
0x51c: {  	v9 =	vmul.f32 @p1 v22, v9;
	v33 =	vpop (erf);
	v17 =	vpsel p1, v17, v0;
	v20 =	vmul.f32 v16, v16  }
0x51d: {  	v15 =	vadd.f32 @p1 $2.000000000e+00, v15;
	v34 =	vpop (erf);
	(erf) = vrcp.f32 v36;
	v18 =	vmul.f32 @p1 v18, v19  }
0x51e: {  	[tilespmem:s0+$0x109B0] =	vst @p0 v13;
	v13 =	vmax.f32 @p1 v26, $0.0e+00;
	v11 =	vmul.f32 v33, v11;
	v35 =	vmul.f32 $2.222222240e-01, v20  }
0x51f: {  	v9 =	vadd.f32 @p1 v9, v13;
	[tilespmem:s0+$0x10990] =	vst @p0 v28;
	v7 =	vmul.f32 @p1 v15, v7;
	v18 =	vadd.f32 @p1 $4.000000060e-01, v18  }
0x520: {  	[tilespmem:s0+$0x13D90] =	vst @p0 v10;
	s0 =	smov.u32 @p1 s29;
	v10 =	vmul.f32 v34, v12;
	v12 =	vmul.f32 @p1 v14, v27;
	v37 =	vadd.f32 $2.857142980e-01, v35  }
0x521: {  	v40 =	vmul.f32 v11, v11;
	v21 =	vmax.f32 @p1 v25, $0.0e+00;
	v15 =	vld @p1 [tilespmem:s0+$0xA1A0];
	v18 =	vmul.f32 @p1 v18, v19  }
0x522: {  	v9 =	vpsel p1, v9, v0;
	v38 =	vmul.f32 v10, v10;
	v14 =	vmul.f32 v37, v20  }
0x523: {  	v27 =	vld @p1 [tilespmem:s0+$0xA1B0];
	v12 =	vadd.f32 @p1 $2.000000000e+00, v12;
	v42 =	vmul.f32 $2.222222240e-01, v40;
	v18 =	vadd.f32 @p1 $6.666666860e-01, v18  }
0x524: {  	v7 =	vadd.f32 @p1 v7, v23;
	v39 =	vmul.f32 $2.222222240e-01, v38;
	v14 =	vadd.f32 $4.000000060e-01, v14  }
0x525: {  	v22 =	vld @p1 [tilespmem:s0+$0xA180];
	v12 =	vmul.f32 @p1 v12, v24;
	v47 =	vadd.f32 $2.857142980e-01, v42;
	v18 =	vmul.f32 @p1 v18, v19  }
0x526: {  	v26 =	vsub.f32 @p1 v15, v7;
	v41 =	vadd.f32 $2.857142980e-01, v39;
	v14 =	vmul.f32 v14, v20;
	v43 =	vpop (erf)  }
0x527: {  	v7 =	vadd.f32 @p1 v7, v15;
	v44 =	vmul.f32 v43, v8;
	v15 =	vadd.f32 @p1 $2.000000000e+00, v18  }
0x528: {  	v12 =	vadd.f32 @p1 v12, v21;
	v21 =	vpsel p1, v27, v0;
	v14 =	vadd.f32 $6.666666860e-01, v14  }
0x529: {  	v51 =	vmul.f32 v47, v40;
	v45 =	vmul.f32 v44, v44;
	v15 =	vpsel p1, v15, v0  }
0x52a: {  	v18 =	vpsel p1, v22, v0;
	v48 =	vmul.f32 v14, v20;
	v15 =	vmul.f32 @p1 v15, v17  }
0x52b: {  	v14 =	vadd.f32 $4.000000060e-01, v51;
	v22 =	vadd.f32 @p1 v9, v18;
	v49 =	vmul.f32 $2.222222240e-01, v45  }
0x52c: {  	v12 =	vpsel p1, v12, v0;
	[tilespmem:s0+$0x13DA0] =	vst @p1 v7;
	v7 =	vsub.f32 @p1 v18, v9;
	v3 =	vadd.f32 @p1 v15, v3  }
0x52d: {  	v6 =	vpsel p1, v6, v0;
	v9 =	vadd.f32 @p1 v12, v21;
	v52 =	vadd.f32 $2.857142980e-01, v49  }
0x52e: {  	[tilespmem:s0+$0x109A0] =	vst @p1 v26;
	s0 =	smov.u32 @p1 s0;
	v46 =	vmul.f32 v41, v38;
	v18 =	vsub.f32 @p1 v6, v3;
	v3 =	vadd.f32 @p1 v3, v6  }
0x52f: {  	v14 =	vmul.f32 v14, v40;
	[tilespmem:s0+$0x13DB0] =	vst @p1 v9;
	v9 =	vadd.f32 $2.000000000e+00, v48  }
0x530: {  	v50 =	vadd.f32 $4.000000060e-01, v46;
	[tilespmem:s0+$0x13D90] =	vst @p1 v3;
	v3 =	vmul.f32 v52, v45  }
0x531: {  	[tilespmem:s0+$0x10980] =	vst @p1 v7;
	v7 =	vsub.f32 @p1 v21, v12;
	v55 =	vadd.f32 $6.666666860e-01, v14;
	v9 =	vmul.f32 v9, v16  }
0x532: {  	v5 =	vmax.f32 v5, $0.0e+00;
	v53 =	vmul.f32 v50, v38;
	[tilespmem:s0+$0x13D80] =	vst @p1 v22;
	v3 =	vadd.f32 $4.000000060e-01, v3  }
0x533: {  	[tilespmem:s0+$0x109B0] =	vst @p1 v7;
	v5 =	vadd.f32 v9, v5;
	v9 =	vmul.f32 v55, v40  }
0x534: {  	v6 =	vadd.f32 $6.666666860e-01, v53;
	[tilespmem:s0+$0x10990] =	vst @p1 v18;
	v3 =	vmul.f32 v3, v45  }
0x535: {  	v9 =	vadd.f32 $2.000000000e+00, v9;
	v54 =	vld [tilespmem:s30+$0xA1A0]  }
0x536: {  	v6 =	vmul.f32 v6, v38;
	v3 =	vadd.f32 $6.666666860e-01, v3  }
0x537: {  	v58 =	vld [tilespmem:s30+$0xA1B0];
	v59 =	vmul.f32 v9, v11  }
0x538: {  	v1 =	vmax.f32 v1, $0.0e+00;
	v6 =	vadd.f32 $2.000000000e+00, v6;
	v3 =	vmul.f32 v3, v45  }
0x539: {  	v57 =	vld [tilespmem:s30+$0xA180];
	v1 =	vadd.f32 v59, v1  }
0x53a: {  	v6 =	vmul.f32 v6, v10;
	v56 =	vsub.f32 v54, v5;
	v3 =	vadd.f32 $2.000000000e+00, v3  }
0x53b: {  	v2 =	vmax.f32 v2, $0.0e+00;
	v5 =	vadd.f32 v5, v54  }
0x53c: {  	v2 =	vadd.f32 v6, v2;
	v62 =	vadd.f32 v1, v58;
	[tilespmem:s30+$0x109A0] =	vst v56;
	v3 =	vmul.f32 v3, v44  }
0x53d: {  	v61 =	vmax.f32 v0, $0.0e+00;
	v1 =	vsub.f32 v58, v1;
	[tilespmem:s30+$0x13DA0] =	vst v5  }
0x53e: {  	v60 =	vadd.f32 v2, v57;
	[tilespmem:s30+$0x13DB0] =	vst v62;
	v0 =	vadd.f32 v3, v61  }
0x53f: {  	s31 =	sshll.u32 s28, $0x2;
	v2 =	vsub.f32 v57, v2;
	[tilespmem:s30+$0x109B0] =	vst v1  }
0x540: {  	s26 =	sadd.s32 $0x1, s26;
	s0 =	sadd.s32 s5, s31;
	[tilespmem:s30+$0x13D80] =	vst v60;
	v63 =	vsub.f32 v4, v0  }
0x541: {  	p0 =	sne.s32 s26, $0x40;
	s0 =	smul.u32 $0xD0, s0;
	[tilespmem:s30+$0x10980] =	vst v2;
	v0 =	vadd.f32 v0, v4  }
.Ltmp23:
0x542: {  	[tilespmem:s30+$0x10990] =	vst v63;
	(pc) =	sbr.rel @p0 .LBB2_4-.Ltmp23, $4  }
.Ltmp24:
0x543: {  	s1 =	sadd.s32 s2, s0;
	[tilespmem:s30+$0x13D90] =	vst v0;
	(pc) =	sbr.rel @!p0 .LBB2_45-.Ltmp24, $4  }
0x544: {  	[hbm4b:s1+s4] =	stream.linear.scatter [tilespmem:s21], [sflag:$0x4], $0x1A00, $0x38;
	[tilespmem:$0x14400] =	vst v63  }
0x545: {  	s0 =	sadd.s32 s3, s0  }
0x546: {  	[hbm4b:s0+s4] =	stream.linear.scatter [tilespmem:s22], [sflag:$0x4], $0x1A00, $0x38;
	[tilespmem:$0x14400] =	vst v63  }
0x547: {  	_ = 	snop  }
.LBB2_7:
.Ltmp25:
0x548: {  	_ = 	snop;
	(pc) =	sbr.rel .LBB2_14-.Ltmp25, $3  }
0x549: {  	_ =	sdelay $0x1  }
0x54a: {  	v0 =	vmov v3  }
0x54b: {  	v1 =	vmovc v25;
	v2 =	vmovc v26;
	v8 =	vmov v29;
	s30 =	simm.s32 $0x0;
	v4 =	vmov v23;
	p4 =	por $0x0, $0x0;
	v5 =	vmov v6  }
.LBB2_15:
.Ltmp26:
0x54c: {  	_ = 	snop;
	(pc) =	sbr.rel .LBB2_22-.Ltmp26, $3  }
0x54d: {  	_ =	sdelay $0x1  }
0x54e: {  	v0 =	vmov v3  }
0x54f: {  	v1 =	vmovc v25;
	v2 =	vmovc v26;
	v8 =	vmov v29;
	s30 =	simm.s32 $0x0;
	v4 =	vmov v23;
	p2 =	por $0x0, $0x0;
	v5 =	vmov v6  }
.LBB2_29:
.Ltmp27:
0x550: {  	_ = 	snop;
	(pc) =	sbr.rel .LBB2_36-.Ltmp27, $3  }
0x551: {  	_ =	sdelay $0x1  }
0x552: {  	v0 =	vmov v3  }
0x553: {  	v1 =	vmovc v25;
	v2 =	vmovc v26;
	v8 =	vmov v29;
	s30 =	simm.s32 $0x0;
	v4 =	vmov v23;
	p3 =	por $0x0, $0x0;
	v5 =	vmov v6  }
.LBB2_37:
.Ltmp28:
0x554: {  	_ = 	snop;
	(pc) =	sbr.rel .LBB2_44-.Ltmp28, $3  }
0x555: {  	_ =	sdelay $0x1  }
0x556: {  	v0 =	vmov v3  }
0x557: {  	v1 =	vmovc v25;
	v2 =	vmovc v26;
	v8 =	vmov v29;
	s30 =	simm.s32 $0x0;
	v5 =	vmov v23;
	p1 =	por $0x0, $0x0;
	v4 =	vmov v6  }
.LBB2_9:
.Ltmp29:
0x558: {  	(pc) =	sbr.rel .LBB2_14-.Ltmp29, $2  }
0x559: {  	_ =	sdelay $0x2  }
0x55a: {  	s13 =	simm.s32 $0x0;
	p4 =	por $0x0, $0x0  }
.LBB2_17:
.Ltmp30:
0x55b: {  	(pc) =	sbr.rel .LBB2_22-.Ltmp30, $2  }
0x55c: {  	_ =	sdelay $0x2  }
0x55d: {  	_ = 	snop  }
.LBB2_31:
.Ltmp31:
0x55e: {  	(pc) =	sbr.rel .LBB2_36-.Ltmp31, $2  }
0x55f: {  	_ =	sdelay $0x2  }
0x560: {  	s13 =	simm.s32 $0x0;
	p3 =	por $0x0, $0x0  }
.LBB2_39:
.Ltmp32:
0x561: {  	(pc) =	sbr.rel .LBB2_44-.Ltmp32, $2  }
0x562: {  	_ =	sdelay $0x2  }
0x563: {  	_ = 	snop  }
.LBB2_11:
.Ltmp33:
0x564: {  	(pc) =	sbr.rel .LBB2_14-.Ltmp33, $4  }
0x565: {  	v35 =	vmov v3  }
0x566: {  	v36 =	vmovc v6;
	v3 =	vmovc v0;
	v26 =	vmov v2;
	v25 =	vmov v1;
	v29 =	vmov v8  }
0x567: {  	v23 =	vmovc v4;
	v6 =	vmovc v5;
	v0 =	vmov v21;
	v1 =	vmov v22;
	v2 =	vmov v18  }
0x568: {  	s0 =	simm.s32 $0x0;
	v8 =	vmovc v27;
	s13 =	simm.s32 $0x40;
	s30 =	simm.s32 $0x80;
	v4 =	vmovc v17;
	v27 =	vmov v20;
	v5 =	vmov v24;
	v24 =	vmov v19  }
.LBB2_19:
.Ltmp34:
0x569: {  	(pc) =	sbr.rel .LBB2_22-.Ltmp34, $4  }
0x56a: {  	v35 =	vmov v3  }
0x56b: {  	v36 =	vmovc v6;
	v3 =	vmovc v0;
	v26 =	vmov v2;
	v25 =	vmov v1;
	v29 =	vmov v8  }
0x56c: {  	v23 =	vmovc v4;
	v6 =	vmovc v5;
	v0 =	vmov v21;
	v1 =	vmov v22;
	v2 =	vmov v18  }
0x56d: {  	s0 =	simm.s32 $0x0;
	v8 =	vmovc v27;
	s29 =	simm.s32 $0x40;
	s30 =	simm.s32 $0x80;
	v4 =	vmovc v17;
	v27 =	vmov v20;
	v5 =	vmov v24;
	v24 =	vmov v19  }
.LBB2_33:
.Ltmp35:
0x56e: {  	(pc) =	sbr.rel .LBB2_36-.Ltmp35, $4  }
0x56f: {  	v35 =	vmov v3  }
0x570: {  	v36 =	vmovc v6;
	v3 =	vmovc v0;
	v26 =	vmov v2;
	v25 =	vmov v1;
	v29 =	vmov v8  }
0x571: {  	v23 =	vmovc v4;
	v6 =	vmovc v5;
	v0 =	vmov v21;
	v1 =	vmov v22;
	v2 =	vmov v18  }
0x572: {  	s0 =	simm.s32 $0x0;
	v8 =	vmovc v27;
	s13 =	simm.s32 $0x40;
	s30 =	simm.s32 $0x80;
	v4 =	vmovc v17;
	v27 =	vmov v20;
	v5 =	vmov v24;
	v24 =	vmov v19  }
.LBB2_41:
.Ltmp36:
0x573: {  	(pc) =	sbr.rel .LBB2_44-.Ltmp36, $4  }
0x574: {  	v35 =	vmov v3  }
0x575: {  	v36 =	vmovc v6;
	v3 =	vmovc v0;
	v26 =	vmov v2;
	v25 =	vmov v1;
	v29 =	vmov v8  }
0x576: {  	v23 =	vmovc v5;
	v6 =	vmovc v4;
	v0 =	vmov v21;
	v1 =	vmov v22;
	v2 =	vmov v18  }
0x577: {  	s0 =	simm.s32 $0x0;
	v8 =	vmovc v27;
	s29 =	simm.s32 $0x40;
	s30 =	simm.s32 $0x80;
	v5 =	vmovc v17;
	v27 =	vmov v20;
	v4 =	vmov v24;
	v24 =	vmov v19  }
.LBB2_46:
0x578: {  	_ =	sfence.sel $0x180000  }
0x579: {  	[bflag:$0x0] =	sbarrier.arrive $0xFFFF  }
0x57a: {  	_ =	strace $0x90000047  }
0x57b: {  	s0 =	stileid.u32;
	[bflag:$0x2] =	sbarrier.arrive $0xFFFF  }
0x57c: {  	p0 =	sne.s32 s0, $0x0;
	s0 =	rddreg [dreg:$0x3]  }
0x57d: {  	s0 =	sadd.s32 @!p0 $0x100000, s0  }
0x57e: {  	[sflag:s0] =	ssyncadd.tile.s32 @!p0 $0x1;
	_ =	shalt  }
.Lfunc_end2:
_tile_overlayer_lowered:
.L_overlay_start_2:
0x57f: {  	(tag) =	ssettag $0x2  }
0x580: {  	s0 =	rddreg [dreg:$0x0];
	s2 =	stileid.u32  }
0x581: {  	s1 =	rddreg [dreg:$0x1];
	p0 =	sne.s32 s2, $0x0  }
0x582: {  	s3 =	rddreg [dreg:$0x2];
	[bflag:$0x3] =	sbarrier.arrive $0xFFFF;
	s2 =	simm.s32 @!p0 $0x1C05  }
0x583: {  	[timem:s3], [sflag:s2] =	dma.local @!p0 [hbm:s0], s1  }
0x584: {  	s0 =	simm.s32 @!p0 $0x5  }
0x585: {  	_ =	swait.ge @!p0 [sflag:s0], s1  }
0x586: {  	s1 =	ssub.s32 @!p0 $0x0, s1;
	[sflag:s0] =	ssyncset.done @!p0 $0x0  }
0x587: {  	[sflag:s0] =	ssyncadd.s32 @!p0 s1  }
0x588: {  	[bflag:$0x3] =	sbarrier.arrive $0xFFFF  }
0x589: {  	_ =	shalt  }

// kernel: sparse-core-data-format-call.1.cloned.1.call-start
scs
called_computation.1_lowered:
.L_overlay_start_0:
0x0: {  	s2 =	sld [smem:$0x3FD9]  }
0x1: {  	s3 =	sld [smem:$0x3FFE];
	_ =	sdelay $0x1  }
0x2: {  	s1 =	srdreg.scid  }
0x3: {  	s0 =	sand.u32 $0x1, s1  }
0x4: {  	s15 =	sshll.u32 s0, $0xA;
	s2 =	sadd.s32 s3, s2  }
0x5: {  	s2 =	sadd.s32 s2, s15  }
0x6: {  	[smem:$0x3FC5] =	sst s2  }
0x7: {  	_ = 	snop  }
0x8: {  	s2 =	sld [smem:$0x3FD0];
	_ =	sdelay $0x2  }
0x9: {  	s16 =	simm.s32 $0xB;
	s4 =	simm.s32 $0x10  }
0xa: {  	[smem:s4], [sflag:s16] =	dma.local [hbm:s2], $0x1  }
0xb: {  	_ =	swait.eq [sflag:s16], $0x1  }
0xc: {  	[sflag:s16] =	ssyncset.done $0x0  }
0xd: {  	[sflag:s16] =	ssyncadd.s32 $0xFFFFFFFF  }
0xe: {  	s17 =	sld [smem:$0x10];
	(tm) =	ssettm $0x1  }
0xf: {  	s18 =	sld [smem:$0x3FFB];
	_ =	sdelay $0x3  }
0x10: {  	_ =	strace s18  }
0x11: {  	s3 =	sld [smem:$0x3FFC];
	_ =	sdelay $0x3  }
0x12: {  	_ =	strace s3  }
0x13: {  	s3 =	sld [smem:$0x3FFD];
	_ =	sdelay $0x3  }
0x14: {  	_ =	strace s3  }
0x15: {  	_ =	strace $0x8FFFFFFF  }
0x16: {  	s19 =	sld [smem:$0x3FDB];
	_ =	sdelay $0x1  }
0x17: {  	s20 =	simm.s32 $_scs_section_size  }
0x18: {  	s5 =	simm.s32 $_size__tile_overlayer_lowered;
	s6 =	simm.s32 $_tile_overlayer_lowered  }
0x19: {  	s23 =	simm.s32 $0x1BFF;
	s22 =	sshll.u32 s6, $0x1;
	s3 =	sadd.s32 s20, s19  }
0x1a: {  	s7 =	simm.s32 $0x0;
	s21 =	sshll.u32 s5, $0x1;
	s5 =	sadd.s32 s22, s3  }
0x1b: {  	[timem:s7], [sflag:s23] =	dma.local [hbm:s5], s21  }
0x1c: {  	_ =	swait.ge [sflag:s23], s21  }
0x1d: {  	s4 =	ssub.s32 $0x0, s21;
	[sflag:s23] =	ssyncset.done $0x0  }
0x1e: {  	[sflag:s23] =	ssyncadd.s32 s4;
	_ =	sdelay $0x1  }
0x1f: {  	s24 =	simm.s32 $0x1B8B  }
0x20: {  	_ =	swait.ge [sflag:s24], $0x1  }
0x21: {  	[sflag:s24] =	ssyncset.done $0x0  }
0x22: {  	s26 =	simm.s32 $0x1B8E;
	s25 =	sld [smem:$0x3FFE];
	[sflag:s24] =	ssyncadd.s32 $0xFFFFFFFF  }
0x23: {  	s27 =	simm.s32 $execute0_lowered;
	[smem:$0x3FD2] =	sst s26  }
0x24: {  	s5 =	sshll.u32 s27, $0x1;
	_ =	strace $0x80000049;
	[dreg:$0x1] =	wrdreg $0xFFFFFFFF  }
0x25: {  	s28 =	simm.s32 $_size_execute0_lowered;
	s3 =	sadd.s32 s3, s5;
	[dreg:$0x0] =	wrdreg $0x0  }
0x26: {  	s5 =	sshll.u32 s28, $0x1;
	[dreg:$0x2] =	wrdreg s3  }
0x27: {  	[dreg:$0x3] =	wrdreg s5  }
0x28: {  	[dreg:$0x4] =	wrdreg $0xC0  }
0x29: {  	_ =	task [dreg:s7], $0x5FFFF  }
0x2a: {  	[dreg:$0x1] =	wrdreg $0xFFFFFFFF  }
0x2b: {  	[dreg:$0x0] =	wrdreg $0x60  }
0x2c: {  	[dreg:$0x2] =	wrdreg s25  }
0x2d: {  	[dreg:$0x3] =	wrdreg s17  }
0x2e: {  	[dreg:$0x4] =	wrdreg $0xA  }
0x2f: {  	_ =	task.clear_ibuf [dreg:s7], $0x5FFFF;
	_ =	strace $0x90000049  }
0x30: {  	s29 =	simm.s32 $0xA;
	_ =	strace $0x8000004B  }
0x31: {  	_ =	swait.ge [sflag:s29], $0x1  }
0x32: {  	[sflag:s29] =	ssyncadd.s32 $0xFFFFFFFF  }
0x33: {  	_ =	strace $0x9000004B  }
0x34: {  	_ =	sfence  }
0x35: {  	s30 =	sld [smem:$0x0];
	_ =	sdelay $0x2  }
0x36: {  	s31 =	sshll.u32 s1, $0xD;
	s1 =	sshrl.u32 s1, $0x2  }
0x37: {  	s3 =	sand.u32 $0x4000, s31;
	s1 =	sadd.s32 s1, s30  }
0x38: {  	s0 =	sor.u32 s3, s0;
	s1 =	sshll.u32 s1, $0x11  }
0x39: {  	s0 =	sor.u32 s1, s0  }
0x3a: {  	s0 =	sadd.s32 $0x8F2B, s0  }
0x3b: {  	[sflag:s0] =	ssyncadd.remote.s32 $0x1  }
0x3c: {  	_ =	sfence.sel $0xFFFF  }
0x3d: {  	[dreg:$0x0] =	wrdreg $0xFFFFFFFF;
	(pc) =	sbr.abs _section_cstart, $3  }
0x3e: {  	[dreg:$0x1] =	wrdreg $0xFFFFFFFF  }
0x3f: {  	_ =	task.clear_ibuf [dreg:s7], $0x2FFFF;
	_ =	strace $0x9FFFFFFF  }
0x40: {  	(tm) =	ssettm $0x7FFFFFFF  }
0x41: {  	_ =	shalt  }
tec
execute0_lowered:
.L_overlay_start_1:
0x0: {  	(tag) =	ssettag $0x1  }
0x1: {  	s0 =	srdreg.scid  }
0x2: {  	s1 =	sshll.u32 s0, $0x4  }
0x3: {  	s0 =	stileid.u32;
	s1 =	sand.u32 $0x10, s1  }
0x4: {  	s1 =	sor.u32 s0, s1  }
0x5: {  	s6 =	rddreg [dreg:$0x0];
	s4 =	simm.s32 $0x1;
	s2 =	sshll.u32 s1, $0x7  }
0x6: {  	s7 =	simm.s32 $0x2;
	s12 =	simm.s32 $0x0;
	s1 =	ssub.s32 $0x4000, s2  }
0x7: {  	s8 =	simm.s32 $0x20000;
	s13 =	simm.s32 $0x0;
	s3 =	sand.u32 $0xF80, s1  }
0x8: {  	s9 =	simm.s32 $0x0;
	s5 =	sshrl.u32 s1, $0xC;
	p0 =	sne.s32 s3, $0x0  }
.Ltmp0:
0x9: {  	s1 =	rddreg [dreg:$0x2];
	s4 =	simm.s32 @!p0 $0x0;
	(pc) =	sbr.rel .LBB1_1-.Ltmp0, $4  }
0xa: {  	s11 =	simm.s32 $0x0;
	s3 =	rddreg [dreg:$0x1];
	s5 =	sadd.s32 s4, s5  }
0xb: {  	_ =	strace $0x8000004A;
	s4 =	simm.s32 $0x1;
	s5 =	smul.u32 $0x1A, s5  }
0xc: {  	s6 =	sadd.s32 $0x1200, s6;
	s10 =	smov.u32 s2;
	[sflag:s4] =	ssyncpa.u1 $0x0  }
0xd: {  	p0 =	por $0x0, $0x0;
	[sflag:s7] =	ssyncpa.u1 $0x0;
	s7 =	sor.u32 $0x1, s5  }
.LBB1_4:
0xe: {  	s16 =	sshll.u32 s13, $0x3;
	s17 =	sand.u32 $0x78, s13  }
0xf: {  	s30 =	sand.u32 $0x1F800, s13;
	s12 =	sshll.u32 s12, $0x11;
	s16 =	sand.u32 $0x3C00, s16  }
0x10: {  	[tilespmem:s15+$0x810 ss:$0x81] =	vst.msk $0xffff, v2;
	s31 =	sand.u32 $0x7, s13;
	s16 =	sor.u32 s17, s16;
	s17 =	sadd.s32 s3, s30  }
0x11: {  	[tilespmem:s15+$0x1020 ss:$0x81] =	vst.msk $0xffff, v0;
	s13 =	sshll.u32 s31, $0x12;
	s12 =	sadd.s32 s12, s17;
	s16 =	sshrl.u32 s16, $0x3  }
0x12: {  	[tilespmem:s15+$0x0 ss:$0x81] =	vst.msk $0xffff, v1;
	s13 =	sor.u32 $0x400, s13;
	s12 =	sadd.s32 s16, s12  }
0x13: {  	[hbm4b:s12+s13] =	stream.strided.scatter [tilespmem:s14], [sflag:$0x2], $0x2000, s8, s13, $0x20;
	[tilespmem:$0x8080] =	vst v63  }
.LBB1_5:
0x14: {  	s14 =	sadd.s32 $0x1, s9  }
0x15: {  	s12 =	sadd.s32 $0x1000, s10;
	s16 =	smov.u32 s10;
	p2 =	sgt.s32 s14, $0x19  }
0x16: {  	s16 =	smov.u32 @p2 s12  }
0x17: {  	s14 =	simm.s32 @p2 $0x0;
	p2 =	sgt.s32 s16, $0x3FFF  }
0x18: {  	s16 =	smov.u32 @p2 s2;
	p2 =	sne.s32 s11, s7  }
.Ltmp1:
0x19: {  	p1 =	slt.u32 s11, $0x2;
	(pc) =	sbr.rel @!p2 .LBB1_6-.Ltmp1, $4  }
0x1a: {  	s15 =	simm.s32 @!p1 $0x2  }
0x1b: {  	s13 =	smov.u32 s10;
	p0 =	por !p0, !p0;
	_ =	swait.ge @!p1 [sflag:s15], $0x2000  }
0x1c: {  	s12 =	smov.u32 s9;
	[sflag:s15] =	ssyncset.done @!p1 $0x0;
	s9 =	smov.u32 s14  }
0x1d: {  	s11 =	sadd.s32 $0x1, s11;
	[sflag:s15] =	ssyncadd.s32 @!p1 $0xFFFFE000;
	s10 =	smov.u32 s16  }
.LBB1_1:
0x1e: {  	p1 =	sge.u32 s11, s5  }
0x1f: {  	s31 =	sadd.s32 $0xFFFFFFFF, s11;
	s14 =	sxor.u32 @!p1 $0xFFFFFFFF, s11  }
0x20: {  	s15 =	sshll.u32 @!p1 s10, $0x9;
	s16 =	sshll.u32 @!p1 s9, $0x4;
	s17 =	simm.s32 @!p1 $0x1000  }
0x21: {  	s14 =	sshll.u32 @!p1 s14, $0xD;
	s16 =	sand.u32 @!p1 $0x1F0, s16;
	s15 =	sadd.s32 @!p1 s6, s15  }
0x22: {  	s14 =	sand.u32 @!p1 $0x2000, s14;
	s15 =	sadd.s32 @!p1 s16, s15;
	s16 =	simm.s32 @!p1 $0x40  }
0x23: {  	[tilespmem:s14], [sflag:$0x1] =	stream.strided.gather @!p1 [hbm4b:s15+s16], $0x2000, s17, s16, $0x38;
	[tilespmem:$0x8080] =	vst v63  }
0x24: {  	p1 =	sge.u32 s31, s5  }
.Ltmp2:
0x25: {  	_ = 	snop;
	(pc) =	sbr.rel @p1 .LBB1_5-.Ltmp2, $1  }
0x26: {  	_ =	sdelay $0x3  }
0x27: {  	s14 =	simm.s32 $0x1  }
0x28: {  	_ =	swait.ge [sflag:s4], $0x2000;
	s14 =	simm.s32 @!p0 $0x0  }
0x29: {  	[sflag:s4] =	ssyncset.done $0x0;
	s15 =	sshll.u32 s14, $0xD  }
0x2a: {  	[sflag:s4] =	ssyncadd.s32 $0xFFFFE000;
	s18 =	sor.u32 $0x20, s15  }
0x2b: {  	s14 =	smul.u32 $0x8100, s14;
	v3 =	vld [tilespmem:s18+$0x10]  }
0x2c: {  	s30 =	sand.u32 $0x1, s11;
	v2 =	vld [tilespmem:s18+$0xFFFFFFF0]  }
0x2d: {  	s15 =	smul.u32 $0x8100, s30;
	s14 =	sshrl.u32 s14, $0x2;
	v0 =	vld [tilespmem:s18+$0x0]  }
0x2e: {  	v1 =	vld [tilespmem:s18+$0xFFFFFFE0];
	s16 =	sor.u32 $0x4000, s14  }
0x2f: {  	s31 =	sshrl.u32 s15, $0x2;
	s15 =	sadd.s32 $0x0, s16  }
0x30: {  	s17 =	simm.s32 $0x4;
	s18 =	sadd.s32 $0x40, s18;
	s14 =	sor.u32 $0x4000, s31;
	[tilespmem:s15+$0x1830 ss:$0x81] =	vst.msk $0xffff, v3  }
.LBB1_3:
0x31: {  	v3 =	vld [tilespmem:s18+$0x10];
	p1 =	sne.s32 s17, $0x1FC;
	[tilespmem:s15+$0x810 ss:$0x81] =	vst.msk $0xffff, v2;
	s19 =	smov.u32 s17;
	s17 =	sadd.s32 $0x4, s17  }
.Ltmp3:
0x32: {  	v2 =	vld [tilespmem:s18+$0xFFFFFFF0];
	[tilespmem:s15+$0x1020 ss:$0x81] =	vst.msk $0xffff, v0;
	(pc) =	sbr.rel @p1 .LBB1_3-.Ltmp3, $4  }
0x33: {  	v0 =	vld [tilespmem:s18+$0x0];
	[tilespmem:s15+$0x0 ss:$0x81] =	vst.msk $0xffff, v1  }
0x34: {  	s15 =	sshra.s32 s19, $0x2;
	v1 =	vld [tilespmem:s18+$0xFFFFFFE0]  }
0x35: {  	s15 =	sadd.s32 s15, s16  }
0x36: {  	s18 =	sadd.s32 $0x40, s18;
	[tilespmem:s15+$0x1830 ss:$0x81] =	vst.msk $0xffff, v3  }
.Ltmp4:
0x37: {  	_ = 	snop;
	(pc) =	sbr.rel .LBB1_4-.Ltmp4, $1  }
0x38: {  	_ =	sdelay $0x3  }
.LBB1_6:
0x39: {  	_ =	sfence.sel $0x180000  }
0x3a: {  	s2 =	simm.s32 $0x1;
	[bflag:$0x0] =	sbarrier.arrive $0xFFFF  }
0x3b: {  	s31 =	simm.s32 $0x2;
	[sflag:s2] =	ssyncpa.u1 $0x1  }
0x3c: {  	[sflag:s31] =	ssyncpa.u1 $0x1  }
0x3d: {  	p0 =	sne.s32 s0, $0x0;
	_ =	strace $0x9000004A  }
0x3e: {  	s0 =	sadd.s32 @!p0 $0x100000, s1;
	[bflag:$0x2] =	sbarrier.arrive $0xFFFF  }
0x3f: {  	[sflag:s0] =	ssyncadd.tile.s32 @!p0 $0x1;
	_ =	shalt  }
.Lfunc_end1:
_tile_overlayer_lowered:
.L_overlay_start_2:
0x40: {  	(tag) =	ssettag $0x2  }
0x41: {  	s0 =	rddreg [dreg:$0x0];
	s2 =	stileid.u32  }
0x42: {  	s1 =	rddreg [dreg:$0x1];
	p0 =	sne.s32 s2, $0x0  }
0x43: {  	s3 =	rddreg [dreg:$0x2];
	[bflag:$0x3] =	sbarrier.arrive $0xFFFF;
	s2 =	simm.s32 @!p0 $0x1C01  }
0x44: {  	[timem:s3], [sflag:s2] =	dma.local @!p0 [hbm:s0], s1  }
0x45: {  	s0 =	simm.s32 @!p0 $0x1  }
0x46: {  	_ =	swait.ge @!p0 [sflag:s0], s1  }
0x47: {  	s1 =	ssub.s32 @!p0 $0x0, s1;
	[sflag:s0] =	ssyncset.done @!p0 $0x0  }
0x48: {  	[sflag:s0] =	ssyncadd.s32 @!p0 s1  }
0x49: {  	[bflag:$0x3] =	sbarrier.arrive $0xFFFF  }
0x4a: {  	_ =	shalt  }

// kernel: sparse-core-data-format-call.cloned.1.call-start
scs
called_computation_lowered:
.L_overlay_start_0:
0x0: {  	s2 =	sld [smem:$0x3FD9]  }
0x1: {  	s3 =	sld [smem:$0x3FFE];
	_ =	sdelay $0x1  }
0x2: {  	s1 =	srdreg.scid  }
0x3: {  	s0 =	sand.u32 $0x1, s1  }
0x4: {  	s16 =	sshll.u32 s0, $0xA;
	s2 =	sadd.s32 s3, s2  }
0x5: {  	s2 =	sadd.s32 s2, s16  }
0x6: {  	[smem:$0x3FC5] =	sst s2  }
0x7: {  	_ = 	snop  }
0x8: {  	s2 =	sld [smem:$0x3FD0];
	_ =	sdelay $0x2  }
0x9: {  	s17 =	simm.s32 $0xB;
	s4 =	simm.s32 $0x10  }
0xa: {  	[smem:s4], [sflag:s17] =	dma.local [hbm:s2], $0x1  }
0xb: {  	_ =	swait.eq [sflag:s17], $0x1  }
0xc: {  	[sflag:s17] =	ssyncset.done $0x0  }
0xd: {  	[sflag:s17] =	ssyncadd.s32 $0xFFFFFFFF  }
0xe: {  	s18 =	sld [smem:$0x11];
	(tm) =	ssettm $0x1  }
0xf: {  	s19 =	sld [smem:$0x3FFB];
	_ =	sdelay $0x3  }
0x10: {  	_ =	strace s19  }
0x11: {  	s2 =	sld [smem:$0x3FFC];
	_ =	sdelay $0x3  }
0x12: {  	_ =	strace s2  }
0x13: {  	s2 =	sld [smem:$0x3FFD];
	_ =	sdelay $0x3  }
0x14: {  	_ =	strace s2  }
0x15: {  	_ =	strace $0x8FFFFFFF  }
0x16: {  	s20 =	sld [smem:$0x3FDB];
	_ =	sdelay $0x1  }
0x17: {  	s21 =	simm.s32 $_scs_section_size  }
0x18: {  	s5 =	simm.s32 $_size__tile_overlayer_lowered;
	s6 =	simm.s32 $_tile_overlayer_lowered  }
0x19: {  	s7 =	simm.s32 $0x1BFF;
	s22 =	sshll.u32 s6, $0x1;
	s4 =	sadd.s32 s21, s20  }
0x1a: {  	s23 =	simm.s32 $0x0;
	s5 =	sshll.u32 s5, $0x1;
	s6 =	sadd.s32 s22, s4  }
0x1b: {  	[timem:s23], [sflag:s7] =	dma.local [hbm:s6], s5  }
0x1c: {  	_ =	swait.ge [sflag:s7], s5  }
0x1d: {  	s5 =	ssub.s32 $0x0, s5;
	[sflag:s7] =	ssyncset.done $0x0  }
0x1e: {  	[sflag:s7] =	ssyncadd.s32 s5;
	_ =	sdelay $0x1  }
0x1f: {  	s24 =	simm.s32 $0x1B8B  }
0x20: {  	_ =	swait.ge [sflag:s24], $0x1  }
0x21: {  	[sflag:s24] =	ssyncset.done $0x0  }
0x22: {  	[sflag:s24] =	ssyncadd.s32 $0xFFFFFFFF  }
0x23: {  	s5 =	sld [smem:$0x0]  }
0x24: {  	s6 =	sand.u32 $0xFFFFFFFE, s1  }
0x25: {  	p0 =	sne.s32 s1, s6  }
0x26: {  	s6 =	sshll.u32 @p0 s6, $0xE  }
0x27: {  	s6 =	sadd.s32 @p0 $0x11B8D, s6;
	s7 =	sshll.u32 @p0 s5, $0x11  }
0x28: {  	s6 =	sor.u32 @p0 s7, s6  }
0x29: {  	[sflag:s6] =	ssyncadd.remote.s32 @p0 $0x1;
	_ =	sdelay $0x1  }
0x2a: {  	s6 =	simm.s32 @p0 $0x1B8D  }
0x2b: {  	_ =	swait.eq @p0 [sflag:s6], $0x1  }
0x2c: {  	[sflag:s6] =	ssyncadd.s32 @p0 $0xFFFFFFFF  }
0x2d: {  	s7 =	sshll.u32 @!p0 s1, $0xE  }
0x2e: {  	s7 =	sor.u32 @!p0 $0x4000, s7;
	s6 =	simm.s32 @!p0 $0x1B8D  }
0x2f: {  	s5 =	sshll.u32 @!p0 s5, $0x11;
	s7 =	sadd.s32 @!p0 $0x11B8D, s7;
	_ =	swait.eq @!p0 [sflag:s6], $0x1  }
0x30: {  	s5 =	sor.u32 @!p0 s5, s7;
	[sflag:s6] =	ssyncadd.s32 @!p0 $0xFFFFFFFF  }
0x31: {  	s26 =	simm.s32 $0x1B8E;
	s25 =	sld [smem:$0x3FFE];
	[sflag:s5] =	ssyncadd.remote.s32 @!p0 $0x1  }
0x32: {  	s27 =	simm.s32 $execute0_lowered;
	[smem:$0x3FD2] =	sst s26  }
0x33: {  	s6 =	sshll.u32 s27, $0x1;
	_ =	strace $0x8000004C;
	[dreg:$0x1] =	wrdreg $0xFFFFFFFF  }
0x34: {  	s28 =	simm.s32 $_size_execute0_lowered;
	s4 =	sadd.s32 s4, s6;
	[dreg:$0x0] =	wrdreg $0x0  }
0x35: {  	s6 =	sshll.u32 s28, $0x1;
	[dreg:$0x2] =	wrdreg s4  }
0x36: {  	[dreg:$0x3] =	wrdreg s6  }
0x37: {  	[dreg:$0x4] =	wrdreg $0xC0  }
0x38: {  	_ =	task [dreg:s23], $0x5FFFF  }
0x39: {  	[dreg:$0x1] =	wrdreg $0xFFFFFFFF  }
0x3a: {  	[dreg:$0x0] =	wrdreg $0x60  }
0x3b: {  	[dreg:$0x2] =	wrdreg s25  }
0x3c: {  	[dreg:$0x3] =	wrdreg s18  }
0x3d: {  	[dreg:$0x4] =	wrdreg $0x9  }
0x3e: {  	_ =	task.clear_ibuf [dreg:s23], $0x5FFFF;
	_ =	strace $0x9000004C  }
0x3f: {  	s29 =	simm.s32 $0x9;
	_ =	strace $0x8000004E  }
0x40: {  	_ =	swait.ge [sflag:s29], $0x1  }
0x41: {  	[sflag:s29] =	ssyncadd.s32 $0xFFFFFFFF  }
0x42: {  	_ =	strace $0x9000004E  }
0x43: {  	_ =	sfence  }
0x44: {  	s30 =	sld [smem:$0x0];
	_ =	sdelay $0x2  }
0x45: {  	s31 =	sshll.u32 s1, $0xD;
	s1 =	sshrl.u32 s1, $0x2  }
0x46: {  	s4 =	sand.u32 $0x4000, s31;
	s1 =	sadd.s32 s1, s30  }
0x47: {  	s0 =	sor.u32 s4, s0;
	s1 =	sshll.u32 s1, $0x11  }
0x48: {  	s0 =	sor.u32 s1, s0  }
0x49: {  	s0 =	sadd.s32 $0x8F2B, s0  }
0x4a: {  	[sflag:s0] =	ssyncadd.remote.s32 $0x1  }
0x4b: {  	_ =	sfence.sel $0xFFFF  }
0x4c: {  	[dreg:$0x0] =	wrdreg $0xFFFFFFFF;
	(pc) =	sbr.abs _section_cstart, $3  }
0x4d: {  	[dreg:$0x1] =	wrdreg $0xFFFFFFFF  }
0x4e: {  	_ =	task.clear_ibuf [dreg:s23], $0x2FFFF;
	_ =	strace $0x9FFFFFFF  }
0x4f: {  	(tm) =	ssettm $0x7FFFFFFF  }
tec
execute0_lowered:
.L_overlay_start_1:
0x0: {  	(tag) =	ssettag $0x1  }
0x1: {  	s0 =	srdreg.scid  }
0x2: {  	s1 =	sshll.u32 s0, $0x4  }
0x3: {  	s0 =	stileid.u32;
	s1 =	sand.u32 $0x10, s1  }
0x4: {  	s1 =	sor.u32 s0, s1  }
0x5: {  	s6 =	rddreg [dreg:$0x0];
	s4 =	simm.s32 $0x1;
	s2 =	sshll.u32 s1, $0x7  }
0x6: {  	s7 =	simm.s32 $0x2;
	s12 =	simm.s32 $0x0;
	s1 =	ssub.s32 $0x4000, s2  }
0x7: {  	s8 =	simm.s32 $0x20000;
	s13 =	simm.s32 $0x0;
	s3 =	sand.u32 $0xF80, s1  }
0x8: {  	s9 =	simm.s32 $0x0;
	s5 =	sshrl.u32 s1, $0xC;
	p0 =	sne.s32 s3, $0x0  }
.Ltmp0:
0x9: {  	s1 =	rddreg [dreg:$0x2];
	s4 =	simm.s32 @!p0 $0x0;
	(pc) =	sbr.rel .LBB1_1-.Ltmp0, $4  }
0xa: {  	s11 =	simm.s32 $0x0;
	s3 =	rddreg [dreg:$0x1];
	s5 =	sadd.s32 s4, s5  }
0xb: {  	_ =	strace $0x8000004D;
	s4 =	simm.s32 $0x1;
	s5 =	smul.u32 $0x1A, s5  }
0xc: {  	s6 =	sadd.s32 $0x801200, s6;
	s10 =	smov.u32 s2;
	[sflag:s4] =	ssyncpa.u1 $0x0  }
0xd: {  	p0 =	por $0x0, $0x0;
	[sflag:s7] =	ssyncpa.u1 $0x0;
	s7 =	sor.u32 $0x1, s5  }
.LBB1_4:
0xe: {  	s16 =	sshll.u32 s13, $0x3;
	s17 =	sand.u32 $0x78, s13  }
0xf: {  	s30 =	sand.u32 $0x1F800, s13;
	s12 =	sshll.u32 s12, $0x11;
	s16 =	sand.u32 $0x3C00, s16  }
0x10: {  	[tilespmem:s15+$0x810 ss:$0x81] =	vst.msk $0xffff, v2;
	s31 =	sand.u32 $0x7, s13;
	s16 =	sor.u32 s17, s16;
	s17 =	sadd.s32 s3, s30  }
0x11: {  	[tilespmem:s15+$0x1020 ss:$0x81] =	vst.msk $0xffff, v0;
	s13 =	sshll.u32 s31, $0x12;
	s12 =	sadd.s32 s12, s17;
	s16 =	sshrl.u32 s16, $0x3  }
0x12: {  	[tilespmem:s15+$0x0 ss:$0x81] =	vst.msk $0xffff, v1;
	s13 =	sor.u32 $0x400, s13;
	s12 =	sadd.s32 s16, s12  }
0x13: {  	[hbm4b:s12+s13] =	stream.strided.scatter [tilespmem:s14], [sflag:$0x2], $0x2000, s8, s13, $0x20;
	[tilespmem:$0x8080] =	vst v63  }
.LBB1_5:
0x14: {  	s14 =	sadd.s32 $0x1, s9  }
0x15: {  	s12 =	sadd.s32 $0x1000, s10;
	s16 =	smov.u32 s10;
	p2 =	sgt.s32 s14, $0x19  }
0x16: {  	s16 =	smov.u32 @p2 s12  }
0x17: {  	s14 =	simm.s32 @p2 $0x0;
	p2 =	sgt.s32 s16, $0x3FFF  }
0x18: {  	s16 =	smov.u32 @p2 s2;
	p2 =	sne.s32 s11, s7  }
.Ltmp1:
0x19: {  	p1 =	slt.u32 s11, $0x2;
	(pc) =	sbr.rel @!p2 .LBB1_6-.Ltmp1, $4  }
0x1a: {  	s15 =	simm.s32 @!p1 $0x2  }
0x1b: {  	s13 =	smov.u32 s10;
	p0 =	por !p0, !p0;
	_ =	swait.ge @!p1 [sflag:s15], $0x2000  }
0x1c: {  	s12 =	smov.u32 s9;
	[sflag:s15] =	ssyncset.done @!p1 $0x0;
	s9 =	smov.u32 s14  }
0x1d: {  	s11 =	sadd.s32 $0x1, s11;
	[sflag:s15] =	ssyncadd.s32 @!p1 $0xFFFFE000;
	s10 =	smov.u32 s16  }
.LBB1_1:
0x1e: {  	p1 =	sge.u32 s11, s5  }
0x1f: {  	s31 =	sadd.s32 $0xFFFFFFFF, s11;
	s14 =	sxor.u32 @!p1 $0xFFFFFFFF, s11  }
0x20: {  	s15 =	sshll.u32 @!p1 s10, $0x9;
	s16 =	sshll.u32 @!p1 s9, $0x4;
	s17 =	simm.s32 @!p1 $0x1000  }
0x21: {  	s14 =	sshll.u32 @!p1 s14, $0xD;
	s16 =	sand.u32 @!p1 $0x1F0, s16;
	s15 =	sadd.s32 @!p1 s6, s15  }
0x22: {  	s14 =	sand.u32 @!p1 $0x2000, s14;
	s15 =	sadd.s32 @!p1 s16, s15;
	s16 =	simm.s32 @!p1 $0x40  }
0x23: {  	[tilespmem:s14], [sflag:$0x1] =	stream.strided.gather @!p1 [hbm4b:s15+s16], $0x2000, s17, s16, $0x38;
	[tilespmem:$0x8080] =	vst v63  }
0x24: {  	p1 =	sge.u32 s31, s5  }
.Ltmp2:
0x25: {  	_ = 	snop;
	(pc) =	sbr.rel @p1 .LBB1_5-.Ltmp2, $1  }
0x26: {  	_ =	sdelay $0x3  }
0x27: {  	s14 =	simm.s32 $0x1  }
0x28: {  	_ =	swait.ge [sflag:s4], $0x2000;
	s14 =	simm.s32 @!p0 $0x0  }
0x29: {  	[sflag:s4] =	ssyncset.done $0x0;
	s15 =	sshll.u32 s14, $0xD  }
0x2a: {  	[sflag:s4] =	ssyncadd.s32 $0xFFFFE000;
	s18 =	sor.u32 $0x20, s15  }
0x2b: {  	s14 =	smul.u32 $0x8100, s14;
	v3 =	vld [tilespmem:s18+$0x10]  }
0x2c: {  	s30 =	sand.u32 $0x1, s11;
	v2 =	vld [tilespmem:s18+$0xFFFFFFF0]  }
0x2d: {  	s15 =	smul.u32 $0x8100, s30;
	s14 =	sshrl.u32 s14, $0x2;
	v0 =	vld [tilespmem:s18+$0x0]  }
0x2e: {  	v1 =	vld [tilespmem:s18+$0xFFFFFFE0];
	s16 =	sor.u32 $0x4000, s14  }
0x2f: {  	s31 =	sshrl.u32 s15, $0x2;
	s15 =	sadd.s32 $0x0, s16  }
0x30: {  	s17 =	simm.s32 $0x4;
	s18 =	sadd.s32 $0x40, s18;
	s14 =	sor.u32 $0x4000, s31;
	[tilespmem:s15+$0x1830 ss:$0x81] =	vst.msk $0xffff, v3  }
.LBB1_3:
0x31: {  	v3 =	vld [tilespmem:s18+$0x10];
	p1 =	sne.s32 s17, $0x1FC;
	[tilespmem:s15+$0x810 ss:$0x81] =	vst.msk $0xffff, v2;
	s19 =	smov.u32 s17;
	s17 =	sadd.s32 $0x4, s17  }
.Ltmp3:
0x32: {  	v2 =	vld [tilespmem:s18+$0xFFFFFFF0];
	[tilespmem:s15+$0x1020 ss:$0x81] =	vst.msk $0xffff, v0;
	(pc) =	sbr.rel @p1 .LBB1_3-.Ltmp3, $4  }
0x33: {  	v0 =	vld [tilespmem:s18+$0x0];
	[tilespmem:s15+$0x0 ss:$0x81] =	vst.msk $0xffff, v1  }
0x34: {  	s15 =	sshra.s32 s19, $0x2;
	v1 =	vld [tilespmem:s18+$0xFFFFFFE0]  }
0x35: {  	s15 =	sadd.s32 s15, s16  }
0x36: {  	s18 =	sadd.s32 $0x40, s18;
	[tilespmem:s15+$0x1830 ss:$0x81] =	vst.msk $0xffff, v3  }
.Ltmp4:
0x37: {  	_ = 	snop;
	(pc) =	sbr.rel .LBB1_4-.Ltmp4, $1  }
0x38: {  	_ =	sdelay $0x3  }
.LBB1_6:
0x39: {  	_ =	sfence.sel $0x180000  }
0x3a: {  	s2 =	simm.s32 $0x1;
	[bflag:$0x0] =	sbarrier.arrive $0xFFFF  }
0x3b: {  	s31 =	simm.s32 $0x2;
	[sflag:s2] =	ssyncpa.u1 $0x1  }
0x3c: {  	[sflag:s31] =	ssyncpa.u1 $0x1  }
0x3d: {  	p0 =	sne.s32 s0, $0x0;
	_ =	strace $0x9000004D  }
0x3e: {  	s0 =	sadd.s32 @!p0 $0x100000, s1;
	[bflag:$0x2] =	sbarrier.arrive $0xFFFF  }
0x3f: {  	[sflag:s0] =	ssyncadd.tile.s32 @!p0 $0x1;
	_ =	shalt  }
.Lfunc_end1:
_tile_overlayer_lowered:
.L_overlay_start_2:
0x40: {  	(tag) =	ssettag $0x2  }
0x41: {  	s0 =	rddreg [dreg:$0x0];
	s2 =	stileid.u32  }
0x42: {  	s1 =	rddreg [dreg:$0x1];
	p0 =	sne.s32 s2, $0x0  }
0x43: {  	s3 =	rddreg [dreg:$0x2];
	[bflag:$0x3] =	sbarrier.arrive $0xFFFF;
	s2 =	simm.s32 @!p0 $0x1C01  }
0x44: {  	[timem:s3], [sflag:s2] =	dma.local @!p0 [hbm:s0], s1  }
0x45: {  	s0 =	simm.s32 @!p0 $0x1  }
0x46: {  	_ =	swait.ge @!p0 [sflag:s0], s1  }
0x47: {  	s1 =	ssub.s32 @!p0 $0x0, s1;
	[sflag:s0] =	ssyncset.done @!p0 $0x0  }
0x48: {  	[sflag:s0] =	ssyncadd.s32 @!p0 s1  }
0x49: {  	[bflag:$0x3] =	sbarrier.arrive $0xFFFF  }
0x4a: {  	_ =	shalt  }

</sc_bundles>
